<compile_context>
chip_gen: v7x
topology: tpu7x:2x2x1
jax: 0.10.2.dev20260603
libtpu: 0.0.44.dev20260713+nightly
codegen_flags: <defaults>
</compile_context>

<pallas_src>
import functools

import jax
import jax.numpy as jnp
from jax import lax
from jax.experimental import pallas as pl
from jax.experimental.pallas import tpu as pltpu
from jax.experimental.pallas import tpu_sc as plsc

N = 10000
IN = 128
HID = 128
WRD = 16
NCLASS = 16

_NC = 2
_NS = 16
_NW = _NC * _NS
_NPW = 320
_NPAD = _NW * _NPW
_G = 8

_B = 256


_NIDX = _G * WRD


def _emb_reduce(rows_v, out_v, g, n):
  rb = n * WRD
  for l in range(IN // 16):
    s = []
    for r in range(0, WRD, 2):
      s.append(rows_v[rb + r, pl.ds(l * 16, 16)]
               + rows_v[rb + r + 1, pl.ds(l * 16, 16)])
    s = [s[j] + s[j + 1] for j in range(0, 8, 2)]
    s = [s[0] + s[1], s[2] + s[3]]
    out_v[g * _G + n, pl.ds(l * 16, 16)] = s[0] + s[1]


def _emb_body(xflat_hbm, embed_hbm, out_hbm, wid_v, rows0, rows1, out_v,
              sem0, sem1):
  w = lax.axis_index("s") * _NC + lax.axis_index("c")
  base = w * _NPW
  pltpu.sync_copy(xflat_hbm.at[pl.ds(base * WRD, _NPW * WRD)], wid_v)

  ngr = _NPW // _G
  pltpu.async_copy(embed_hbm.at[wid_v.at[pl.ds(0, _NIDX)]], rows0, sem0)

  def pair(gg, carry):
    g0 = 2 * gg
    g1 = g0 + 1
    pltpu.async_copy(
        embed_hbm.at[wid_v.at[pl.ds(g1 * _NIDX, _NIDX)]], rows1, sem1)
    pltpu.make_async_copy(
        embed_hbm.at[wid_v.at[pl.ds(g0 * _NIDX, _NIDX)]], rows0, sem0).wait()

    def node0(n, c2):
      _emb_reduce(rows0, out_v, g0, n)
      return c2
    lax.fori_loop(0, _G, node0, 0, unroll=2)

    @pl.when(gg < ngr // 2 - 1)
    def _():
      pltpu.async_copy(
          embed_hbm.at[wid_v.at[pl.ds((g0 + 2) * _NIDX, _NIDX)]], rows0,
          sem0)

    pltpu.make_async_copy(
        embed_hbm.at[wid_v.at[pl.ds(g1 * _NIDX, _NIDX)]], rows1, sem1).wait()

    def node1(n, c2):
      _emb_reduce(rows1, out_v, g1, n)
      return c2
    lax.fori_loop(0, _G, node1, 0, unroll=2)
    return carry

  lax.fori_loop(0, ngr // 2, pair, 0)
  pltpu.sync_copy(out_v, out_hbm.at[pl.ds(base, _NPW)])


def _node_emb_sums(x_index_flat, embed):
  mesh = plsc.VectorSubcoreMesh(core_axis_name="c", subcore_axis_name="s")
  call = pl.kernel(
      _emb_body,
      out_type=jax.ShapeDtypeStruct((_NPAD, IN), jnp.float32),
      mesh=mesh,
      scratch_types=[
          pltpu.VMEM((_NPW * WRD,), jnp.int32),
          pltpu.VMEM((_NIDX, IN), jnp.float32),
          pltpu.VMEM((_NIDX, IN), jnp.float32),
          pltpu.VMEM((_NPW, IN), jnp.float32),
          pltpu.SemaphoreType.DMA,
          pltpu.SemaphoreType.DMA,
      ],
  )
  return call(x_index_flat, embed)


def _prep_body(nid_ref, par_ref, pri_ref, ssid, soff, mlv_ref,
               wlev, rlev, lev, cnt):
  def zinit(i, c):
    wlev[i] = 0
    rlev[i] = 0
    cnt[i] = 0
    return c
  lax.fori_loop(0, N, zinit, 0, unroll=4)
  cnt[N] = 0
  cnt[N + 1] = 0

  def pass1(i, mx):
    nid = nid_ref[i]
    par = par_ref[i]
    pri = pri_ref[i]
    l = 1 + jnp.maximum(jnp.maximum(wlev[par], wlev[pri]),
                        jnp.maximum(wlev[nid], rlev[nid]))
    rlev[par] = jnp.maximum(rlev[par], l)
    rlev[pri] = jnp.maximum(rlev[pri], l)
    wlev[nid] = l
    lev[i] = l
    cnt[l] = cnt[l] + 1
    return jnp.maximum(mx, l)
  maxlev = lax.fori_loop(0, N, pass1, 0)
  mlv_ref[0] = maxlev

  def pass2(l, acc):
    soff[l] = acc
    nxt = acc + cnt[l]
    cnt[l] = acc
    return nxt
  total = lax.fori_loop(1, maxlev + 1, pass2, 0)
  soff[maxlev + 1] = total

  def pass3(i, c):
    l = lev[i]
    p = cnt[l]
    ssid[p] = i
    cnt[l] = p + 1
    return c
  lax.fori_loop(0, N, pass3, 0)


def _prep_call(nid_a, par_a, pri_a):
  smem1d = lambda n: pl.BlockSpec((n,), lambda: (0,),
                                  memory_space=pltpu.SMEM)
  return pl.pallas_call(
      _prep_body,
      grid=(),
      in_specs=[smem1d(N), smem1d(N), smem1d(N)],
      out_specs=[smem1d(N), smem1d(N + 2), smem1d(1)],
      out_shape=[
          jax.ShapeDtypeStruct((N,), jnp.int32),
          jax.ShapeDtypeStruct((N + 2,), jnp.int32),
          jax.ShapeDtypeStruct((1,), jnp.int32),
      ],
      scratch_shapes=[
          pltpu.SMEM((N,), jnp.int32),
          pltpu.SMEM((N,), jnp.int32),
          pltpu.SMEM((N,), jnp.int32),
          pltpu.SMEM((N + 2,), jnp.int32),
      ],
  )(nid_a, par_a, pri_a)


def _scan_body(nid_ref, par_ref, pri_ref, ssid, soff, mlv_ref, ne_ref,
               wih_ref, bih_ref, whh_ref, bhh_ref, watt_ref, wproj_ref,
               outw_ref, outb_ref, out_ref,
               h_scr, tmpb, topb, neb, hnb):
  h_scr[...] = jnp.zeros_like(h_scr)
  maxlev = mlv_ref[0]

  def phase(l, c):
    start = soff[l]
    end = soff[l + 1]
    nseg = (end - start + _B - 1) // _B

    def seg(s, c2):
      p = start + s * _B
      v = end - p

      def grow(k, c3):
        idx = jnp.where(k < v, p + k, 0)
        sid = ssid[idx]
        par = par_ref[sid]
        pri = pri_ref[sid]
        tmpb[pl.ds(k, 1), :] = h_scr[pl.ds(pri, 1), :]
        topb[pl.ds(k, 1), :] = h_scr[pl.ds(par, 1), :]
        nd = nid_ref[sid]
        neb[pl.ds(k, 1), :] = ne_ref[pl.ds(nd, 1), :]
        return c3
      lax.fori_loop(0, _B, grow, 0, unroll=4)

      tb = tmpb[...]
      gi = (jnp.dot(neb[...], wih_ref[...],
                    preferred_element_type=jnp.float32) + bih_ref[...])
      gh = (jnp.dot(tb, whh_ref[...],
                    preferred_element_type=jnp.float32) + bhh_ref[...])
      r = jax.nn.sigmoid(gi[:, :HID] + gh[:, :HID])
      z = jax.nn.sigmoid(gi[:, HID:2 * HID] + gh[:, HID:2 * HID])
      n = jnp.tanh(gi[:, 2 * HID:] + r * gh[:, 2 * HID:])
      h1 = n + z * (tb - n)
      tpb = topb[...]
      ut = jnp.tanh(
          jnp.dot(tpb, watt_ref[...], preferred_element_type=jnp.float32))
      uh = jnp.tanh(
          jnp.dot(h1, watt_ref[...], preferred_element_type=jnp.float32))
      et = jnp.exp(jnp.sum(ut * wproj_ref[...], axis=1, keepdims=True))
      eh = jnp.exp(jnp.sum(uh * wproj_ref[...], axis=1, keepdims=True))
      hnb[...] = (et * tpb + eh * h1) * (1.0 / (et + eh))

      def srow(k, c3):
        idx = jnp.where(k < v, p + k, 0)
        sid = ssid[idx]
        nid = nid_ref[sid]
        tgt = jnp.where(k < v, nid, N)
        h_scr[pl.ds(tgt, 1), :] = hnb[pl.ds(k, 1), :]
        return c3
      lax.fori_loop(0, _B, srow, 0, unroll=4)
      return c2

    lax.fori_loop(0, nseg, seg, 0)
    return c
  lax.fori_loop(1, maxlev + 1, phase, 0)

  hl = h_scr[pl.ds(N - 1, 1), :]
  logits = (jnp.dot(hl, outw_ref[...], preferred_element_type=jnp.float32)
            + outb_ref[...])
  m = jnp.max(logits, axis=1, keepdims=True)
  sh = logits - m
  lse = jnp.log(jnp.sum(jnp.exp(sh), axis=1, keepdims=True))
  out_ref[...] = sh - lse


def _scan_call(nid_a, par_a, pri_a, ssid, soff, mlv, ne, wih_s, bih,
               whh_t, bhh, watt, wproj_t, outw_t, outb):
  full = lambda shape: pl.BlockSpec(shape, lambda: (0,) * len(shape))
  smem1d = lambda n: pl.BlockSpec((n,), lambda: (0,),
                                  memory_space=pltpu.SMEM)
  return pl.pallas_call(
      _scan_body,
      grid=(),
      in_specs=[
          smem1d(N), smem1d(N), smem1d(N),
          smem1d(N), smem1d(N + 2), smem1d(1),
          full((_NPAD, IN)),
          full((IN, 3 * HID)),
          full((1, 3 * HID)),
          full((HID, 3 * HID)),
          full((1, 3 * HID)),
          full((HID, HID)),
          full((1, HID)),
          full((HID, NCLASS)),
          full((1, NCLASS)),
      ],
      out_specs=pl.BlockSpec((1, NCLASS), lambda: (0, 0)),
      out_shape=jax.ShapeDtypeStruct((1, NCLASS), jnp.float32),
      scratch_shapes=[
          pltpu.VMEM((N + 8, HID), jnp.float32),
          pltpu.VMEM((_B, IN), jnp.float32),
          pltpu.VMEM((_B, IN), jnp.float32),
          pltpu.VMEM((_B, IN), jnp.float32),
          pltpu.VMEM((_B, HID), jnp.float32),
      ],
  )(nid_a, par_a, pri_a, ssid, soff, mlv, ne, wih_s, bih, whh_t, bhh,
    watt, wproj_t, outw_t, outb)


def kernel(x_index, sequences, embed, weight, weight_proj, W_ih, W_hh,
           b_ih, b_hh, out_W, out_b):
  seqs = sequences[:, :, 0].astype(jnp.int32)
  xflat = jnp.pad(x_index.astype(jnp.int32), ((0, _NPAD - N), (0, 0)))
  xflat = xflat.reshape(_NPAD * WRD)
  ne = _node_emb_sums(xflat, embed.astype(jnp.float32))
  wih_s = W_ih.T.astype(jnp.float32) / float(WRD)
  ssid, soff, mlv = _prep_call(seqs[:, 0], seqs[:, 1], seqs[:, 2])
  return _scan_call(
      seqs[:, 0], seqs[:, 1], seqs[:, 2], ssid, soff, mlv, ne, wih_s,
      b_ih.astype(jnp.float32)[None, :],
      W_hh.T.astype(jnp.float32),
      b_hh.astype(jnp.float32)[None, :],
      weight.astype(jnp.float32),
      weight_proj.astype(jnp.float32).T,
      out_W.T.astype(jnp.float32),
      out_b.astype(jnp.float32)[None, :])

# --- scband reference (transcript-rebuilt; emitter-appended) ---
"""Pipeline reference for scband-strnn-16063177687565 (READ-ONLY COPY).

The authoritative reference and input builder live on the scoring server;
editing this copy changes nothing except your own understanding.
"""

import jax, jax.numpy as jnp
import numpy as np

VOCAB = 50000
IN = 128
HID = 128
NCLASS = 16
N = 10000
WRD = 16


def setup_inputs(seed: int = 0) -> dict:
    key = jax.random.key(seed)
    ks = jax.random.split(key, 12)
    x_index = jax.random.randint(ks[0], (N, WRD), 0, VOCAB)
    sequences = jax.random.randint(ks[1], (N, 3, 1), 0, N)
    embed = 0.1 * jax.random.normal(ks[2], (VOCAB, IN), dtype=jnp.float32)
    weight = jax.random.uniform(ks[3], (HID, HID), minval=-0.1, maxval=0.1)
    weight_proj = jax.random.uniform(ks[4], (HID, 1), minval=-0.1, maxval=0.1)
    s = 1.0 / np.sqrt(HID)
    W_ih = jax.random.uniform(ks[5], (3 * HID, IN), minval=-s, maxval=s)
    W_hh = jax.random.uniform(ks[6], (3 * HID, HID), minval=-s, maxval=s)
    b_ih = jax.random.uniform(ks[7], (3 * HID,), minval=-s, maxval=s)
    b_hh = jax.random.uniform(ks[8], (3 * HID,), minval=-s, maxval=s)
    out_W = jax.random.normal(ks[9], (NCLASS, HID)) * np.sqrt(2.0 / (HID + NCLASS))
    out_b = jnp.zeros((NCLASS,), dtype=jnp.float32)
    return {"x_index": x_index, "sequences": sequences, "embed": embed,
            "weight": weight, "weight_proj": weight_proj, "W_ih": W_ih,
            "W_hh": W_hh, "b_ih": b_ih, "b_hh": b_hh, "out_W": out_W,
            "out_b": out_b}


def _gru_cell(x, h, W_ih, W_hh, b_ih, b_hh):
    # PyTorch nn.GRUCell semantics, gate order (r, z, n)
    H = h.shape[-1]
    gi = x @ W_ih.T + b_ih
    gh = h @ W_hh.T + b_hh
    i_r, i_z, i_n = gi[..., :H], gi[..., H:2 * H], gi[..., 2 * H:]
    h_r, h_z, h_n = gh[..., :H], gh[..., H:2 * H], gh[..., 2 * H:]
    r = jax.nn.sigmoid(i_r + h_r)
    z = jax.nn.sigmoid(i_z + h_z)
    n = jnp.tanh(i_n + r * h_n)
    return (1.0 - z) * n + z * h


def reference(x_index, sequences, embed, weight, weight_proj, W_ih, W_hh,
              b_ih, b_hh, out_W, out_b):
    # mean word embedding per node (embed[word_index].sum(0) / len)
    node_emb = jnp.take(embed, x_index, axis=0).sum(axis=1) / x_index.shape[1]  # [N, IN]
    seqs = sequences[:, :, 0]  # [N, 3] -> (node_id, parent, prior) per step
    n_nodes = node_emb.shape[0]
    hid = weight.shape[0]

    def step(h_all, node):
        nid, parent, prior = node[0], node[1], node[2]
        # topological parent aggregation (single parent, masked for -1, / len)
        topo = jnp.where(parent != -1, h_all[parent], jnp.zeros((hid,), jnp.float32))
        topo = topo / 1.0
        # temporal prior aggregation
        temp = jnp.where(prior != -1, h_all[prior], jnp.zeros((hid,), jnp.float32))
        temp = temp / 1.0
        x = node_emb[nid]
        h1 = _gru_cell(x, temp, W_ih, W_hh, b_ih, b_hh)  # [HID]
        h_cat = jnp.stack([topo, h1], axis=0)  # [2, HID]
        u = jnp.tanh(h_cat @ weight)  # [2, HID]
        att = u @ weight_proj  # [2, 1]
        att_score = jax.nn.softmax(att, axis=0)
        h_new = (h_cat * att_score).sum(axis=0)  # [HID]
        h_all = h_all.at[nid].set(h_new)
        return h_all, None

    h0 = jnp.zeros((n_nodes, hid), dtype=jnp.float32)
    h_final, _ = jax.lax.scan(step, h0, seqs)
    logits = h_final[-1:] @ out_W.T + out_b  # [1, NCLASS]
    return jax.nn.log_softmax(logits, axis=1)

if __name__ == "__main__":
    import jax
    _d = setup_inputs()
    print(jax.jit(kernel)(*tuple(_d.values())))

</pallas_src>

<mosaic_0001>
#map = affine_map<(d0, d1) -> (0)>
#map1 = affine_map<(d0, d1) -> (0, 0)>
module attributes {stable_mosaic.version = 14 : i64} {
  func.func @_emb_body(%arg0: i32, %arg1: i32, %arg2: memref<163840xi32, #tpu.memory_space<hbm>>, %arg3: memref<50000x128xf32, #tpu.memory_space<hbm>>, %arg4: memref<10240x128xf32, #tpu.memory_space<hbm>>, %arg5: memref<5120xi32, #tpu.memory_space<vmem>>, %arg6: memref<128x128xf32, #tpu.memory_space<vmem>>, %arg7: memref<128x128xf32, #tpu.memory_space<vmem>>, %arg8: memref<320x128xf32, #tpu.memory_space<vmem>>, %arg9: memref<!tpu.dma_semaphore, #tpu.memory_space<semaphore_mem>>, %arg10: memref<!tpu.dma_semaphore, #tpu.memory_space<semaphore_mem>>) attributes {dimension_semantics = [#tpu.dimension_semantics<core_parallel>, #tpu.dimension_semantics<subcore_parallel>], iteration_bounds = array<i64: 2, 16>, scalar_prefetch = 0 : i64, scratch_operands = 6 : i64, tpu.core_type = #tpu.core_type<sc_vector_subcore>, window_params = [{transform_indices = #map}, {transform_indices = #map1}, {transform_indices = #map1}]} {
    %mul3A = arith.constant 2 : i32
    %mul3A_0 = arith.muli %arg1, %mul3A : i32
    %add3A = arith.addi %mul3A_0, %arg0 : i32
    %mul3A_1 = arith.constant 320 : i32
    %mul3A_2 = arith.muli %add3A, %mul3A_1 : i32
    %mul3A_3 = arith.constant 16 : i32
    %mul3A_4 = arith.muli %mul3A_2, %mul3A_3 : i32
    "tpu.region"() ({
      %run_scoped3A = tpu.sem_alloc : memref<!tpu.dma_semaphore, #tpu.memory_space<semaphore_mem>>
      %dma_start3A_14 = tpu.memref_slice %arg2[%mul3A_4] : memref<163840xi32, #tpu.memory_space<hbm>> -> memref<5120xi32, #tpu.memory_space<hbm>>
      %dma_start3A_15 = tpu.memref_slice %arg2[%mul3A_4] : memref<163840xi32, #tpu.memory_space<hbm>> -> memref<5120xi32, #tpu.memory_space<hbm>>
      tpu.enqueue_dma source(%dma_start3A_15 : memref<5120xi32, #tpu.memory_space<hbm>>) target(%arg5 : memref<5120xi32, #tpu.memory_space<vmem>>) target_semaphore(%run_scoped3A : memref<!tpu.dma_semaphore, #tpu.memory_space<semaphore_mem>>)
      %dma_wait3A = tpu.memref_slice %arg2[%mul3A_4] : memref<163840xi32, #tpu.memory_space<hbm>> -> memref<5120xi32, #tpu.memory_space<hbm>>
      %dma_wait3A_16 = tpu.memref_slice %arg2[%mul3A_4] : memref<163840xi32, #tpu.memory_space<hbm>> -> memref<5120xi32, #tpu.memory_space<hbm>>
      tpu.wait_dma2 semaphore(%run_scoped3A : memref<!tpu.dma_semaphore, #tpu.memory_space<semaphore_mem>>) src(%dma_wait3A_16 : memref<5120xi32, #tpu.memory_space<hbm>>) dst(%arg5 : memref<5120xi32, #tpu.memory_space<vmem>>)
      tpu.yield
    }) : () -> ()
    %dma_start3A = arith.constant 0 : i32
    %dma_start3A_5 = tpu.memref_slice %arg5[%dma_start3A] : memref<5120xi32, #tpu.memory_space<vmem>> -> memref<128xi32, #tpu.memory_space<vmem>>
    %dma_start3A_6 = arith.constant 0 : i32
    %dma_start3A_7 = arith.constant 0 : i32
    %dma_start3A_8 = tpu.memref_slice %arg3[%dma_start3A_6, %dma_start3A_7] : memref<50000x128xf32, #tpu.memory_space<hbm>> -> memref<50000x128xf32, #tpu.memory_space<hbm>>
    tpu.enqueue_indirect_dma source(%dma_start3A_8 : memref<50000x128xf32, #tpu.memory_space<hbm>>) target(%arg6 : memref<128x128xf32, #tpu.memory_space<vmem>>) offsets(%dma_start3A_5 : memref<128xi32, #tpu.memory_space<vmem>>) semaphore(%arg9 : memref<!tpu.dma_semaphore, #tpu.memory_space<semaphore_mem>>)
    %scan3A = arith.constant 0 : i32
    %scan3A_9 = arith.constant 0 : i32
    %scan3A_10 = arith.constant 20 : i32
    %scan3A_11 = arith.addi %scan3A_9, %scan3A_10 : i32
    %scan3A_12 = arith.constant 1 : i32
    scf.for %scan3A_14 = %scan3A_9 to %scan3A_11 step %scan3A_12  : i32 {
      %mul3A_15 = arith.constant 2 : i32
      %mul3A_16 = arith.muli %mul3A_15, %scan3A_14 : i32
      %add3A_17 = arith.constant 1 : i32
      %add3A_18 = arith.addi %mul3A_16, %add3A_17 : i32
      %mul3A_19 = arith.constant 128 : i32
      %mul3A_20 = arith.muli %add3A_18, %mul3A_19 : i32
      %dma_start3A_21 = tpu.memref_slice %arg5[%mul3A_20] : memref<5120xi32, #tpu.memory_space<vmem>> -> memref<128xi32, #tpu.memory_space<vmem>>
      %dma_start3A_22 = arith.constant 0 : i32
      %dma_start3A_23 = arith.constant 0 : i32
      %dma_start3A_24 = tpu.memref_slice %arg3[%dma_start3A_22, %dma_start3A_23] : memref<50000x128xf32, #tpu.memory_space<hbm>> -> memref<50000x128xf32, #tpu.memory_space<hbm>>
      tpu.enqueue_indirect_dma source(%dma_start3A_24 : memref<50000x128xf32, #tpu.memory_space<hbm>>) target(%arg7 : memref<128x128xf32, #tpu.memory_space<vmem>>) offsets(%dma_start3A_21 : memref<128xi32, #tpu.memory_space<vmem>>) semaphore(%arg10 : memref<!tpu.dma_semaphore, #tpu.memory_space<semaphore_mem>>)
      %mul3A_25 = arith.constant 128 : i32
      %mul3A_26 = arith.muli %mul3A_16, %mul3A_25 : i32
      %dma_wait3A = tpu.memref_slice %arg5[%mul3A_26] : memref<5120xi32, #tpu.memory_space<vmem>> -> memref<128xi32, #tpu.memory_space<vmem>>
      %dma_wait3A_27 = arith.constant 0 : i32
      %dma_wait3A_28 = arith.constant 0 : i32
      %dma_wait3A_29 = tpu.memref_slice %arg3[%dma_wait3A_27, %dma_wait3A_28] : memref<50000x128xf32, #tpu.memory_space<hbm>> -> memref<50000x128xf32, #tpu.memory_space<hbm>>
      tpu.wait_indirect_dma semaphore(%arg9 : memref<!tpu.dma_semaphore, #tpu.memory_space<semaphore_mem>>) src(%dma_wait3A_29 : memref<50000x128xf32, #tpu.memory_space<hbm>>) dst(%arg6 : memref<128x128xf32, #tpu.memory_space<vmem>>)
      %scan3A_30 = arith.constant 0 : i32
      %scan3A_31 = arith.constant 0 : i32
      %scan3A_32 = arith.constant 8 : i32
      %scan3A_33 = arith.addi %scan3A_31, %scan3A_32 : i32
      %scan3A_34 = arith.constant 2 : i32
      scf.for %scan3A_50 = %scan3A_31 to %scan3A_33 step %scan3A_34  : i32 {
        %mul3A_51 = arith.constant 16 : i32
        %mul3A_52 = arith.muli %scan3A_50, %mul3A_51 : i32
        %add3A_53 = arith.constant 0 : i32
        %add3A_54 = arith.addi %mul3A_52, %add3A_53 : i32
        %get3A = arith.index_cast %add3A_54 : i32 to index
        %get3A_55 = arith.constant 0 : index
        %get3A_56 = tpu.vector_load %arg6[%get3A, %get3A_55] {strides = array<i32>} : memref<128x128xf32, #tpu.memory_space<vmem>>, vector<1x16xf32>,
        %get3A_57 = vector.shape_cast %get3A_56 : vector<1x16xf32> to vector<16xf32>
        %add3A_58 = arith.constant 0 : i32
        %add3A_59 = arith.addi %mul3A_52, %add3A_58 : i32
        %add3A_60 = arith.constant 1 : i32
        %add3A_61 = arith.addi %add3A_59, %add3A_60 : i32
        %get3A_62 = arith.index_cast %add3A_61 : i32 to index
        %get3A_63 = arith.constant 0 : index
        %get3A_64 = tpu.vector_load %arg6[%get3A_62, %get3A_63] {strides = array<i32>} : memref<128x128xf32, #tpu.memory_space<vmem>>, vector<1x16xf32>,
        %get3A_65 = vector.shape_cast %get3A_64 : vector<1x16xf32> to vector<16xf32>
        %add3A_66 = arith.addf %get3A_57, %get3A_65 : vector<16xf32>
        %add3A_67 = arith.constant 2 : i32
        %add3A_68 = arith.addi %mul3A_52, %add3A_67 : i32
        %get3A_69 = arith.index_cast %add3A_68 : i32 to index
        %get3A_70 = arith.constant 0 : index
        %get3A_71 = tpu.vector_load %arg6[%get3A_69, %get3A_70] {strides = array<i32>} : memref<128x128xf32, #tpu.memory_space<vmem>>, vector<1x16xf32>,
        %get3A_72 = vector.shape_cast %get3A_71 : vector<1x16xf32> to vector<16xf32>
        %add3A_73 = arith.constant 2 : i32
        %add3A_74 = arith.addi %mul3A_52, %add3A_73 : i32
        %add3A_75 = arith.constant 1 : i32
        %add3A_76 = arith.addi %add3A_74, %add3A_75 : i32
        %get3A_77 = arith.index_cast %add3A_76 : i32 to index
        %get3A_78 = arith.constant 0 : index
        %get3A_79 = tpu.vector_load %arg6[%get3A_77, %get3A_78] {strides = array<i32>} : memref<128x128xf32, #tpu.memory_space<vmem>>, vector<1x16xf32>,
        %get3A_80 = vector.shape_cast %get3A_79 : vector<1x16xf32> to vector<16xf32>
        %add3A_81 = arith.addf %get3A_72, %get3A_80 : vector<16xf32>
        %add3A_82 = arith.constant 4 : i32
        %add3A_83 = arith.addi %mul3A_52, %add3A_82 : i32
        %get3A_84 = arith.index_cast %add3A_83 : i32 to index
        %get3A_85 = arith.constant 0 : index
        %get3A_86 = tpu.vector_load %arg6[%get3A_84, %get3A_85] {strides = array<i32>} : memref<128x128xf32, #tpu.memory_space<vmem>>, vector<1x16xf32>,
        %get3A_87 = vector.shape_cast %get3A_86 : vector<1x16xf32> to vector<16xf32>
        %add3A_88 = arith.constant 4 : i32
        %add3A_89 = arith.addi %mul3A_52, %add3A_88 : i32
        %add3A_90 = arith.constant 1 : i32
        %add3A_91 = arith.addi %add3A_89, %add3A_90 : i32
        %get3A_92 = arith.index_cast %add3A_91 : i32 to index
        %get3A_93 = arith.constant 0 : index
        %get3A_94 = tpu.vector_load %arg6[%get3A_92, %get3A_93] {strides = array<i32>} : memref<128x128xf32, #tpu.memory_space<vmem>>, vector<1x16xf32>,
        %get3A_95 = vector.shape_cast %get3A_94 : vector<1x16xf32> to vector<16xf32>
        %add3A_96 = arith.addf %get3A_87, %get3A_95 : vector<16xf32>
        %add3A_97 = arith.constant 6 : i32
        %add3A_98 = arith.addi %mul3A_52, %add3A_97 : i32
        %get3A_99 = arith.index_cast %add3A_98 : i32 to index
        %get3A_100 = arith.constant 0 : index
        %get3A_101 = tpu.vector_load %arg6[%get3A_99, %get3A_100] {strides = array<i32>} : memref<128x128xf32, #tpu.memory_space<vmem>>, vector<1x16xf32>,
        %get3A_102 = vector.shape_cast %get3A_101 : vector<1x16xf32> to vector<16xf32>
        %add3A_103 = arith.constant 6 : i32
        %add3A_104 = arith.addi %mul3A_52, %add3A_103 : i32
        %add3A_105 = arith.constant 1 : i32
        %add3A_106 = arith.addi %add3A_104, %add3A_105 : i32
        %get3A_107 = arith.index_cast %add3A_106 : i32 to index
        %get3A_108 = arith.constant 0 : index
        %get3A_109 = tpu.vector_load %arg6[%get3A_107, %get3A_108] {strides = array<i32>} : memref<128x128xf32, #tpu.memory_space<vmem>>, vector<1x16xf32>,
        %get3A_110 = vector.shape_cast %get3A_109 : vector<1x16xf32> to vector<16xf32>
        %add3A_111 = arith.addf %get3A_102, %get3A_110 : vector<16xf32>
        %add3A_112 = arith.constant 8 : i32
        %add3A_113 = arith.addi %mul3A_52, %add3A_112 : i32
        %get3A_114 = arith.index_cast %add3A_113 : i32 to index
        %get3A_115 = arith.constant 0 : index
        %get3A_116 = tpu.vector_load %arg6[%get3A_114, %get3A_115] {strides = array<i32>} : memref<128x128xf32, #tpu.memory_space<vmem>>, vector<1x16xf32>,
        %get3A_117 = vector.shape_cast %get3A_116 : vector<1x16xf32> to vector<16xf32>
        %add3A_118 = arith.constant 8 : i32
        %add3A_119 = arith.addi %mul3A_52, %add3A_118 : i32
        %add3A_120 = arith.constant 1 : i32
        %add3A_121 = arith.addi %add3A_119, %add3A_120 : i32
        %get3A_122 = arith.index_cast %add3A_121 : i32 to index
        %get3A_123 = arith.constant 0 : index
        %get3A_124 = tpu.vector_load %arg6[%get3A_122, %get3A_123] {strides = array<i32>} : memref<128x128xf32, #tpu.memory_space<vmem>>, vector<1x16xf32>,
        %get3A_125 = vector.shape_cast %get3A_124 : vector<1x16xf32> to vector<16xf32>
        %add3A_126 = arith.addf %get3A_117, %get3A_125 : vector<16xf32>
        %add3A_127 = arith.constant 10 : i32
        %add3A_128 = arith.addi %mul3A_52, %add3A_127 : i32
        %get3A_129 = arith.index_cast %add3A_128 : i32 to index
        %get3A_130 = arith.constant 0 : index
        %get3A_131 = tpu.vector_load %arg6[%get3A_129, %get3A_130] {strides = array<i32>} : memref<128x128xf32, #tpu.memory_space<vmem>>, vector<1x16xf32>,
        %get3A_132 = vector.shape_cast %get3A_131 : vector<1x16xf32> to vector<16xf32>
        %add3A_133 = arith.constant 10 : i32
        %add3A_134 = arith.addi %mul3A_52, %add3A_133 : i32
        %add3A_135 = arith.constant 1 : i32
        %add3A_136 = arith.addi %add3A_134, %add3A_135 : i32
        %get3A_137 = arith.index_cast %add3A_136 : i32 to index
        %get3A_138 = arith.constant 0 : index
        %get3A_139 = tpu.vector_load %arg6[%get3A_137, %get3A_138] {strides = array<i32>} : memref<128x128xf32, #tpu.memory_space<vmem>>, vector<1x16xf32>,
        %get3A_140 = vector.shape_cast %get3A_139 : vector<1x16xf32> to vector<16xf32>
        %add3A_141 = arith.addf %get3A_132, %get3A_140 : vector<16xf32>
        %add3A_142 = arith.constant 12 : i32
        %add3A_143 = arith.addi %mul3A_52, %add3A_142 : i32
        %get3A_144 = arith.index_cast %add3A_143 : i32 to index
        %get3A_145 = arith.constant 0 : index
        %get3A_146 = tpu.vector_load %arg6[%get3A_144, %get3A_145] {strides = array<i32>} : memref<128x128xf32, #tpu.memory_space<vmem>>, vector<1x16xf32>,
        %get3A_147 = vector.shape_cast %get3A_146 : vector<1x16xf32> to vector<16xf32>
        %add3A_148 = arith.constant 12 : i32
        %add3A_149 = arith.addi %mul3A_52, %add3A_148 : i32
        %add3A_150 = arith.constant 1 : i32
        %add3A_151 = arith.addi %add3A_149, %add3A_150 : i32
        %get3A_152 = arith.index_cast %add3A_151 : i32 to index
        %get3A_153 = arith.constant 0 : index
        %get3A_154 = tpu.vector_load %arg6[%get3A_152, %get3A_153] {strides = array<i32>} : memref<128x128xf32, #tpu.memory_space<vmem>>, vector<1x16xf32>,
        %get3A_155 = vector.shape_cast %get3A_154 : vector<1x16xf32> to vector<16xf32>
        %add3A_156 = arith.addf %get3A_147, %get3A_155 : vector<16xf32>
        %add3A_157 = arith.constant 14 : i32
        %add3A_158 = arith.addi %mul3A_52, %add3A_157 : i32
        %get3A_159 = arith.index_cast %add3A_158 : i32 to index
        %get3A_160 = arith.constant 0 : index
        %get3A_161 = tpu.vector_load %arg6[%get3A_159, %get3A_160] {strides = array<i32>} : memref<128x128xf32, #tpu.memory_space<vmem>>, vector<1x16xf32>,
        %get3A_162 = vector.shape_cast %get3A_161 : vector<1x16xf32> to vector<16xf32>
        %add3A_163 = arith.constant 14 : i32
        %add3A_164 = arith.addi %mul3A_52, %add3A_163 : i32
        %add3A_165 = arith.constant 1 : i32
        %add3A_166 = arith.addi %add3A_164, %add3A_165 : i32
        %get3A_167 = arith.index_cast %add3A_166 : i32 to index
        %get3A_168 = arith.constant 0 : index
        %get3A_169 = tpu.vector_load %arg6[%get3A_167, %get3A_168] {strides = array<i32>} : memref<128x128xf32, #tpu.memory_space<vmem>>, vector<1x16xf32>,
        %get3A_170 = vector.shape_cast %get3A_169 : vector<1x16xf32> to vector<16xf32>
        %add3A_171 = arith.addf %get3A_162, %get3A_170 : vector<16xf32>
        %add3A_172 = arith.addf %add3A_66, %add3A_81 : vector<16xf32>
        %add3A_173 = arith.addf %add3A_96, %add3A_111 : vector<16xf32>
        %add3A_174 = arith.addf %add3A_126, %add3A_141 : vector<16xf32>
        %add3A_175 = arith.addf %add3A_156, %add3A_171 : vector<16xf32>
        %add3A_176 = arith.addf %add3A_172, %add3A_173 : vector<16xf32>
        %add3A_177 = arith.addf %add3A_174, %add3A_175 : vector<16xf32>
        %add3A_178 = arith.addf %add3A_176, %add3A_177 : vector<16xf32>
        %mul3A_179 = arith.constant 8 : i32
        %mul3A_180 = arith.muli %mul3A_16, %mul3A_179 : i32
        %add3A_181 = arith.addi %mul3A_180, %scan3A_50 : i32
        %swap3A = arith.index_cast %add3A_181 : i32 to index
        %swap3A_182 = arith.constant 0 : index
        %swap3A_183 = tpu.vector_load %arg8[%swap3A, %swap3A_182] {strides = array<i32>} : memref<320x128xf32, #tpu.memory_space<vmem>>, vector<1x16xf32>,
        %swap3A_184 = vector.shape_cast %swap3A_183 : vector<1x16xf32> to vector<16xf32>
        %swap3A_185 = vector.shape_cast %add3A_178 : vector<16xf32> to vector<1x16xf32>
        tpu.vector_store %arg8[%swap3A, %swap3A_182], %swap3A_185 {strides = array<i32>} : memref<320x128xf32, #tpu.memory_space<vmem>>, vector<1x16xf32>,
        %add3A_186 = arith.constant 0 : i32
        %add3A_187 = arith.addi %mul3A_52, %add3A_186 : i32
        %get3A_188 = arith.index_cast %add3A_187 : i32 to index
        %get3A_189 = arith.constant 16 : index
        %get3A_190 = tpu.vector_load %arg6[%get3A_188, %get3A_189] {strides = array<i32>} : memref<128x128xf32, #tpu.memory_space<vmem>>, vector<1x16xf32>,
        %get3A_191 = vector.shape_cast %get3A_190 : vector<1x16xf32> to vector<16xf32>
        %add3A_192 = arith.constant 0 : i32
        %add3A_193 = arith.addi %mul3A_52, %add3A_192 : i32
        %add3A_194 = arith.constant 1 : i32
        %add3A_195 = arith.addi %add3A_193, %add3A_194 : i32
        %get3A_196 = arith.index_cast %add3A_195 : i32 to index
        %get3A_197 = arith.constant 16 : index
        %get3A_198 = tpu.vector_load %arg6[%get3A_196, %get3A_197] {strides = array<i32>} : memref<128x128xf32, #tpu.memory_space<vmem>>, vector<1x16xf32>,
        %get3A_199 = vector.shape_cast %get3A_198 : vector<1x16xf32> to vector<16xf32>
        %add3A_200 = arith.addf %get3A_191, %get3A_199 : vector<16xf32>
        %add3A_201 = arith.constant 2 : i32
        %add3A_202 = arith.addi %mul3A_52, %add3A_201 : i32
        %get3A_203 = arith.index_cast %add3A_202 : i32 to index
        %get3A_204 = arith.constant 16 : index
        %get3A_205 = tpu.vector_load %arg6[%get3A_203, %get3A_204] {strides = array<i32>} : memref<128x128xf32, #tpu.memory_space<vmem>>, vector<1x16xf32>,
        %get3A_206 = vector.shape_cast %get3A_205 : vector<1x16xf32> to vector<16xf32>
        %add3A_207 = arith.constant 2 : i32
        %add3A_208 = arith.addi %mul3A_52, %add3A_207 : i32
        %add3A_209 = arith.constant 1 : i32
        %add3A_210 = arith.addi %add3A_208, %add3A_209 : i32
        %get3A_211 = arith.index_cast %add3A_210 : i32 to index
        %get3A_212 = arith.constant 16 : index
        %get3A_213 = tpu.vector_load %arg6[%get3A_211, %get3A_212] {strides = array<i32>} : memref<128x128xf32, #tpu.memory_space<vmem>>, vector<1x16xf32>,
        %get3A_214 = vector.shape_cast %get3A_213 : vector<1x16xf32> to vector<16xf32>
        %add3A_215 = arith.addf %get3A_206, %get3A_214 : vector<16xf32>
        %add3A_216 = arith.constant 4 : i32
        %add3A_217 = arith.addi %mul3A_52, %add3A_216 : i32
        %get3A_218 = arith.index_cast %add3A_217 : i32 to index
        %get3A_219 = arith.constant 16 : index
        %get3A_220 = tpu.vector_load %arg6[%get3A_218, %get3A_219] {strides = array<i32>} : memref<128x128xf32, #tpu.memory_space<vmem>>, vector<1x16xf32>,
        %get3A_221 = vector.shape_cast %get3A_220 : vector<1x16xf32> to vector<16xf32>
        %add3A_222 = arith.constant 4 : i32
        %add3A_223 = arith.addi %mul3A_52, %add3A_222 : i32
        %add3A_224 = arith.constant 1 : i32
        %add3A_225 = arith.addi %add3A_223, %add3A_224 : i32
        %get3A_226 = arith.index_cast %add3A_225 : i32 to index
        %get3A_227 = arith.constant 16 : index
        %get3A_228 = tpu.vector_load %arg6[%get3A_226, %get3A_227] {strides = array<i32>} : memref<128x128xf32, #tpu.memory_space<vmem>>, vector<1x16xf32>,
        %get3A_229 = vector.shape_cast %get3A_228 : vector<1x16xf32> to vector<16xf32>
        %add3A_230 = arith.addf %get3A_221, %get3A_229 : vector<16xf32>
        %add3A_231 = arith.constant 6 : i32
        %add3A_232 = arith.addi %mul3A_52, %add3A_231 : i32
        %get3A_233 = arith.index_cast %add3A_232 : i32 to index
        %get3A_234 = arith.constant 16 : index
        %get3A_235 = tpu.vector_load %arg6[%get3A_233, %get3A_234] {strides = array<i32>} : memref<128x128xf32, #tpu.memory_space<vmem>>, vector<1x16xf32>,
        %get3A_236 = vector.shape_cast %get3A_235 : vector<1x16xf32> to vector<16xf32>
        %add3A_237 = arith.constant 6 : i32
        %add3A_238 = arith.addi %mul3A_52, %add3A_237 : i32
        %add3A_239 = arith.constant 1 : i32
        %add3A_240 = arith.addi %add3A_238, %add3A_239 : i32
        %get3A_241 = arith.index_cast %add3A_240 : i32 to index
        %get3A_242 = arith.constant 16 : index
        %get3A_243 = tpu.vector_load %arg6[%get3A_241, %get3A_242] {strides = array<i32>} : memref<128x128xf32, #tpu.memory_space<vmem>>, vector<1x16xf32>,
        %get3A_244 = vector.shape_cast %get3A_243 : vector<1x16xf32> to vector<16xf32>
        %add3A_245 = arith.addf %get3A_236, %get3A_244 : vector<16xf32>
        %add3A_246 = arith.constant 8 : i32
        %add3A_247 = arith.addi %mul3A_52, %add3A_246 : i32
        %get3A_248 = arith.index_cast %add3A_247 : i32 to index
        %get3A_249 = arith.constant 16 : index
        %get3A_250 = tpu.vector_load %arg6[%get3A_248, %get3A_249] {strides = array<i32>} : memref<128x128xf32, #tpu.memory_space<vmem>>, vector<1x16xf32>,
        %get3A_251 = vector.shape_cast %get3A_250 : vector<1x16xf32> to vector<16xf32>
        %add3A_252 = arith.constant 8 : i32
        %add3A_253 = arith.addi %mul3A_52, %add3A_252 : i32
        %add3A_254 = arith.constant 1 : i32
        %add3A_255 = arith.addi %add3A_253, %add3A_254 : i32
        %get3A_256 = arith.index_cast %add3A_255 : i32 to index
        %get3A_257 = arith.constant 16 : index
        %get3A_258 = tpu.vector_load %arg6[%get3A_256, %get3A_257] {strides = array<i32>} : memref<128x128xf32, #tpu.memory_space<vmem>>, vector<1x16xf32>,
        %get3A_259 = vector.shape_cast %get3A_258 : vector<1x16xf32> to vector<16xf32>
        %add3A_260 = arith.addf %get3A_251, %get3A_259 : vector<16xf32>
        %add3A_261 = arith.constant 10 : i32
        %add3A_262 = arith.addi %mul3A_52, %add3A_261 : i32
        %get3A_263 = arith.index_cast %add3A_262 : i32 to index
        %get3A_264 = arith.constant 16 : index
        %get3A_265 = tpu.vector_load %arg6[%get3A_263, %get3A_264] {strides = array<i32>} : memref<128x128xf32, #tpu.memory_space<vmem>>, vector<1x16xf32>,
        %get3A_266 = vector.shape_cast %get3A_265 : vector<1x16xf32> to vector<16xf32>
        %add3A_267 = arith.constant 10 : i32
        %add3A_268 = arith.addi %mul3A_52, %add3A_267 : i32
        %add3A_269 = arith.constant 1 : i32
        %add3A_270 = arith.addi %add3A_268, %add3A_269 : i32
        %get3A_271 = arith.index_cast %add3A_270 : i32 to index
        %get3A_272 = arith.constant 16 : index
        %get3A_273 = tpu.vector_load %arg6[%get3A_271, %get3A_272] {strides = array<i32>} : memref<128x128xf32, #tpu.memory_space<vmem>>, vector<1x16xf32>,
        %get3A_274 = vector.shape_cast %get3A_273 : vector<1x16xf32> to vector<16xf32>
        %add3A_275 = arith.addf %get3A_266, %get3A_274 : vector<16xf32>
        %add3A_276 = arith.constant 12 : i32
        %add3A_277 = arith.addi %mul3A_52, %add3A_276 : i32
        %get3A_278 = arith.index_cast %add3A_277 : i32 to index
        %get3A_279 = arith.constant 16 : index
        %get3A_280 = tpu.vector_load %arg6[%get3A_278, %get3A_279] {strides = array<i32>} : memref<128x128xf32, #tpu.memory_space<vmem>>, vector<1x16xf32>,
        %get3A_281 = vector.shape_cast %get3A_280 : vector<1x16xf32> to vector<16xf32>
        %add3A_282 = arith.constant 12 : i32
        %add3A_283 = arith.addi %mul3A_52, %add3A_282 : i32
        %add3A_284 = arith.constant 1 : i32
        %add3A_285 = arith.addi %add3A_283, %add3A_284 : i32
        %get3A_286 = arith.index_cast %add3A_285 : i32 to index
        %get3A_287 = arith.constant 16 : index
        %get3A_288 = tpu.vector_load %arg6[%get3A_286, %get3A_287] {strides = array<i32>} : memref<128x128xf32, #tpu.memory_space<vmem>>, vector<1x16xf32>,
        %get3A_289 = vector.shape_cast %get3A_288 : vector<1x16xf32> to vector<16xf32>
        %add3A_290 = arith.addf %get3A_281, %get3A_289 : vector<16xf32>
        %add3A_291 = arith.constant 14 : i32
        %add3A_292 = arith.addi %mul3A_52, %add3A_291 : i32
        %get3A_293 = arith.index_cast %add3A_292 : i32 to index
        %get3A_294 = arith.constant 16 : index
        %get3A_295 = tpu.vector_load %arg6[%get3A_293, %get3A_294] {strides = array<i32>} : memref<128x128xf32, #tpu.memory_space<vmem>>, vector<1x16xf32>,
        %get3A_296 = vector.shape_cast %get3A_295 : vector<1x16xf32> to vector<16xf32>
        %add3A_297 = arith.constant 14 : i32
        %add3A_298 = arith.addi %mul3A_52, %add3A_297 : i32
        %add3A_299 = arith.constant 1 : i32
        %add3A_300 = arith.addi %add3A_298, %add3A_299 : i32
        %get3A_301 = arith.index_cast %add3A_300 : i32 to index
        %get3A_302 = arith.constant 16 : index
        %get3A_303 = tpu.vector_load %arg6[%get3A_301, %get3A_302] {strides = array<i32>} : memref<128x128xf32, #tpu.memory_space<vmem>>, vector<1x16xf32>,
        %get3A_304 = vector.shape_cast %get3A_303 : vector<1x16xf32> to vector<16xf32>
        %add3A_305 = arith.addf %get3A_296, %get3A_304 : vector<16xf32>
        %add3A_306 = arith.addf %add3A_200, %add3A_215 : vector<16xf32>
        %add3A_307 = arith.addf %add3A_230, %add3A_245 : vector<16xf32>
        %add3A_308 = arith.addf %add3A_260, %add3A_275 : vector<16xf32>
        %add3A_309 = arith.addf %add3A_290, %add3A_305 : vector<16xf32>
        %add3A_310 = arith.addf %add3A_306, %add3A_307 : vector<16xf32>
        %add3A_311 = arith.addf %add3A_308, %add3A_309 : vector<16xf32>
        %add3A_312 = arith.addf %add3A_310, %add3A_311 : vector<16xf32>
        %mul3A_313 = arith.constant 8 : i32
        %mul3A_314 = arith.muli %mul3A_16, %mul3A_313 : i32
        %add3A_315 = arith.addi %mul3A_314, %scan3A_50 : i32
        %swap3A_316 = arith.index_cast %add3A_315 : i32 to index
        %swap3A_317 = arith.constant 16 : index
        %swap3A_318 = tpu.vector_load %arg8[%swap3A_316, %swap3A_317] {strides = array<i32>} : memref<320x128xf32, #tpu.memory_space<vmem>>, vector<1x16xf32>,
        %swap3A_319 = vector.shape_cast %swap3A_318 : vector<1x16xf32> to vector<16xf32>
        %swap3A_320 = vector.shape_cast %add3A_312 : vector<16xf32> to vector<1x16xf32>
        tpu.vector_store %arg8[%swap3A_316, %swap3A_317], %swap3A_320 {strides = array<i32>} : memref<320x128xf32, #tpu.memory_space<vmem>>, vector<1x16xf32>,
        %add3A_321 = arith.constant 0 : i32
        %add3A_322 = arith.addi %mul3A_52, %add3A_321 : i32
        %get3A_323 = arith.index_cast %add3A_322 : i32 to index
        %get3A_324 = arith.constant 32 : index
        %get3A_325 = tpu.vector_load %arg6[%get3A_323, %get3A_324] {strides = array<i32>} : memref<128x128xf32, #tpu.memory_space<vmem>>, vector<1x16xf32>,
        %get3A_326 = vector.shape_cast %get3A_325 : vector<1x16xf32> to vector<16xf32>
        %add3A_327 = arith.constant 0 : i32
        %add3A_328 = arith.addi %mul3A_52, %add3A_327 : i32
        %add3A_329 = arith.constant 1 : i32
        %add3A_330 = arith.addi %add3A_328, %add3A_329 : i32
        %get3A_331 = arith.index_cast %add3A_330 : i32 to index
        %get3A_332 = arith.constant 32 : index
        %get3A_333 = tpu.vector_load %arg6[%get3A_331, %get3A_332] {strides = array<i32>} : memref<128x128xf32, #tpu.memory_space<vmem>>, vector<1x16xf32>,
        %get3A_334 = vector.shape_cast %get3A_333 : vector<1x16xf32> to vector<16xf32>
        %add3A_335 = arith.addf %get3A_326, %get3A_334 : vector<16xf32>
        %add3A_336 = arith.constant 2 : i32
        %add3A_337 = arith.addi %mul3A_52, %add3A_336 : i32
        %get3A_338 = arith.index_cast %add3A_337 : i32 to index
        %get3A_339 = arith.constant 32 : index
        %get3A_340 = tpu.vector_load %arg6[%get3A_338, %get3A_339] {strides = array<i32>} : memref<128x128xf32, #tpu.memory_space<vmem>>, vector<1x16xf32>,
        %get3A_341 = vector.shape_cast %get3A_340 : vector<1x16xf32> to vector<16xf32>
        %add3A_342 = arith.constant 2 : i32
        %add3A_343 = arith.addi %mul3A_52, %add3A_342 : i32
        %add3A_344 = arith.constant 1 : i32
        %add3A_345 = arith.addi %add3A_343, %add3A_344 : i32
        %get3A_346 = arith.index_cast %add3A_345 : i32 to index
        %get3A_347 = arith.constant 32 : index
        %get3A_348 = tpu.vector_load %arg6[%get3A_346, %get3A_347] {strides = array<i32>} : memref<128x128xf32, #tpu.memory_space<vmem>>, vector<1x16xf32>,
        %get3A_349 = vector.shape_cast %get3A_348 : vector<1x16xf32> to vector<16xf32>
        %add3A_350 = arith.addf %get3A_341, %get3A_349 : vector<16xf32>
        %add3A_351 = arith.constant 4 : i32
        %add3A_352 = arith.addi %mul3A_52, %add3A_351 : i32
        %get3A_353 = arith.index_cast %add3A_352 : i32 to index
        %get3A_354 = arith.constant 32 : index
        %get3A_355 = tpu.vector_load %arg6[%get3A_353, %get3A_354] {strides = array<i32>} : memref<128x128xf32, #tpu.memory_space<vmem>>, vector<1x16xf32>,
        %get3A_356 = vector.shape_cast %get3A_355 : vector<1x16xf32> to vector<16xf32>
        %add3A_357 = arith.constant 4 : i32
        %add3A_358 = arith.addi %mul3A_52, %add3A_357 : i32
        %add3A_359 = arith.constant 1 : i32
        %add3A_360 = arith.addi %add3A_358, %add3A_359 : i32
        %get3A_361 = arith.index_cast %add3A_360 : i32 to index
        %get3A_362 = arith.constant 32 : index
        %get3A_363 = tpu.vector_load %arg6[%get3A_361, %get3A_362] {strides = array<i32>} : memref<128x128xf32, #tpu.memory_space<vmem>>, vector<1x16xf32>,
        %get3A_364 = vector.shape_cast %get3A_363 : vector<1x16xf32> to vector<16xf32>
        %add3A_365 = arith.addf %get3A_356, %get3A_364 : vector<16xf32>
        %add3A_366 = arith.constant 6 : i32
        %add3A_367 = arith.addi %mul3A_52, %add3A_366 : i32
        %get3A_368 = arith.index_cast %add3A_367 : i32 to index
        %get3A_369 = arith.constant 32 : index
        %get3A_370 = tpu.vector_load %arg6[%get3A_368, %get3A_369] {strides = array<i32>} : memref<128x128xf32, #tpu.memory_space<vmem>>, vector<1x16xf32>,
        %get3A_371 = vector.shape_cast %get3A_370 : vector<1x16xf32> to vector<16xf32>
        %add3A_372 = arith.constant 6 : i32
        %add3A_373 = arith.addi %mul3A_52, %add3A_372 : i32
        %add3A_374 = arith.constant 1 : i32
        %add3A_375 = arith.addi %add3A_373, %add3A_374 : i32
        %get3A_376 = arith.index_cast %add3A_375 : i32 to index
        %get3A_377 = arith.constant 32 : index
        %get3A_378 = tpu.vector_load %arg6[%get3A_376, %get3A_377] {strides = array<i32>} : memref<128x128xf32, #tpu.memory_space<vmem>>, vector<1x16xf32>,
        %get3A_379 = vector.shape_cast %get3A_378 : vector<1x16xf32> to vector<16xf32>
        %add3A_380 = arith.addf %get3A_371, %get3A_379 : vector<16xf32>
        %add3A_381 = arith.constant 8 : i32
        %add3A_382 = arith.addi %mul3A_52, %add3A_381 : i32
        %get3A_383 = arith.index_cast %add3A_382 : i32 to index
        %get3A_384 = arith.constant 32 : index
        %get3A_385 = tpu.vector_load %arg6[%get3A_383, %get3A_384] {strides = array<i32>} : memref<128x128xf32, #tpu.memory_space<vmem>>, vector<1x16xf32>,
        %get3A_386 = vector.shape_cast %get3A_385 : vector<1x16xf32> to vector<16xf32>
        %add3A_387 = arith.constant 8 : i32
        %add3A_388 = arith.addi %mul3A_52, %add3A_387 : i32
        %add3A_389 = arith.constant 1 : i32
        %add3A_390 = arith.addi %add3A_388, %add3A_389 : i32
        %get3A_391 = arith.index_cast %add3A_390 : i32 to index
        %get3A_392 = arith.constant 32 : index
        %get3A_393 = tpu.vector_load %arg6[%get3A_391, %get3A_392] {strides = array<i32>} : memref<128x128xf32, #tpu.memory_space<vmem>>, vector<1x16xf32>,
        %get3A_394 = vector.shape_cast %get3A_393 : vector<1x16xf32> to vector<16xf32>
        %add3A_395 = arith.addf %get3A_386, %get3A_394 : vector<16xf32>
        %add3A_396 = arith.constant 10 : i32
        %add3A_397 = arith.addi %mul3A_52, %add3A_396 : i32
        %get3A_398 = arith.index_cast %add3A_397 : i32 to index
        %get3A_399 = arith.constant 32 : index
        %get3A_400 = tpu.vector_load %arg6[%get3A_398, %get3A_399] {strides = array<i32>} : memref<128x128xf32, #tpu.memory_space<vmem>>, vector<1x16xf32>,
        %get3A_401 = vector.shape_cast %get3A_400 : vector<1x16xf32> to vector<16xf32>
        %add3A_402 = arith.constant 10 : i32
        %add3A_403 = arith.addi %mul3A_52, %add3A_402 : i32
        %add3A_404 = arith.constant 1 : i32
        %add3A_405 = arith.addi %add3A_403, %add3A_404 : i32
        %get3A_406 = arith.index_cast %add3A_405 : i32 to index
        %get3A_407 = arith.constant 32 : index
        %get3A_408 = tpu.vector_load %arg6[%get3A_406, %get3A_407] {strides = array<i32>} : memref<128x128xf32, #tpu.memory_space<vmem>>, vector<1x16xf32>,
        %get3A_409 = vector.shape_cast %get3A_408 : vector<1x16xf32> to vector<16xf32>
        %add3A_410 = arith.addf %get3A_401, %get3A_409 : vector<16xf32>
        %add3A_411 = arith.constant 12 : i32
        %add3A_412 = arith.addi %mul3A_52, %add3A_411 : i32
        %get3A_413 = arith.index_cast %add3A_412 : i32 to index
        %get3A_414 = arith.constant 32 : index
        %get3A_415 = tpu.vector_load %arg6[%get3A_413, %get3A_414] {strides = array<i32>} : memref<128x128xf32, #tpu.memory_space<vmem>>, vector<1x16xf32>,
        %get3A_416 = vector.shape_cast %get3A_415 : vector<1x16xf32> to vector<16xf32>
        %add3A_417 = arith.constant 12 : i32
        %add3A_418 = arith.addi %mul3A_52, %add3A_417 : i32
        %add3A_419 = arith.constant 1 : i32
        %add3A_420 = arith.addi %add3A_418, %add3A_419 : i32
        %get3A_421 = arith.index_cast %add3A_420 : i32 to index
        %get3A_422 = arith.constant 32 : index
        %get3A_423 = tpu.vector_load %arg6[%get3A_421, %get3A_422] {strides = array<i32>} : memref<128x128xf32, #tpu.memory_space<vmem>>, vector<1x16xf32>,
        %get3A_424 = vector.shape_cast %get3A_423 : vector<1x16xf32> to vector<16xf32>
        %add3A_425 = arith.addf %get3A_416, %get3A_424 : vector<16xf32>
        %add3A_426 = arith.constant 14 : i32
        %add3A_427 = arith.addi %mul3A_52, %add3A_426 : i32
        %get3A_428 = arith.index_cast %add3A_427 : i32 to index
        %get3A_429 = arith.constant 32 : index
        %get3A_430 = tpu.vector_load %arg6[%get3A_428, %get3A_429] {strides = array<i32>} : memref<128x128xf32, #tpu.memory_space<vmem>>, vector<1x16xf32>,
        %get3A_431 = vector.shape_cast %get3A_430 : vector<1x16xf32> to vector<16xf32>
        %add3A_432 = arith.constant 14 : i32
        %add3A_433 = arith.addi %mul3A_52, %add3A_432 : i32
        %add3A_434 = arith.constant 1 : i32
        %add3A_435 = arith.addi %add3A_433, %add3A_434 : i32
        %get3A_436 = arith.index_cast %add3A_435 : i32 to index
        %get3A_437 = arith.constant 32 : index
        %get3A_438 = tpu.vector_load %arg6[%get3A_436, %get3A_437] {strides = array<i32>} : memref<128x128xf32, #tpu.memory_space<vmem>>, vector<1x16xf32>,
        %get3A_439 = vector.shape_cast %get3A_438 : vector<1x16xf32> to vector<16xf32>
        %add3A_440 = arith.addf %get3A_431, %get3A_439 : vector<16xf32>
        %add3A_441 = arith.addf %add3A_335, %add3A_350 : vector<16xf32>
        %add3A_442 = arith.addf %add3A_365, %add3A_380 : vector<16xf32>
        %add3A_443 = arith.addf %add3A_395, %add3A_410 : vector<16xf32>
        %add3A_444 = arith.addf %add3A_425, %add3A_440 : vector<16xf32>
        %add3A_445 = arith.addf %add3A_441, %add3A_442 : vector<16xf32>
        %add3A_446 = arith.addf %add3A_443, %add3A_444 : vector<16xf32>
        %add3A_447 = arith.addf %add3A_445, %add3A_446 : vector<16xf32>
        %mul3A_448 = arith.constant 8 : i32
        %mul3A_449 = arith.muli %mul3A_16, %mul3A_448 : i32
        %add3A_450 = arith.addi %mul3A_449, %scan3A_50 : i32
        %swap3A_451 = arith.index_cast %add3A_450 : i32 to index
        %swap3A_452 = arith.constant 32 : index
        %swap3A_453 = tpu.vector_load %arg8[%swap3A_451, %swap3A_452] {strides = array<i32>} : memref<320x128xf32, #tpu.memory_space<vmem>>, vector<1x16xf32>,
        %swap3A_454 = vector.shape_cast %swap3A_453 : vector<1x16xf32> to vector<16xf32>
        %swap3A_455 = vector.shape_cast %add3A_447 : vector<16xf32> to vector<1x16xf32>
        tpu.vector_store %arg8[%swap3A_451, %swap3A_452], %swap3A_455 {strides = array<i32>} : memref<320x128xf32, #tpu.memory_space<vmem>>, vector<1x16xf32>,
        %add3A_456 = arith.constant 0 : i32
        %add3A_457 = arith.addi %mul3A_52, %add3A_456 : i32
        %get3A_458 = arith.index_cast %add3A_457 : i32 to index
        %get3A_459 = arith.constant 48 : index
        %get3A_460 = tpu.vector_load %arg6[%get3A_458, %get3A_459] {strides = array<i32>} : memref<128x128xf32, #tpu.memory_space<vmem>>, vector<1x16xf32>,
        %get3A_461 = vector.shape_cast %get3A_460 : vector<1x16xf32> to vector<16xf32>
        %add3A_462 = arith.constant 0 : i32
        %add3A_463 = arith.addi %mul3A_52, %add3A_462 : i32
        %add3A_464 = arith.constant 1 : i32
        %add3A_465 = arith.addi %add3A_463, %add3A_464 : i32
        %get3A_466 = arith.index_cast %add3A_465 : i32 to index
        %get3A_467 = arith.constant 48 : index
        %get3A_468 = tpu.vector_load %arg6[%get3A_466, %get3A_467] {strides = array<i32>} : memref<128x128xf32, #tpu.memory_space<vmem>>, vector<1x16xf32>,
        %get3A_469 = vector.shape_cast %get3A_468 : vector<1x16xf32> to vector<16xf32>
        %add3A_470 = arith.addf %get3A_461, %get3A_469 : vector<16xf32>
        %add3A_471 = arith.constant 2 : i32
        %add3A_472 = arith.addi %mul3A_52, %add3A_471 : i32
        %get3A_473 = arith.index_cast %add3A_472 : i32 to index
        %get3A_474 = arith.constant 48 : index
        %get3A_475 = tpu.vector_load %arg6[%get3A_473, %get3A_474] {strides = array<i32>} : memref<128x128xf32, #tpu.memory_space<vmem>>, vector<1x16xf32>,
        %get3A_476 = vector.shape_cast %get3A_475 : vector<1x16xf32> to vector<16xf32>
        %add3A_477 = arith.constant 2 : i32
        %add3A_478 = arith.addi %mul3A_52, %add3A_477 : i32
        %add3A_479 = arith.constant 1 : i32
        %add3A_480 = arith.addi %add3A_478, %add3A_479 : i32
        %get3A_481 = arith.index_cast %add3A_480 : i32 to index
        %get3A_482 = arith.constant 48 : index
        %get3A_483 = tpu.vector_load %arg6[%get3A_481, %get3A_482] {strides = array<i32>} : memref<128x128xf32, #tpu.memory_space<vmem>>, vector<1x16xf32>,
        %get3A_484 = vector.shape_cast %get3A_483 : vector<1x16xf32> to vector<16xf32>
        %add3A_485 = arith.addf %get3A_476, %get3A_484 : vector<16xf32>
        %add3A_486 = arith.constant 4 : i32
        %add3A_487 = arith.addi %mul3A_52, %add3A_486 : i32
        %get3A_488 = arith.index_cast %add3A_487 : i32 to index
        %get3A_489 = arith.constant 48 : index
        %get3A_490 = tpu.vector_load %arg6[%get3A_488, %get3A_489] {strides = array<i32>} : memref<128x128xf32, #tpu.memory_space<vmem>>, vector<1x16xf32>,
        %get3A_491 = vector.shape_cast %get3A_490 : vector<1x16xf32> to vector<16xf32>
        %add3A_492 = arith.constant 4 : i32
        %add3A_493 = arith.addi %mul3A_52, %add3A_492 : i32
        %add3A_494 = arith.constant 1 : i32
        %add3A_495 = arith.addi %add3A_493, %add3A_494 : i32
        %get3A_496 = arith.index_cast %add3A_495 : i32 to index
        %get3A_497 = arith.constant 48 : index
        %get3A_498 = tpu.vector_load %arg6[%get3A_496, %get3A_497] {strides = array<i32>} : memref<128x128xf32, #tpu.memory_space<vmem>>, vector<1x16xf32>,
        %get3A_499 = vector.shape_cast %get3A_498 : vector<1x16xf32> to vector<16xf32>
        %add3A_500 = arith.addf %get3A_491, %get3A_499 : vector<16xf32>
        %add3A_501 = arith.constant 6 : i32
        %add3A_502 = arith.addi %mul3A_52, %add3A_501 : i32
        %get3A_503 = arith.index_cast %add3A_502 : i32 to index
        %get3A_504 = arith.constant 48 : index
        %get3A_505 = tpu.vector_load %arg6[%get3A_503, %get3A_504] {strides = array<i32>} : memref<128x128xf32, #tpu.memory_space<vmem>>, vector<1x16xf32>,
        %get3A_506 = vector.shape_cast %get3A_505 : vector<1x16xf32> to vector<16xf32>
        %add3A_507 = arith.constant 6 : i32
        %add3A_508 = arith.addi %mul3A_52, %add3A_507 : i32
        %add3A_509 = arith.constant 1 : i32
        %add3A_510 = arith.addi %add3A_508, %add3A_509 : i32
        %get3A_511 = arith.index_cast %add3A_510 : i32 to index
        %get3A_512 = arith.constant 48 : index
        %get3A_513 = tpu.vector_load %arg6[%get3A_511, %get3A_512] {strides = array<i32>} : memref<128x128xf32, #tpu.memory_space<vmem>>, vector<1x16xf32>,
        %get3A_514 = vector.shape_cast %get3A_513 : vector<1x16xf32> to vector<16xf32>
        %add3A_515 = arith.addf %get3A_506, %get3A_514 : vector<16xf32>
        %add3A_516 = arith.constant 8 : i32
        %add3A_517 = arith.addi %mul3A_52, %add3A_516 : i32
        %get3A_518 = arith.index_cast %add3A_517 : i32 to index
        %get3A_519 = arith.constant 48 : index
        %get3A_520 = tpu.vector_load %arg6[%get3A_518, %get3A_519] {strides = array<i32>} : memref<128x128xf32, #tpu.memory_space<vmem>>, vector<1x16xf32>,
        %get3A_521 = vector.shape_cast %get3A_520 : vector<1x16xf32> to vector<16xf32>
        %add3A_522 = arith.constant 8 : i32
        %add3A_523 = arith.addi %mul3A_52, %add3A_522 : i32
        %add3A_524 = arith.constant 1 : i32
        %add3A_525 = arith.addi %add3A_523, %add3A_524 : i32
        %get3A_526 = arith.index_cast %add3A_525 : i32 to index
        %get3A_527 = arith.constant 48 : index
        %get3A_528 = tpu.vector_load %arg6[%get3A_526, %get3A_527] {strides = array<i32>} : memref<128x128xf32, #tpu.memory_space<vmem>>, vector<1x16xf32>,
        %get3A_529 = vector.shape_cast %get3A_528 : vector<1x16xf32> to vector<16xf32>
        %add3A_530 = arith.addf %get3A_521, %get3A_529 : vector<16xf32>
        %add3A_531 = arith.constant 10 : i32
        %add3A_532 = arith.addi %mul3A_52, %add3A_531 : i32
        %get3A_533 = arith.index_cast %add3A_532 : i32 to index
        %get3A_534 = arith.constant 48 : index
        %get3A_535 = tpu.vector_load %arg6[%get3A_533, %get3A_534] {strides = array<i32>} : memref<128x128xf32, #tpu.memory_space<vmem>>, vector<1x16xf32>,
        %get3A_536 = vector.shape_cast %get3A_535 : vector<1x16xf32> to vector<16xf32>
        %add3A_537 = arith.constant 10 : i32
        %add3A_538 = arith.addi %mul3A_52, %add3A_537 : i32
        %add3A_539 = arith.constant 1 : i32
        %add3A_540 = arith.addi %add3A_538, %add3A_539 : i32
        %get3A_541 = arith.index_cast %add3A_540 : i32 to index
        %get3A_542 = arith.constant 48 : index
        %get3A_543 = tpu.vector_load %arg6[%get3A_541, %get3A_542] {strides = array<i32>} : memref<128x128xf32, #tpu.memory_space<vmem>>, vector<1x16xf32>,
        %get3A_544 = vector.shape_cast %get3A_543 : vector<1x16xf32> to vector<16xf32>
        %add3A_545 = arith.addf %get3A_536, %get3A_544 : vector<16xf32>
        %add3A_546 = arith.constant 12 : i32
        %add3A_547 = arith.addi %mul3A_52, %add3A_546 : i32
        %get3A_548 = arith.index_cast %add3A_547 : i32 to index
        %get3A_549 = arith.constant 48 : index
        %get3A_550 = tpu.vector_load %arg6[%get3A_548, %get3A_549] {strides = array<i32>} : memref<128x128xf32, #tpu.memory_space<vmem>>, vector<1x16xf32>,
        %get3A_551 = vector.shape_cast %get3A_550 : vector<1x16xf32> to vector<16xf32>
        %add3A_552 = arith.constant 12 : i32
        %add3A_553 = arith.addi %mul3A_52, %add3A_552 : i32
        %add3A_554 = arith.constant 1 : i32
        %add3A_555 = arith.addi %add3A_553, %add3A_554 : i32
        %get3A_556 = arith.index_cast %add3A_555 : i32 to index
        %get3A_557 = arith.constant 48 : index
        %get3A_558 = tpu.vector_load %arg6[%get3A_556, %get3A_557] {strides = array<i32>} : memref<128x128xf32, #tpu.memory_space<vmem>>, vector<1x16xf32>,
        %get3A_559 = vector.shape_cast %get3A_558 : vector<1x16xf32> to vector<16xf32>
        %add3A_560 = arith.addf %get3A_551, %get3A_559 : vector<16xf32>
        %add3A_561 = arith.constant 14 : i32
        %add3A_562 = arith.addi %mul3A_52, %add3A_561 : i32
        %get3A_563 = arith.index_cast %add3A_562 : i32 to index
        %get3A_564 = arith.constant 48 : index
        %get3A_565 = tpu.vector_load %arg6[%get3A_563, %get3A_564] {strides = array<i32>} : memref<128x128xf32, #tpu.memory_space<vmem>>, vector<1x16xf32>,
        %get3A_566 = vector.shape_cast %get3A_565 : vector<1x16xf32> to vector<16xf32>
        %add3A_567 = arith.constant 14 : i32
        %add3A_568 = arith.addi %mul3A_52, %add3A_567 : i32
        %add3A_569 = arith.constant 1 : i32
        %add3A_570 = arith.addi %add3A_568, %add3A_569 : i32
        %get3A_571 = arith.index_cast %add3A_570 : i32 to index
        %get3A_572 = arith.constant 48 : index
        %get3A_573 = tpu.vector_load %arg6[%get3A_571, %get3A_572] {strides = array<i32>} : memref<128x128xf32, #tpu.memory_space<vmem>>, vector<1x16xf32>,
        %get3A_574 = vector.shape_cast %get3A_573 : vector<1x16xf32> to vector<16xf32>
        %add3A_575 = arith.addf %get3A_566, %get3A_574 : vector<16xf32>
        %add3A_576 = arith.addf %add3A_470, %add3A_485 : vector<16xf32>
        %add3A_577 = arith.addf %add3A_500, %add3A_515 : vector<16xf32>
        %add3A_578 = arith.addf %add3A_530, %add3A_545 : vector<16xf32>
        %add3A_579 = arith.addf %add3A_560, %add3A_575 : vector<16xf32>
        %add3A_580 = arith.addf %add3A_576, %add3A_577 : vector<16xf32>
        %add3A_581 = arith.addf %add3A_578, %add3A_579 : vector<16xf32>
        %add3A_582 = arith.addf %add3A_580, %add3A_581 : vector<16xf32>
        %mul3A_583 = arith.constant 8 : i32
        %mul3A_584 = arith.muli %mul3A_16, %mul3A_583 : i32
        %add3A_585 = arith.addi %mul3A_584, %scan3A_50 : i32
        %swap3A_586 = arith.index_cast %add3A_585 : i32 to index
        %swap3A_587 = arith.constant 48 : index
        %swap3A_588 = tpu.vector_load %arg8[%swap3A_586, %swap3A_587] {strides = array<i32>} : memref<320x128xf32, #tpu.memory_space<vmem>>, vector<1x16xf32>,
        %swap3A_589 = vector.shape_cast %swap3A_588 : vector<1x16xf32> to vector<16xf32>
        %swap3A_590 = vector.shape_cast %add3A_582 : vector<16xf32> to vector<1x16xf32>
        tpu.vector_store %arg8[%swap3A_586, %swap3A_587], %swap3A_590 {strides = array<i32>} : memref<320x128xf32, #tpu.memory_space<vmem>>, vector<1x16xf32>,
        %add3A_591 = arith.constant 0 : i32
        %add3A_592 = arith.addi %mul3A_52, %add3A_591 : i32
        %get3A_593 = arith.index_cast %add3A_592 : i32 to index
        %get3A_594 = arith.constant 64 : index
        %get3A_595 = tpu.vector_load %arg6[%get3A_593, %get3A_594] {strides = array<i32>} : memref<128x128xf32, #tpu.memory_space<vmem>>, vector<1x16xf32>,
        %get3A_596 = vector.shape_cast %get3A_595 : vector<1x16xf32> to vector<16xf32>
        %add3A_597 = arith.constant 0 : i32
        %add3A_598 = arith.addi %mul3A_52, %add3A_597 : i32
        %add3A_599 = arith.constant 1 : i32
        %add3A_600 = arith.addi %add3A_598, %add3A_599 : i32
        %get3A_601 = arith.index_cast %add3A_600 : i32 to index
        %get3A_602 = arith.constant 64 : index
        %get3A_603 = tpu.vector_load %arg6[%get3A_601, %get3A_602] {strides = array<i32>} : memref<128x128xf32, #tpu.memory_space<vmem>>, vector<1x16xf32>,
        %get3A_604 = vector.shape_cast %get3A_603 : vector<1x16xf32> to vector<16xf32>
        %add3A_605 = arith.addf %get3A_596, %get3A_604 : vector<16xf32>
        %add3A_606 = arith.constant 2 : i32
        %add3A_607 = arith.addi %mul3A_52, %add3A_606 : i32
        %get3A_608 = arith.index_cast %add3A_607 : i32 to index
        %get3A_609 = arith.constant 64 : index
        %get3A_610 = tpu.vector_load %arg6[%get3A_608, %get3A_609] {strides = array<i32>} : memref<128x128xf32, #tpu.memory_space<vmem>>, vector<1x16xf32>,
        %get3A_611 = vector.shape_cast %get3A_610 : vector<1x16xf32> to vector<16xf32>
        %add3A_612 = arith.constant 2 : i32
        %add3A_613 = arith.addi %mul3A_52, %add3A_612 : i32
        %add3A_614 = arith.constant 1 : i32
        %add3A_615 = arith.addi %add3A_613, %add3A_614 : i32
        %get3A_616 = arith.index_cast %add3A_615 : i32 to index
        %get3A_617 = arith.constant 64 : index
        %get3A_618 = tpu.vector_load %arg6[%get3A_616, %get3A_617] {strides = array<i32>} : memref<128x128xf32, #tpu.memory_space<vmem>>, vector<1x16xf32>,
        %get3A_619 = vector.shape_cast %get3A_618 : vector<1x16xf32> to vector<16xf32>
        %add3A_620 = arith.addf %get3A_611, %get3A_619 : vector<16xf32>
        %add3A_621 = arith.constant 4 : i32
        %add3A_622 = arith.addi %mul3A_52, %add3A_621 : i32
        %get3A_623 = arith.index_cast %add3A_622 : i32 to index
        %get3A_624 = arith.constant 64 : index
        %get3A_625 = tpu.vector_load %arg6[%get3A_623, %get3A_624] {strides = array<i32>} : memref<128x128xf32, #tpu.memory_space<vmem>>, vector<1x16xf32>,
        %get3A_626 = vector.shape_cast %get3A_625 : vector<1x16xf32> to vector<16xf32>
        %add3A_627 = arith.constant 4 : i32
        %add3A_628 = arith.addi %mul3A_52, %add3A_627 : i32
        %add3A_629 = arith.constant 1 : i32
        %add3A_630 = arith.addi %add3A_628, %add3A_629 : i32
        %get3A_631 = arith.index_cast %add3A_630 : i32 to index
        %get3A_632 = arith.constant 64 : index
        %get3A_633 = tpu.vector_load %arg6[%get3A_631, %get3A_632] {strides = array<i32>} : memref<128x128xf32, #tpu.memory_space<vmem>>, vector<1x16xf32>,
        %get3A_634 = vector.shape_cast %get3A_633 : vector<1x16xf32> to vector<16xf32>
        %add3A_635 = arith.addf %get3A_626, %get3A_634 : vector<16xf32>
        %add3A_636 = arith.constant 6 : i32
        %add3A_637 = arith.addi %mul3A_52, %add3A_636 : i32
        %get3A_638 = arith.index_cast %add3A_637 : i32 to index
        %get3A_639 = arith.constant 64 : index
        %get3A_640 = tpu.vector_load %arg6[%get3A_638, %get3A_639] {strides = array<i32>} : memref<128x128xf32, #tpu.memory_space<vmem>>, vector<1x16xf32>,
        %get3A_641 = vector.shape_cast %get3A_640 : vector<1x16xf32> to vector<16xf32>
        %add3A_642 = arith.constant 6 : i32
        %add3A_643 = arith.addi %mul3A_52, %add3A_642 : i32
        %add3A_644 = arith.constant 1 : i32
        %add3A_645 = arith.addi %add3A_643, %add3A_644 : i32
        %get3A_646 = arith.index_cast %add3A_645 : i32 to index
        %get3A_647 = arith.constant 64 : index
        %get3A_648 = tpu.vector_load %arg6[%get3A_646, %get3A_647] {strides = array<i32>} : memref<128x128xf32, #tpu.memory_space<vmem>>, vector<1x16xf32>,
        %get3A_649 = vector.shape_cast %get3A_648 : vector<1x16xf32> to vector<16xf32>
        %add3A_650 = arith.addf %get3A_641, %get3A_649 : vector<16xf32>
        %add3A_651 = arith.constant 8 : i32
        %add3A_652 = arith.addi %mul3A_52, %add3A_651 : i32
        %get3A_653 = arith.index_cast %add3A_652 : i32 to index
        %get3A_654 = arith.constant 64 : index
        %get3A_655 = tpu.vector_load %arg6[%get3A_653, %get3A_654] {strides = array<i32>} : memref<128x128xf32, #tpu.memory_space<vmem>>, vector<1x16xf32>,
        %get3A_656 = vector.shape_cast %get3A_655 : vector<1x16xf32> to vector<16xf32>
        %add3A_657 = arith.constant 8 : i32
        %add3A_658 = arith.addi %mul3A_52, %add3A_657 : i32
        %add3A_659 = arith.constant 1 : i32
        %add3A_660 = arith.addi %add3A_658, %add3A_659 : i32
        %get3A_661 = arith.index_cast %add3A_660 : i32 to index
        %get3A_662 = arith.constant 64 : index
        %get3A_663 = tpu.vector_load %arg6[%get3A_661, %get3A_662] {strides = array<i32>} : memref<128x128xf32, #tpu.memory_space<vmem>>, vector<1x16xf32>,
        %get3A_664 = vector.shape_cast %get3A_663 : vector<1x16xf32> to vector<16xf32>
        %add3A_665 = arith.addf %get3A_656, %get3A_664 : vector<16xf32>
        %add3A_666 = arith.constant 10 : i32
        %add3A_667 = arith.addi %mul3A_52, %add3A_666 : i32
        %get3A_668 = arith.index_cast %add3A_667 : i32 to index
        %get3A_669 = arith.constant 64 : index
        %get3A_670 = tpu.vector_load %arg6[%get3A_668, %get3A_669] {strides = array<i32>} : memref<128x128xf32, #tpu.memory_space<vmem>>, vector<1x16xf32>,
        %get3A_671 = vector.shape_cast %get3A_670 : vector<1x16xf32> to vector<16xf32>
        %add3A_672 = arith.constant 10 : i32
        %add3A_673 = arith.addi %mul3A_52, %add3A_672 : i32
        %add3A_674 = arith.constant 1 : i32
        %add3A_675 = arith.addi %add3A_673, %add3A_674 : i32
        %get3A_676 = arith.index_cast %add3A_675 : i32 to index
        %get3A_677 = arith.constant 64 : index
        %get3A_678 = tpu.vector_load %arg6[%get3A_676, %get3A_677] {strides = array<i32>} : memref<128x128xf32, #tpu.memory_space<vmem>>, vector<1x16xf32>,
        %get3A_679 = vector.shape_cast %get3A_678 : vector<1x16xf32> to vector<16xf32>
        %add3A_680 = arith.addf %get3A_671, %get3A_679 : vector<16xf32>
        %add3A_681 = arith.constant 12 : i32
        %add3A_682 = arith.addi %mul3A_52, %add3A_681 : i32
        %get3A_683 = arith.index_cast %add3A_682 : i32 to index
        %get3A_684 = arith.constant 64 : index
        %get3A_685 = tpu.vector_load %arg6[%get3A_683, %get3A_684] {strides = array<i32>} : memref<128x128xf32, #tpu.memory_space<vmem>>, vector<1x16xf32>,
        %get3A_686 = vector.shape_cast %get3A_685 : vector<1x16xf32> to vector<16xf32>
        %add3A_687 = arith.constant 12 : i32
        %add3A_688 = arith.addi %mul3A_52, %add3A_687 : i32
        %add3A_689 = arith.constant 1 : i32
        %add3A_690 = arith.addi %add3A_688, %add3A_689 : i32
        %get3A_691 = arith.index_cast %add3A_690 : i32 to index
        %get3A_692 = arith.constant 64 : index
        %get3A_693 = tpu.vector_load %arg6[%get3A_691, %get3A_692] {strides = array<i32>} : memref<128x128xf32, #tpu.memory_space<vmem>>, vector<1x16xf32>,
        %get3A_694 = vector.shape_cast %get3A_693 : vector<1x16xf32> to vector<16xf32>
        %add3A_695 = arith.addf %get3A_686, %get3A_694 : vector<16xf32>
        %add3A_696 = arith.constant 14 : i32
        %add3A_697 = arith.addi %mul3A_52, %add3A_696 : i32
        %get3A_698 = arith.index_cast %add3A_697 : i32 to index
        %get3A_699 = arith.constant 64 : index
        %get3A_700 = tpu.vector_load %arg6[%get3A_698, %get3A_699] {strides = array<i32>} : memref<128x128xf32, #tpu.memory_space<vmem>>, vector<1x16xf32>,
        %get3A_701 = vector.shape_cast %get3A_700 : vector<1x16xf32> to vector<16xf32>
        %add3A_702 = arith.constant 14 : i32
        %add3A_703 = arith.addi %mul3A_52, %add3A_702 : i32
        %add3A_704 = arith.constant 1 : i32
        %add3A_705 = arith.addi %add3A_703, %add3A_704 : i32
        %get3A_706 = arith.index_cast %add3A_705 : i32 to index
        %get3A_707 = arith.constant 64 : index
        %get3A_708 = tpu.vector_load %arg6[%get3A_706, %get3A_707] {strides = array<i32>} : memref<128x128xf32, #tpu.memory_space<vmem>>, vector<1x16xf32>,
        %get3A_709 = vector.shape_cast %get3A_708 : vector<1x16xf32> to vector<16xf32>
        %add3A_710 = arith.addf %get3A_701, %get3A_709 : vector<16xf32>
        %add3A_711 = arith.addf %add3A_605, %add3A_620 : vector<16xf32>
        %add3A_712 = arith.addf %add3A_635, %add3A_650 : vector<16xf32>
        %add3A_713 = arith.addf %add3A_665, %add3A_680 : vector<16xf32>
        %add3A_714 = arith.addf %add3A_695, %add3A_710 : vector<16xf32>
        %add3A_715 = arith.addf %add3A_711, %add3A_712 : vector<16xf32>
        %add3A_716 = arith.addf %add3A_713, %add3A_714 : vector<16xf32>
        %add3A_717 = arith.addf %add3A_715, %add3A_716 : vector<16xf32>
        %mul3A_718 = arith.constant 8 : i32
        %mul3A_719 = arith.muli %mul3A_16, %mul3A_718 : i32
        %add3A_720 = arith.addi %mul3A_719, %scan3A_50 : i32
        %swap3A_721 = arith.index_cast %add3A_720 : i32 to index
        %swap3A_722 = arith.constant 64 : index
        %swap3A_723 = tpu.vector_load %arg8[%swap3A_721, %swap3A_722] {strides = array<i32>} : memref<320x128xf32, #tpu.memory_space<vmem>>, vector<1x16xf32>,
        %swap3A_724 = vector.shape_cast %swap3A_723 : vector<1x16xf32> to vector<16xf32>
        %swap3A_725 = vector.shape_cast %add3A_717 : vector<16xf32> to vector<1x16xf32>
        tpu.vector_store %arg8[%swap3A_721, %swap3A_722], %swap3A_725 {strides = array<i32>} : memref<320x128xf32, #tpu.memory_space<vmem>>, vector<1x16xf32>,
        %add3A_726 = arith.constant 0 : i32
        %add3A_727 = arith.addi %mul3A_52, %add3A_726 : i32
        %get3A_728 = arith.index_cast %add3A_727 : i32 to index
        %get3A_729 = arith.constant 80 : index
        %get3A_730 = tpu.vector_load %arg6[%get3A_728, %get3A_729] {strides = array<i32>} : memref<128x128xf32, #tpu.memory_space<vmem>>, vector<1x16xf32>,
        %get3A_731 = vector.shape_cast %get3A_730 : vector<1x16xf32> to vector<16xf32>
        %add3A_732 = arith.constant 0 : i32
        %add3A_733 = arith.addi %mul3A_52, %add3A_732 : i32
        %add3A_734 = arith.constant 1 : i32
        %add3A_735 = arith.addi %add3A_733, %add3A_734 : i32
        %get3A_736 = arith.index_cast %add3A_735 : i32 to index
        %get3A_737 = arith.constant 80 : index
        %get3A_738 = tpu.vector_load %arg6[%get3A_736, %get3A_737] {strides = array<i32>} : memref<128x128xf32, #tpu.memory_space<vmem>>, vector<1x16xf32>,
        %get3A_739 = vector.shape_cast %get3A_738 : vector<1x16xf32> to vector<16xf32>
        %add3A_740 = arith.addf %get3A_731, %get3A_739 : vector<16xf32>
        %add3A_741 = arith.constant 2 : i32
        %add3A_742 = arith.addi %mul3A_52, %add3A_741 : i32
        %get3A_743 = arith.index_cast %add3A_742 : i32 to index
        %get3A_744 = arith.constant 80 : index
        %get3A_745 = tpu.vector_load %arg6[%get3A_743, %get3A_744] {strides = array<i32>} : memref<128x128xf32, #tpu.memory_space<vmem>>, vector<1x16xf32>,
        %get3A_746 = vector.shape_cast %get3A_745 : vector<1x16xf32> to vector<16xf32>
        %add3A_747 = arith.constant 2 : i32
        %add3A_748 = arith.addi %mul3A_52, %add3A_747 : i32
        %add3A_749 = arith.constant 1 : i32
        %add3A_750 = arith.addi %add3A_748, %add3A_749 : i32
        %get3A_751 = arith.index_cast %add3A_750 : i32 to index
        %get3A_752 = arith.constant 80 : index
        %get3A_753 = tpu.vector_load %arg6[%get3A_751, %get3A_752] {strides = array<i32>} : memref<128x128xf32, #tpu.memory_space<vmem>>, vector<1x16xf32>,
        %get3A_754 = vector.shape_cast %get3A_753 : vector<1x16xf32> to vector<16xf32>
        %add3A_755 = arith.addf %get3A_746, %get3A_754 : vector<16xf32>
        %add3A_756 = arith.constant 4 : i32
        %add3A_757 = arith.addi %mul3A_52, %add3A_756 : i32
        %get3A_758 = arith.index_cast %add3A_757 : i32 to index
        %get3A_759 = arith.constant 80 : index
        %get3A_760 = tpu.vector_load %arg6[%get3A_758, %get3A_759] {strides = array<i32>} : memref<128x128xf32, #tpu.memory_space<vmem>>, vector<1x16xf32>,
        %get3A_761 = vector.shape_cast %get3A_760 : vector<1x16xf32> to vector<16xf32>
        %add3A_762 = arith.constant 4 : i32
        %add3A_763 = arith.addi %mul3A_52, %add3A_762 : i32
        %add3A_764 = arith.constant 1 : i32
        %add3A_765 = arith.addi %add3A_763, %add3A_764 : i32
        %get3A_766 = arith.index_cast %add3A_765 : i32 to index
        %get3A_767 = arith.constant 80 : index
        %get3A_768 = tpu.vector_load %arg6[%get3A_766, %get3A_767] {strides = array<i32>} : memref<128x128xf32, #tpu.memory_space<vmem>>, vector<1x16xf32>,
        %get3A_769 = vector.shape_cast %get3A_768 : vector<1x16xf32> to vector<16xf32>
        %add3A_770 = arith.addf %get3A_761, %get3A_769 : vector<16xf32>
        %add3A_771 = arith.constant 6 : i32
        %add3A_772 = arith.addi %mul3A_52, %add3A_771 : i32
        %get3A_773 = arith.index_cast %add3A_772 : i32 to index
        %get3A_774 = arith.constant 80 : index
        %get3A_775 = tpu.vector_load %arg6[%get3A_773, %get3A_774] {strides = array<i32>} : memref<128x128xf32, #tpu.memory_space<vmem>>, vector<1x16xf32>,
        %get3A_776 = vector.shape_cast %get3A_775 : vector<1x16xf32> to vector<16xf32>
        %add3A_777 = arith.constant 6 : i32
        %add3A_778 = arith.addi %mul3A_52, %add3A_777 : i32
        %add3A_779 = arith.constant 1 : i32
        %add3A_780 = arith.addi %add3A_778, %add3A_779 : i32
        %get3A_781 = arith.index_cast %add3A_780 : i32 to index
        %get3A_782 = arith.constant 80 : index
        %get3A_783 = tpu.vector_load %arg6[%get3A_781, %get3A_782] {strides = array<i32>} : memref<128x128xf32, #tpu.memory_space<vmem>>, vector<1x16xf32>,
        %get3A_784 = vector.shape_cast %get3A_783 : vector<1x16xf32> to vector<16xf32>
        %add3A_785 = arith.addf %get3A_776, %get3A_784 : vector<16xf32>
        %add3A_786 = arith.constant 8 : i32
        %add3A_787 = arith.addi %mul3A_52, %add3A_786 : i32
        %get3A_788 = arith.index_cast %add3A_787 : i32 to index
        %get3A_789 = arith.constant 80 : index
        %get3A_790 = tpu.vector_load %arg6[%get3A_788, %get3A_789] {strides = array<i32>} : memref<128x128xf32, #tpu.memory_space<vmem>>, vector<1x16xf32>,
        %get3A_791 = vector.shape_cast %get3A_790 : vector<1x16xf32> to vector<16xf32>
        %add3A_792 = arith.constant 8 : i32
        %add3A_793 = arith.addi %mul3A_52, %add3A_792 : i32
        %add3A_794 = arith.constant 1 : i32
        %add3A_795 = arith.addi %add3A_793, %add3A_794 : i32
        %get3A_796 = arith.index_cast %add3A_795 : i32 to index
        %get3A_797 = arith.constant 80 : index
        %get3A_798 = tpu.vector_load %arg6[%get3A_796, %get3A_797] {strides = array<i32>} : memref<128x128xf32, #tpu.memory_space<vmem>>, vector<1x16xf32>,
        %get3A_799 = vector.shape_cast %get3A_798 : vector<1x16xf32> to vector<16xf32>
        %add3A_800 = arith.addf %get3A_791, %get3A_799 : vector<16xf32>
        %add3A_801 = arith.constant 10 : i32
        %add3A_802 = arith.addi %mul3A_52, %add3A_801 : i32
        %get3A_803 = arith.index_cast %add3A_802 : i32 to index
        %get3A_804 = arith.constant 80 : index
        %get3A_805 = tpu.vector_load %arg6[%get3A_803, %get3A_804] {strides = array<i32>} : memref<128x128xf32, #tpu.memory_space<vmem>>, vector<1x16xf32>,
        %get3A_806 = vector.shape_cast %get3A_805 : vector<1x16xf32> to vector<16xf32>
        %add3A_807 = arith.constant 10 : i32
        %add3A_808 = arith.addi %mul3A_52, %add3A_807 : i32
        %add3A_809 = arith.constant 1 : i32
        %add3A_810 = arith.addi %add3A_808, %add3A_809 : i32
        %get3A_811 = arith.index_cast %add3A_810 : i32 to index
        %get3A_812 = arith.constant 80 : index
        %get3A_813 = tpu.vector_load %arg6[%get3A_811, %get3A_812] {strides = array<i32>} : memref<128x128xf32, #tpu.memory_space<vmem>>, vector<1x16xf32>,
        %get3A_814 = vector.shape_cast %get3A_813 : vector<1x16xf32> to vector<16xf32>
        %add3A_815 = arith.addf %get3A_806, %get3A_814 : vector<16xf32>
        %add3A_816 = arith.constant 12 : i32
        %add3A_817 = arith.addi %mul3A_52, %add3A_816 : i32
        %get3A_818 = arith.index_cast %add3A_817 : i32 to index
        %get3A_819 = arith.constant 80 : index
        %get3A_820 = tpu.vector_load %arg6[%get3A_818, %get3A_819] {strides = array<i32>} : memref<128x128xf32, #tpu.memory_space<vmem>>, vector<1x16xf32>,
        %get3A_821 = vector.shape_cast %get3A_820 : vector<1x16xf32> to vector<16xf32>
        %add3A_822 = arith.constant 12 : i32
        %add3A_823 = arith.addi %mul3A_52, %add3A_822 : i32
        %add3A_824 = arith.constant 1 : i32
        %add3A_825 = arith.addi %add3A_823, %add3A_824 : i32
        %get3A_826 = arith.index_cast %add3A_825 : i32 to index
        %get3A_827 = arith.constant 80 : index
        %get3A_828 = tpu.vector_load %arg6[%get3A_826, %get3A_827] {strides = array<i32>} : memref<128x128xf32, #tpu.memory_space<vmem>>, vector<1x16xf32>,
        %get3A_829 = vector.shape_cast %get3A_828 : vector<1x16xf32> to vector<16xf32>
        %add3A_830 = arith.addf %get3A_821, %get3A_829 : vector<16xf32>
        %add3A_831 = arith.constant 14 : i32
        %add3A_832 = arith.addi %mul3A_52, %add3A_831 : i32
        %get3A_833 = arith.index_cast %add3A_832 : i32 to index
        %get3A_834 = arith.constant 80 : index
        %get3A_835 = tpu.vector_load %arg6[%get3A_833, %get3A_834] {strides = array<i32>} : memref<128x128xf32, #tpu.memory_space<vmem>>, vector<1x16xf32>,
        %get3A_836 = vector.shape_cast %get3A_835 : vector<1x16xf32> to vector<16xf32>
        %add3A_837 = arith.constant 14 : i32
        %add3A_838 = arith.addi %mul3A_52, %add3A_837 : i32
        %add3A_839 = arith.constant 1 : i32
        %add3A_840 = arith.addi %add3A_838, %add3A_839 : i32
        %get3A_841 = arith.index_cast %add3A_840 : i32 to index
        %get3A_842 = arith.constant 80 : index
        %get3A_843 = tpu.vector_load %arg6[%get3A_841, %get3A_842] {strides = array<i32>} : memref<128x128xf32, #tpu.memory_space<vmem>>, vector<1x16xf32>,
        %get3A_844 = vector.shape_cast %get3A_843 : vector<1x16xf32> to vector<16xf32>
        %add3A_845 = arith.addf %get3A_836, %get3A_844 : vector<16xf32>
        %add3A_846 = arith.addf %add3A_740, %add3A_755 : vector<16xf32>
        %add3A_847 = arith.addf %add3A_770, %add3A_785 : vector<16xf32>
        %add3A_848 = arith.addf %add3A_800, %add3A_815 : vector<16xf32>
        %add3A_849 = arith.addf %add3A_830, %add3A_845 : vector<16xf32>
        %add3A_850 = arith.addf %add3A_846, %add3A_847 : vector<16xf32>
        %add3A_851 = arith.addf %add3A_848, %add3A_849 : vector<16xf32>
        %add3A_852 = arith.addf %add3A_850, %add3A_851 : vector<16xf32>
        %mul3A_853 = arith.constant 8 : i32
        %mul3A_854 = arith.muli %mul3A_16, %mul3A_853 : i32
        %add3A_855 = arith.addi %mul3A_854, %scan3A_50 : i32
        %swap3A_856 = arith.index_cast %add3A_855 : i32 to index
        %swap3A_857 = arith.constant 80 : index
        %swap3A_858 = tpu.vector_load %arg8[%swap3A_856, %swap3A_857] {strides = array<i32>} : memref<320x128xf32, #tpu.memory_space<vmem>>, vector<1x16xf32>,
        %swap3A_859 = vector.shape_cast %swap3A_858 : vector<1x16xf32> to vector<16xf32>
        %swap3A_860 = vector.shape_cast %add3A_852 : vector<16xf32> to vector<1x16xf32>
        tpu.vector_store %arg8[%swap3A_856, %swap3A_857], %swap3A_860 {strides = array<i32>} : memref<320x128xf32, #tpu.memory_space<vmem>>, vector<1x16xf32>,
        %add3A_861 = arith.constant 0 : i32
        %add3A_862 = arith.addi %mul3A_52, %add3A_861 : i32
        %get3A_863 = arith.index_cast %add3A_862 : i32 to index
        %get3A_864 = arith.constant 96 : index
        %get3A_865 = tpu.vector_load %arg6[%get3A_863, %get3A_864] {strides = array<i32>} : memref<128x128xf32, #tpu.memory_space<vmem>>, vector<1x16xf32>,
        %get3A_866 = vector.shape_cast %get3A_865 : vector<1x16xf32> to vector<16xf32>
        %add3A_867 = arith.constant 0 : i32
        %add3A_868 = arith.addi %mul3A_52, %add3A_867 : i32
        %add3A_869 = arith.constant 1 : i32
        %add3A_870 = arith.addi %add3A_868, %add3A_869 : i32
        %get3A_871 = arith.index_cast %add3A_870 : i32 to index
        %get3A_872 = arith.constant 96 : index
        %get3A_873 = tpu.vector_load %arg6[%get3A_871, %get3A_872] {strides = array<i32>} : memref<128x128xf32, #tpu.memory_space<vmem>>, vector<1x16xf32>,
        %get3A_874 = vector.shape_cast %get3A_873 : vector<1x16xf32> to vector<16xf32>
        %add3A_875 = arith.addf %get3A_866, %get3A_874 : vector<16xf32>
        %add3A_876 = arith.constant 2 : i32
        %add3A_877 = arith.addi %mul3A_52, %add3A_876 : i32
        %get3A_878 = arith.index_cast %add3A_877 : i32 to index
        %get3A_879 = arith.constant 96 : index
        %get3A_880 = tpu.vector_load %arg6[%get3A_878, %get3A_879] {strides = array<i32>} : memref<128x128xf32, #tpu.memory_space<vmem>>, vector<1x16xf32>,
        %get3A_881 = vector.shape_cast %get3A_880 : vector<1x16xf32> to vector<16xf32>
        %add3A_882 = arith.constant 2 : i32
        %add3A_883 = arith.addi %mul3A_52, %add3A_882 : i32
        %add3A_884 = arith.constant 1 : i32
        %add3A_885 = arith.addi %add3A_883, %add3A_884 : i32
        %get3A_886 = arith.index_cast %add3A_885 : i32 to index
        %get3A_887 = arith.constant 96 : index
        %get3A_888 = tpu.vector_load %arg6[%get3A_886, %get3A_887] {strides = array<i32>} : memref<128x128xf32, #tpu.memory_space<vmem>>, vector<1x16xf32>,
        %get3A_889 = vector.shape_cast %get3A_888 : vector<1x16xf32> to vector<16xf32>
        %add3A_890 = arith.addf %get3A_881, %get3A_889 : vector<16xf32>
        %add3A_891 = arith.constant 4 : i32
        %add3A_892 = arith.addi %mul3A_52, %add3A_891 : i32
        %get3A_893 = arith.index_cast %add3A_892 : i32 to index
        %get3A_894 = arith.constant 96 : index
        %get3A_895 = tpu.vector_load %arg6[%get3A_893, %get3A_894] {strides = array<i32>} : memref<128x128xf32, #tpu.memory_space<vmem>>, vector<1x16xf32>,
        %get3A_896 = vector.shape_cast %get3A_895 : vector<1x16xf32> to vector<16xf32>
        %add3A_897 = arith.constant 4 : i32
        %add3A_898 = arith.addi %mul3A_52, %add3A_897 : i32
        %add3A_899 = arith.constant 1 : i32
        %add3A_900 = arith.addi %add3A_898, %add3A_899 : i32
        %get3A_901 = arith.index_cast %add3A_900 : i32 to index
        %get3A_902 = arith.constant 96 : index
        %get3A_903 = tpu.vector_load %arg6[%get3A_901, %get3A_902] {strides = array<i32>} : memref<128x128xf32, #tpu.memory_space<vmem>>, vector<1x16xf32>,
        %get3A_904 = vector.shape_cast %get3A_903 : vector<1x16xf32> to vector<16xf32>
        %add3A_905 = arith.addf %get3A_896, %get3A_904 : vector<16xf32>
        %add3A_906 = arith.constant 6 : i32
        %add3A_907 = arith.addi %mul3A_52, %add3A_906 : i32
        %get3A_908 = arith.index_cast %add3A_907 : i32 to index
        %get3A_909 = arith.constant 96 : index
        %get3A_910 = tpu.vector_load %arg6[%get3A_908, %get3A_909] {strides = array<i32>} : memref<128x128xf32, #tpu.memory_space<vmem>>, vector<1x16xf32>,
        %get3A_911 = vector.shape_cast %get3A_910 : vector<1x16xf32> to vector<16xf32>
        %add3A_912 = arith.constant 6 : i32
        %add3A_913 = arith.addi %mul3A_52, %add3A_912 : i32
        %add3A_914 = arith.constant 1 : i32
        %add3A_915 = arith.addi %add3A_913, %add3A_914 : i32
        %get3A_916 = arith.index_cast %add3A_915 : i32 to index
        %get3A_917 = arith.constant 96 : index
        %get3A_918 = tpu.vector_load %arg6[%get3A_916, %get3A_917] {strides = array<i32>} : memref<128x128xf32, #tpu.memory_space<vmem>>, vector<1x16xf32>,
        %get3A_919 = vector.shape_cast %get3A_918 : vector<1x16xf32> to vector<16xf32>
        %add3A_920 = arith.addf %get3A_911, %get3A_919 : vector<16xf32>
        %add3A_921 = arith.constant 8 : i32
        %add3A_922 = arith.addi %mul3A_52, %add3A_921 : i32
        %get3A_923 = arith.index_cast %add3A_922 : i32 to index
        %get3A_924 = arith.constant 96 : index
        %get3A_925 = tpu.vector_load %arg6[%get3A_923, %get3A_924] {strides = array<i32>} : memref<128x128xf32, #tpu.memory_space<vmem>>, vector<1x16xf32>,
        %get3A_926 = vector.shape_cast %get3A_925 : vector<1x16xf32> to vector<16xf32>
        %add3A_927 = arith.constant 8 : i32
        %add3A_928 = arith.addi %mul3A_52, %add3A_927 : i32
        %add3A_929 = arith.constant 1 : i32
        %add3A_930 = arith.addi %add3A_928, %add3A_929 : i32
        %get3A_931 = arith.index_cast %add3A_930 : i32 to index
        %get3A_932 = arith.constant 96 : index
        %get3A_933 = tpu.vector_load %arg6[%get3A_931, %get3A_932] {strides = array<i32>} : memref<128x128xf32, #tpu.memory_space<vmem>>, vector<1x16xf32>,
        %get3A_934 = vector.shape_cast %get3A_933 : vector<1x16xf32> to vector<16xf32>
        %add3A_935 = arith.addf %get3A_926, %get3A_934 : vector<16xf32>
        %add3A_936 = arith.constant 10 : i32
        %add3A_937 = arith.addi %mul3A_52, %add3A_936 : i32
        %get3A_938 = arith.index_cast %add3A_937 : i32 to index
        %get3A_939 = arith.constant 96 : index
        %get3A_940 = tpu.vector_load %arg6[%get3A_938, %get3A_939] {strides = array<i32>} : memref<128x128xf32, #tpu.memory_space<vmem>>, vector<1x16xf32>,
        %get3A_941 = vector.shape_cast %get3A_940 : vector<1x16xf32> to vector<16xf32>
        %add3A_942 = arith.constant 10 : i32
        %add3A_943 = arith.addi %mul3A_52, %add3A_942 : i32
        %add3A_944 = arith.constant 1 : i32
        %add3A_945 = arith.addi %add3A_943, %add3A_944 : i32
        %get3A_946 = arith.index_cast %add3A_945 : i32 to index
        %get3A_947 = arith.constant 96 : index
        %get3A_948 = tpu.vector_load %arg6[%get3A_946, %get3A_947] {strides = array<i32>} : memref<128x128xf32, #tpu.memory_space<vmem>>, vector<1x16xf32>,
        %get3A_949 = vector.shape_cast %get3A_948 : vector<1x16xf32> to vector<16xf32>
        %add3A_950 = arith.addf %get3A_941, %get3A_949 : vector<16xf32>
        %add3A_951 = arith.constant 12 : i32
        %add3A_952 = arith.addi %mul3A_52, %add3A_951 : i32
        %get3A_953 = arith.index_cast %add3A_952 : i32 to index
        %get3A_954 = arith.constant 96 : index
        %get3A_955 = tpu.vector_load %arg6[%get3A_953, %get3A_954] {strides = array<i32>} : memref<128x128xf32, #tpu.memory_space<vmem>>, vector<1x16xf32>,
        %get3A_956 = vector.shape_cast %get3A_955 : vector<1x16xf32> to vector<16xf32>
        %add3A_957 = arith.constant 12 : i32
        %add3A_958 = arith.addi %mul3A_52, %add3A_957 : i32
        %add3A_959 = arith.constant 1 : i32
        %add3A_960 = arith.addi %add3A_958, %add3A_959 : i32
        %get3A_961 = arith.index_cast %add3A_960 : i32 to index
        %get3A_962 = arith.constant 96 : index
        %get3A_963 = tpu.vector_load %arg6[%get3A_961, %get3A_962] {strides = array<i32>} : memref<128x128xf32, #tpu.memory_space<vmem>>, vector<1x16xf32>,
        %get3A_964 = vector.shape_cast %get3A_963 : vector<1x16xf32> to vector<16xf32>
        %add3A_965 = arith.addf %get3A_956, %get3A_964 : vector<16xf32>
        %add3A_966 = arith.constant 14 : i32
        %add3A_967 = arith.addi %mul3A_52, %add3A_966 : i32
        %get3A_968 = arith.index_cast %add3A_967 : i32 to index
        %get3A_969 = arith.constant 96 : index
        %get3A_970 = tpu.vector_load %arg6[%get3A_968, %get3A_969] {strides = array<i32>} : memref<128x128xf32, #tpu.memory_space<vmem>>, vector<1x16xf32>,
        %get3A_971 = vector.shape_cast %get3A_970 : vector<1x16xf32> to vector<16xf32>
        %add3A_972 = arith.constant 14 : i32
        %add3A_973 = arith.addi %mul3A_52, %add3A_972 : i32
        %add3A_974 = arith.constant 1 : i32
        %add3A_975 = arith.addi %add3A_973, %add3A_974 : i32
        %get3A_976 = arith.index_cast %add3A_975 : i32 to index
        %get3A_977 = arith.constant 96 : index
        %get3A_978 = tpu.vector_load %arg6[%get3A_976, %get3A_977] {strides = array<i32>} : memref<128x128xf32, #tpu.memory_space<vmem>>, vector<1x16xf32>,
        %get3A_979 = vector.shape_cast %get3A_978 : vector<1x16xf32> to vector<16xf32>
        %add3A_980 = arith.addf %get3A_971, %get3A_979 : vector<16xf32>
        %add3A_981 = arith.addf %add3A_875, %add3A_890 : vector<16xf32>
        %add3A_982 = arith.addf %add3A_905, %add3A_920 : vector<16xf32>
        %add3A_983 = arith.addf %add3A_935, %add3A_950 : vector<16xf32>
        %add3A_984 = arith.addf %add3A_965, %add3A_980 : vector<16xf32>
        %add3A_985 = arith.addf %add3A_981, %add3A_982 : vector<16xf32>
        %add3A_986 = arith.addf %add3A_983, %add3A_984 : vector<16xf32>
        %add3A_987 = arith.addf %add3A_985, %add3A_986 : vector<16xf32>
        %mul3A_988 = arith.constant 8 : i32
        %mul3A_989 = arith.muli %mul3A_16, %mul3A_988 : i32
        %add3A_990 = arith.addi %mul3A_989, %scan3A_50 : i32
        %swap3A_991 = arith.index_cast %add3A_990 : i32 to index
        %swap3A_992 = arith.constant 96 : index
        %swap3A_993 = tpu.vector_load %arg8[%swap3A_991, %swap3A_992] {strides = array<i32>} : memref<320x128xf32, #tpu.memory_space<vmem>>, vector<1x16xf32>,
        %swap3A_994 = vector.shape_cast %swap3A_993 : vector<1x16xf32> to vector<16xf32>
        %swap3A_995 = vector.shape_cast %add3A_987 : vector<16xf32> to vector<1x16xf32>
        tpu.vector_store %arg8[%swap3A_991, %swap3A_992], %swap3A_995 {strides = array<i32>} : memref<320x128xf32, #tpu.memory_space<vmem>>, vector<1x16xf32>,
        %add3A_996 = arith.constant 0 : i32
        %add3A_997 = arith.addi %mul3A_52, %add3A_996 : i32
        %get3A_998 = arith.index_cast %add3A_997 : i32 to index
        %get3A_999 = arith.constant 112 : index
        %get3A_1000 = tpu.vector_load %arg6[%get3A_998, %get3A_999] {strides = array<i32>} : memref<128x128xf32, #tpu.memory_space<vmem>>, vector<1x16xf32>,
        %get3A_1001 = vector.shape_cast %get3A_1000 : vector<1x16xf32> to vector<16xf32>
        %add3A_1002 = arith.constant 0 : i32
        %add3A_1003 = arith.addi %mul3A_52, %add3A_1002 : i32
        %add3A_1004 = arith.constant 1 : i32
        %add3A_1005 = arith.addi %add3A_1003, %add3A_1004 : i32
        %get3A_1006 = arith.index_cast %add3A_1005 : i32 to index
        %get3A_1007 = arith.constant 112 : index
        %get3A_1008 = tpu.vector_load %arg6[%get3A_1006, %get3A_1007] {strides = array<i32>} : memref<128x128xf32, #tpu.memory_space<vmem>>, vector<1x16xf32>,
        %get3A_1009 = vector.shape_cast %get3A_1008 : vector<1x16xf32> to vector<16xf32>
        %add3A_1010 = arith.addf %get3A_1001, %get3A_1009 : vector<16xf32>
        %add3A_1011 = arith.constant 2 : i32
        %add3A_1012 = arith.addi %mul3A_52, %add3A_1011 : i32
        %get3A_1013 = arith.index_cast %add3A_1012 : i32 to index
        %get3A_1014 = arith.constant 112 : index
        %get3A_1015 = tpu.vector_load %arg6[%get3A_1013, %get3A_1014] {strides = array<i32>} : memref<128x128xf32, #tpu.memory_space<vmem>>, vector<1x16xf32>,
        %get3A_1016 = vector.shape_cast %get3A_1015 : vector<1x16xf32> to vector<16xf32>
        %add3A_1017 = arith.constant 2 : i32
        %add3A_1018 = arith.addi %mul3A_52, %add3A_1017 : i32
        %add3A_1019 = arith.constant 1 : i32
        %add3A_1020 = arith.addi %add3A_1018, %add3A_1019 : i32
        %get3A_1021 = arith.index_cast %add3A_1020 : i32 to index
        %get3A_1022 = arith.constant 112 : index
        %get3A_1023 = tpu.vector_load %arg6[%get3A_1021, %get3A_1022] {strides = array<i32>} : memref<128x128xf32, #tpu.memory_space<vmem>>, vector<1x16xf32>,
        %get3A_1024 = vector.shape_cast %get3A_1023 : vector<1x16xf32> to vector<16xf32>
        %add3A_1025 = arith.addf %get3A_1016, %get3A_1024 : vector<16xf32>
        %add3A_1026 = arith.constant 4 : i32
        %add3A_1027 = arith.addi %mul3A_52, %add3A_1026 : i32
        %get3A_1028 = arith.index_cast %add3A_1027 : i32 to index
        %get3A_1029 = arith.constant 112 : index
        %get3A_1030 = tpu.vector_load %arg6[%get3A_1028, %get3A_1029] {strides = array<i32>} : memref<128x128xf32, #tpu.memory_space<vmem>>, vector<1x16xf32>,
        %get3A_1031 = vector.shape_cast %get3A_1030 : vector<1x16xf32> to vector<16xf32>
        %add3A_1032 = arith.constant 4 : i32
        %add3A_1033 = arith.addi %mul3A_52, %add3A_1032 : i32
        %add3A_1034 = arith.constant 1 : i32
        %add3A_1035 = arith.addi %add3A_1033, %add3A_1034 : i32
        %get3A_1036 = arith.index_cast %add3A_1035 : i32 to index
        %get3A_1037 = arith.constant 112 : index
        %get3A_1038 = tpu.vector_load %arg6[%get3A_1036, %get3A_1037] {strides = array<i32>} : memref<128x128xf32, #tpu.memory_space<vmem>>, vector<1x16xf32>,
        %get3A_1039 = vector.shape_cast %get3A_1038 : vector<1x16xf32> to vector<16xf32>
        %add3A_1040 = arith.addf %get3A_1031, %get3A_1039 : vector<16xf32>
        %add3A_1041 = arith.constant 6 : i32
        %add3A_1042 = arith.addi %mul3A_52, %add3A_1041 : i32
        %get3A_1043 = arith.index_cast %add3A_1042 : i32 to index
        %get3A_1044 = arith.constant 112 : index
        %get3A_1045 = tpu.vector_load %arg6[%get3A_1043, %get3A_1044] {strides = array<i32>} : memref<128x128xf32, #tpu.memory_space<vmem>>, vector<1x16xf32>,
        %get3A_1046 = vector.shape_cast %get3A_1045 : vector<1x16xf32> to vector<16xf32>
        %add3A_1047 = arith.constant 6 : i32
        %add3A_1048 = arith.addi %mul3A_52, %add3A_1047 : i32
        %add3A_1049 = arith.constant 1 : i32
        %add3A_1050 = arith.addi %add3A_1048, %add3A_1049 : i32
        %get3A_1051 = arith.index_cast %add3A_1050 : i32 to index
        %get3A_1052 = arith.constant 112 : index
        %get3A_1053 = tpu.vector_load %arg6[%get3A_1051, %get3A_1052] {strides = array<i32>} : memref<128x128xf32, #tpu.memory_space<vmem>>, vector<1x16xf32>,
        %get3A_1054 = vector.shape_cast %get3A_1053 : vector<1x16xf32> to vector<16xf32>
        %add3A_1055 = arith.addf %get3A_1046, %get3A_1054 : vector<16xf32>
        %add3A_1056 = arith.constant 8 : i32
        %add3A_1057 = arith.addi %mul3A_52, %add3A_1056 : i32
        %get3A_1058 = arith.index_cast %add3A_1057 : i32 to index
        %get3A_1059 = arith.constant 112 : index
        %get3A_1060 = tpu.vector_load %arg6[%get3A_1058, %get3A_1059] {strides = array<i32>} : memref<128x128xf32, #tpu.memory_space<vmem>>, vector<1x16xf32>,
        %get3A_1061 = vector.shape_cast %get3A_1060 : vector<1x16xf32> to vector<16xf32>
        %add3A_1062 = arith.constant 8 : i32
        %add3A_1063 = arith.addi %mul3A_52, %add3A_1062 : i32
        %add3A_1064 = arith.constant 1 : i32
        %add3A_1065 = arith.addi %add3A_1063, %add3A_1064 : i32
        %get3A_1066 = arith.index_cast %add3A_1065 : i32 to index
        %get3A_1067 = arith.constant 112 : index
        %get3A_1068 = tpu.vector_load %arg6[%get3A_1066, %get3A_1067] {strides = array<i32>} : memref<128x128xf32, #tpu.memory_space<vmem>>, vector<1x16xf32>,
        %get3A_1069 = vector.shape_cast %get3A_1068 : vector<1x16xf32> to vector<16xf32>
        %add3A_1070 = arith.addf %get3A_1061, %get3A_1069 : vector<16xf32>
        %add3A_1071 = arith.constant 10 : i32
        %add3A_1072 = arith.addi %mul3A_52, %add3A_1071 : i32
        %get3A_1073 = arith.index_cast %add3A_1072 : i32 to index
        %get3A_1074 = arith.constant 112 : index
        %get3A_1075 = tpu.vector_load %arg6[%get3A_1073, %get3A_1074] {strides = array<i32>} : memref<128x128xf32, #tpu.memory_space<vmem>>, vector<1x16xf32>,
        %get3A_1076 = vector.shape_cast %get3A_1075 : vector<1x16xf32> to vector<16xf32>
        %add3A_1077 = arith.constant 10 : i32
        %add3A_1078 = arith.addi %mul3A_52, %add3A_1077 : i32
        %add3A_1079 = arith.constant 1 : i32
        %add3A_1080 = arith.addi %add3A_1078, %add3A_1079 : i32
        %get3A_1081 = arith.index_cast %add3A_1080 : i32 to index
        %get3A_1082 = arith.constant 112 : index
        %get3A_1083 = tpu.vector_load %arg6[%get3A_1081, %get3A_1082] {strides = array<i32>} : memref<128x128xf32, #tpu.memory_space<vmem>>, vector<1x16xf32>,
        %get3A_1084 = vector.shape_cast %get3A_1083 : vector<1x16xf32> to vector<16xf32>
        %add3A_1085 = arith.addf %get3A_1076, %get3A_1084 : vector<16xf32>
        %add3A_1086 = arith.constant 12 : i32
        %add3A_1087 = arith.addi %mul3A_52, %add3A_1086 : i32
        %get3A_1088 = arith.index_cast %add3A_1087 : i32 to index
        %get3A_1089 = arith.constant 112 : index
        %get3A_1090 = tpu.vector_load %arg6[%get3A_1088, %get3A_1089] {strides = array<i32>} : memref<128x128xf32, #tpu.memory_space<vmem>>, vector<1x16xf32>,
        %get3A_1091 = vector.shape_cast %get3A_1090 : vector<1x16xf32> to vector<16xf32>
        %add3A_1092 = arith.constant 12 : i32
        %add3A_1093 = arith.addi %mul3A_52, %add3A_1092 : i32
        %add3A_1094 = arith.constant 1 : i32
        %add3A_1095 = arith.addi %add3A_1093, %add3A_1094 : i32
        %get3A_1096 = arith.index_cast %add3A_1095 : i32 to index
        %get3A_1097 = arith.constant 112 : index
        %get3A_1098 = tpu.vector_load %arg6[%get3A_1096, %get3A_1097] {strides = array<i32>} : memref<128x128xf32, #tpu.memory_space<vmem>>, vector<1x16xf32>,
        %get3A_1099 = vector.shape_cast %get3A_1098 : vector<1x16xf32> to vector<16xf32>
        %add3A_1100 = arith.addf %get3A_1091, %get3A_1099 : vector<16xf32>
        %add3A_1101 = arith.constant 14 : i32
        %add3A_1102 = arith.addi %mul3A_52, %add3A_1101 : i32
        %get3A_1103 = arith.index_cast %add3A_1102 : i32 to index
        %get3A_1104 = arith.constant 112 : index
        %get3A_1105 = tpu.vector_load %arg6[%get3A_1103, %get3A_1104] {strides = array<i32>} : memref<128x128xf32, #tpu.memory_space<vmem>>, vector<1x16xf32>,
        %get3A_1106 = vector.shape_cast %get3A_1105 : vector<1x16xf32> to vector<16xf32>
        %add3A_1107 = arith.constant 14 : i32
        %add3A_1108 = arith.addi %mul3A_52, %add3A_1107 : i32
        %add3A_1109 = arith.constant 1 : i32
        %add3A_1110 = arith.addi %add3A_1108, %add3A_1109 : i32
        %get3A_1111 = arith.index_cast %add3A_1110 : i32 to index
        %get3A_1112 = arith.constant 112 : index
        %get3A_1113 = tpu.vector_load %arg6[%get3A_1111, %get3A_1112] {strides = array<i32>} : memref<128x128xf32, #tpu.memory_space<vmem>>, vector<1x16xf32>,
        %get3A_1114 = vector.shape_cast %get3A_1113 : vector<1x16xf32> to vector<16xf32>
        %add3A_1115 = arith.addf %get3A_1106, %get3A_1114 : vector<16xf32>
        %add3A_1116 = arith.addf %add3A_1010, %add3A_1025 : vector<16xf32>
        %add3A_1117 = arith.addf %add3A_1040, %add3A_1055 : vector<16xf32>
        %add3A_1118 = arith.addf %add3A_1070, %add3A_1085 : vector<16xf32>
        %add3A_1119 = arith.addf %add3A_1100, %add3A_1115 : vector<16xf32>
        %add3A_1120 = arith.addf %add3A_1116, %add3A_1117 : vector<16xf32>
        %add3A_1121 = arith.addf %add3A_1118, %add3A_1119 : vector<16xf32>
        %add3A_1122 = arith.addf %add3A_1120, %add3A_1121 : vector<16xf32>
        %mul3A_1123 = arith.constant 8 : i32
        %mul3A_1124 = arith.muli %mul3A_16, %mul3A_1123 : i32
        %add3A_1125 = arith.addi %mul3A_1124, %scan3A_50 : i32
        %swap3A_1126 = arith.index_cast %add3A_1125 : i32 to index
        %swap3A_1127 = arith.constant 112 : index
        %swap3A_1128 = tpu.vector_load %arg8[%swap3A_1126, %swap3A_1127] {strides = array<i32>} : memref<320x128xf32, #tpu.memory_space<vmem>>, vector<1x16xf32>,
        %swap3A_1129 = vector.shape_cast %swap3A_1128 : vector<1x16xf32> to vector<16xf32>
        %swap3A_1130 = vector.shape_cast %add3A_1122 : vector<16xf32> to vector<1x16xf32>
        tpu.vector_store %arg8[%swap3A_1126, %swap3A_1127], %swap3A_1130 {strides = array<i32>} : memref<320x128xf32, #tpu.memory_space<vmem>>, vector<1x16xf32>,
        %scan3A_1131 = arith.constant 1 : i32
        %scan3A_1132 = arith.addi %scan3A_50, %scan3A_1131 : i32
        %mul3A_1133 = arith.constant 16 : i32
        %mul3A_1134 = arith.muli %scan3A_1132, %mul3A_1133 : i32
        %add3A_1135 = arith.constant 0 : i32
        %add3A_1136 = arith.addi %mul3A_1134, %add3A_1135 : i32
        %get3A_1137 = arith.index_cast %add3A_1136 : i32 to index
        %get3A_1138 = arith.constant 0 : index
        %get3A_1139 = tpu.vector_load %arg6[%get3A_1137, %get3A_1138] {strides = array<i32>} : memref<128x128xf32, #tpu.memory_space<vmem>>, vector<1x16xf32>,
        %get3A_1140 = vector.shape_cast %get3A_1139 : vector<1x16xf32> to vector<16xf32>
        %add3A_1141 = arith.constant 0 : i32
        %add3A_1142 = arith.addi %mul3A_1134, %add3A_1141 : i32
        %add3A_1143 = arith.constant 1 : i32
        %add3A_1144 = arith.addi %add3A_1142, %add3A_1143 : i32
        %get3A_1145 = arith.index_cast %add3A_1144 : i32 to index
        %get3A_1146 = arith.constant 0 : index
        %get3A_1147 = tpu.vector_load %arg6[%get3A_1145, %get3A_1146] {strides = array<i32>} : memref<128x128xf32, #tpu.memory_space<vmem>>, vector<1x16xf32>,
        %get3A_1148 = vector.shape_cast %get3A_1147 : vector<1x16xf32> to vector<16xf32>
        %add3A_1149 = arith.addf %get3A_1140, %get3A_1148 : vector<16xf32>
        %add3A_1150 = arith.constant 2 : i32
        %add3A_1151 = arith.addi %mul3A_1134, %add3A_1150 : i32
        %get3A_1152 = arith.index_cast %add3A_1151 : i32 to index
        %get3A_1153 = arith.constant 0 : index
        %get3A_1154 = tpu.vector_load %arg6[%get3A_1152, %get3A_1153] {strides = array<i32>} : memref<128x128xf32, #tpu.memory_space<vmem>>, vector<1x16xf32>,
        %get3A_1155 = vector.shape_cast %get3A_1154 : vector<1x16xf32> to vector<16xf32>
        %add3A_1156 = arith.constant 2 : i32
        %add3A_1157 = arith.addi %mul3A_1134, %add3A_1156 : i32
        %add3A_1158 = arith.constant 1 : i32
        %add3A_1159 = arith.addi %add3A_1157, %add3A_1158 : i32
        %get3A_1160 = arith.index_cast %add3A_1159 : i32 to index
        %get3A_1161 = arith.constant 0 : index
        %get3A_1162 = tpu.vector_load %arg6[%get3A_1160, %get3A_1161] {strides = array<i32>} : memref<128x128xf32, #tpu.memory_space<vmem>>, vector<1x16xf32>,
        %get3A_1163 = vector.shape_cast %get3A_1162 : vector<1x16xf32> to vector<16xf32>
        %add3A_1164 = arith.addf %get3A_1155, %get3A_1163 : vector<16xf32>
        %add3A_1165 = arith.constant 4 : i32
        %add3A_1166 = arith.addi %mul3A_1134, %add3A_1165 : i32
        %get3A_1167 = arith.index_cast %add3A_1166 : i32 to index
        %get3A_1168 = arith.constant 0 : index
        %get3A_1169 = tpu.vector_load %arg6[%get3A_1167, %get3A_1168] {strides = array<i32>} : memref<128x128xf32, #tpu.memory_space<vmem>>, vector<1x16xf32>,
        %get3A_1170 = vector.shape_cast %get3A_1169 : vector<1x16xf32> to vector<16xf32>
        %add3A_1171 = arith.constant 4 : i32
        %add3A_1172 = arith.addi %mul3A_1134, %add3A_1171 : i32
        %add3A_1173 = arith.constant 1 : i32
        %add3A_1174 = arith.addi %add3A_1172, %add3A_1173 : i32
        %get3A_1175 = arith.index_cast %add3A_1174 : i32 to index
        %get3A_1176 = arith.constant 0 : index
        %get3A_1177 = tpu.vector_load %arg6[%get3A_1175, %get3A_1176] {strides = array<i32>} : memref<128x128xf32, #tpu.memory_space<vmem>>, vector<1x16xf32>,
        %get3A_1178 = vector.shape_cast %get3A_1177 : vector<1x16xf32> to vector<16xf32>
        %add3A_1179 = arith.addf %get3A_1170, %get3A_1178 : vector<16xf32>
        %add3A_1180 = arith.constant 6 : i32
        %add3A_1181 = arith.addi %mul3A_1134, %add3A_1180 : i32
        %get3A_1182 = arith.index_cast %add3A_1181 : i32 to index
        %get3A_1183 = arith.constant 0 : index
        %get3A_1184 = tpu.vector_load %arg6[%get3A_1182, %get3A_1183] {strides = array<i32>} : memref<128x128xf32, #tpu.memory_space<vmem>>, vector<1x16xf32>,
        %get3A_1185 = vector.shape_cast %get3A_1184 : vector<1x16xf32> to vector<16xf32>
        %add3A_1186 = arith.constant 6 : i32
        %add3A_1187 = arith.addi %mul3A_1134, %add3A_1186 : i32
        %add3A_1188 = arith.constant 1 : i32
        %add3A_1189 = arith.addi %add3A_1187, %add3A_1188 : i32
        %get3A_1190 = arith.index_cast %add3A_1189 : i32 to index
        %get3A_1191 = arith.constant 0 : index
        %get3A_1192 = tpu.vector_load %arg6[%get3A_1190, %get3A_1191] {strides = array<i32>} : memref<128x128xf32, #tpu.memory_space<vmem>>, vector<1x16xf32>,
        %get3A_1193 = vector.shape_cast %get3A_1192 : vector<1x16xf32> to vector<16xf32>
        %add3A_1194 = arith.addf %get3A_1185, %get3A_1193 : vector<16xf32>
        %add3A_1195 = arith.constant 8 : i32
        %add3A_1196 = arith.addi %mul3A_1134, %add3A_1195 : i32
        %get3A_1197 = arith.index_cast %add3A_1196 : i32 to index
        %get3A_1198 = arith.constant 0 : index
        %get3A_1199 = tpu.vector_load %arg6[%get3A_1197, %get3A_1198] {strides = array<i32>} : memref<128x128xf32, #tpu.memory_space<vmem>>, vector<1x16xf32>,
        %get3A_1200 = vector.shape_cast %get3A_1199 : vector<1x16xf32> to vector<16xf32>
        %add3A_1201 = arith.constant 8 : i32
        %add3A_1202 = arith.addi %mul3A_1134, %add3A_1201 : i32
        %add3A_1203 = arith.constant 1 : i32
        %add3A_1204 = arith.addi %add3A_1202, %add3A_1203 : i32
        %get3A_1205 = arith.index_cast %add3A_1204 : i32 to index
        %get3A_1206 = arith.constant 0 : index
        %get3A_1207 = tpu.vector_load %arg6[%get3A_1205, %get3A_1206] {strides = array<i32>} : memref<128x128xf32, #tpu.memory_space<vmem>>, vector<1x16xf32>,
        %get3A_1208 = vector.shape_cast %get3A_1207 : vector<1x16xf32> to vector<16xf32>
        %add3A_1209 = arith.addf %get3A_1200, %get3A_1208 : vector<16xf32>
        %add3A_1210 = arith.constant 10 : i32
        %add3A_1211 = arith.addi %mul3A_1134, %add3A_1210 : i32
        %get3A_1212 = arith.index_cast %add3A_1211 : i32 to index
        %get3A_1213 = arith.constant 0 : index
        %get3A_1214 = tpu.vector_load %arg6[%get3A_1212, %get3A_1213] {strides = array<i32>} : memref<128x128xf32, #tpu.memory_space<vmem>>, vector<1x16xf32>,
        %get3A_1215 = vector.shape_cast %get3A_1214 : vector<1x16xf32> to vector<16xf32>
        %add3A_1216 = arith.constant 10 : i32
        %add3A_1217 = arith.addi %mul3A_1134, %add3A_1216 : i32
        %add3A_1218 = arith.constant 1 : i32
        %add3A_1219 = arith.addi %add3A_1217, %add3A_1218 : i32
        %get3A_1220 = arith.index_cast %add3A_1219 : i32 to index
        %get3A_1221 = arith.constant 0 : index
        %get3A_1222 = tpu.vector_load %arg6[%get3A_1220, %get3A_1221] {strides = array<i32>} : memref<128x128xf32, #tpu.memory_space<vmem>>, vector<1x16xf32>,
        %get3A_1223 = vector.shape_cast %get3A_1222 : vector<1x16xf32> to vector<16xf32>
        %add3A_1224 = arith.addf %get3A_1215, %get3A_1223 : vector<16xf32>
        %add3A_1225 = arith.constant 12 : i32
        %add3A_1226 = arith.addi %mul3A_1134, %add3A_1225 : i32
        %get3A_1227 = arith.index_cast %add3A_1226 : i32 to index
        %get3A_1228 = arith.constant 0 : index
        %get3A_1229 = tpu.vector_load %arg6[%get3A_1227, %get3A_1228] {strides = array<i32>} : memref<128x128xf32, #tpu.memory_space<vmem>>, vector<1x16xf32>,
        %get3A_1230 = vector.shape_cast %get3A_1229 : vector<1x16xf32> to vector<16xf32>
        %add3A_1231 = arith.constant 12 : i32
        %add3A_1232 = arith.addi %mul3A_1134, %add3A_1231 : i32
        %add3A_1233 = arith.constant 1 : i32
        %add3A_1234 = arith.addi %add3A_1232, %add3A_1233 : i32
        %get3A_1235 = arith.index_cast %add3A_1234 : i32 to index
        %get3A_1236 = arith.constant 0 : index
        %get3A_1237 = tpu.vector_load %arg6[%get3A_1235, %get3A_1236] {strides = array<i32>} : memref<128x128xf32, #tpu.memory_space<vmem>>, vector<1x16xf32>,
        %get3A_1238 = vector.shape_cast %get3A_1237 : vector<1x16xf32> to vector<16xf32>
        %add3A_1239 = arith.addf %get3A_1230, %get3A_1238 : vector<16xf32>
        %add3A_1240 = arith.constant 14 : i32
        %add3A_1241 = arith.addi %mul3A_1134, %add3A_1240 : i32
        %get3A_1242 = arith.index_cast %add3A_1241 : i32 to index
        %get3A_1243 = arith.constant 0 : index
        %get3A_1244 = tpu.vector_load %arg6[%get3A_1242, %get3A_1243] {strides = array<i32>} : memref<128x128xf32, #tpu.memory_space<vmem>>, vector<1x16xf32>,
        %get3A_1245 = vector.shape_cast %get3A_1244 : vector<1x16xf32> to vector<16xf32>
        %add3A_1246 = arith.constant 14 : i32
        %add3A_1247 = arith.addi %mul3A_1134, %add3A_1246 : i32
        %add3A_1248 = arith.constant 1 : i32
        %add3A_1249 = arith.addi %add3A_1247, %add3A_1248 : i32
        %get3A_1250 = arith.index_cast %add3A_1249 : i32 to index
        %get3A_1251 = arith.constant 0 : index
        %get3A_1252 = tpu.vector_load %arg6[%get3A_1250, %get3A_1251] {strides = array<i32>} : memref<128x128xf32, #tpu.memory_space<vmem>>, vector<1x16xf32>,
        %get3A_1253 = vector.shape_cast %get3A_1252 : vector<1x16xf32> to vector<16xf32>
        %add3A_1254 = arith.addf %get3A_1245, %get3A_1253 : vector<16xf32>
        %add3A_1255 = arith.addf %add3A_1149, %add3A_1164 : vector<16xf32>
        %add3A_1256 = arith.addf %add3A_1179, %add3A_1194 : vector<16xf32>
        %add3A_1257 = arith.addf %add3A_1209, %add3A_1224 : vector<16xf32>
        %add3A_1258 = arith.addf %add3A_1239, %add3A_1254 : vector<16xf32>
        %add3A_1259 = arith.addf %add3A_1255, %add3A_1256 : vector<16xf32>
        %add3A_1260 = arith.addf %add3A_1257, %add3A_1258 : vector<16xf32>
        %add3A_1261 = arith.addf %add3A_1259, %add3A_1260 : vector<16xf32>
        %mul3A_1262 = arith.constant 8 : i32
        %mul3A_1263 = arith.muli %mul3A_16, %mul3A_1262 : i32
        %add3A_1264 = arith.addi %mul3A_1263, %scan3A_1132 : i32
        %swap3A_1265 = arith.index_cast %add3A_1264 : i32 to index
        %swap3A_1266 = arith.constant 0 : index
        %swap3A_1267 = tpu.vector_load %arg8[%swap3A_1265, %swap3A_1266] {strides = array<i32>} : memref<320x128xf32, #tpu.memory_space<vmem>>, vector<1x16xf32>,
        %swap3A_1268 = vector.shape_cast %swap3A_1267 : vector<1x16xf32> to vector<16xf32>
        %swap3A_1269 = vector.shape_cast %add3A_1261 : vector<16xf32> to vector<1x16xf32>
        tpu.vector_store %arg8[%swap3A_1265, %swap3A_1266], %swap3A_1269 {strides = array<i32>} : memref<320x128xf32, #tpu.memory_space<vmem>>, vector<1x16xf32>,
        %add3A_1270 = arith.constant 0 : i32
        %add3A_1271 = arith.addi %mul3A_1134, %add3A_1270 : i32
        %get3A_1272 = arith.index_cast %add3A_1271 : i32 to index
        %get3A_1273 = arith.constant 16 : index
        %get3A_1274 = tpu.vector_load %arg6[%get3A_1272, %get3A_1273] {strides = array<i32>} : memref<128x128xf32, #tpu.memory_space<vmem>>, vector<1x16xf32>,
        %get3A_1275 = vector.shape_cast %get3A_1274 : vector<1x16xf32> to vector<16xf32>
        %add3A_1276 = arith.constant 0 : i32
        %add3A_1277 = arith.addi %mul3A_1134, %add3A_1276 : i32
        %add3A_1278 = arith.constant 1 : i32
        %add3A_1279 = arith.addi %add3A_1277, %add3A_1278 : i32
        %get3A_1280 = arith.index_cast %add3A_1279 : i32 to index
        %get3A_1281 = arith.constant 16 : index
        %get3A_1282 = tpu.vector_load %arg6[%get3A_1280, %get3A_1281] {strides = array<i32>} : memref<128x128xf32, #tpu.memory_space<vmem>>, vector<1x16xf32>,
        %get3A_1283 = vector.shape_cast %get3A_1282 : vector<1x16xf32> to vector<16xf32>
        %add3A_1284 = arith.addf %get3A_1275, %get3A_1283 : vector<16xf32>
        %add3A_1285 = arith.constant 2 : i32
        %add3A_1286 = arith.addi %mul3A_1134, %add3A_1285 : i32
        %get3A_1287 = arith.index_cast %add3A_1286 : i32 to index
        %get3A_1288 = arith.constant 16 : index
        %get3A_1289 = tpu.vector_load %arg6[%get3A_1287, %get3A_1288] {strides = array<i32>} : memref<128x128xf32, #tpu.memory_space<vmem>>, vector<1x16xf32>,
        %get3A_1290 = vector.shape_cast %get3A_1289 : vector<1x16xf32> to vector<16xf32>
        %add3A_1291 = arith.constant 2 : i32
        %add3A_1292 = arith.addi %mul3A_1134, %add3A_1291 : i32
        %add3A_1293 = arith.constant 1 : i32
        %add3A_1294 = arith.addi %add3A_1292, %add3A_1293 : i32
        %get3A_1295 = arith.index_cast %add3A_1294 : i32 to index
        %get3A_1296 = arith.constant 16 : index
        %get3A_1297 = tpu.vector_load %arg6[%get3A_1295, %get3A_1296] {strides = array<i32>} : memref<128x128xf32, #tpu.memory_space<vmem>>, vector<1x16xf32>,
        %get3A_1298 = vector.shape_cast %get3A_1297 : vector<1x16xf32> to vector<16xf32>
        %add3A_1299 = arith.addf %get3A_1290, %get3A_1298 : vector<16xf32>
        %add3A_1300 = arith.constant 4 : i32
        %add3A_1301 = arith.addi %mul3A_1134, %add3A_1300 : i32
        %get3A_1302 = arith.index_cast %add3A_1301 : i32 to index
        %get3A_1303 = arith.constant 16 : index
        %get3A_1304 = tpu.vector_load %arg6[%get3A_1302, %get3A_1303] {strides = array<i32>} : memref<128x128xf32, #tpu.memory_space<vmem>>, vector<1x16xf32>,
        %get3A_1305 = vector.shape_cast %get3A_1304 : vector<1x16xf32> to vector<16xf32>
        %add3A_1306 = arith.constant 4 : i32
        %add3A_1307 = arith.addi %mul3A_1134, %add3A_1306 : i32
        %add3A_1308 = arith.constant 1 : i32
        %add3A_1309 = arith.addi %add3A_1307, %add3A_1308 : i32
        %get3A_1310 = arith.index_cast %add3A_1309 : i32 to index
        %get3A_1311 = arith.constant 16 : index
        %get3A_1312 = tpu.vector_load %arg6[%get3A_1310, %get3A_1311] {strides = array<i32>} : memref<128x128xf32, #tpu.memory_space<vmem>>, vector<1x16xf32>,
        %get3A_1313 = vector.shape_cast %get3A_1312 : vector<1x16xf32> to vector<16xf32>
        %add3A_1314 = arith.addf %get3A_1305, %get3A_1313 : vector<16xf32>
        %add3A_1315 = arith.constant 6 : i32
        %add3A_1316 = arith.addi %mul3A_1134, %add3A_1315 : i32
        %get3A_1317 = arith.index_cast %add3A_1316 : i32 to index
        %get3A_1318 = arith.constant 16 : index
        %get3A_1319 = tpu.vector_load %arg6[%get3A_1317, %get3A_1318] {strides = array<i32>} : memref<128x128xf32, #tpu.memory_space<vmem>>, vector<1x16xf32>,
        %get3A_1320 = vector.shape_cast %get3A_1319 : vector<1x16xf32> to vector<16xf32>
        %add3A_1321 = arith.constant 6 : i32
        %add3A_1322 = arith.addi %mul3A_1134, %add3A_1321 : i32
        %add3A_1323 = arith.constant 1 : i32
        %add3A_1324 = arith.addi %add3A_1322, %add3A_1323 : i32
        %get3A_1325 = arith.index_cast %add3A_1324 : i32 to index
        %get3A_1326 = arith.constant 16 : index
        %get3A_1327 = tpu.vector_load %arg6[%get3A_1325, %get3A_1326] {strides = array<i32>} : memref<128x128xf32, #tpu.memory_space<vmem>>, vector<1x16xf32>,
        %get3A_1328 = vector.shape_cast %get3A_1327 : vector<1x16xf32> to vector<16xf32>
        %add3A_1329 = arith.addf %get3A_1320, %get3A_1328 : vector<16xf32>
        %add3A_1330 = arith.constant 8 : i32
        %add3A_1331 = arith.addi %mul3A_1134, %add3A_1330 : i32
        %get3A_1332 = arith.index_cast %add3A_1331 : i32 to index
        %get3A_1333 = arith.constant 16 : index
        %get3A_1334 = tpu.vector_load %arg6[%get3A_1332, %get3A_1333] {strides = array<i32>} : memref<128x128xf32, #tpu.memory_space<vmem>>, vector<1x16xf32>,
        %get3A_1335 = vector.shape_cast %get3A_1334 : vector<1x16xf32> to vector<16xf32>
        %add3A_1336 = arith.constant 8 : i32
        %add3A_1337 = arith.addi %mul3A_1134, %add3A_1336 : i32
        %add3A_1338 = arith.constant 1 : i32
        %add3A_1339 = arith.addi %add3A_1337, %add3A_1338 : i32
        %get3A_1340 = arith.index_cast %add3A_1339 : i32 to index
        %get3A_1341 = arith.constant 16 : index
        %get3A_1342 = tpu.vector_load %arg6[%get3A_1340, %get3A_1341] {strides = array<i32>} : memref<128x128xf32, #tpu.memory_space<vmem>>, vector<1x16xf32>,
        %get3A_1343 = vector.shape_cast %get3A_1342 : vector<1x16xf32> to vector<16xf32>
        %add3A_1344 = arith.addf %get3A_1335, %get3A_1343 : vector<16xf32>
        %add3A_1345 = arith.constant 10 : i32
        %add3A_1346 = arith.addi %mul3A_1134, %add3A_1345 : i32
        %get3A_1347 = arith.index_cast %add3A_1346 : i32 to index
        %get3A_1348 = arith.constant 16 : index
        %get3A_1349 = tpu.vector_load %arg6[%get3A_1347, %get3A_1348] {strides = array<i32>} : memref<128x128xf32, #tpu.memory_space<vmem>>, vector<1x16xf32>,
        %get3A_1350 = vector.shape_cast %get3A_1349 : vector<1x16xf32> to vector<16xf32>
        %add3A_1351 = arith.constant 10 : i32
        %add3A_1352 = arith.addi %mul3A_1134, %add3A_1351 : i32
        %add3A_1353 = arith.constant 1 : i32
        %add3A_1354 = arith.addi %add3A_1352, %add3A_1353 : i32
        %get3A_1355 = arith.index_cast %add3A_1354 : i32 to index
        %get3A_1356 = arith.constant 16 : index
        %get3A_1357 = tpu.vector_load %arg6[%get3A_1355, %get3A_1356] {strides = array<i32>} : memref<128x128xf32, #tpu.memory_space<vmem>>, vector<1x16xf32>,
        %get3A_1358 = vector.shape_cast %get3A_1357 : vector<1x16xf32> to vector<16xf32>
        %add3A_1359 = arith.addf %get3A_1350, %get3A_1358 : vector<16xf32>
        %add3A_1360 = arith.constant 12 : i32
        %add3A_1361 = arith.addi %mul3A_1134, %add3A_1360 : i32
        %get3A_1362 = arith.index_cast %add3A_1361 : i32 to index
        %get3A_1363 = arith.constant 16 : index
        %get3A_1364 = tpu.vector_load %arg6[%get3A_1362, %get3A_1363] {strides = array<i32>} : memref<128x128xf32, #tpu.memory_space<vmem>>, vector<1x16xf32>,
        %get3A_1365 = vector.shape_cast %get3A_1364 : vector<1x16xf32> to vector<16xf32>
        %add3A_1366 = arith.constant 12 : i32
        %add3A_1367 = arith.addi %mul3A_1134, %add3A_1366 : i32
        %add3A_1368 = arith.constant 1 : i32
        %add3A_1369 = arith.addi %add3A_1367, %add3A_1368 : i32
        %get3A_1370 = arith.index_cast %add3A_1369 : i32 to index
        %get3A_1371 = arith.constant 16 : index
        %get3A_1372 = tpu.vector_load %arg6[%get3A_1370, %get3A_1371] {strides = array<i32>} : memref<128x128xf32, #tpu.memory_space<vmem>>, vector<1x16xf32>,
        %get3A_1373 = vector.shape_cast %get3A_1372 : vector<1x16xf32> to vector<16xf32>
        %add3A_1374 = arith.addf %get3A_1365, %get3A_1373 : vector<16xf32>
        %add3A_1375 = arith.constant 14 : i32
        %add3A_1376 = arith.addi %mul3A_1134, %add3A_1375 : i32
        %get3A_1377 = arith.index_cast %add3A_1376 : i32 to index
        %get3A_1378 = arith.constant 16 : index
        %get3A_1379 = tpu.vector_load %arg6[%get3A_1377, %get3A_1378] {strides = array<i32>} : memref<128x128xf32, #tpu.memory_space<vmem>>, vector<1x16xf32>,
        %get3A_1380 = vector.shape_cast %get3A_1379 : vector<1x16xf32> to vector<16xf32>
        %add3A_1381 = arith.constant 14 : i32
        %add3A_1382 = arith.addi %mul3A_1134, %add3A_1381 : i32
        %add3A_1383 = arith.constant 1 : i32
        %add3A_1384 = arith.addi %add3A_1382, %add3A_1383 : i32
        %get3A_1385 = arith.index_cast %add3A_1384 : i32 to index
        %get3A_1386 = arith.constant 16 : index
        %get3A_1387 = tpu.vector_load %arg6[%get3A_1385, %get3A_1386] {strides = array<i32>} : memref<128x128xf32, #tpu.memory_space<vmem>>, vector<1x16xf32>,
        %get3A_1388 = vector.shape_cast %get3A_1387 : vector<1x16xf32> to vector<16xf32>
        %add3A_1389 = arith.addf %get3A_1380, %get3A_1388 : vector<16xf32>
        %add3A_1390 = arith.addf %add3A_1284, %add3A_1299 : vector<16xf32>
        %add3A_1391 = arith.addf %add3A_1314, %add3A_1329 : vector<16xf32>
        %add3A_1392 = arith.addf %add3A_1344, %add3A_1359 : vector<16xf32>
        %add3A_1393 = arith.addf %add3A_1374, %add3A_1389 : vector<16xf32>
        %add3A_1394 = arith.addf %add3A_1390, %add3A_1391 : vector<16xf32>
        %add3A_1395 = arith.addf %add3A_1392, %add3A_1393 : vector<16xf32>
        %add3A_1396 = arith.addf %add3A_1394, %add3A_1395 : vector<16xf32>
        %mul3A_1397 = arith.constant 8 : i32
        %mul3A_1398 = arith.muli %mul3A_16, %mul3A_1397 : i32
        %add3A_1399 = arith.addi %mul3A_1398, %scan3A_1132 : i32
        %swap3A_1400 = arith.index_cast %add3A_1399 : i32 to index
        %swap3A_1401 = arith.constant 16 : index
        %swap3A_1402 = tpu.vector_load %arg8[%swap3A_1400, %swap3A_1401] {strides = array<i32>} : memref<320x128xf32, #tpu.memory_space<vmem>>, vector<1x16xf32>,
        %swap3A_1403 = vector.shape_cast %swap3A_1402 : vector<1x16xf32> to vector<16xf32>
        %swap3A_1404 = vector.shape_cast %add3A_1396 : vector<16xf32> to vector<1x16xf32>
        tpu.vector_store %arg8[%swap3A_1400, %swap3A_1401], %swap3A_1404 {strides = array<i32>} : memref<320x128xf32, #tpu.memory_space<vmem>>, vector<1x16xf32>,
        %add3A_1405 = arith.constant 0 : i32
        %add3A_1406 = arith.addi %mul3A_1134, %add3A_1405 : i32
        %get3A_1407 = arith.index_cast %add3A_1406 : i32 to index
        %get3A_1408 = arith.constant 32 : index
        %get3A_1409 = tpu.vector_load %arg6[%get3A_1407, %get3A_1408] {strides = array<i32>} : memref<128x128xf32, #tpu.memory_space<vmem>>, vector<1x16xf32>,
        %get3A_1410 = vector.shape_cast %get3A_1409 : vector<1x16xf32> to vector<16xf32>
        %add3A_1411 = arith.constant 0 : i32
        %add3A_1412 = arith.addi %mul3A_1134, %add3A_1411 : i32
        %add3A_1413 = arith.constant 1 : i32
        %add3A_1414 = arith.addi %add3A_1412, %add3A_1413 : i32
        %get3A_1415 = arith.index_cast %add3A_1414 : i32 to index
        %get3A_1416 = arith.constant 32 : index
        %get3A_1417 = tpu.vector_load %arg6[%get3A_1415, %get3A_1416] {strides = array<i32>} : memref<128x128xf32, #tpu.memory_space<vmem>>, vector<1x16xf32>,
        %get3A_1418 = vector.shape_cast %get3A_1417 : vector<1x16xf32> to vector<16xf32>
        %add3A_1419 = arith.addf %get3A_1410, %get3A_1418 : vector<16xf32>
        %add3A_1420 = arith.constant 2 : i32
        %add3A_1421 = arith.addi %mul3A_1134, %add3A_1420 : i32
        %get3A_1422 = arith.index_cast %add3A_1421 : i32 to index
        %get3A_1423 = arith.constant 32 : index
        %get3A_1424 = tpu.vector_load %arg6[%get3A_1422, %get3A_1423] {strides = array<i32>} : memref<128x128xf32, #tpu.memory_space<vmem>>, vector<1x16xf32>,
        %get3A_1425 = vector.shape_cast %get3A_1424 : vector<1x16xf32> to vector<16xf32>
        %add3A_1426 = arith.constant 2 : i32
        %add3A_1427 = arith.addi %mul3A_1134, %add3A_1426 : i32
        %add3A_1428 = arith.constant 1 : i32
        %add3A_1429 = arith.addi %add3A_1427, %add3A_1428 : i32
        %get3A_1430 = arith.index_cast %add3A_1429 : i32 to index
        %get3A_1431 = arith.constant 32 : index
        %get3A_1432 = tpu.vector_load %arg6[%get3A_1430, %get3A_1431] {strides = array<i32>} : memref<128x128xf32, #tpu.memory_space<vmem>>, vector<1x16xf32>,
        %get3A_1433 = vector.shape_cast %get3A_1432 : vector<1x16xf32> to vector<16xf32>
        %add3A_1434 = arith.addf %get3A_1425, %get3A_1433 : vector<16xf32>
        %add3A_1435 = arith.constant 4 : i32
        %add3A_1436 = arith.addi %mul3A_1134, %add3A_1435 : i32
        %get3A_1437 = arith.index_cast %add3A_1436 : i32 to index
        %get3A_1438 = arith.constant 32 : index
        %get3A_1439 = tpu.vector_load %arg6[%get3A_1437, %get3A_1438] {strides = array<i32>} : memref<128x128xf32, #tpu.memory_space<vmem>>, vector<1x16xf32>,
        %get3A_1440 = vector.shape_cast %get3A_1439 : vector<1x16xf32> to vector<16xf32>
        %add3A_1441 = arith.constant 4 : i32
        %add3A_1442 = arith.addi %mul3A_1134, %add3A_1441 : i32
        %add3A_1443 = arith.constant 1 : i32
        %add3A_1444 = arith.addi %add3A_1442, %add3A_1443 : i32
        %get3A_1445 = arith.index_cast %add3A_1444 : i32 to index
        %get3A_1446 = arith.constant 32 : index
        %get3A_1447 = tpu.vector_load %arg6[%get3A_1445, %get3A_1446] {strides = array<i32>} : memref<128x128xf32, #tpu.memory_space<vmem>>, vector<1x16xf32>,
        %get3A_1448 = vector.shape_cast %get3A_1447 : vector<1x16xf32> to vector<16xf32>
        %add3A_1449 = arith.addf %get3A_1440, %get3A_1448 : vector<16xf32>
        %add3A_1450 = arith.constant 6 : i32
        %add3A_1451 = arith.addi %mul3A_1134, %add3A_1450 : i32
        %get3A_1452 = arith.index_cast %add3A_1451 : i32 to index
        %get3A_1453 = arith.constant 32 : index
        %get3A_1454 = tpu.vector_load %arg6[%get3A_1452, %get3A_1453] {strides = array<i32>} : memref<128x128xf32, #tpu.memory_space<vmem>>, vector<1x16xf32>,
        %get3A_1455 = vector.shape_cast %get3A_1454 : vector<1x16xf32> to vector<16xf32>
        %add3A_1456 = arith.constant 6 : i32
        %add3A_1457 = arith.addi %mul3A_1134, %add3A_1456 : i32
        %add3A_1458 = arith.constant 1 : i32
        %add3A_1459 = arith.addi %add3A_1457, %add3A_1458 : i32
        %get3A_1460 = arith.index_cast %add3A_1459 : i32 to index
        %get3A_1461 = arith.constant 32 : index
        %get3A_1462 = tpu.vector_load %arg6[%get3A_1460, %get3A_1461] {strides = array<i32>} : memref<128x128xf32, #tpu.memory_space<vmem>>, vector<1x16xf32>,
        %get3A_1463 = vector.shape_cast %get3A_1462 : vector<1x16xf32> to vector<16xf32>
        %add3A_1464 = arith.addf %get3A_1455, %get3A_1463 : vector<16xf32>
        %add3A_1465 = arith.constant 8 : i32
        %add3A_1466 = arith.addi %mul3A_1134, %add3A_1465 : i32
        %get3A_1467 = arith.index_cast %add3A_1466 : i32 to index
        %get3A_1468 = arith.constant 32 : index
        %get3A_1469 = tpu.vector_load %arg6[%get3A_1467, %get3A_1468] {strides = array<i32>} : memref<128x128xf32, #tpu.memory_space<vmem>>, vector<1x16xf32>,
        %get3A_1470 = vector.shape_cast %get3A_1469 : vector<1x16xf32> to vector<16xf32>
        %add3A_1471 = arith.constant 8 : i32
        %add3A_1472 = arith.addi %mul3A_1134, %add3A_1471 : i32
        %add3A_1473 = arith.constant 1 : i32
        %add3A_1474 = arith.addi %add3A_1472, %add3A_1473 : i32
        %get3A_1475 = arith.index_cast %add3A_1474 : i32 to index
        %get3A_1476 = arith.constant 32 : index
        %get3A_1477 = tpu.vector_load %arg6[%get3A_1475, %get3A_1476] {strides = array<i32>} : memref<128x128xf32, #tpu.memory_space<vmem>>, vector<1x16xf32>,
        %get3A_1478 = vector.shape_cast %get3A_1477 : vector<1x16xf32> to vector<16xf32>
        %add3A_1479 = arith.addf %get3A_1470, %get3A_1478 : vector<16xf32>
        %add3A_1480 = arith.constant 10 : i32
        %add3A_1481 = arith.addi %mul3A_1134, %add3A_1480 : i32
        %get3A_1482 = arith.index_cast %add3A_1481 : i32 to index
        %get3A_1483 = arith.constant 32 : index
        %get3A_1484 = tpu.vector_load %arg6[%get3A_1482, %get3A_1483] {strides = array<i32>} : memref<128x128xf32, #tpu.memory_space<vmem>>, vector<1x16xf32>,
        %get3A_1485 = vector.shape_cast %get3A_1484 : vector<1x16xf32> to vector<16xf32>
        %add3A_1486 = arith.constant 10 : i32
        %add3A_1487 = arith.addi %mul3A_1134, %add3A_1486 : i32
        %add3A_1488 = arith.constant 1 : i32
        %add3A_1489 = arith.addi %add3A_1487, %add3A_1488 : i32
        %get3A_1490 = arith.index_cast %add3A_1489 : i32 to index
        %get3A_1491 = arith.constant 32 : index
        %get3A_1492 = tpu.vector_load %arg6[%get3A_1490, %get3A_1491] {strides = array<i32>} : memref<128x128xf32, #tpu.memory_space<vmem>>, vector<1x16xf32>,
        %get3A_1493 = vector.shape_cast %get3A_1492 : vector<1x16xf32> to vector<16xf32>
        %add3A_1494 = arith.addf %get3A_1485, %get3A_1493 : vector<16xf32>
        %add3A_1495 = arith.constant 12 : i32
        %add3A_1496 = arith.addi %mul3A_1134, %add3A_1495 : i32
        %get3A_1497 = arith.index_cast %add3A_1496 : i32 to index
        %get3A_1498 = arith.constant 32 : index
        %get3A_1499 = tpu.vector_load %arg6[%get3A_1497, %get3A_1498] {strides = array<i32>} : memref<128x128xf32, #tpu.memory_space<vmem>>, vector<1x16xf32>,
        %get3A_1500 = vector.shape_cast %get3A_1499 : vector<1x16xf32> to vector<16xf32>
        %add3A_1501 = arith.constant 12 : i32
        %add3A_1502 = arith.addi %mul3A_1134, %add3A_1501 : i32
        %add3A_1503 = arith.constant 1 : i32
        %add3A_1504 = arith.addi %add3A_1502, %add3A_1503 : i32
        %get3A_1505 = arith.index_cast %add3A_1504 : i32 to index
        %get3A_1506 = arith.constant 32 : index
        %get3A_1507 = tpu.vector_load %arg6[%get3A_1505, %get3A_1506] {strides = array<i32>} : memref<128x128xf32, #tpu.memory_space<vmem>>, vector<1x16xf32>,
        %get3A_1508 = vector.shape_cast %get3A_1507 : vector<1x16xf32> to vector<16xf32>
        %add3A_1509 = arith.addf %get3A_1500, %get3A_1508 : vector<16xf32>
        %add3A_1510 = arith.constant 14 : i32
        %add3A_1511 = arith.addi %mul3A_1134, %add3A_1510 : i32
        %get3A_1512 = arith.index_cast %add3A_1511 : i32 to index
        %get3A_1513 = arith.constant 32 : index
        %get3A_1514 = tpu.vector_load %arg6[%get3A_1512, %get3A_1513] {strides = array<i32>} : memref<128x128xf32, #tpu.memory_space<vmem>>, vector<1x16xf32>,
        %get3A_1515 = vector.shape_cast %get3A_1514 : vector<1x16xf32> to vector<16xf32>
        %add3A_1516 = arith.constant 14 : i32
        %add3A_1517 = arith.addi %mul3A_1134, %add3A_1516 : i32
        %add3A_1518 = arith.constant 1 : i32
        %add3A_1519 = arith.addi %add3A_1517, %add3A_1518 : i32
        %get3A_1520 = arith.index_cast %add3A_1519 : i32 to index
        %get3A_1521 = arith.constant 32 : index
        %get3A_1522 = tpu.vector_load %arg6[%get3A_1520, %get3A_1521] {strides = array<i32>} : memref<128x128xf32, #tpu.memory_space<vmem>>, vector<1x16xf32>,
        %get3A_1523 = vector.shape_cast %get3A_1522 : vector<1x16xf32> to vector<16xf32>
        %add3A_1524 = arith.addf %get3A_1515, %get3A_1523 : vector<16xf32>
        %add3A_1525 = arith.addf %add3A_1419, %add3A_1434 : vector<16xf32>
        %add3A_1526 = arith.addf %add3A_1449, %add3A_1464 : vector<16xf32>
        %add3A_1527 = arith.addf %add3A_1479, %add3A_1494 : vector<16xf32>
        %add3A_1528 = arith.addf %add3A_1509, %add3A_1524 : vector<16xf32>
        %add3A_1529 = arith.addf %add3A_1525, %add3A_1526 : vector<16xf32>
        %add3A_1530 = arith.addf %add3A_1527, %add3A_1528 : vector<16xf32>
        %add3A_1531 = arith.addf %add3A_1529, %add3A_1530 : vector<16xf32>
        %mul3A_1532 = arith.constant 8 : i32
        %mul3A_1533 = arith.muli %mul3A_16, %mul3A_1532 : i32
        %add3A_1534 = arith.addi %mul3A_1533, %scan3A_1132 : i32
        %swap3A_1535 = arith.index_cast %add3A_1534 : i32 to index
        %swap3A_1536 = arith.constant 32 : index
        %swap3A_1537 = tpu.vector_load %arg8[%swap3A_1535, %swap3A_1536] {strides = array<i32>} : memref<320x128xf32, #tpu.memory_space<vmem>>, vector<1x16xf32>,
        %swap3A_1538 = vector.shape_cast %swap3A_1537 : vector<1x16xf32> to vector<16xf32>
        %swap3A_1539 = vector.shape_cast %add3A_1531 : vector<16xf32> to vector<1x16xf32>
        tpu.vector_store %arg8[%swap3A_1535, %swap3A_1536], %swap3A_1539 {strides = array<i32>} : memref<320x128xf32, #tpu.memory_space<vmem>>, vector<1x16xf32>,
        %add3A_1540 = arith.constant 0 : i32
        %add3A_1541 = arith.addi %mul3A_1134, %add3A_1540 : i32
        %get3A_1542 = arith.index_cast %add3A_1541 : i32 to index
        %get3A_1543 = arith.constant 48 : index
        %get3A_1544 = tpu.vector_load %arg6[%get3A_1542, %get3A_1543] {strides = array<i32>} : memref<128x128xf32, #tpu.memory_space<vmem>>, vector<1x16xf32>,
        %get3A_1545 = vector.shape_cast %get3A_1544 : vector<1x16xf32> to vector<16xf32>
        %add3A_1546 = arith.constant 0 : i32
        %add3A_1547 = arith.addi %mul3A_1134, %add3A_1546 : i32
        %add3A_1548 = arith.constant 1 : i32
        %add3A_1549 = arith.addi %add3A_1547, %add3A_1548 : i32
        %get3A_1550 = arith.index_cast %add3A_1549 : i32 to index
        %get3A_1551 = arith.constant 48 : index
        %get3A_1552 = tpu.vector_load %arg6[%get3A_1550, %get3A_1551] {strides = array<i32>} : memref<128x128xf32, #tpu.memory_space<vmem>>, vector<1x16xf32>,
        %get3A_1553 = vector.shape_cast %get3A_1552 : vector<1x16xf32> to vector<16xf32>
        %add3A_1554 = arith.addf %get3A_1545, %get3A_1553 : vector<16xf32>
        %add3A_1555 = arith.constant 2 : i32
        %add3A_1556 = arith.addi %mul3A_1134, %add3A_1555 : i32
        %get3A_1557 = arith.index_cast %add3A_1556 : i32 to index
        %get3A_1558 = arith.constant 48 : index
        %get3A_1559 = tpu.vector_load %arg6[%get3A_1557, %get3A_1558] {strides = array<i32>} : memref<128x128xf32, #tpu.memory_space<vmem>>, vector<1x16xf32>,
        %get3A_1560 = vector.shape_cast %get3A_1559 : vector<1x16xf32> to vector<16xf32>
        %add3A_1561 = arith.constant 2 : i32
        %add3A_1562 = arith.addi %mul3A_1134, %add3A_1561 : i32
        %add3A_1563 = arith.constant 1 : i32
        %add3A_1564 = arith.addi %add3A_1562, %add3A_1563 : i32
        %get3A_1565 = arith.index_cast %add3A_1564 : i32 to index
        %get3A_1566 = arith.constant 48 : index
        %get3A_1567 = tpu.vector_load %arg6[%get3A_1565, %get3A_1566] {strides = array<i32>} : memref<128x128xf32, #tpu.memory_space<vmem>>, vector<1x16xf32>,
        %get3A_1568 = vector.shape_cast %get3A_1567 : vector<1x16xf32> to vector<16xf32>
        %add3A_1569 = arith.addf %get3A_1560, %get3A_1568 : vector<16xf32>
        %add3A_1570 = arith.constant 4 : i32
        %add3A_1571 = arith.addi %mul3A_1134, %add3A_1570 : i32
        %get3A_1572 = arith.index_cast %add3A_1571 : i32 to index
        %get3A_1573 = arith.constant 48 : index
        %get3A_1574 = tpu.vector_load %arg6[%get3A_1572, %get3A_1573] {strides = array<i32>} : memref<128x128xf32, #tpu.memory_space<vmem>>, vector<1x16xf32>,
        %get3A_1575 = vector.shape_cast %get3A_1574 : vector<1x16xf32> to vector<16xf32>
        %add3A_1576 = arith.constant 4 : i32
        %add3A_1577 = arith.addi %mul3A_1134, %add3A_1576 : i32
        %add3A_1578 = arith.constant 1 : i32
        %add3A_1579 = arith.addi %add3A_1577, %add3A_1578 : i32
        %get3A_1580 = arith.index_cast %add3A_1579 : i32 to index
        %get3A_1581 = arith.constant 48 : index
        %get3A_1582 = tpu.vector_load %arg6[%get3A_1580, %get3A_1581] {strides = array<i32>} : memref<128x128xf32, #tpu.memory_space<vmem>>, vector<1x16xf32>,
        %get3A_1583 = vector.shape_cast %get3A_1582 : vector<1x16xf32> to vector<16xf32>
        %add3A_1584 = arith.addf %get3A_1575, %get3A_1583 : vector<16xf32>
        %add3A_1585 = arith.constant 6 : i32
        %add3A_1586 = arith.addi %mul3A_1134, %add3A_1585 : i32
        %get3A_1587 = arith.index_cast %add3A_1586 : i32 to index
        %get3A_1588 = arith.constant 48 : index
        %get3A_1589 = tpu.vector_load %arg6[%get3A_1587, %get3A_1588] {strides = array<i32>} : memref<128x128xf32, #tpu.memory_space<vmem>>, vector<1x16xf32>,
        %get3A_1590 = vector.shape_cast %get3A_1589 : vector<1x16xf32> to vector<16xf32>
        %add3A_1591 = arith.constant 6 : i32
        %add3A_1592 = arith.addi %mul3A_1134, %add3A_1591 : i32
        %add3A_1593 = arith.constant 1 : i32
        %add3A_1594 = arith.addi %add3A_1592, %add3A_1593 : i32
        %get3A_1595 = arith.index_cast %add3A_1594 : i32 to index
        %get3A_1596 = arith.constant 48 : index
        %get3A_1597 = tpu.vector_load %arg6[%get3A_1595, %get3A_1596] {strides = array<i32>} : memref<128x128xf32, #tpu.memory_space<vmem>>, vector<1x16xf32>,
        %get3A_1598 = vector.shape_cast %get3A_1597 : vector<1x16xf32> to vector<16xf32>
        %add3A_1599 = arith.addf %get3A_1590, %get3A_1598 : vector<16xf32>
        %add3A_1600 = arith.constant 8 : i32
        %add3A_1601 = arith.addi %mul3A_1134, %add3A_1600 : i32
        %get3A_1602 = arith.index_cast %add3A_1601 : i32 to index
        %get3A_1603 = arith.constant 48 : index
        %get3A_1604 = tpu.vector_load %arg6[%get3A_1602, %get3A_1603] {strides = array<i32>} : memref<128x128xf32, #tpu.memory_space<vmem>>, vector<1x16xf32>,
        %get3A_1605 = vector.shape_cast %get3A_1604 : vector<1x16xf32> to vector<16xf32>
        %add3A_1606 = arith.constant 8 : i32
        %add3A_1607 = arith.addi %mul3A_1134, %add3A_1606 : i32
        %add3A_1608 = arith.constant 1 : i32
        %add3A_1609 = arith.addi %add3A_1607, %add3A_1608 : i32
        %get3A_1610 = arith.index_cast %add3A_1609 : i32 to index
        %get3A_1611 = arith.constant 48 : index
        %get3A_1612 = tpu.vector_load %arg6[%get3A_1610, %get3A_1611] {strides = array<i32>} : memref<128x128xf32, #tpu.memory_space<vmem>>, vector<1x16xf32>,
        %get3A_1613 = vector.shape_cast %get3A_1612 : vector<1x16xf32> to vector<16xf32>
        %add3A_1614 = arith.addf %get3A_1605, %get3A_1613 : vector<16xf32>
        %add3A_1615 = arith.constant 10 : i32
        %add3A_1616 = arith.addi %mul3A_1134, %add3A_1615 : i32
        %get3A_1617 = arith.index_cast %add3A_1616 : i32 to index
        %get3A_1618 = arith.constant 48 : index
        %get3A_1619 = tpu.vector_load %arg6[%get3A_1617, %get3A_1618] {strides = array<i32>} : memref<128x128xf32, #tpu.memory_space<vmem>>, vector<1x16xf32>,
        %get3A_1620 = vector.shape_cast %get3A_1619 : vector<1x16xf32> to vector<16xf32>
        %add3A_1621 = arith.constant 10 : i32
        %add3A_1622 = arith.addi %mul3A_1134, %add3A_1621 : i32
        %add3A_1623 = arith.constant 1 : i32
        %add3A_1624 = arith.addi %add3A_1622, %add3A_1623 : i32
        %get3A_1625 = arith.index_cast %add3A_1624 : i32 to index
        %get3A_1626 = arith.constant 48 : index
        %get3A_1627 = tpu.vector_load %arg6[%get3A_1625, %get3A_1626] {strides = array<i32>} : memref<128x128xf32, #tpu.memory_space<vmem>>, vector<1x16xf32>,
        %get3A_1628 = vector.shape_cast %get3A_1627 : vector<1x16xf32> to vector<16xf32>
        %add3A_1629 = arith.addf %get3A_1620, %get3A_1628 : vector<16xf32>
        %add3A_1630 = arith.constant 12 : i32
        %add3A_1631 = arith.addi %mul3A_1134, %add3A_1630 : i32
        %get3A_1632 = arith.index_cast %add3A_1631 : i32 to index
        %get3A_1633 = arith.constant 48 : index
        %get3A_1634 = tpu.vector_load %arg6[%get3A_1632, %get3A_1633] {strides = array<i32>} : memref<128x128xf32, #tpu.memory_space<vmem>>, vector<1x16xf32>,
        %get3A_1635 = vector.shape_cast %get3A_1634 : vector<1x16xf32> to vector<16xf32>
        %add3A_1636 = arith.constant 12 : i32
        %add3A_1637 = arith.addi %mul3A_1134, %add3A_1636 : i32
        %add3A_1638 = arith.constant 1 : i32
        %add3A_1639 = arith.addi %add3A_1637, %add3A_1638 : i32
        %get3A_1640 = arith.index_cast %add3A_1639 : i32 to index
        %get3A_1641 = arith.constant 48 : index
        %get3A_1642 = tpu.vector_load %arg6[%get3A_1640, %get3A_1641] {strides = array<i32>} : memref<128x128xf32, #tpu.memory_space<vmem>>, vector<1x16xf32>,
        %get3A_1643 = vector.shape_cast %get3A_1642 : vector<1x16xf32> to vector<16xf32>
        %add3A_1644 = arith.addf %get3A_1635, %get3A_1643 : vector<16xf32>
        %add3A_1645 = arith.constant 14 : i32
        %add3A_1646 = arith.addi %mul3A_1134, %add3A_1645 : i32
        %get3A_1647 = arith.index_cast %add3A_1646 : i32 to index
        %get3A_1648 = arith.constant 48 : index
        %get3A_1649 = tpu.vector_load %arg6[%get3A_1647, %get3A_1648] {strides = array<i32>} : memref<128x128xf32, #tpu.memory_space<vmem>>, vector<1x16xf32>,
        %get3A_1650 = vector.shape_cast %get3A_1649 : vector<1x16xf32> to vector<16xf32>
        %add3A_1651 = arith.constant 14 : i32
        %add3A_1652 = arith.addi %mul3A_1134, %add3A_1651 : i32
        %add3A_1653 = arith.constant 1 : i32
        %add3A_1654 = arith.addi %add3A_1652, %add3A_1653 : i32
        %get3A_1655 = arith.index_cast %add3A_1654 : i32 to index
        %get3A_1656 = arith.constant 48 : index
        %get3A_1657 = tpu.vector_load %arg6[%get3A_1655, %get3A_1656] {strides = array<i32>} : memref<128x128xf32, #tpu.memory_space<vmem>>, vector<1x16xf32>,
        %get3A_1658 = vector.shape_cast %get3A_1657 : vector<1x16xf32> to vector<16xf32>
        %add3A_1659 = arith.addf %get3A_1650, %get3A_1658 : vector<16xf32>
        %add3A_1660 = arith.addf %add3A_1554, %add3A_1569 : vector<16xf32>
        %add3A_1661 = arith.addf %add3A_1584, %add3A_1599 : vector<16xf32>
        %add3A_1662 = arith.addf %add3A_1614, %add3A_1629 : vector<16xf32>
        %add3A_1663 = arith.addf %add3A_1644, %add3A_1659 : vector<16xf32>
        %add3A_1664 = arith.addf %add3A_1660, %add3A_1661 : vector<16xf32>
        %add3A_1665 = arith.addf %add3A_1662, %add3A_1663 : vector<16xf32>
        %add3A_1666 = arith.addf %add3A_1664, %add3A_1665 : vector<16xf32>
        %mul3A_1667 = arith.constant 8 : i32
        %mul3A_1668 = arith.muli %mul3A_16, %mul3A_1667 : i32
        %add3A_1669 = arith.addi %mul3A_1668, %scan3A_1132 : i32
        %swap3A_1670 = arith.index_cast %add3A_1669 : i32 to index
        %swap3A_1671 = arith.constant 48 : index
        %swap3A_1672 = tpu.vector_load %arg8[%swap3A_1670, %swap3A_1671] {strides = array<i32>} : memref<320x128xf32, #tpu.memory_space<vmem>>, vector<1x16xf32>,
        %swap3A_1673 = vector.shape_cast %swap3A_1672 : vector<1x16xf32> to vector<16xf32>
        %swap3A_1674 = vector.shape_cast %add3A_1666 : vector<16xf32> to vector<1x16xf32>
        tpu.vector_store %arg8[%swap3A_1670, %swap3A_1671], %swap3A_1674 {strides = array<i32>} : memref<320x128xf32, #tpu.memory_space<vmem>>, vector<1x16xf32>,
        %add3A_1675 = arith.constant 0 : i32
        %add3A_1676 = arith.addi %mul3A_1134, %add3A_1675 : i32
        %get3A_1677 = arith.index_cast %add3A_1676 : i32 to index
        %get3A_1678 = arith.constant 64 : index
        %get3A_1679 = tpu.vector_load %arg6[%get3A_1677, %get3A_1678] {strides = array<i32>} : memref<128x128xf32, #tpu.memory_space<vmem>>, vector<1x16xf32>,
        %get3A_1680 = vector.shape_cast %get3A_1679 : vector<1x16xf32> to vector<16xf32>
        %add3A_1681 = arith.constant 0 : i32
        %add3A_1682 = arith.addi %mul3A_1134, %add3A_1681 : i32
        %add3A_1683 = arith.constant 1 : i32
        %add3A_1684 = arith.addi %add3A_1682, %add3A_1683 : i32
        %get3A_1685 = arith.index_cast %add3A_1684 : i32 to index
        %get3A_1686 = arith.constant 64 : index
        %get3A_1687 = tpu.vector_load %arg6[%get3A_1685, %get3A_1686] {strides = array<i32>} : memref<128x128xf32, #tpu.memory_space<vmem>>, vector<1x16xf32>,
        %get3A_1688 = vector.shape_cast %get3A_1687 : vector<1x16xf32> to vector<16xf32>
        %add3A_1689 = arith.addf %get3A_1680, %get3A_1688 : vector<16xf32>
        %add3A_1690 = arith.constant 2 : i32
        %add3A_1691 = arith.addi %mul3A_1134, %add3A_1690 : i32
        %get3A_1692 = arith.index_cast %add3A_1691 : i32 to index
        %get3A_1693 = arith.constant 64 : index
        %get3A_1694 = tpu.vector_load %arg6[%get3A_1692, %get3A_1693] {strides = array<i32>} : memref<128x128xf32, #tpu.memory_space<vmem>>, vector<1x16xf32>,
        %get3A_1695 = vector.shape_cast %get3A_1694 : vector<1x16xf32> to vector<16xf32>
        %add3A_1696 = arith.constant 2 : i32
        %add3A_1697 = arith.addi %mul3A_1134, %add3A_1696 : i32
        %add3A_1698 = arith.constant 1 : i32
        %add3A_1699 = arith.addi %add3A_1697, %add3A_1698 : i32
        %get3A_1700 = arith.index_cast %add3A_1699 : i32 to index
        %get3A_1701 = arith.constant 64 : index
        %get3A_1702 = tpu.vector_load %arg6[%get3A_1700, %get3A_1701] {strides = array<i32>} : memref<128x128xf32, #tpu.memory_space<vmem>>, vector<1x16xf32>,
        %get3A_1703 = vector.shape_cast %get3A_1702 : vector<1x16xf32> to vector<16xf32>
        %add3A_1704 = arith.addf %get3A_1695, %get3A_1703 : vector<16xf32>
        %add3A_1705 = arith.constant 4 : i32
        %add3A_1706 = arith.addi %mul3A_1134, %add3A_1705 : i32
        %get3A_1707 = arith.index_cast %add3A_1706 : i32 to index
        %get3A_1708 = arith.constant 64 : index
        %get3A_1709 = tpu.vector_load %arg6[%get3A_1707, %get3A_1708] {strides = array<i32>} : memref<128x128xf32, #tpu.memory_space<vmem>>, vector<1x16xf32>,
        %get3A_1710 = vector.shape_cast %get3A_1709 : vector<1x16xf32> to vector<16xf32>
        %add3A_1711 = arith.constant 4 : i32
        %add3A_1712 = arith.addi %mul3A_1134, %add3A_1711 : i32
        %add3A_1713 = arith.constant 1 : i32
        %add3A_1714 = arith.addi %add3A_1712, %add3A_1713 : i32
        %get3A_1715 = arith.index_cast %add3A_1714 : i32 to index
        %get3A_1716 = arith.constant 64 : index
        %get3A_1717 = tpu.vector_load %arg6[%get3A_1715, %get3A_1716] {strides = array<i32>} : memref<128x128xf32, #tpu.memory_space<vmem>>, vector<1x16xf32>,
        %get3A_1718 = vector.shape_cast %get3A_1717 : vector<1x16xf32> to vector<16xf32>
        %add3A_1719 = arith.addf %get3A_1710, %get3A_1718 : vector<16xf32>
        %add3A_1720 = arith.constant 6 : i32
        %add3A_1721 = arith.addi %mul3A_1134, %add3A_1720 : i32
        %get3A_1722 = arith.index_cast %add3A_1721 : i32 to index
        %get3A_1723 = arith.constant 64 : index
        %get3A_1724 = tpu.vector_load %arg6[%get3A_1722, %get3A_1723] {strides = array<i32>} : memref<128x128xf32, #tpu.memory_space<vmem>>, vector<1x16xf32>,
        %get3A_1725 = vector.shape_cast %get3A_1724 : vector<1x16xf32> to vector<16xf32>
        %add3A_1726 = arith.constant 6 : i32
        %add3A_1727 = arith.addi %mul3A_1134, %add3A_1726 : i32
        %add3A_1728 = arith.constant 1 : i32
        %add3A_1729 = arith.addi %add3A_1727, %add3A_1728 : i32
        %get3A_1730 = arith.index_cast %add3A_1729 : i32 to index
        %get3A_1731 = arith.constant 64 : index
        %get3A_1732 = tpu.vector_load %arg6[%get3A_1730, %get3A_1731] {strides = array<i32>} : memref<128x128xf32, #tpu.memory_space<vmem>>, vector<1x16xf32>,
        %get3A_1733 = vector.shape_cast %get3A_1732 : vector<1x16xf32> to vector<16xf32>
        %add3A_1734 = arith.addf %get3A_1725, %get3A_1733 : vector<16xf32>
        %add3A_1735 = arith.constant 8 : i32
        %add3A_1736 = arith.addi %mul3A_1134, %add3A_1735 : i32
        %get3A_1737 = arith.index_cast %add3A_1736 : i32 to index
        %get3A_1738 = arith.constant 64 : index
        %get3A_1739 = tpu.vector_load %arg6[%get3A_1737, %get3A_1738] {strides = array<i32>} : memref<128x128xf32, #tpu.memory_space<vmem>>, vector<1x16xf32>,
        %get3A_1740 = vector.shape_cast %get3A_1739 : vector<1x16xf32> to vector<16xf32>
        %add3A_1741 = arith.constant 8 : i32
        %add3A_1742 = arith.addi %mul3A_1134, %add3A_1741 : i32
        %add3A_1743 = arith.constant 1 : i32
        %add3A_1744 = arith.addi %add3A_1742, %add3A_1743 : i32
        %get3A_1745 = arith.index_cast %add3A_1744 : i32 to index
        %get3A_1746 = arith.constant 64 : index
        %get3A_1747 = tpu.vector_load %arg6[%get3A_1745, %get3A_1746] {strides = array<i32>} : memref<128x128xf32, #tpu.memory_space<vmem>>, vector<1x16xf32>,
        %get3A_1748 = vector.shape_cast %get3A_1747 : vector<1x16xf32> to vector<16xf32>
        %add3A_1749 = arith.addf %get3A_1740, %get3A_1748 : vector<16xf32>
        %add3A_1750 = arith.constant 10 : i32
        %add3A_1751 = arith.addi %mul3A_1134, %add3A_1750 : i32
        %get3A_1752 = arith.index_cast %add3A_1751 : i32 to index
        %get3A_1753 = arith.constant 64 : index
        %get3A_1754 = tpu.vector_load %arg6[%get3A_1752, %get3A_1753] {strides = array<i32>} : memref<128x128xf32, #tpu.memory_space<vmem>>, vector<1x16xf32>,
        %get3A_1755 = vector.shape_cast %get3A_1754 : vector<1x16xf32> to vector<16xf32>
        %add3A_1756 = arith.constant 10 : i32
        %add3A_1757 = arith.addi %mul3A_1134, %add3A_1756 : i32
        %add3A_1758 = arith.constant 1 : i32
        %add3A_1759 = arith.addi %add3A_1757, %add3A_1758 : i32
        %get3A_1760 = arith.index_cast %add3A_1759 : i32 to index
        %get3A_1761 = arith.constant 64 : index
        %get3A_1762 = tpu.vector_load %arg6[%get3A_1760, %get3A_1761] {strides = array<i32>} : memref<128x128xf32, #tpu.memory_space<vmem>>, vector<1x16xf32>,
        %get3A_1763 = vector.shape_cast %get3A_1762 : vector<1x16xf32> to vector<16xf32>
        %add3A_1764 = arith.addf %get3A_1755, %get3A_1763 : vector<16xf32>
        %add3A_1765 = arith.constant 12 : i32
        %add3A_1766 = arith.addi %mul3A_1134, %add3A_1765 : i32
        %get3A_1767 = arith.index_cast %add3A_1766 : i32 to index
        %get3A_1768 = arith.constant 64 : index
        %get3A_1769 = tpu.vector_load %arg6[%get3A_1767, %get3A_1768] {strides = array<i32>} : memref<128x128xf32, #tpu.memory_space<vmem>>, vector<1x16xf32>,
        %get3A_1770 = vector.shape_cast %get3A_1769 : vector<1x16xf32> to vector<16xf32>
        %add3A_1771 = arith.constant 12 : i32
        %add3A_1772 = arith.addi %mul3A_1134, %add3A_1771 : i32
        %add3A_1773 = arith.constant 1 : i32
        %add3A_1774 = arith.addi %add3A_1772, %add3A_1773 : i32
        %get3A_1775 = arith.index_cast %add3A_1774 : i32 to index
        %get3A_1776 = arith.constant 64 : index
        %get3A_1777 = tpu.vector_load %arg6[%get3A_1775, %get3A_1776] {strides = array<i32>} : memref<128x128xf32, #tpu.memory_space<vmem>>, vector<1x16xf32>,
        %get3A_1778 = vector.shape_cast %get3A_1777 : vector<1x16xf32> to vector<16xf32>
        %add3A_1779 = arith.addf %get3A_1770, %get3A_1778 : vector<16xf32>
        %add3A_1780 = arith.constant 14 : i32
        %add3A_1781 = arith.addi %mul3A_1134, %add3A_1780 : i32
        %get3A_1782 = arith.index_cast %add3A_1781 : i32 to index
        %get3A_1783 = arith.constant 64 : index
        %get3A_1784 = tpu.vector_load %arg6[%get3A_1782, %get3A_1783] {strides = array<i32>} : memref<128x128xf32, #tpu.memory_space<vmem>>, vector<1x16xf32>,
        %get3A_1785 = vector.shape_cast %get3A_1784 : vector<1x16xf32> to vector<16xf32>
        %add3A_1786 = arith.constant 14 : i32
        %add3A_1787 = arith.addi %mul3A_1134, %add3A_1786 : i32
        %add3A_1788 = arith.constant 1 : i32
        %add3A_1789 = arith.addi %add3A_1787, %add3A_1788 : i32
        %get3A_1790 = arith.index_cast %add3A_1789 : i32 to index
        %get3A_1791 = arith.constant 64 : index
        %get3A_1792 = tpu.vector_load %arg6[%get3A_1790, %get3A_1791] {strides = array<i32>} : memref<128x128xf32, #tpu.memory_space<vmem>>, vector<1x16xf32>,
        %get3A_1793 = vector.shape_cast %get3A_1792 : vector<1x16xf32> to vector<16xf32>
        %add3A_1794 = arith.addf %get3A_1785, %get3A_1793 : vector<16xf32>
        %add3A_1795 = arith.addf %add3A_1689, %add3A_1704 : vector<16xf32>
        %add3A_1796 = arith.addf %add3A_1719, %add3A_1734 : vector<16xf32>
        %add3A_1797 = arith.addf %add3A_1749, %add3A_1764 : vector<16xf32>
        %add3A_1798 = arith.addf %add3A_1779, %add3A_1794 : vector<16xf32>
        %add3A_1799 = arith.addf %add3A_1795, %add3A_1796 : vector<16xf32>
        %add3A_1800 = arith.addf %add3A_1797, %add3A_1798 : vector<16xf32>
        %add3A_1801 = arith.addf %add3A_1799, %add3A_1800 : vector<16xf32>
        %mul3A_1802 = arith.constant 8 : i32
        %mul3A_1803 = arith.muli %mul3A_16, %mul3A_1802 : i32
        %add3A_1804 = arith.addi %mul3A_1803, %scan3A_1132 : i32
        %swap3A_1805 = arith.index_cast %add3A_1804 : i32 to index
        %swap3A_1806 = arith.constant 64 : index
        %swap3A_1807 = tpu.vector_load %arg8[%swap3A_1805, %swap3A_1806] {strides = array<i32>} : memref<320x128xf32, #tpu.memory_space<vmem>>, vector<1x16xf32>,
        %swap3A_1808 = vector.shape_cast %swap3A_1807 : vector<1x16xf32> to vector<16xf32>
        %swap3A_1809 = vector.shape_cast %add3A_1801 : vector<16xf32> to vector<1x16xf32>
        tpu.vector_store %arg8[%swap3A_1805, %swap3A_1806], %swap3A_1809 {strides = array<i32>} : memref<320x128xf32, #tpu.memory_space<vmem>>, vector<1x16xf32>,
        %add3A_1810 = arith.constant 0 : i32
        %add3A_1811 = arith.addi %mul3A_1134, %add3A_1810 : i32
        %get3A_1812 = arith.index_cast %add3A_1811 : i32 to index
        %get3A_1813 = arith.constant 80 : index
        %get3A_1814 = tpu.vector_load %arg6[%get3A_1812, %get3A_1813] {strides = array<i32>} : memref<128x128xf32, #tpu.memory_space<vmem>>, vector<1x16xf32>,
        %get3A_1815 = vector.shape_cast %get3A_1814 : vector<1x16xf32> to vector<16xf32>
        %add3A_1816 = arith.constant 0 : i32
        %add3A_1817 = arith.addi %mul3A_1134, %add3A_1816 : i32
        %add3A_1818 = arith.constant 1 : i32
        %add3A_1819 = arith.addi %add3A_1817, %add3A_1818 : i32
        %get3A_1820 = arith.index_cast %add3A_1819 : i32 to index
        %get3A_1821 = arith.constant 80 : index
        %get3A_1822 = tpu.vector_load %arg6[%get3A_1820, %get3A_1821] {strides = array<i32>} : memref<128x128xf32, #tpu.memory_space<vmem>>, vector<1x16xf32>,
        %get3A_1823 = vector.shape_cast %get3A_1822 : vector<1x16xf32> to vector<16xf32>
        %add3A_1824 = arith.addf %get3A_1815, %get3A_1823 : vector<16xf32>
        %add3A_1825 = arith.constant 2 : i32
        %add3A_1826 = arith.addi %mul3A_1134, %add3A_1825 : i32
        %get3A_1827 = arith.index_cast %add3A_1826 : i32 to index
        %get3A_1828 = arith.constant 80 : index
        %get3A_1829 = tpu.vector_load %arg6[%get3A_1827, %get3A_1828] {strides = array<i32>} : memref<128x128xf32, #tpu.memory_space<vmem>>, vector<1x16xf32>,
        %get3A_1830 = vector.shape_cast %get3A_1829 : vector<1x16xf32> to vector<16xf32>
        %add3A_1831 = arith.constant 2 : i32
        %add3A_1832 = arith.addi %mul3A_1134, %add3A_1831 : i32
        %add3A_1833 = arith.constant 1 : i32
        %add3A_1834 = arith.addi %add3A_1832, %add3A_1833 : i32
        %get3A_1835 = arith.index_cast %add3A_1834 : i32 to index
        %get3A_1836 = arith.constant 80 : index
        %get3A_1837 = tpu.vector_load %arg6[%get3A_1835, %get3A_1836] {strides = array<i32>} : memref<128x128xf32, #tpu.memory_space<vmem>>, vector<1x16xf32>,
        %get3A_1838 = vector.shape_cast %get3A_1837 : vector<1x16xf32> to vector<16xf32>
        %add3A_1839 = arith.addf %get3A_1830, %get3A_1838 : vector<16xf32>
        %add3A_1840 = arith.constant 4 : i32
        %add3A_1841 = arith.addi %mul3A_1134, %add3A_1840 : i32
        %get3A_1842 = arith.index_cast %add3A_1841 : i32 to index
        %get3A_1843 = arith.constant 80 : index
        %get3A_1844 = tpu.vector_load %arg6[%get3A_1842, %get3A_1843] {strides = array<i32>} : memref<128x128xf32, #tpu.memory_space<vmem>>, vector<1x16xf32>,
        %get3A_1845 = vector.shape_cast %get3A_1844 : vector<1x16xf32> to vector<16xf32>
        %add3A_1846 = arith.constant 4 : i32
        %add3A_1847 = arith.addi %mul3A_1134, %add3A_1846 : i32
        %add3A_1848 = arith.constant 1 : i32
        %add3A_1849 = arith.addi %add3A_1847, %add3A_1848 : i32
        %get3A_1850 = arith.index_cast %add3A_1849 : i32 to index
        %get3A_1851 = arith.constant 80 : index
        %get3A_1852 = tpu.vector_load %arg6[%get3A_1850, %get3A_1851] {strides = array<i32>} : memref<128x128xf32, #tpu.memory_space<vmem>>, vector<1x16xf32>,
        %get3A_1853 = vector.shape_cast %get3A_1852 : vector<1x16xf32> to vector<16xf32>
        %add3A_1854 = arith.addf %get3A_1845, %get3A_1853 : vector<16xf32>
        %add3A_1855 = arith.constant 6 : i32
        %add3A_1856 = arith.addi %mul3A_1134, %add3A_1855 : i32
        %get3A_1857 = arith.index_cast %add3A_1856 : i32 to index
        %get3A_1858 = arith.constant 80 : index
        %get3A_1859 = tpu.vector_load %arg6[%get3A_1857, %get3A_1858] {strides = array<i32>} : memref<128x128xf32, #tpu.memory_space<vmem>>, vector<1x16xf32>,
        %get3A_1860 = vector.shape_cast %get3A_1859 : vector<1x16xf32> to vector<16xf32>
        %add3A_1861 = arith.constant 6 : i32
        %add3A_1862 = arith.addi %mul3A_1134, %add3A_1861 : i32
        %add3A_1863 = arith.constant 1 : i32
        %add3A_1864 = arith.addi %add3A_1862, %add3A_1863 : i32
        %get3A_1865 = arith.index_cast %add3A_1864 : i32 to index
        %get3A_1866 = arith.constant 80 : index
        %get3A_1867 = tpu.vector_load %arg6[%get3A_1865, %get3A_1866] {strides = array<i32>} : memref<128x128xf32, #tpu.memory_space<vmem>>, vector<1x16xf32>,
        %get3A_1868 = vector.shape_cast %get3A_1867 : vector<1x16xf32> to vector<16xf32>
        %add3A_1869 = arith.addf %get3A_1860, %get3A_1868 : vector<16xf32>
        %add3A_1870 = arith.constant 8 : i32
        %add3A_1871 = arith.addi %mul3A_1134, %add3A_1870 : i32
        %get3A_1872 = arith.index_cast %add3A_1871 : i32 to index
        %get3A_1873 = arith.constant 80 : index
        %get3A_1874 = tpu.vector_load %arg6[%get3A_1872, %get3A_1873] {strides = array<i32>} : memref<128x128xf32, #tpu.memory_space<vmem>>, vector<1x16xf32>,
        %get3A_1875 = vector.shape_cast %get3A_1874 : vector<1x16xf32> to vector<16xf32>
        %add3A_1876 = arith.constant 8 : i32
        %add3A_1877 = arith.addi %mul3A_1134, %add3A_1876 : i32
        %add3A_1878 = arith.constant 1 : i32
        %add3A_1879 = arith.addi %add3A_1877, %add3A_1878 : i32
        %get3A_1880 = arith.index_cast %add3A_1879 : i32 to index
        %get3A_1881 = arith.constant 80 : index
        %get3A_1882 = tpu.vector_load %arg6[%get3A_1880, %get3A_1881] {strides = array<i32>} : memref<128x128xf32, #tpu.memory_space<vmem>>, vector<1x16xf32>,
        %get3A_1883 = vector.shape_cast %get3A_1882 : vector<1x16xf32> to vector<16xf32>
        %add3A_1884 = arith.addf %get3A_1875, %get3A_1883 : vector<16xf32>
        %add3A_1885 = arith.constant 10 : i32
        %add3A_1886 = arith.addi %mul3A_1134, %add3A_1885 : i32
        %get3A_1887 = arith.index_cast %add3A_1886 : i32 to index
        %get3A_1888 = arith.constant 80 : index
        %get3A_1889 = tpu.vector_load %arg6[%get3A_1887, %get3A_1888] {strides = array<i32>} : memref<128x128xf32, #tpu.memory_space<vmem>>, vector<1x16xf32>,
        %get3A_1890 = vector.shape_cast %get3A_1889 : vector<1x16xf32> to vector<16xf32>
        %add3A_1891 = arith.constant 10 : i32
        %add3A_1892 = arith.addi %mul3A_1134, %add3A_1891 : i32
        %add3A_1893 = arith.constant 1 : i32
        %add3A_1894 = arith.addi %add3A_1892, %add3A_1893 : i32
        %get3A_1895 = arith.index_cast %add3A_1894 : i32 to index
        %get3A_1896 = arith.constant 80 : index
        %get3A_1897 = tpu.vector_load %arg6[%get3A_1895, %get3A_1896] {strides = array<i32>} : memref<128x128xf32, #tpu.memory_space<vmem>>, vector<1x16xf32>,
        %get3A_1898 = vector.shape_cast %get3A_1897 : vector<1x16xf32> to vector<16xf32>
        %add3A_1899 = arith.addf %get3A_1890, %get3A_1898 : vector<16xf32>
        %add3A_1900 = arith.constant 12 : i32
        %add3A_1901 = arith.addi %mul3A_1134, %add3A_1900 : i32
        %get3A_1902 = arith.index_cast %add3A_1901 : i32 to index
        %get3A_1903 = arith.constant 80 : index
        %get3A_1904 = tpu.vector_load %arg6[%get3A_1902, %get3A_1903] {strides = array<i32>} : memref<128x128xf32, #tpu.memory_space<vmem>>, vector<1x16xf32>,
        %get3A_1905 = vector.shape_cast %get3A_1904 : vector<1x16xf32> to vector<16xf32>
        %add3A_1906 = arith.constant 12 : i32
        %add3A_1907 = arith.addi %mul3A_1134, %add3A_1906 : i32
        %add3A_1908 = arith.constant 1 : i32
        %add3A_1909 = arith.addi %add3A_1907, %add3A_1908 : i32
        %get3A_1910 = arith.index_cast %add3A_1909 : i32 to index
        %get3A_1911 = arith.constant 80 : index
        %get3A_1912 = tpu.vector_load %arg6[%get3A_1910, %get3A_1911] {strides = array<i32>} : memref<128x128xf32, #tpu.memory_space<vmem>>, vector<1x16xf32>,
        %get3A_1913 = vector.shape_cast %get3A_1912 : vector<1x16xf32> to vector<16xf32>
        %add3A_1914 = arith.addf %get3A_1905, %get3A_1913 : vector<16xf32>
        %add3A_1915 = arith.constant 14 : i32
        %add3A_1916 = arith.addi %mul3A_1134, %add3A_1915 : i32
        %get3A_1917 = arith.index_cast %add3A_1916 : i32 to index
        %get3A_1918 = arith.constant 80 : index
        %get3A_1919 = tpu.vector_load %arg6[%get3A_1917, %get3A_1918] {strides = array<i32>} : memref<128x128xf32, #tpu.memory_space<vmem>>, vector<1x16xf32>,
        %get3A_1920 = vector.shape_cast %get3A_1919 : vector<1x16xf32> to vector<16xf32>
        %add3A_1921 = arith.constant 14 : i32
        %add3A_1922 = arith.addi %mul3A_1134, %add3A_1921 : i32
        %add3A_1923 = arith.constant 1 : i32
        %add3A_1924 = arith.addi %add3A_1922, %add3A_1923 : i32
        %get3A_1925 = arith.index_cast %add3A_1924 : i32 to index
        %get3A_1926 = arith.constant 80 : index
        %get3A_1927 = tpu.vector_load %arg6[%get3A_1925, %get3A_1926] {strides = array<i32>} : memref<128x128xf32, #tpu.memory_space<vmem>>, vector<1x16xf32>,
        %get3A_1928 = vector.shape_cast %get3A_1927 : vector<1x16xf32> to vector<16xf32>
        %add3A_1929 = arith.addf %get3A_1920, %get3A_1928 : vector<16xf32>
        %add3A_1930 = arith.addf %add3A_1824, %add3A_1839 : vector<16xf32>
        %add3A_1931 = arith.addf %add3A_1854, %add3A_1869 : vector<16xf32>
        %add3A_1932 = arith.addf %add3A_1884, %add3A_1899 : vector<16xf32>
        %add3A_1933 = arith.addf %add3A_1914, %add3A_1929 : vector<16xf32>
        %add3A_1934 = arith.addf %add3A_1930, %add3A_1931 : vector<16xf32>
        %add3A_1935 = arith.addf %add3A_1932, %add3A_1933 : vector<16xf32>
        %add3A_1936 = arith.addf %add3A_1934, %add3A_1935 : vector<16xf32>
        %mul3A_1937 = arith.constant 8 : i32
        %mul3A_1938 = arith.muli %mul3A_16, %mul3A_1937 : i32
        %add3A_1939 = arith.addi %mul3A_1938, %scan3A_1132 : i32
        %swap3A_1940 = arith.index_cast %add3A_1939 : i32 to index
        %swap3A_1941 = arith.constant 80 : index
        %swap3A_1942 = tpu.vector_load %arg8[%swap3A_1940, %swap3A_1941] {strides = array<i32>} : memref<320x128xf32, #tpu.memory_space<vmem>>, vector<1x16xf32>,
        %swap3A_1943 = vector.shape_cast %swap3A_1942 : vector<1x16xf32> to vector<16xf32>
        %swap3A_1944 = vector.shape_cast %add3A_1936 : vector<16xf32> to vector<1x16xf32>
        tpu.vector_store %arg8[%swap3A_1940, %swap3A_1941], %swap3A_1944 {strides = array<i32>} : memref<320x128xf32, #tpu.memory_space<vmem>>, vector<1x16xf32>,
        %add3A_1945 = arith.constant 0 : i32
        %add3A_1946 = arith.addi %mul3A_1134, %add3A_1945 : i32
        %get3A_1947 = arith.index_cast %add3A_1946 : i32 to index
        %get3A_1948 = arith.constant 96 : index
        %get3A_1949 = tpu.vector_load %arg6[%get3A_1947, %get3A_1948] {strides = array<i32>} : memref<128x128xf32, #tpu.memory_space<vmem>>, vector<1x16xf32>,
        %get3A_1950 = vector.shape_cast %get3A_1949 : vector<1x16xf32> to vector<16xf32>
        %add3A_1951 = arith.constant 0 : i32
        %add3A_1952 = arith.addi %mul3A_1134, %add3A_1951 : i32
        %add3A_1953 = arith.constant 1 : i32
        %add3A_1954 = arith.addi %add3A_1952, %add3A_1953 : i32
        %get3A_1955 = arith.index_cast %add3A_1954 : i32 to index
        %get3A_1956 = arith.constant 96 : index
        %get3A_1957 = tpu.vector_load %arg6[%get3A_1955, %get3A_1956] {strides = array<i32>} : memref<128x128xf32, #tpu.memory_space<vmem>>, vector<1x16xf32>,
        %get3A_1958 = vector.shape_cast %get3A_1957 : vector<1x16xf32> to vector<16xf32>
        %add3A_1959 = arith.addf %get3A_1950, %get3A_1958 : vector<16xf32>
        %add3A_1960 = arith.constant 2 : i32
        %add3A_1961 = arith.addi %mul3A_1134, %add3A_1960 : i32
        %get3A_1962 = arith.index_cast %add3A_1961 : i32 to index
        %get3A_1963 = arith.constant 96 : index
        %get3A_1964 = tpu.vector_load %arg6[%get3A_1962, %get3A_1963] {strides = array<i32>} : memref<128x128xf32, #tpu.memory_space<vmem>>, vector<1x16xf32>,
        %get3A_1965 = vector.shape_cast %get3A_1964 : vector<1x16xf32> to vector<16xf32>
        %add3A_1966 = arith.constant 2 : i32
        %add3A_1967 = arith.addi %mul3A_1134, %add3A_1966 : i32
        %add3A_1968 = arith.constant 1 : i32
        %add3A_1969 = arith.addi %add3A_1967, %add3A_1968 : i32
        %get3A_1970 = arith.index_cast %add3A_1969 : i32 to index
        %get3A_1971 = arith.constant 96 : index
        %get3A_1972 = tpu.vector_load %arg6[%get3A_1970, %get3A_1971] {strides = array<i32>} : memref<128x128xf32, #tpu.memory_space<vmem>>, vector<1x16xf32>,
        %get3A_1973 = vector.shape_cast %get3A_1972 : vector<1x16xf32> to vector<16xf32>
        %add3A_1974 = arith.addf %get3A_1965, %get3A_1973 : vector<16xf32>
        %add3A_1975 = arith.constant 4 : i32
        %add3A_1976 = arith.addi %mul3A_1134, %add3A_1975 : i32
        %get3A_1977 = arith.index_cast %add3A_1976 : i32 to index
        %get3A_1978 = arith.constant 96 : index
        %get3A_1979 = tpu.vector_load %arg6[%get3A_1977, %get3A_1978] {strides = array<i32>} : memref<128x128xf32, #tpu.memory_space<vmem>>, vector<1x16xf32>,
        %get3A_1980 = vector.shape_cast %get3A_1979 : vector<1x16xf32> to vector<16xf32>
        %add3A_1981 = arith.constant 4 : i32
        %add3A_1982 = arith.addi %mul3A_1134, %add3A_1981 : i32
        %add3A_1983 = arith.constant 1 : i32
        %add3A_1984 = arith.addi %add3A_1982, %add3A_1983 : i32
        %get3A_1985 = arith.index_cast %add3A_1984 : i32 to index
        %get3A_1986 = arith.constant 96 : index
        %get3A_1987 = tpu.vector_load %arg6[%get3A_1985, %get3A_1986] {strides = array<i32>} : memref<128x128xf32, #tpu.memory_space<vmem>>, vector<1x16xf32>,
        %get3A_1988 = vector.shape_cast %get3A_1987 : vector<1x16xf32> to vector<16xf32>
        %add3A_1989 = arith.addf %get3A_1980, %get3A_1988 : vector<16xf32>
        %add3A_1990 = arith.constant 6 : i32
        %add3A_1991 = arith.addi %mul3A_1134, %add3A_1990 : i32
        %get3A_1992 = arith.index_cast %add3A_1991 : i32 to index
        %get3A_1993 = arith.constant 96 : index
        %get3A_1994 = tpu.vector_load %arg6[%get3A_1992, %get3A_1993] {strides = array<i32>} : memref<128x128xf32, #tpu.memory_space<vmem>>, vector<1x16xf32>,
        %get3A_1995 = vector.shape_cast %get3A_1994 : vector<1x16xf32> to vector<16xf32>
        %add3A_1996 = arith.constant 6 : i32
        %add3A_1997 = arith.addi %mul3A_1134, %add3A_1996 : i32
        %add3A_1998 = arith.constant 1 : i32
        %add3A_1999 = arith.addi %add3A_1997, %add3A_1998 : i32
        %get3A_2000 = arith.index_cast %add3A_1999 : i32 to index
        %get3A_2001 = arith.constant 96 : index
        %get3A_2002 = tpu.vector_load %arg6[%get3A_2000, %get3A_2001] {strides = array<i32>} : memref<128x128xf32, #tpu.memory_space<vmem>>, vector<1x16xf32>,
        %get3A_2003 = vector.shape_cast %get3A_2002 : vector<1x16xf32> to vector<16xf32>
        %add3A_2004 = arith.addf %get3A_1995, %get3A_2003 : vector<16xf32>
        %add3A_2005 = arith.constant 8 : i32
        %add3A_2006 = arith.addi %mul3A_1134, %add3A_2005 : i32
        %get3A_2007 = arith.index_cast %add3A_2006 : i32 to index
        %get3A_2008 = arith.constant 96 : index
        %get3A_2009 = tpu.vector_load %arg6[%get3A_2007, %get3A_2008] {strides = array<i32>} : memref<128x128xf32, #tpu.memory_space<vmem>>, vector<1x16xf32>,
        %get3A_2010 = vector.shape_cast %get3A_2009 : vector<1x16xf32> to vector<16xf32>
        %add3A_2011 = arith.constant 8 : i32
        %add3A_2012 = arith.addi %mul3A_1134, %add3A_2011 : i32
        %add3A_2013 = arith.constant 1 : i32
        %add3A_2014 = arith.addi %add3A_2012, %add3A_2013 : i32
        %get3A_2015 = arith.index_cast %add3A_2014 : i32 to index
        %get3A_2016 = arith.constant 96 : index
        %get3A_2017 = tpu.vector_load %arg6[%get3A_2015, %get3A_2016] {strides = array<i32>} : memref<128x128xf32, #tpu.memory_space<vmem>>, vector<1x16xf32>,
        %get3A_2018 = vector.shape_cast %get3A_2017 : vector<1x16xf32> to vector<16xf32>
        %add3A_2019 = arith.addf %get3A_2010, %get3A_2018 : vector<16xf32>
        %add3A_2020 = arith.constant 10 : i32
        %add3A_2021 = arith.addi %mul3A_1134, %add3A_2020 : i32
        %get3A_2022 = arith.index_cast %add3A_2021 : i32 to index
        %get3A_2023 = arith.constant 96 : index
        %get3A_2024 = tpu.vector_load %arg6[%get3A_2022, %get3A_2023] {strides = array<i32>} : memref<128x128xf32, #tpu.memory_space<vmem>>, vector<1x16xf32>,
        %get3A_2025 = vector.shape_cast %get3A_2024 : vector<1x16xf32> to vector<16xf32>
        %add3A_2026 = arith.constant 10 : i32
        %add3A_2027 = arith.addi %mul3A_1134, %add3A_2026 : i32
        %add3A_2028 = arith.constant 1 : i32
        %add3A_2029 = arith.addi %add3A_2027, %add3A_2028 : i32
        %get3A_2030 = arith.index_cast %add3A_2029 : i32 to index
        %get3A_2031 = arith.constant 96 : index
        %get3A_2032 = tpu.vector_load %arg6[%get3A_2030, %get3A_2031] {strides = array<i32>} : memref<128x128xf32, #tpu.memory_space<vmem>>, vector<1x16xf32>,
        %get3A_2033 = vector.shape_cast %get3A_2032 : vector<1x16xf32> to vector<16xf32>
        %add3A_2034 = arith.addf %get3A_2025, %get3A_2033 : vector<16xf32>
        %add3A_2035 = arith.constant 12 : i32
        %add3A_2036 = arith.addi %mul3A_1134, %add3A_2035 : i32
        %get3A_2037 = arith.index_cast %add3A_2036 : i32 to index
        %get3A_2038 = arith.constant 96 : index
        %get3A_2039 = tpu.vector_load %arg6[%get3A_2037, %get3A_2038] {strides = array<i32>} : memref<128x128xf32, #tpu.memory_space<vmem>>, vector<1x16xf32>,
        %get3A_2040 = vector.shape_cast %get3A_2039 : vector<1x16xf32> to vector<16xf32>
        %add3A_2041 = arith.constant 12 : i32
        %add3A_2042 = arith.addi %mul3A_1134, %add3A_2041 : i32
        %add3A_2043 = arith.constant 1 : i32
        %add3A_2044 = arith.addi %add3A_2042, %add3A_2043 : i32
        %get3A_2045 = arith.index_cast %add3A_2044 : i32 to index
        %get3A_2046 = arith.constant 96 : index
        %get3A_2047 = tpu.vector_load %arg6[%get3A_2045, %get3A_2046] {strides = array<i32>} : memref<128x128xf32, #tpu.memory_space<vmem>>, vector<1x16xf32>,
        %get3A_2048 = vector.shape_cast %get3A_2047 : vector<1x16xf32> to vector<16xf32>
        %add3A_2049 = arith.addf %get3A_2040, %get3A_2048 : vector<16xf32>
        %add3A_2050 = arith.constant 14 : i32
        %add3A_2051 = arith.addi %mul3A_1134, %add3A_2050 : i32
        %get3A_2052 = arith.index_cast %add3A_2051 : i32 to index
        %get3A_2053 = arith.constant 96 : index
        %get3A_2054 = tpu.vector_load %arg6[%get3A_2052, %get3A_2053] {strides = array<i32>} : memref<128x128xf32, #tpu.memory_space<vmem>>, vector<1x16xf32>,
        %get3A_2055 = vector.shape_cast %get3A_2054 : vector<1x16xf32> to vector<16xf32>
        %add3A_2056 = arith.constant 14 : i32
        %add3A_2057 = arith.addi %mul3A_1134, %add3A_2056 : i32
        %add3A_2058 = arith.constant 1 : i32
        %add3A_2059 = arith.addi %add3A_2057, %add3A_2058 : i32
        %get3A_2060 = arith.index_cast %add3A_2059 : i32 to index
        %get3A_2061 = arith.constant 96 : index
        %get3A_2062 = tpu.vector_load %arg6[%get3A_2060, %get3A_2061] {strides = array<i32>} : memref<128x128xf32, #tpu.memory_space<vmem>>, vector<1x16xf32>,
        %get3A_2063 = vector.shape_cast %get3A_2062 : vector<1x16xf32> to vector<16xf32>
        %add3A_2064 = arith.addf %get3A_2055, %get3A_2063 : vector<16xf32>
        %add3A_2065 = arith.addf %add3A_1959, %add3A_1974 : vector<16xf32>
        %add3A_2066 = arith.addf %add3A_1989, %add3A_2004 : vector<16xf32>
        %add3A_2067 = arith.addf %add3A_2019, %add3A_2034 : vector<16xf32>
        %add3A_2068 = arith.addf %add3A_2049, %add3A_2064 : vector<16xf32>
        %add3A_2069 = arith.addf %add3A_2065, %add3A_2066 : vector<16xf32>
        %add3A_2070 = arith.addf %add3A_2067, %add3A_2068 : vector<16xf32>
        %add3A_2071 = arith.addf %add3A_2069, %add3A_2070 : vector<16xf32>
        %mul3A_2072 = arith.constant 8 : i32
        %mul3A_2073 = arith.muli %mul3A_16, %mul3A_2072 : i32
        %add3A_2074 = arith.addi %mul3A_2073, %scan3A_1132 : i32
        %swap3A_2075 = arith.index_cast %add3A_2074 : i32 to index
        %swap3A_2076 = arith.constant 96 : index
        %swap3A_2077 = tpu.vector_load %arg8[%swap3A_2075, %swap3A_2076] {strides = array<i32>} : memref<320x128xf32, #tpu.memory_space<vmem>>, vector<1x16xf32>,
        %swap3A_2078 = vector.shape_cast %swap3A_2077 : vector<1x16xf32> to vector<16xf32>
        %swap3A_2079 = vector.shape_cast %add3A_2071 : vector<16xf32> to vector<1x16xf32>
        tpu.vector_store %arg8[%swap3A_2075, %swap3A_2076], %swap3A_2079 {strides = array<i32>} : memref<320x128xf32, #tpu.memory_space<vmem>>, vector<1x16xf32>,
        %add3A_2080 = arith.constant 0 : i32
        %add3A_2081 = arith.addi %mul3A_1134, %add3A_2080 : i32
        %get3A_2082 = arith.index_cast %add3A_2081 : i32 to index
        %get3A_2083 = arith.constant 112 : index
        %get3A_2084 = tpu.vector_load %arg6[%get3A_2082, %get3A_2083] {strides = array<i32>} : memref<128x128xf32, #tpu.memory_space<vmem>>, vector<1x16xf32>,
        %get3A_2085 = vector.shape_cast %get3A_2084 : vector<1x16xf32> to vector<16xf32>
        %add3A_2086 = arith.constant 0 : i32
        %add3A_2087 = arith.addi %mul3A_1134, %add3A_2086 : i32
        %add3A_2088 = arith.constant 1 : i32
        %add3A_2089 = arith.addi %add3A_2087, %add3A_2088 : i32
        %get3A_2090 = arith.index_cast %add3A_2089 : i32 to index
        %get3A_2091 = arith.constant 112 : index
        %get3A_2092 = tpu.vector_load %arg6[%get3A_2090, %get3A_2091] {strides = array<i32>} : memref<128x128xf32, #tpu.memory_space<vmem>>, vector<1x16xf32>,
        %get3A_2093 = vector.shape_cast %get3A_2092 : vector<1x16xf32> to vector<16xf32>
        %add3A_2094 = arith.addf %get3A_2085, %get3A_2093 : vector<16xf32>
        %add3A_2095 = arith.constant 2 : i32
        %add3A_2096 = arith.addi %mul3A_1134, %add3A_2095 : i32
        %get3A_2097 = arith.index_cast %add3A_2096 : i32 to index
        %get3A_2098 = arith.constant 112 : index
        %get3A_2099 = tpu.vector_load %arg6[%get3A_2097, %get3A_2098] {strides = array<i32>} : memref<128x128xf32, #tpu.memory_space<vmem>>, vector<1x16xf32>,
        %get3A_2100 = vector.shape_cast %get3A_2099 : vector<1x16xf32> to vector<16xf32>
        %add3A_2101 = arith.constant 2 : i32
        %add3A_2102 = arith.addi %mul3A_1134, %add3A_2101 : i32
        %add3A_2103 = arith.constant 1 : i32
        %add3A_2104 = arith.addi %add3A_2102, %add3A_2103 : i32
        %get3A_2105 = arith.index_cast %add3A_2104 : i32 to index
        %get3A_2106 = arith.constant 112 : index
        %get3A_2107 = tpu.vector_load %arg6[%get3A_2105, %get3A_2106] {strides = array<i32>} : memref<128x128xf32, #tpu.memory_space<vmem>>, vector<1x16xf32>,
        %get3A_2108 = vector.shape_cast %get3A_2107 : vector<1x16xf32> to vector<16xf32>
        %add3A_2109 = arith.addf %get3A_2100, %get3A_2108 : vector<16xf32>
        %add3A_2110 = arith.constant 4 : i32
        %add3A_2111 = arith.addi %mul3A_1134, %add3A_2110 : i32
        %get3A_2112 = arith.index_cast %add3A_2111 : i32 to index
        %get3A_2113 = arith.constant 112 : index
        %get3A_2114 = tpu.vector_load %arg6[%get3A_2112, %get3A_2113] {strides = array<i32>} : memref<128x128xf32, #tpu.memory_space<vmem>>, vector<1x16xf32>,
        %get3A_2115 = vector.shape_cast %get3A_2114 : vector<1x16xf32> to vector<16xf32>
        %add3A_2116 = arith.constant 4 : i32
        %add3A_2117 = arith.addi %mul3A_1134, %add3A_2116 : i32
        %add3A_2118 = arith.constant 1 : i32
        %add3A_2119 = arith.addi %add3A_2117, %add3A_2118 : i32
        %get3A_2120 = arith.index_cast %add3A_2119 : i32 to index
        %get3A_2121 = arith.constant 112 : index
        %get3A_2122 = tpu.vector_load %arg6[%get3A_2120, %get3A_2121] {strides = array<i32>} : memref<128x128xf32, #tpu.memory_space<vmem>>, vector<1x16xf32>,
        %get3A_2123 = vector.shape_cast %get3A_2122 : vector<1x16xf32> to vector<16xf32>
        %add3A_2124 = arith.addf %get3A_2115, %get3A_2123 : vector<16xf32>
        %add3A_2125 = arith.constant 6 : i32
        %add3A_2126 = arith.addi %mul3A_1134, %add3A_2125 : i32
        %get3A_2127 = arith.index_cast %add3A_2126 : i32 to index
        %get3A_2128 = arith.constant 112 : index
        %get3A_2129 = tpu.vector_load %arg6[%get3A_2127, %get3A_2128] {strides = array<i32>} : memref<128x128xf32, #tpu.memory_space<vmem>>, vector<1x16xf32>,
        %get3A_2130 = vector.shape_cast %get3A_2129 : vector<1x16xf32> to vector<16xf32>
        %add3A_2131 = arith.constant 6 : i32
        %add3A_2132 = arith.addi %mul3A_1134, %add3A_2131 : i32
        %add3A_2133 = arith.constant 1 : i32
        %add3A_2134 = arith.addi %add3A_2132, %add3A_2133 : i32
        %get3A_2135 = arith.index_cast %add3A_2134 : i32 to index
        %get3A_2136 = arith.constant 112 : index
        %get3A_2137 = tpu.vector_load %arg6[%get3A_2135, %get3A_2136] {strides = array<i32>} : memref<128x128xf32, #tpu.memory_space<vmem>>, vector<1x16xf32>,
        %get3A_2138 = vector.shape_cast %get3A_2137 : vector<1x16xf32> to vector<16xf32>
        %add3A_2139 = arith.addf %get3A_2130, %get3A_2138 : vector<16xf32>
        %add3A_2140 = arith.constant 8 : i32
        %add3A_2141 = arith.addi %mul3A_1134, %add3A_2140 : i32
        %get3A_2142 = arith.index_cast %add3A_2141 : i32 to index
        %get3A_2143 = arith.constant 112 : index
        %get3A_2144 = tpu.vector_load %arg6[%get3A_2142, %get3A_2143] {strides = array<i32>} : memref<128x128xf32, #tpu.memory_space<vmem>>, vector<1x16xf32>,
        %get3A_2145 = vector.shape_cast %get3A_2144 : vector<1x16xf32> to vector<16xf32>
        %add3A_2146 = arith.constant 8 : i32
        %add3A_2147 = arith.addi %mul3A_1134, %add3A_2146 : i32
        %add3A_2148 = arith.constant 1 : i32
        %add3A_2149 = arith.addi %add3A_2147, %add3A_2148 : i32
        %get3A_2150 = arith.index_cast %add3A_2149 : i32 to index
        %get3A_2151 = arith.constant 112 : index
        %get3A_2152 = tpu.vector_load %arg6[%get3A_2150, %get3A_2151] {strides = array<i32>} : memref<128x128xf32, #tpu.memory_space<vmem>>, vector<1x16xf32>,
        %get3A_2153 = vector.shape_cast %get3A_2152 : vector<1x16xf32> to vector<16xf32>
        %add3A_2154 = arith.addf %get3A_2145, %get3A_2153 : vector<16xf32>
        %add3A_2155 = arith.constant 10 : i32
        %add3A_2156 = arith.addi %mul3A_1134, %add3A_2155 : i32
        %get3A_2157 = arith.index_cast %add3A_2156 : i32 to index
        %get3A_2158 = arith.constant 112 : index
        %get3A_2159 = tpu.vector_load %arg6[%get3A_2157, %get3A_2158] {strides = array<i32>} : memref<128x128xf32, #tpu.memory_space<vmem>>, vector<1x16xf32>,
        %get3A_2160 = vector.shape_cast %get3A_2159 : vector<1x16xf32> to vector<16xf32>
        %add3A_2161 = arith.constant 10 : i32
        %add3A_2162 = arith.addi %mul3A_1134, %add3A_2161 : i32
        %add3A_2163 = arith.constant 1 : i32
        %add3A_2164 = arith.addi %add3A_2162, %add3A_2163 : i32
        %get3A_2165 = arith.index_cast %add3A_2164 : i32 to index
        %get3A_2166 = arith.constant 112 : index
        %get3A_2167 = tpu.vector_load %arg6[%get3A_2165, %get3A_2166] {strides = array<i32>} : memref<128x128xf32, #tpu.memory_space<vmem>>, vector<1x16xf32>,
        %get3A_2168 = vector.shape_cast %get3A_2167 : vector<1x16xf32> to vector<16xf32>
        %add3A_2169 = arith.addf %get3A_2160, %get3A_2168 : vector<16xf32>
        %add3A_2170 = arith.constant 12 : i32
        %add3A_2171 = arith.addi %mul3A_1134, %add3A_2170 : i32
        %get3A_2172 = arith.index_cast %add3A_2171 : i32 to index
        %get3A_2173 = arith.constant 112 : index
        %get3A_2174 = tpu.vector_load %arg6[%get3A_2172, %get3A_2173] {strides = array<i32>} : memref<128x128xf32, #tpu.memory_space<vmem>>, vector<1x16xf32>,
        %get3A_2175 = vector.shape_cast %get3A_2174 : vector<1x16xf32> to vector<16xf32>
        %add3A_2176 = arith.constant 12 : i32
        %add3A_2177 = arith.addi %mul3A_1134, %add3A_2176 : i32
        %add3A_2178 = arith.constant 1 : i32
        %add3A_2179 = arith.addi %add3A_2177, %add3A_2178 : i32
        %get3A_2180 = arith.index_cast %add3A_2179 : i32 to index
        %get3A_2181 = arith.constant 112 : index
        %get3A_2182 = tpu.vector_load %arg6[%get3A_2180, %get3A_2181] {strides = array<i32>} : memref<128x128xf32, #tpu.memory_space<vmem>>, vector<1x16xf32>,
        %get3A_2183 = vector.shape_cast %get3A_2182 : vector<1x16xf32> to vector<16xf32>
        %add3A_2184 = arith.addf %get3A_2175, %get3A_2183 : vector<16xf32>
        %add3A_2185 = arith.constant 14 : i32
        %add3A_2186 = arith.addi %mul3A_1134, %add3A_2185 : i32
        %get3A_2187 = arith.index_cast %add3A_2186 : i32 to index
        %get3A_2188 = arith.constant 112 : index
        %get3A_2189 = tpu.vector_load %arg6[%get3A_2187, %get3A_2188] {strides = array<i32>} : memref<128x128xf32, #tpu.memory_space<vmem>>, vector<1x16xf32>,
        %get3A_2190 = vector.shape_cast %get3A_2189 : vector<1x16xf32> to vector<16xf32>
        %add3A_2191 = arith.constant 14 : i32
        %add3A_2192 = arith.addi %mul3A_1134, %add3A_2191 : i32
        %add3A_2193 = arith.constant 1 : i32
        %add3A_2194 = arith.addi %add3A_2192, %add3A_2193 : i32
        %get3A_2195 = arith.index_cast %add3A_2194 : i32 to index
        %get3A_2196 = arith.constant 112 : index
        %get3A_2197 = tpu.vector_load %arg6[%get3A_2195, %get3A_2196] {strides = array<i32>} : memref<128x128xf32, #tpu.memory_space<vmem>>, vector<1x16xf32>,
        %get3A_2198 = vector.shape_cast %get3A_2197 : vector<1x16xf32> to vector<16xf32>
        %add3A_2199 = arith.addf %get3A_2190, %get3A_2198 : vector<16xf32>
        %add3A_2200 = arith.addf %add3A_2094, %add3A_2109 : vector<16xf32>
        %add3A_2201 = arith.addf %add3A_2124, %add3A_2139 : vector<16xf32>
        %add3A_2202 = arith.addf %add3A_2154, %add3A_2169 : vector<16xf32>
        %add3A_2203 = arith.addf %add3A_2184, %add3A_2199 : vector<16xf32>
        %add3A_2204 = arith.addf %add3A_2200, %add3A_2201 : vector<16xf32>
        %add3A_2205 = arith.addf %add3A_2202, %add3A_2203 : vector<16xf32>
        %add3A_2206 = arith.addf %add3A_2204, %add3A_2205 : vector<16xf32>
        %mul3A_2207 = arith.constant 8 : i32
        %mul3A_2208 = arith.muli %mul3A_16, %mul3A_2207 : i32
        %add3A_2209 = arith.addi %mul3A_2208, %scan3A_1132 : i32
        %swap3A_2210 = arith.index_cast %add3A_2209 : i32 to index
        %swap3A_2211 = arith.constant 112 : index
        %swap3A_2212 = tpu.vector_load %arg8[%swap3A_2210, %swap3A_2211] {strides = array<i32>} : memref<320x128xf32, #tpu.memory_space<vmem>>, vector<1x16xf32>,
        %swap3A_2213 = vector.shape_cast %swap3A_2212 : vector<1x16xf32> to vector<16xf32>
        %swap3A_2214 = vector.shape_cast %add3A_2206 : vector<16xf32> to vector<1x16xf32>
        tpu.vector_store %arg8[%swap3A_2210, %swap3A_2211], %swap3A_2214 {strides = array<i32>} : memref<320x128xf32, #tpu.memory_space<vmem>>, vector<1x16xf32>,
      }
      %scan3A_35 = arith.constant 8 : i32
      %lt3A = arith.constant 19 : i32
      %lt3A_36 = arith.cmpi slt, %scan3A_14, %lt3A : i32
      %convert_element_type3A = arith.extui %lt3A_36 : i1 to i32
      %cond3A = arith.constant 0 : i32
      %cond3A_37 = arith.cmpi ne, %convert_element_type3A, %cond3A : i32
      scf.if %cond3A_37 {
        %add3A_50 = arith.constant 2 : i32
        %add3A_51 = arith.addi %mul3A_16, %add3A_50 : i32
        %mul3A_52 = arith.constant 128 : i32
        %mul3A_53 = arith.muli %add3A_51, %mul3A_52 : i32
        %dma_start3A_54 = tpu.memref_slice %arg5[%mul3A_53] : memref<5120xi32, #tpu.memory_space<vmem>> -> memref<128xi32, #tpu.memory_space<vmem>>
        %dma_start3A_55 = arith.constant 0 : i32
        %dma_start3A_56 = arith.constant 0 : i32
        %dma_start3A_57 = tpu.memref_slice %arg3[%dma_start3A_55, %dma_start3A_56] : memref<50000x128xf32, #tpu.memory_space<hbm>> -> memref<50000x128xf32, #tpu.memory_space<hbm>>
        tpu.enqueue_indirect_dma source(%dma_start3A_57 : memref<50000x128xf32, #tpu.memory_space<hbm>>) target(%arg6 : memref<128x128xf32, #tpu.memory_space<vmem>>) offsets(%dma_start3A_54 : memref<128xi32, #tpu.memory_space<vmem>>) semaphore(%arg9 : memref<!tpu.dma_semaphore, #tpu.memory_space<semaphore_mem>>)
      } else {
      }
      %mul3A_38 = arith.constant 128 : i32
      %mul3A_39 = arith.muli %add3A_18, %mul3A_38 : i32
      %dma_wait3A_40 = tpu.memref_slice %arg5[%mul3A_39] : memref<5120xi32, #tpu.memory_space<vmem>> -> memref<128xi32, #tpu.memory_space<vmem>>
      %dma_wait3A_41 = arith.constant 0 : i32
      %dma_wait3A_42 = arith.constant 0 : i32
      %dma_wait3A_43 = tpu.memref_slice %arg3[%dma_wait3A_41, %dma_wait3A_42] : memref<50000x128xf32, #tpu.memory_space<hbm>> -> memref<50000x128xf32, #tpu.memory_space<hbm>>
      tpu.wait_indirect_dma semaphore(%arg10 : memref<!tpu.dma_semaphore, #tpu.memory_space<semaphore_mem>>) src(%dma_wait3A_43 : memref<50000x128xf32, #tpu.memory_space<hbm>>) dst(%arg7 : memref<128x128xf32, #tpu.memory_space<vmem>>)
      %scan3A_44 = arith.constant 0 : i32
      %scan3A_45 = arith.constant 0 : i32
      %scan3A_46 = arith.constant 8 : i32
      %scan3A_47 = arith.addi %scan3A_45, %scan3A_46 : i32
      %scan3A_48 = arith.constant 2 : i32
      scf.for %scan3A_50 = %scan3A_45 to %scan3A_47 step %scan3A_48  : i32 {
        %mul3A_51 = arith.constant 16 : i32
        %mul3A_52 = arith.muli %scan3A_50, %mul3A_51 : i32
        %add3A_53 = arith.constant 0 : i32
        %add3A_54 = arith.addi %mul3A_52, %add3A_53 : i32
        %get3A = arith.index_cast %add3A_54 : i32 to index
        %get3A_55 = arith.constant 0 : index
        %get3A_56 = tpu.vector_load %arg7[%get3A, %get3A_55] {strides = array<i32>} : memref<128x128xf32, #tpu.memory_space<vmem>>, vector<1x16xf32>,
        %get3A_57 = vector.shape_cast %get3A_56 : vector<1x16xf32> to vector<16xf32>
        %add3A_58 = arith.constant 0 : i32
        %add3A_59 = arith.addi %mul3A_52, %add3A_58 : i32
        %add3A_60 = arith.constant 1 : i32
        %add3A_61 = arith.addi %add3A_59, %add3A_60 : i32
        %get3A_62 = arith.index_cast %add3A_61 : i32 to index
        %get3A_63 = arith.constant 0 : index
        %get3A_64 = tpu.vector_load %arg7[%get3A_62, %get3A_63] {strides = array<i32>} : memref<128x128xf32, #tpu.memory_space<vmem>>, vector<1x16xf32>,
        %get3A_65 = vector.shape_cast %get3A_64 : vector<1x16xf32> to vector<16xf32>
        %add3A_66 = arith.addf %get3A_57, %get3A_65 : vector<16xf32>
        %add3A_67 = arith.constant 2 : i32
        %add3A_68 = arith.addi %mul3A_52, %add3A_67 : i32
        %get3A_69 = arith.index_cast %add3A_68 : i32 to index
        %get3A_70 = arith.constant 0 : index
        %get3A_71 = tpu.vector_load %arg7[%get3A_69, %get3A_70] {strides = array<i32>} : memref<128x128xf32, #tpu.memory_space<vmem>>, vector<1x16xf32>,
        %get3A_72 = vector.shape_cast %get3A_71 : vector<1x16xf32> to vector<16xf32>
        %add3A_73 = arith.constant 2 : i32
        %add3A_74 = arith.addi %mul3A_52, %add3A_73 : i32
        %add3A_75 = arith.constant 1 : i32
        %add3A_76 = arith.addi %add3A_74, %add3A_75 : i32
        %get3A_77 = arith.index_cast %add3A_76 : i32 to index
        %get3A_78 = arith.constant 0 : index
        %get3A_79 = tpu.vector_load %arg7[%get3A_77, %get3A_78] {strides = array<i32>} : memref<128x128xf32, #tpu.memory_space<vmem>>, vector<1x16xf32>,
        %get3A_80 = vector.shape_cast %get3A_79 : vector<1x16xf32> to vector<16xf32>
        %add3A_81 = arith.addf %get3A_72, %get3A_80 : vector<16xf32>
        %add3A_82 = arith.constant 4 : i32
        %add3A_83 = arith.addi %mul3A_52, %add3A_82 : i32
        %get3A_84 = arith.index_cast %add3A_83 : i32 to index
        %get3A_85 = arith.constant 0 : index
        %get3A_86 = tpu.vector_load %arg7[%get3A_84, %get3A_85] {strides = array<i32>} : memref<128x128xf32, #tpu.memory_space<vmem>>, vector<1x16xf32>,
        %get3A_87 = vector.shape_cast %get3A_86 : vector<1x16xf32> to vector<16xf32>
        %add3A_88 = arith.constant 4 : i32
        %add3A_89 = arith.addi %mul3A_52, %add3A_88 : i32
        %add3A_90 = arith.constant 1 : i32
        %add3A_91 = arith.addi %add3A_89, %add3A_90 : i32
        %get3A_92 = arith.index_cast %add3A_91 : i32 to index
        %get3A_93 = arith.constant 0 : index
        %get3A_94 = tpu.vector_load %arg7[%get3A_92, %get3A_93] {strides = array<i32>} : memref<128x128xf32, #tpu.memory_space<vmem>>, vector<1x16xf32>,
        %get3A_95 = vector.shape_cast %get3A_94 : vector<1x16xf32> to vector<16xf32>
        %add3A_96 = arith.addf %get3A_87, %get3A_95 : vector<16xf32>
        %add3A_97 = arith.constant 6 : i32
        %add3A_98 = arith.addi %mul3A_52, %add3A_97 : i32
        %get3A_99 = arith.index_cast %add3A_98 : i32 to index
        %get3A_100 = arith.constant 0 : index
        %get3A_101 = tpu.vector_load %arg7[%get3A_99, %get3A_100] {strides = array<i32>} : memref<128x128xf32, #tpu.memory_space<vmem>>, vector<1x16xf32>,
        %get3A_102 = vector.shape_cast %get3A_101 : vector<1x16xf32> to vector<16xf32>
        %add3A_103 = arith.constant 6 : i32
        %add3A_104 = arith.addi %mul3A_52, %add3A_103 : i32
        %add3A_105 = arith.constant 1 : i32
        %add3A_106 = arith.addi %add3A_104, %add3A_105 : i32
        %get3A_107 = arith.index_cast %add3A_106 : i32 to index
        %get3A_108 = arith.constant 0 : index
        %get3A_109 = tpu.vector_load %arg7[%get3A_107, %get3A_108] {strides = array<i32>} : memref<128x128xf32, #tpu.memory_space<vmem>>, vector<1x16xf32>,
        %get3A_110 = vector.shape_cast %get3A_109 : vector<1x16xf32> to vector<16xf32>
        %add3A_111 = arith.addf %get3A_102, %get3A_110 : vector<16xf32>
        %add3A_112 = arith.constant 8 : i32
        %add3A_113 = arith.addi %mul3A_52, %add3A_112 : i32
        %get3A_114 = arith.index_cast %add3A_113 : i32 to index
        %get3A_115 = arith.constant 0 : index
        %get3A_116 = tpu.vector_load %arg7[%get3A_114, %get3A_115] {strides = array<i32>} : memref<128x128xf32, #tpu.memory_space<vmem>>, vector<1x16xf32>,
        %get3A_117 = vector.shape_cast %get3A_116 : vector<1x16xf32> to vector<16xf32>
        %add3A_118 = arith.constant 8 : i32
        %add3A_119 = arith.addi %mul3A_52, %add3A_118 : i32
        %add3A_120 = arith.constant 1 : i32
        %add3A_121 = arith.addi %add3A_119, %add3A_120 : i32
        %get3A_122 = arith.index_cast %add3A_121 : i32 to index
        %get3A_123 = arith.constant 0 : index
        %get3A_124 = tpu.vector_load %arg7[%get3A_122, %get3A_123] {strides = array<i32>} : memref<128x128xf32, #tpu.memory_space<vmem>>, vector<1x16xf32>,
        %get3A_125 = vector.shape_cast %get3A_124 : vector<1x16xf32> to vector<16xf32>
        %add3A_126 = arith.addf %get3A_117, %get3A_125 : vector<16xf32>
        %add3A_127 = arith.constant 10 : i32
        %add3A_128 = arith.addi %mul3A_52, %add3A_127 : i32
        %get3A_129 = arith.index_cast %add3A_128 : i32 to index
        %get3A_130 = arith.constant 0 : index
        %get3A_131 = tpu.vector_load %arg7[%get3A_129, %get3A_130] {strides = array<i32>} : memref<128x128xf32, #tpu.memory_space<vmem>>, vector<1x16xf32>,
        %get3A_132 = vector.shape_cast %get3A_131 : vector<1x16xf32> to vector<16xf32>
        %add3A_133 = arith.constant 10 : i32
        %add3A_134 = arith.addi %mul3A_52, %add3A_133 : i32
        %add3A_135 = arith.constant 1 : i32
        %add3A_136 = arith.addi %add3A_134, %add3A_135 : i32
        %get3A_137 = arith.index_cast %add3A_136 : i32 to index
        %get3A_138 = arith.constant 0 : index
        %get3A_139 = tpu.vector_load %arg7[%get3A_137, %get3A_138] {strides = array<i32>} : memref<128x128xf32, #tpu.memory_space<vmem>>, vector<1x16xf32>,
        %get3A_140 = vector.shape_cast %get3A_139 : vector<1x16xf32> to vector<16xf32>
        %add3A_141 = arith.addf %get3A_132, %get3A_140 : vector<16xf32>
        %add3A_142 = arith.constant 12 : i32
        %add3A_143 = arith.addi %mul3A_52, %add3A_142 : i32
        %get3A_144 = arith.index_cast %add3A_143 : i32 to index
        %get3A_145 = arith.constant 0 : index
        %get3A_146 = tpu.vector_load %arg7[%get3A_144, %get3A_145] {strides = array<i32>} : memref<128x128xf32, #tpu.memory_space<vmem>>, vector<1x16xf32>,
        %get3A_147 = vector.shape_cast %get3A_146 : vector<1x16xf32> to vector<16xf32>
        %add3A_148 = arith.constant 12 : i32
        %add3A_149 = arith.addi %mul3A_52, %add3A_148 : i32
        %add3A_150 = arith.constant 1 : i32
        %add3A_151 = arith.addi %add3A_149, %add3A_150 : i32
        %get3A_152 = arith.index_cast %add3A_151 : i32 to index
        %get3A_153 = arith.constant 0 : index
        %get3A_154 = tpu.vector_load %arg7[%get3A_152, %get3A_153] {strides = array<i32>} : memref<128x128xf32, #tpu.memory_space<vmem>>, vector<1x16xf32>,
        %get3A_155 = vector.shape_cast %get3A_154 : vector<1x16xf32> to vector<16xf32>
        %add3A_156 = arith.addf %get3A_147, %get3A_155 : vector<16xf32>
        %add3A_157 = arith.constant 14 : i32
        %add3A_158 = arith.addi %mul3A_52, %add3A_157 : i32
        %get3A_159 = arith.index_cast %add3A_158 : i32 to index
        %get3A_160 = arith.constant 0 : index
        %get3A_161 = tpu.vector_load %arg7[%get3A_159, %get3A_160] {strides = array<i32>} : memref<128x128xf32, #tpu.memory_space<vmem>>, vector<1x16xf32>,
        %get3A_162 = vector.shape_cast %get3A_161 : vector<1x16xf32> to vector<16xf32>
        %add3A_163 = arith.constant 14 : i32
        %add3A_164 = arith.addi %mul3A_52, %add3A_163 : i32
        %add3A_165 = arith.constant 1 : i32
        %add3A_166 = arith.addi %add3A_164, %add3A_165 : i32
        %get3A_167 = arith.index_cast %add3A_166 : i32 to index
        %get3A_168 = arith.constant 0 : index
        %get3A_169 = tpu.vector_load %arg7[%get3A_167, %get3A_168] {strides = array<i32>} : memref<128x128xf32, #tpu.memory_space<vmem>>, vector<1x16xf32>,
        %get3A_170 = vector.shape_cast %get3A_169 : vector<1x16xf32> to vector<16xf32>
        %add3A_171 = arith.addf %get3A_162, %get3A_170 : vector<16xf32>
        %add3A_172 = arith.addf %add3A_66, %add3A_81 : vector<16xf32>
        %add3A_173 = arith.addf %add3A_96, %add3A_111 : vector<16xf32>
        %add3A_174 = arith.addf %add3A_126, %add3A_141 : vector<16xf32>
        %add3A_175 = arith.addf %add3A_156, %add3A_171 : vector<16xf32>
        %add3A_176 = arith.addf %add3A_172, %add3A_173 : vector<16xf32>
        %add3A_177 = arith.addf %add3A_174, %add3A_175 : vector<16xf32>
        %add3A_178 = arith.addf %add3A_176, %add3A_177 : vector<16xf32>
        %mul3A_179 = arith.constant 8 : i32
        %mul3A_180 = arith.muli %add3A_18, %mul3A_179 : i32
        %add3A_181 = arith.addi %mul3A_180, %scan3A_50 : i32
        %swap3A = arith.index_cast %add3A_181 : i32 to index
        %swap3A_182 = arith.constant 0 : index
        %swap3A_183 = tpu.vector_load %arg8[%swap3A, %swap3A_182] {strides = array<i32>} : memref<320x128xf32, #tpu.memory_space<vmem>>, vector<1x16xf32>,
        %swap3A_184 = vector.shape_cast %swap3A_183 : vector<1x16xf32> to vector<16xf32>
        %swap3A_185 = vector.shape_cast %add3A_178 : vector<16xf32> to vector<1x16xf32>
        tpu.vector_store %arg8[%swap3A, %swap3A_182], %swap3A_185 {strides = array<i32>} : memref<320x128xf32, #tpu.memory_space<vmem>>, vector<1x16xf32>,
        %add3A_186 = arith.constant 0 : i32
        %add3A_187 = arith.addi %mul3A_52, %add3A_186 : i32
        %get3A_188 = arith.index_cast %add3A_187 : i32 to index
        %get3A_189 = arith.constant 16 : index
        %get3A_190 = tpu.vector_load %arg7[%get3A_188, %get3A_189] {strides = array<i32>} : memref<128x128xf32, #tpu.memory_space<vmem>>, vector<1x16xf32>,
        %get3A_191 = vector.shape_cast %get3A_190 : vector<1x16xf32> to vector<16xf32>
        %add3A_192 = arith.constant 0 : i32
        %add3A_193 = arith.addi %mul3A_52, %add3A_192 : i32
        %add3A_194 = arith.constant 1 : i32
        %add3A_195 = arith.addi %add3A_193, %add3A_194 : i32
        %get3A_196 = arith.index_cast %add3A_195 : i32 to index
        %get3A_197 = arith.constant 16 : index
        %get3A_198 = tpu.vector_load %arg7[%get3A_196, %get3A_197] {strides = array<i32>} : memref<128x128xf32, #tpu.memory_space<vmem>>, vector<1x16xf32>,
        %get3A_199 = vector.shape_cast %get3A_198 : vector<1x16xf32> to vector<16xf32>
        %add3A_200 = arith.addf %get3A_191, %get3A_199 : vector<16xf32>
        %add3A_201 = arith.constant 2 : i32
        %add3A_202 = arith.addi %mul3A_52, %add3A_201 : i32
        %get3A_203 = arith.index_cast %add3A_202 : i32 to index
        %get3A_204 = arith.constant 16 : index
        %get3A_205 = tpu.vector_load %arg7[%get3A_203, %get3A_204] {strides = array<i32>} : memref<128x128xf32, #tpu.memory_space<vmem>>, vector<1x16xf32>,
        %get3A_206 = vector.shape_cast %get3A_205 : vector<1x16xf32> to vector<16xf32>
        %add3A_207 = arith.constant 2 : i32
        %add3A_208 = arith.addi %mul3A_52, %add3A_207 : i32
        %add3A_209 = arith.constant 1 : i32
        %add3A_210 = arith.addi %add3A_208, %add3A_209 : i32
        %get3A_211 = arith.index_cast %add3A_210 : i32 to index
        %get3A_212 = arith.constant 16 : index
        %get3A_213 = tpu.vector_load %arg7[%get3A_211, %get3A_212] {strides = array<i32>} : memref<128x128xf32, #tpu.memory_space<vmem>>, vector<1x16xf32>,
        %get3A_214 = vector.shape_cast %get3A_213 : vector<1x16xf32> to vector<16xf32>
        %add3A_215 = arith.addf %get3A_206, %get3A_214 : vector<16xf32>
        %add3A_216 = arith.constant 4 : i32
        %add3A_217 = arith.addi %mul3A_52, %add3A_216 : i32
        %get3A_218 = arith.index_cast %add3A_217 : i32 to index
        %get3A_219 = arith.constant 16 : index
        %get3A_220 = tpu.vector_load %arg7[%get3A_218, %get3A_219] {strides = array<i32>} : memref<128x128xf32, #tpu.memory_space<vmem>>, vector<1x16xf32>,
        %get3A_221 = vector.shape_cast %get3A_220 : vector<1x16xf32> to vector<16xf32>
        %add3A_222 = arith.constant 4 : i32
        %add3A_223 = arith.addi %mul3A_52, %add3A_222 : i32
        %add3A_224 = arith.constant 1 : i32
        %add3A_225 = arith.addi %add3A_223, %add3A_224 : i32
        %get3A_226 = arith.index_cast %add3A_225 : i32 to index
        %get3A_227 = arith.constant 16 : index
        %get3A_228 = tpu.vector_load %arg7[%get3A_226, %get3A_227] {strides = array<i32>} : memref<128x128xf32, #tpu.memory_space<vmem>>, vector<1x16xf32>,
        %get3A_229 = vector.shape_cast %get3A_228 : vector<1x16xf32> to vector<16xf32>
        %add3A_230 = arith.addf %get3A_221, %get3A_229 : vector<16xf32>
        %add3A_231 = arith.constant 6 : i32
        %add3A_232 = arith.addi %mul3A_52, %add3A_231 : i32
        %get3A_233 = arith.index_cast %add3A_232 : i32 to index
        %get3A_234 = arith.constant 16 : index
        %get3A_235 = tpu.vector_load %arg7[%get3A_233, %get3A_234] {strides = array<i32>} : memref<128x128xf32, #tpu.memory_space<vmem>>, vector<1x16xf32>,
        %get3A_236 = vector.shape_cast %get3A_235 : vector<1x16xf32> to vector<16xf32>
        %add3A_237 = arith.constant 6 : i32
        %add3A_238 = arith.addi %mul3A_52, %add3A_237 : i32
        %add3A_239 = arith.constant 1 : i32
        %add3A_240 = arith.addi %add3A_238, %add3A_239 : i32
        %get3A_241 = arith.index_cast %add3A_240 : i32 to index
        %get3A_242 = arith.constant 16 : index
        %get3A_243 = tpu.vector_load %arg7[%get3A_241, %get3A_242] {strides = array<i32>} : memref<128x128xf32, #tpu.memory_space<vmem>>, vector<1x16xf32>,
        %get3A_244 = vector.shape_cast %get3A_243 : vector<1x16xf32> to vector<16xf32>
        %add3A_245 = arith.addf %get3A_236, %get3A_244 : vector<16xf32>
        %add3A_246 = arith.constant 8 : i32
        %add3A_247 = arith.addi %mul3A_52, %add3A_246 : i32
        %get3A_248 = arith.index_cast %add3A_247 : i32 to index
        %get3A_249 = arith.constant 16 : index
        %get3A_250 = tpu.vector_load %arg7[%get3A_248, %get3A_249] {strides = array<i32>} : memref<128x128xf32, #tpu.memory_space<vmem>>, vector<1x16xf32>,
        %get3A_251 = vector.shape_cast %get3A_250 : vector<1x16xf32> to vector<16xf32>
        %add3A_252 = arith.constant 8 : i32
        %add3A_253 = arith.addi %mul3A_52, %add3A_252 : i32
        %add3A_254 = arith.constant 1 : i32
        %add3A_255 = arith.addi %add3A_253, %add3A_254 : i32
        %get3A_256 = arith.index_cast %add3A_255 : i32 to index
        %get3A_257 = arith.constant 16 : index
        %get3A_258 = tpu.vector_load %arg7[%get3A_256, %get3A_257] {strides = array<i32>} : memref<128x128xf32, #tpu.memory_space<vmem>>, vector<1x16xf32>,
        %get3A_259 = vector.shape_cast %get3A_258 : vector<1x16xf32> to vector<16xf32>
        %add3A_260 = arith.addf %get3A_251, %get3A_259 : vector<16xf32>
        %add3A_261 = arith.constant 10 : i32
        %add3A_262 = arith.addi %mul3A_52, %add3A_261 : i32
        %get3A_263 = arith.index_cast %add3A_262 : i32 to index
        %get3A_264 = arith.constant 16 : index
        %get3A_265 = tpu.vector_load %arg7[%get3A_263, %get3A_264] {strides = array<i32>} : memref<128x128xf32, #tpu.memory_space<vmem>>, vector<1x16xf32>,
        %get3A_266 = vector.shape_cast %get3A_265 : vector<1x16xf32> to vector<16xf32>
        %add3A_267 = arith.constant 10 : i32
        %add3A_268 = arith.addi %mul3A_52, %add3A_267 : i32
        %add3A_269 = arith.constant 1 : i32
        %add3A_270 = arith.addi %add3A_268, %add3A_269 : i32
        %get3A_271 = arith.index_cast %add3A_270 : i32 to index
        %get3A_272 = arith.constant 16 : index
        %get3A_273 = tpu.vector_load %arg7[%get3A_271, %get3A_272] {strides = array<i32>} : memref<128x128xf32, #tpu.memory_space<vmem>>, vector<1x16xf32>,
        %get3A_274 = vector.shape_cast %get3A_273 : vector<1x16xf32> to vector<16xf32>
        %add3A_275 = arith.addf %get3A_266, %get3A_274 : vector<16xf32>
        %add3A_276 = arith.constant 12 : i32
        %add3A_277 = arith.addi %mul3A_52, %add3A_276 : i32
        %get3A_278 = arith.index_cast %add3A_277 : i32 to index
        %get3A_279 = arith.constant 16 : index
        %get3A_280 = tpu.vector_load %arg7[%get3A_278, %get3A_279] {strides = array<i32>} : memref<128x128xf32, #tpu.memory_space<vmem>>, vector<1x16xf32>,
        %get3A_281 = vector.shape_cast %get3A_280 : vector<1x16xf32> to vector<16xf32>
        %add3A_282 = arith.constant 12 : i32
        %add3A_283 = arith.addi %mul3A_52, %add3A_282 : i32
        %add3A_284 = arith.constant 1 : i32
        %add3A_285 = arith.addi %add3A_283, %add3A_284 : i32
        %get3A_286 = arith.index_cast %add3A_285 : i32 to index
        %get3A_287 = arith.constant 16 : index
        %get3A_288 = tpu.vector_load %arg7[%get3A_286, %get3A_287] {strides = array<i32>} : memref<128x128xf32, #tpu.memory_space<vmem>>, vector<1x16xf32>,
        %get3A_289 = vector.shape_cast %get3A_288 : vector<1x16xf32> to vector<16xf32>
        %add3A_290 = arith.addf %get3A_281, %get3A_289 : vector<16xf32>
        %add3A_291 = arith.constant 14 : i32
        %add3A_292 = arith.addi %mul3A_52, %add3A_291 : i32
        %get3A_293 = arith.index_cast %add3A_292 : i32 to index
        %get3A_294 = arith.constant 16 : index
        %get3A_295 = tpu.vector_load %arg7[%get3A_293, %get3A_294] {strides = array<i32>} : memref<128x128xf32, #tpu.memory_space<vmem>>, vector<1x16xf32>,
        %get3A_296 = vector.shape_cast %get3A_295 : vector<1x16xf32> to vector<16xf32>
        %add3A_297 = arith.constant 14 : i32
        %add3A_298 = arith.addi %mul3A_52, %add3A_297 : i32
        %add3A_299 = arith.constant 1 : i32
        %add3A_300 = arith.addi %add3A_298, %add3A_299 : i32
        %get3A_301 = arith.index_cast %add3A_300 : i32 to index
        %get3A_302 = arith.constant 16 : index
        %get3A_303 = tpu.vector_load %arg7[%get3A_301, %get3A_302] {strides = array<i32>} : memref<128x128xf32, #tpu.memory_space<vmem>>, vector<1x16xf32>,
        %get3A_304 = vector.shape_cast %get3A_303 : vector<1x16xf32> to vector<16xf32>
        %add3A_305 = arith.addf %get3A_296, %get3A_304 : vector<16xf32>
        %add3A_306 = arith.addf %add3A_200, %add3A_215 : vector<16xf32>
        %add3A_307 = arith.addf %add3A_230, %add3A_245 : vector<16xf32>
        %add3A_308 = arith.addf %add3A_260, %add3A_275 : vector<16xf32>
        %add3A_309 = arith.addf %add3A_290, %add3A_305 : vector<16xf32>
        %add3A_310 = arith.addf %add3A_306, %add3A_307 : vector<16xf32>
        %add3A_311 = arith.addf %add3A_308, %add3A_309 : vector<16xf32>
        %add3A_312 = arith.addf %add3A_310, %add3A_311 : vector<16xf32>
        %mul3A_313 = arith.constant 8 : i32
        %mul3A_314 = arith.muli %add3A_18, %mul3A_313 : i32
        %add3A_315 = arith.addi %mul3A_314, %scan3A_50 : i32
        %swap3A_316 = arith.index_cast %add3A_315 : i32 to index
        %swap3A_317 = arith.constant 16 : index
        %swap3A_318 = tpu.vector_load %arg8[%swap3A_316, %swap3A_317] {strides = array<i32>} : memref<320x128xf32, #tpu.memory_space<vmem>>, vector<1x16xf32>,
        %swap3A_319 = vector.shape_cast %swap3A_318 : vector<1x16xf32> to vector<16xf32>
        %swap3A_320 = vector.shape_cast %add3A_312 : vector<16xf32> to vector<1x16xf32>
        tpu.vector_store %arg8[%swap3A_316, %swap3A_317], %swap3A_320 {strides = array<i32>} : memref<320x128xf32, #tpu.memory_space<vmem>>, vector<1x16xf32>,
        %add3A_321 = arith.constant 0 : i32
        %add3A_322 = arith.addi %mul3A_52, %add3A_321 : i32
        %get3A_323 = arith.index_cast %add3A_322 : i32 to index
        %get3A_324 = arith.constant 32 : index
        %get3A_325 = tpu.vector_load %arg7[%get3A_323, %get3A_324] {strides = array<i32>} : memref<128x128xf32, #tpu.memory_space<vmem>>, vector<1x16xf32>,
        %get3A_326 = vector.shape_cast %get3A_325 : vector<1x16xf32> to vector<16xf32>
        %add3A_327 = arith.constant 0 : i32
        %add3A_328 = arith.addi %mul3A_52, %add3A_327 : i32
        %add3A_329 = arith.constant 1 : i32
        %add3A_330 = arith.addi %add3A_328, %add3A_329 : i32
        %get3A_331 = arith.index_cast %add3A_330 : i32 to index
        %get3A_332 = arith.constant 32 : index
        %get3A_333 = tpu.vector_load %arg7[%get3A_331, %get3A_332] {strides = array<i32>} : memref<128x128xf32, #tpu.memory_space<vmem>>, vector<1x16xf32>,
        %get3A_334 = vector.shape_cast %get3A_333 : vector<1x16xf32> to vector<16xf32>
        %add3A_335 = arith.addf %get3A_326, %get3A_334 : vector<16xf32>
        %add3A_336 = arith.constant 2 : i32
        %add3A_337 = arith.addi %mul3A_52, %add3A_336 : i32
        %get3A_338 = arith.index_cast %add3A_337 : i32 to index
        %get3A_339 = arith.constant 32 : index
        %get3A_340 = tpu.vector_load %arg7[%get3A_338, %get3A_339] {strides = array<i32>} : memref<128x128xf32, #tpu.memory_space<vmem>>, vector<1x16xf32>,
        %get3A_341 = vector.shape_cast %get3A_340 : vector<1x16xf32> to vector<16xf32>
        %add3A_342 = arith.constant 2 : i32
        %add3A_343 = arith.addi %mul3A_52, %add3A_342 : i32
        %add3A_344 = arith.constant 1 : i32
        %add3A_345 = arith.addi %add3A_343, %add3A_344 : i32
        %get3A_346 = arith.index_cast %add3A_345 : i32 to index
        %get3A_347 = arith.constant 32 : index
        %get3A_348 = tpu.vector_load %arg7[%get3A_346, %get3A_347] {strides = array<i32>} : memref<128x128xf32, #tpu.memory_space<vmem>>, vector<1x16xf32>,
        %get3A_349 = vector.shape_cast %get3A_348 : vector<1x16xf32> to vector<16xf32>
        %add3A_350 = arith.addf %get3A_341, %get3A_349 : vector<16xf32>
        %add3A_351 = arith.constant 4 : i32
        %add3A_352 = arith.addi %mul3A_52, %add3A_351 : i32
        %get3A_353 = arith.index_cast %add3A_352 : i32 to index
        %get3A_354 = arith.constant 32 : index
        %get3A_355 = tpu.vector_load %arg7[%get3A_353, %get3A_354] {strides = array<i32>} : memref<128x128xf32, #tpu.memory_space<vmem>>, vector<1x16xf32>,
        %get3A_356 = vector.shape_cast %get3A_355 : vector<1x16xf32> to vector<16xf32>
        %add3A_357 = arith.constant 4 : i32
        %add3A_358 = arith.addi %mul3A_52, %add3A_357 : i32
        %add3A_359 = arith.constant 1 : i32
        %add3A_360 = arith.addi %add3A_358, %add3A_359 : i32
        %get3A_361 = arith.index_cast %add3A_360 : i32 to index
        %get3A_362 = arith.constant 32 : index
        %get3A_363 = tpu.vector_load %arg7[%get3A_361, %get3A_362] {strides = array<i32>} : memref<128x128xf32, #tpu.memory_space<vmem>>, vector<1x16xf32>,
        %get3A_364 = vector.shape_cast %get3A_363 : vector<1x16xf32> to vector<16xf32>
        %add3A_365 = arith.addf %get3A_356, %get3A_364 : vector<16xf32>
        %add3A_366 = arith.constant 6 : i32
        %add3A_367 = arith.addi %mul3A_52, %add3A_366 : i32
        %get3A_368 = arith.index_cast %add3A_367 : i32 to index
        %get3A_369 = arith.constant 32 : index
        %get3A_370 = tpu.vector_load %arg7[%get3A_368, %get3A_369] {strides = array<i32>} : memref<128x128xf32, #tpu.memory_space<vmem>>, vector<1x16xf32>,
        %get3A_371 = vector.shape_cast %get3A_370 : vector<1x16xf32> to vector<16xf32>
        %add3A_372 = arith.constant 6 : i32
        %add3A_373 = arith.addi %mul3A_52, %add3A_372 : i32
        %add3A_374 = arith.constant 1 : i32
        %add3A_375 = arith.addi %add3A_373, %add3A_374 : i32
        %get3A_376 = arith.index_cast %add3A_375 : i32 to index
        %get3A_377 = arith.constant 32 : index
        %get3A_378 = tpu.vector_load %arg7[%get3A_376, %get3A_377] {strides = array<i32>} : memref<128x128xf32, #tpu.memory_space<vmem>>, vector<1x16xf32>,
        %get3A_379 = vector.shape_cast %get3A_378 : vector<1x16xf32> to vector<16xf32>
        %add3A_380 = arith.addf %get3A_371, %get3A_379 : vector<16xf32>
        %add3A_381 = arith.constant 8 : i32
        %add3A_382 = arith.addi %mul3A_52, %add3A_381 : i32
        %get3A_383 = arith.index_cast %add3A_382 : i32 to index
        %get3A_384 = arith.constant 32 : index
        %get3A_385 = tpu.vector_load %arg7[%get3A_383, %get3A_384] {strides = array<i32>} : memref<128x128xf32, #tpu.memory_space<vmem>>, vector<1x16xf32>,
        %get3A_386 = vector.shape_cast %get3A_385 : vector<1x16xf32> to vector<16xf32>
        %add3A_387 = arith.constant 8 : i32
        %add3A_388 = arith.addi %mul3A_52, %add3A_387 : i32
        %add3A_389 = arith.constant 1 : i32
        %add3A_390 = arith.addi %add3A_388, %add3A_389 : i32
        %get3A_391 = arith.index_cast %add3A_390 : i32 to index
        %get3A_392 = arith.constant 32 : index
        %get3A_393 = tpu.vector_load %arg7[%get3A_391, %get3A_392] {strides = array<i32>} : memref<128x128xf32, #tpu.memory_space<vmem>>, vector<1x16xf32>,
        %get3A_394 = vector.shape_cast %get3A_393 : vector<1x16xf32> to vector<16xf32>
        %add3A_395 = arith.addf %get3A_386, %get3A_394 : vector<16xf32>
        %add3A_396 = arith.constant 10 : i32
        %add3A_397 = arith.addi %mul3A_52, %add3A_396 : i32
        %get3A_398 = arith.index_cast %add3A_397 : i32 to index
        %get3A_399 = arith.constant 32 : index
        %get3A_400 = tpu.vector_load %arg7[%get3A_398, %get3A_399] {strides = array<i32>} : memref<128x128xf32, #tpu.memory_space<vmem>>, vector<1x16xf32>,
        %get3A_401 = vector.shape_cast %get3A_400 : vector<1x16xf32> to vector<16xf32>
        %add3A_402 = arith.constant 10 : i32
        %add3A_403 = arith.addi %mul3A_52, %add3A_402 : i32
        %add3A_404 = arith.constant 1 : i32
        %add3A_405 = arith.addi %add3A_403, %add3A_404 : i32
        %get3A_406 = arith.index_cast %add3A_405 : i32 to index
        %get3A_407 = arith.constant 32 : index
        %get3A_408 = tpu.vector_load %arg7[%get3A_406, %get3A_407] {strides = array<i32>} : memref<128x128xf32, #tpu.memory_space<vmem>>, vector<1x16xf32>,
        %get3A_409 = vector.shape_cast %get3A_408 : vector<1x16xf32> to vector<16xf32>
        %add3A_410 = arith.addf %get3A_401, %get3A_409 : vector<16xf32>
        %add3A_411 = arith.constant 12 : i32
        %add3A_412 = arith.addi %mul3A_52, %add3A_411 : i32
        %get3A_413 = arith.index_cast %add3A_412 : i32 to index
        %get3A_414 = arith.constant 32 : index
        %get3A_415 = tpu.vector_load %arg7[%get3A_413, %get3A_414] {strides = array<i32>} : memref<128x128xf32, #tpu.memory_space<vmem>>, vector<1x16xf32>,
        %get3A_416 = vector.shape_cast %get3A_415 : vector<1x16xf32> to vector<16xf32>
        %add3A_417 = arith.constant 12 : i32
        %add3A_418 = arith.addi %mul3A_52, %add3A_417 : i32
        %add3A_419 = arith.constant 1 : i32
        %add3A_420 = arith.addi %add3A_418, %add3A_419 : i32
        %get3A_421 = arith.index_cast %add3A_420 : i32 to index
        %get3A_422 = arith.constant 32 : index
        %get3A_423 = tpu.vector_load %arg7[%get3A_421, %get3A_422] {strides = array<i32>} : memref<128x128xf32, #tpu.memory_space<vmem>>, vector<1x16xf32>,
        %get3A_424 = vector.shape_cast %get3A_423 : vector<1x16xf32> to vector<16xf32>
        %add3A_425 = arith.addf %get3A_416, %get3A_424 : vector<16xf32>
        %add3A_426 = arith.constant 14 : i32
        %add3A_427 = arith.addi %mul3A_52, %add3A_426 : i32
        %get3A_428 = arith.index_cast %add3A_427 : i32 to index
        %get3A_429 = arith.constant 32 : index
        %get3A_430 = tpu.vector_load %arg7[%get3A_428, %get3A_429] {strides = array<i32>} : memref<128x128xf32, #tpu.memory_space<vmem>>, vector<1x16xf32>,
        %get3A_431 = vector.shape_cast %get3A_430 : vector<1x16xf32> to vector<16xf32>
        %add3A_432 = arith.constant 14 : i32
        %add3A_433 = arith.addi %mul3A_52, %add3A_432 : i32
        %add3A_434 = arith.constant 1 : i32
        %add3A_435 = arith.addi %add3A_433, %add3A_434 : i32
        %get3A_436 = arith.index_cast %add3A_435 : i32 to index
        %get3A_437 = arith.constant 32 : index
        %get3A_438 = tpu.vector_load %arg7[%get3A_436, %get3A_437] {strides = array<i32>} : memref<128x128xf32, #tpu.memory_space<vmem>>, vector<1x16xf32>,
        %get3A_439 = vector.shape_cast %get3A_438 : vector<1x16xf32> to vector<16xf32>
        %add3A_440 = arith.addf %get3A_431, %get3A_439 : vector<16xf32>
        %add3A_441 = arith.addf %add3A_335, %add3A_350 : vector<16xf32>
        %add3A_442 = arith.addf %add3A_365, %add3A_380 : vector<16xf32>
        %add3A_443 = arith.addf %add3A_395, %add3A_410 : vector<16xf32>
        %add3A_444 = arith.addf %add3A_425, %add3A_440 : vector<16xf32>
        %add3A_445 = arith.addf %add3A_441, %add3A_442 : vector<16xf32>
        %add3A_446 = arith.addf %add3A_443, %add3A_444 : vector<16xf32>
        %add3A_447 = arith.addf %add3A_445, %add3A_446 : vector<16xf32>
        %mul3A_448 = arith.constant 8 : i32
        %mul3A_449 = arith.muli %add3A_18, %mul3A_448 : i32
        %add3A_450 = arith.addi %mul3A_449, %scan3A_50 : i32
        %swap3A_451 = arith.index_cast %add3A_450 : i32 to index
        %swap3A_452 = arith.constant 32 : index
        %swap3A_453 = tpu.vector_load %arg8[%swap3A_451, %swap3A_452] {strides = array<i32>} : memref<320x128xf32, #tpu.memory_space<vmem>>, vector<1x16xf32>,
        %swap3A_454 = vector.shape_cast %swap3A_453 : vector<1x16xf32> to vector<16xf32>
        %swap3A_455 = vector.shape_cast %add3A_447 : vector<16xf32> to vector<1x16xf32>
        tpu.vector_store %arg8[%swap3A_451, %swap3A_452], %swap3A_455 {strides = array<i32>} : memref<320x128xf32, #tpu.memory_space<vmem>>, vector<1x16xf32>,
        %add3A_456 = arith.constant 0 : i32
        %add3A_457 = arith.addi %mul3A_52, %add3A_456 : i32
        %get3A_458 = arith.index_cast %add3A_457 : i32 to index
        %get3A_459 = arith.constant 48 : index
        %get3A_460 = tpu.vector_load %arg7[%get3A_458, %get3A_459] {strides = array<i32>} : memref<128x128xf32, #tpu.memory_space<vmem>>, vector<1x16xf32>,
        %get3A_461 = vector.shape_cast %get3A_460 : vector<1x16xf32> to vector<16xf32>
        %add3A_462 = arith.constant 0 : i32
        %add3A_463 = arith.addi %mul3A_52, %add3A_462 : i32
        %add3A_464 = arith.constant 1 : i32
        %add3A_465 = arith.addi %add3A_463, %add3A_464 : i32
        %get3A_466 = arith.index_cast %add3A_465 : i32 to index
        %get3A_467 = arith.constant 48 : index
        %get3A_468 = tpu.vector_load %arg7[%get3A_466, %get3A_467] {strides = array<i32>} : memref<128x128xf32, #tpu.memory_space<vmem>>, vector<1x16xf32>,
        %get3A_469 = vector.shape_cast %get3A_468 : vector<1x16xf32> to vector<16xf32>
        %add3A_470 = arith.addf %get3A_461, %get3A_469 : vector<16xf32>
        %add3A_471 = arith.constant 2 : i32
        %add3A_472 = arith.addi %mul3A_52, %add3A_471 : i32
        %get3A_473 = arith.index_cast %add3A_472 : i32 to index
        %get3A_474 = arith.constant 48 : index
        %get3A_475 = tpu.vector_load %arg7[%get3A_473, %get3A_474] {strides = array<i32>} : memref<128x128xf32, #tpu.memory_space<vmem>>, vector<1x16xf32>,
        %get3A_476 = vector.shape_cast %get3A_475 : vector<1x16xf32> to vector<16xf32>
        %add3A_477 = arith.constant 2 : i32
        %add3A_478 = arith.addi %mul3A_52, %add3A_477 : i32
        %add3A_479 = arith.constant 1 : i32
        %add3A_480 = arith.addi %add3A_478, %add3A_479 : i32
        %get3A_481 = arith.index_cast %add3A_480 : i32 to index
        %get3A_482 = arith.constant 48 : index
        %get3A_483 = tpu.vector_load %arg7[%get3A_481, %get3A_482] {strides = array<i32>} : memref<128x128xf32, #tpu.memory_space<vmem>>, vector<1x16xf32>,
        %get3A_484 = vector.shape_cast %get3A_483 : vector<1x16xf32> to vector<16xf32>
        %add3A_485 = arith.addf %get3A_476, %get3A_484 : vector<16xf32>
        %add3A_486 = arith.constant 4 : i32
        %add3A_487 = arith.addi %mul3A_52, %add3A_486 : i32
        %get3A_488 = arith.index_cast %add3A_487 : i32 to index
        %get3A_489 = arith.constant 48 : index
        %get3A_490 = tpu.vector_load %arg7[%get3A_488, %get3A_489] {strides = array<i32>} : memref<128x128xf32, #tpu.memory_space<vmem>>, vector<1x16xf32>,
        %get3A_491 = vector.shape_cast %get3A_490 : vector<1x16xf32> to vector<16xf32>
        %add3A_492 = arith.constant 4 : i32
        %add3A_493 = arith.addi %mul3A_52, %add3A_492 : i32
        %add3A_494 = arith.constant 1 : i32
        %add3A_495 = arith.addi %add3A_493, %add3A_494 : i32
        %get3A_496 = arith.index_cast %add3A_495 : i32 to index
        %get3A_497 = arith.constant 48 : index
        %get3A_498 = tpu.vector_load %arg7[%get3A_496, %get3A_497] {strides = array<i32>} : memref<128x128xf32, #tpu.memory_space<vmem>>, vector<1x16xf32>,
        %get3A_499 = vector.shape_cast %get3A_498 : vector<1x16xf32> to vector<16xf32>
        %add3A_500 = arith.addf %get3A_491, %get3A_499 : vector<16xf32>
        %add3A_501 = arith.constant 6 : i32
        %add3A_502 = arith.addi %mul3A_52, %add3A_501 : i32
        %get3A_503 = arith.index_cast %add3A_502 : i32 to index
        %get3A_504 = arith.constant 48 : index
        %get3A_505 = tpu.vector_load %arg7[%get3A_503, %get3A_504] {strides = array<i32>} : memref<128x128xf32, #tpu.memory_space<vmem>>, vector<1x16xf32>,
        %get3A_506 = vector.shape_cast %get3A_505 : vector<1x16xf32> to vector<16xf32>
        %add3A_507 = arith.constant 6 : i32
        %add3A_508 = arith.addi %mul3A_52, %add3A_507 : i32
        %add3A_509 = arith.constant 1 : i32
        %add3A_510 = arith.addi %add3A_508, %add3A_509 : i32
        %get3A_511 = arith.index_cast %add3A_510 : i32 to index
        %get3A_512 = arith.constant 48 : index
        %get3A_513 = tpu.vector_load %arg7[%get3A_511, %get3A_512] {strides = array<i32>} : memref<128x128xf32, #tpu.memory_space<vmem>>, vector<1x16xf32>,
        %get3A_514 = vector.shape_cast %get3A_513 : vector<1x16xf32> to vector<16xf32>
        %add3A_515 = arith.addf %get3A_506, %get3A_514 : vector<16xf32>
        %add3A_516 = arith.constant 8 : i32
        %add3A_517 = arith.addi %mul3A_52, %add3A_516 : i32
        %get3A_518 = arith.index_cast %add3A_517 : i32 to index
        %get3A_519 = arith.constant 48 : index
        %get3A_520 = tpu.vector_load %arg7[%get3A_518, %get3A_519] {strides = array<i32>} : memref<128x128xf32, #tpu.memory_space<vmem>>, vector<1x16xf32>,
        %get3A_521 = vector.shape_cast %get3A_520 : vector<1x16xf32> to vector<16xf32>
        %add3A_522 = arith.constant 8 : i32
        %add3A_523 = arith.addi %mul3A_52, %add3A_522 : i32
        %add3A_524 = arith.constant 1 : i32
        %add3A_525 = arith.addi %add3A_523, %add3A_524 : i32
        %get3A_526 = arith.index_cast %add3A_525 : i32 to index
        %get3A_527 = arith.constant 48 : index
        %get3A_528 = tpu.vector_load %arg7[%get3A_526, %get3A_527] {strides = array<i32>} : memref<128x128xf32, #tpu.memory_space<vmem>>, vector<1x16xf32>,
        %get3A_529 = vector.shape_cast %get3A_528 : vector<1x16xf32> to vector<16xf32>
        %add3A_530 = arith.addf %get3A_521, %get3A_529 : vector<16xf32>
        %add3A_531 = arith.constant 10 : i32
        %add3A_532 = arith.addi %mul3A_52, %add3A_531 : i32
        %get3A_533 = arith.index_cast %add3A_532 : i32 to index
        %get3A_534 = arith.constant 48 : index
        %get3A_535 = tpu.vector_load %arg7[%get3A_533, %get3A_534] {strides = array<i32>} : memref<128x128xf32, #tpu.memory_space<vmem>>, vector<1x16xf32>,
        %get3A_536 = vector.shape_cast %get3A_535 : vector<1x16xf32> to vector<16xf32>
        %add3A_537 = arith.constant 10 : i32
        %add3A_538 = arith.addi %mul3A_52, %add3A_537 : i32
        %add3A_539 = arith.constant 1 : i32
        %add3A_540 = arith.addi %add3A_538, %add3A_539 : i32
        %get3A_541 = arith.index_cast %add3A_540 : i32 to index
        %get3A_542 = arith.constant 48 : index
        %get3A_543 = tpu.vector_load %arg7[%get3A_541, %get3A_542] {strides = array<i32>} : memref<128x128xf32, #tpu.memory_space<vmem>>, vector<1x16xf32>,
        %get3A_544 = vector.shape_cast %get3A_543 : vector<1x16xf32> to vector<16xf32>
        %add3A_545 = arith.addf %get3A_536, %get3A_544 : vector<16xf32>
        %add3A_546 = arith.constant 12 : i32
        %add3A_547 = arith.addi %mul3A_52, %add3A_546 : i32
        %get3A_548 = arith.index_cast %add3A_547 : i32 to index
        %get3A_549 = arith.constant 48 : index
        %get3A_550 = tpu.vector_load %arg7[%get3A_548, %get3A_549] {strides = array<i32>} : memref<128x128xf32, #tpu.memory_space<vmem>>, vector<1x16xf32>,
        %get3A_551 = vector.shape_cast %get3A_550 : vector<1x16xf32> to vector<16xf32>
        %add3A_552 = arith.constant 12 : i32
        %add3A_553 = arith.addi %mul3A_52, %add3A_552 : i32
        %add3A_554 = arith.constant 1 : i32
        %add3A_555 = arith.addi %add3A_553, %add3A_554 : i32
        %get3A_556 = arith.index_cast %add3A_555 : i32 to index
        %get3A_557 = arith.constant 48 : index
        %get3A_558 = tpu.vector_load %arg7[%get3A_556, %get3A_557] {strides = array<i32>} : memref<128x128xf32, #tpu.memory_space<vmem>>, vector<1x16xf32>,
        %get3A_559 = vector.shape_cast %get3A_558 : vector<1x16xf32> to vector<16xf32>
        %add3A_560 = arith.addf %get3A_551, %get3A_559 : vector<16xf32>
        %add3A_561 = arith.constant 14 : i32
        %add3A_562 = arith.addi %mul3A_52, %add3A_561 : i32
        %get3A_563 = arith.index_cast %add3A_562 : i32 to index
        %get3A_564 = arith.constant 48 : index
        %get3A_565 = tpu.vector_load %arg7[%get3A_563, %get3A_564] {strides = array<i32>} : memref<128x128xf32, #tpu.memory_space<vmem>>, vector<1x16xf32>,
        %get3A_566 = vector.shape_cast %get3A_565 : vector<1x16xf32> to vector<16xf32>
        %add3A_567 = arith.constant 14 : i32
        %add3A_568 = arith.addi %mul3A_52, %add3A_567 : i32
        %add3A_569 = arith.constant 1 : i32
        %add3A_570 = arith.addi %add3A_568, %add3A_569 : i32
        %get3A_571 = arith.index_cast %add3A_570 : i32 to index
        %get3A_572 = arith.constant 48 : index
        %get3A_573 = tpu.vector_load %arg7[%get3A_571, %get3A_572] {strides = array<i32>} : memref<128x128xf32, #tpu.memory_space<vmem>>, vector<1x16xf32>,
        %get3A_574 = vector.shape_cast %get3A_573 : vector<1x16xf32> to vector<16xf32>
        %add3A_575 = arith.addf %get3A_566, %get3A_574 : vector<16xf32>
        %add3A_576 = arith.addf %add3A_470, %add3A_485 : vector<16xf32>
        %add3A_577 = arith.addf %add3A_500, %add3A_515 : vector<16xf32>
        %add3A_578 = arith.addf %add3A_530, %add3A_545 : vector<16xf32>
        %add3A_579 = arith.addf %add3A_560, %add3A_575 : vector<16xf32>
        %add3A_580 = arith.addf %add3A_576, %add3A_577 : vector<16xf32>
        %add3A_581 = arith.addf %add3A_578, %add3A_579 : vector<16xf32>
        %add3A_582 = arith.addf %add3A_580, %add3A_581 : vector<16xf32>
        %mul3A_583 = arith.constant 8 : i32
        %mul3A_584 = arith.muli %add3A_18, %mul3A_583 : i32
        %add3A_585 = arith.addi %mul3A_584, %scan3A_50 : i32
        %swap3A_586 = arith.index_cast %add3A_585 : i32 to index
        %swap3A_587 = arith.constant 48 : index
        %swap3A_588 = tpu.vector_load %arg8[%swap3A_586, %swap3A_587] {strides = array<i32>} : memref<320x128xf32, #tpu.memory_space<vmem>>, vector<1x16xf32>,
        %swap3A_589 = vector.shape_cast %swap3A_588 : vector<1x16xf32> to vector<16xf32>
        %swap3A_590 = vector.shape_cast %add3A_582 : vector<16xf32> to vector<1x16xf32>
        tpu.vector_store %arg8[%swap3A_586, %swap3A_587], %swap3A_590 {strides = array<i32>} : memref<320x128xf32, #tpu.memory_space<vmem>>, vector<1x16xf32>,
        %add3A_591 = arith.constant 0 : i32
        %add3A_592 = arith.addi %mul3A_52, %add3A_591 : i32
        %get3A_593 = arith.index_cast %add3A_592 : i32 to index
        %get3A_594 = arith.constant 64 : index
        %get3A_595 = tpu.vector_load %arg7[%get3A_593, %get3A_594] {strides = array<i32>} : memref<128x128xf32, #tpu.memory_space<vmem>>, vector<1x16xf32>,
        %get3A_596 = vector.shape_cast %get3A_595 : vector<1x16xf32> to vector<16xf32>
        %add3A_597 = arith.constant 0 : i32
        %add3A_598 = arith.addi %mul3A_52, %add3A_597 : i32
        %add3A_599 = arith.constant 1 : i32
        %add3A_600 = arith.addi %add3A_598, %add3A_599 : i32
        %get3A_601 = arith.index_cast %add3A_600 : i32 to index
        %get3A_602 = arith.constant 64 : index
        %get3A_603 = tpu.vector_load %arg7[%get3A_601, %get3A_602] {strides = array<i32>} : memref<128x128xf32, #tpu.memory_space<vmem>>, vector<1x16xf32>,
        %get3A_604 = vector.shape_cast %get3A_603 : vector<1x16xf32> to vector<16xf32>
        %add3A_605 = arith.addf %get3A_596, %get3A_604 : vector<16xf32>
        %add3A_606 = arith.constant 2 : i32
        %add3A_607 = arith.addi %mul3A_52, %add3A_606 : i32
        %get3A_608 = arith.index_cast %add3A_607 : i32 to index
        %get3A_609 = arith.constant 64 : index
        %get3A_610 = tpu.vector_load %arg7[%get3A_608, %get3A_609] {strides = array<i32>} : memref<128x128xf32, #tpu.memory_space<vmem>>, vector<1x16xf32>,
        %get3A_611 = vector.shape_cast %get3A_610 : vector<1x16xf32> to vector<16xf32>
        %add3A_612 = arith.constant 2 : i32
        %add3A_613 = arith.addi %mul3A_52, %add3A_612 : i32
        %add3A_614 = arith.constant 1 : i32
        %add3A_615 = arith.addi %add3A_613, %add3A_614 : i32
        %get3A_616 = arith.index_cast %add3A_615 : i32 to index
        %get3A_617 = arith.constant 64 : index
        %get3A_618 = tpu.vector_load %arg7[%get3A_616, %get3A_617] {strides = array<i32>} : memref<128x128xf32, #tpu.memory_space<vmem>>, vector<1x16xf32>,
        %get3A_619 = vector.shape_cast %get3A_618 : vector<1x16xf32> to vector<16xf32>
        %add3A_620 = arith.addf %get3A_611, %get3A_619 : vector<16xf32>
        %add3A_621 = arith.constant 4 : i32
        %add3A_622 = arith.addi %mul3A_52, %add3A_621 : i32
        %get3A_623 = arith.index_cast %add3A_622 : i32 to index
        %get3A_624 = arith.constant 64 : index
        %get3A_625 = tpu.vector_load %arg7[%get3A_623, %get3A_624] {strides = array<i32>} : memref<128x128xf32, #tpu.memory_space<vmem>>, vector<1x16xf32>,
        %get3A_626 = vector.shape_cast %get3A_625 : vector<1x16xf32> to vector<16xf32>
        %add3A_627 = arith.constant 4 : i32
        %add3A_628 = arith.addi %mul3A_52, %add3A_627 : i32
        %add3A_629 = arith.constant 1 : i32
        %add3A_630 = arith.addi %add3A_628, %add3A_629 : i32
        %get3A_631 = arith.index_cast %add3A_630 : i32 to index
        %get3A_632 = arith.constant 64 : index
        %get3A_633 = tpu.vector_load %arg7[%get3A_631, %get3A_632] {strides = array<i32>} : memref<128x128xf32, #tpu.memory_space<vmem>>, vector<1x16xf32>,
        %get3A_634 = vector.shape_cast %get3A_633 : vector<1x16xf32> to vector<16xf32>
        %add3A_635 = arith.addf %get3A_626, %get3A_634 : vector<16xf32>
        %add3A_636 = arith.constant 6 : i32
        %add3A_637 = arith.addi %mul3A_52, %add3A_636 : i32
        %get3A_638 = arith.index_cast %add3A_637 : i32 to index
        %get3A_639 = arith.constant 64 : index
        %get3A_640 = tpu.vector_load %arg7[%get3A_638, %get3A_639] {strides = array<i32>} : memref<128x128xf32, #tpu.memory_space<vmem>>, vector<1x16xf32>,
        %get3A_641 = vector.shape_cast %get3A_640 : vector<1x16xf32> to vector<16xf32>
        %add3A_642 = arith.constant 6 : i32
        %add3A_643 = arith.addi %mul3A_52, %add3A_642 : i32
        %add3A_644 = arith.constant 1 : i32
        %add3A_645 = arith.addi %add3A_643, %add3A_644 : i32
        %get3A_646 = arith.index_cast %add3A_645 : i32 to index
        %get3A_647 = arith.constant 64 : index
        %get3A_648 = tpu.vector_load %arg7[%get3A_646, %get3A_647] {strides = array<i32>} : memref<128x128xf32, #tpu.memory_space<vmem>>, vector<1x16xf32>,
        %get3A_649 = vector.shape_cast %get3A_648 : vector<1x16xf32> to vector<16xf32>
        %add3A_650 = arith.addf %get3A_641, %get3A_649 : vector<16xf32>
        %add3A_651 = arith.constant 8 : i32
        %add3A_652 = arith.addi %mul3A_52, %add3A_651 : i32
        %get3A_653 = arith.index_cast %add3A_652 : i32 to index
        %get3A_654 = arith.constant 64 : index
        %get3A_655 = tpu.vector_load %arg7[%get3A_653, %get3A_654] {strides = array<i32>} : memref<128x128xf32, #tpu.memory_space<vmem>>, vector<1x16xf32>,
        %get3A_656 = vector.shape_cast %get3A_655 : vector<1x16xf32> to vector<16xf32>
        %add3A_657 = arith.constant 8 : i32
        %add3A_658 = arith.addi %mul3A_52, %add3A_657 : i32
        %add3A_659 = arith.constant 1 : i32
        %add3A_660 = arith.addi %add3A_658, %add3A_659 : i32
        %get3A_661 = arith.index_cast %add3A_660 : i32 to index
        %get3A_662 = arith.constant 64 : index
        %get3A_663 = tpu.vector_load %arg7[%get3A_661, %get3A_662] {strides = array<i32>} : memref<128x128xf32, #tpu.memory_space<vmem>>, vector<1x16xf32>,
        %get3A_664 = vector.shape_cast %get3A_663 : vector<1x16xf32> to vector<16xf32>
        %add3A_665 = arith.addf %get3A_656, %get3A_664 : vector<16xf32>
        %add3A_666 = arith.constant 10 : i32
        %add3A_667 = arith.addi %mul3A_52, %add3A_666 : i32
        %get3A_668 = arith.index_cast %add3A_667 : i32 to index
        %get3A_669 = arith.constant 64 : index
        %get3A_670 = tpu.vector_load %arg7[%get3A_668, %get3A_669] {strides = array<i32>} : memref<128x128xf32, #tpu.memory_space<vmem>>, vector<1x16xf32>,
        %get3A_671 = vector.shape_cast %get3A_670 : vector<1x16xf32> to vector<16xf32>
        %add3A_672 = arith.constant 10 : i32
        %add3A_673 = arith.addi %mul3A_52, %add3A_672 : i32
        %add3A_674 = arith.constant 1 : i32
        %add3A_675 = arith.addi %add3A_673, %add3A_674 : i32
        %get3A_676 = arith.index_cast %add3A_675 : i32 to index
        %get3A_677 = arith.constant 64 : index
        %get3A_678 = tpu.vector_load %arg7[%get3A_676, %get3A_677] {strides = array<i32>} : memref<128x128xf32, #tpu.memory_space<vmem>>, vector<1x16xf32>,
        %get3A_679 = vector.shape_cast %get3A_678 : vector<1x16xf32> to vector<16xf32>
        %add3A_680 = arith.addf %get3A_671, %get3A_679 : vector<16xf32>
        %add3A_681 = arith.constant 12 : i32
        %add3A_682 = arith.addi %mul3A_52, %add3A_681 : i32
        %get3A_683 = arith.index_cast %add3A_682 : i32 to index
        %get3A_684 = arith.constant 64 : index
        %get3A_685 = tpu.vector_load %arg7[%get3A_683, %get3A_684] {strides = array<i32>} : memref<128x128xf32, #tpu.memory_space<vmem>>, vector<1x16xf32>,
        %get3A_686 = vector.shape_cast %get3A_685 : vector<1x16xf32> to vector<16xf32>
        %add3A_687 = arith.constant 12 : i32
        %add3A_688 = arith.addi %mul3A_52, %add3A_687 : i32
        %add3A_689 = arith.constant 1 : i32
        %add3A_690 = arith.addi %add3A_688, %add3A_689 : i32
        %get3A_691 = arith.index_cast %add3A_690 : i32 to index
        %get3A_692 = arith.constant 64 : index
        %get3A_693 = tpu.vector_load %arg7[%get3A_691, %get3A_692] {strides = array<i32>} : memref<128x128xf32, #tpu.memory_space<vmem>>, vector<1x16xf32>,
        %get3A_694 = vector.shape_cast %get3A_693 : vector<1x16xf32> to vector<16xf32>
        %add3A_695 = arith.addf %get3A_686, %get3A_694 : vector<16xf32>
        %add3A_696 = arith.constant 14 : i32
        %add3A_697 = arith.addi %mul3A_52, %add3A_696 : i32
        %get3A_698 = arith.index_cast %add3A_697 : i32 to index
        %get3A_699 = arith.constant 64 : index
        %get3A_700 = tpu.vector_load %arg7[%get3A_698, %get3A_699] {strides = array<i32>} : memref<128x128xf32, #tpu.memory_space<vmem>>, vector<1x16xf32>,
        %get3A_701 = vector.shape_cast %get3A_700 : vector<1x16xf32> to vector<16xf32>
        %add3A_702 = arith.constant 14 : i32
        %add3A_703 = arith.addi %mul3A_52, %add3A_702 : i32
        %add3A_704 = arith.constant 1 : i32
        %add3A_705 = arith.addi %add3A_703, %add3A_704 : i32
        %get3A_706 = arith.index_cast %add3A_705 : i32 to index
        %get3A_707 = arith.constant 64 : index
        %get3A_708 = tpu.vector_load %arg7[%get3A_706, %get3A_707] {strides = array<i32>} : memref<128x128xf32, #tpu.memory_space<vmem>>, vector<1x16xf32>,
        %get3A_709 = vector.shape_cast %get3A_708 : vector<1x16xf32> to vector<16xf32>
        %add3A_710 = arith.addf %get3A_701, %get3A_709 : vector<16xf32>
        %add3A_711 = arith.addf %add3A_605, %add3A_620 : vector<16xf32>
        %add3A_712 = arith.addf %add3A_635, %add3A_650 : vector<16xf32>
        %add3A_713 = arith.addf %add3A_665, %add3A_680 : vector<16xf32>
        %add3A_714 = arith.addf %add3A_695, %add3A_710 : vector<16xf32>
        %add3A_715 = arith.addf %add3A_711, %add3A_712 : vector<16xf32>
        %add3A_716 = arith.addf %add3A_713, %add3A_714 : vector<16xf32>
        %add3A_717 = arith.addf %add3A_715, %add3A_716 : vector<16xf32>
        %mul3A_718 = arith.constant 8 : i32
        %mul3A_719 = arith.muli %add3A_18, %mul3A_718 : i32
        %add3A_720 = arith.addi %mul3A_719, %scan3A_50 : i32
        %swap3A_721 = arith.index_cast %add3A_720 : i32 to index
        %swap3A_722 = arith.constant 64 : index
        %swap3A_723 = tpu.vector_load %arg8[%swap3A_721, %swap3A_722] {strides = array<i32>} : memref<320x128xf32, #tpu.memory_space<vmem>>, vector<1x16xf32>,
        %swap3A_724 = vector.shape_cast %swap3A_723 : vector<1x16xf32> to vector<16xf32>
        %swap3A_725 = vector.shape_cast %add3A_717 : vector<16xf32> to vector<1x16xf32>
        tpu.vector_store %arg8[%swap3A_721, %swap3A_722], %swap3A_725 {strides = array<i32>} : memref<320x128xf32, #tpu.memory_space<vmem>>, vector<1x16xf32>,
        %add3A_726 = arith.constant 0 : i32
        %add3A_727 = arith.addi %mul3A_52, %add3A_726 : i32
        %get3A_728 = arith.index_cast %add3A_727 : i32 to index
        %get3A_729 = arith.constant 80 : index
        %get3A_730 = tpu.vector_load %arg7[%get3A_728, %get3A_729] {strides = array<i32>} : memref<128x128xf32, #tpu.memory_space<vmem>>, vector<1x16xf32>,
        %get3A_731 = vector.shape_cast %get3A_730 : vector<1x16xf32> to vector<16xf32>
        %add3A_732 = arith.constant 0 : i32
        %add3A_733 = arith.addi %mul3A_52, %add3A_732 : i32
        %add3A_734 = arith.constant 1 : i32
        %add3A_735 = arith.addi %add3A_733, %add3A_734 : i32
        %get3A_736 = arith.index_cast %add3A_735 : i32 to index
        %get3A_737 = arith.constant 80 : index
        %get3A_738 = tpu.vector_load %arg7[%get3A_736, %get3A_737] {strides = array<i32>} : memref<128x128xf32, #tpu.memory_space<vmem>>, vector<1x16xf32>,
        %get3A_739 = vector.shape_cast %get3A_738 : vector<1x16xf32> to vector<16xf32>
        %add3A_740 = arith.addf %get3A_731, %get3A_739 : vector<16xf32>
        %add3A_741 = arith.constant 2 : i32
        %add3A_742 = arith.addi %mul3A_52, %add3A_741 : i32
        %get3A_743 = arith.index_cast %add3A_742 : i32 to index
        %get3A_744 = arith.constant 80 : index
        %get3A_745 = tpu.vector_load %arg7[%get3A_743, %get3A_744] {strides = array<i32>} : memref<128x128xf32, #tpu.memory_space<vmem>>, vector<1x16xf32>,
        %get3A_746 = vector.shape_cast %get3A_745 : vector<1x16xf32> to vector<16xf32>
        %add3A_747 = arith.constant 2 : i32
        %add3A_748 = arith.addi %mul3A_52, %add3A_747 : i32
        %add3A_749 = arith.constant 1 : i32
        %add3A_750 = arith.addi %add3A_748, %add3A_749 : i32
        %get3A_751 = arith.index_cast %add3A_750 : i32 to index
        %get3A_752 = arith.constant 80 : index
        %get3A_753 = tpu.vector_load %arg7[%get3A_751, %get3A_752] {strides = array<i32>} : memref<128x128xf32, #tpu.memory_space<vmem>>, vector<1x16xf32>,
        %get3A_754 = vector.shape_cast %get3A_753 : vector<1x16xf32> to vector<16xf32>
        %add3A_755 = arith.addf %get3A_746, %get3A_754 : vector<16xf32>
        %add3A_756 = arith.constant 4 : i32
        %add3A_757 = arith.addi %mul3A_52, %add3A_756 : i32
        %get3A_758 = arith.index_cast %add3A_757 : i32 to index
        %get3A_759 = arith.constant 80 : index
        %get3A_760 = tpu.vector_load %arg7[%get3A_758, %get3A_759] {strides = array<i32>} : memref<128x128xf32, #tpu.memory_space<vmem>>, vector<1x16xf32>,
        %get3A_761 = vector.shape_cast %get3A_760 : vector<1x16xf32> to vector<16xf32>
        %add3A_762 = arith.constant 4 : i32
        %add3A_763 = arith.addi %mul3A_52, %add3A_762 : i32
        %add3A_764 = arith.constant 1 : i32
        %add3A_765 = arith.addi %add3A_763, %add3A_764 : i32
        %get3A_766 = arith.index_cast %add3A_765 : i32 to index
        %get3A_767 = arith.constant 80 : index
        %get3A_768 = tpu.vector_load %arg7[%get3A_766, %get3A_767] {strides = array<i32>} : memref<128x128xf32, #tpu.memory_space<vmem>>, vector<1x16xf32>,
        %get3A_769 = vector.shape_cast %get3A_768 : vector<1x16xf32> to vector<16xf32>
        %add3A_770 = arith.addf %get3A_761, %get3A_769 : vector<16xf32>
        %add3A_771 = arith.constant 6 : i32
        %add3A_772 = arith.addi %mul3A_52, %add3A_771 : i32
        %get3A_773 = arith.index_cast %add3A_772 : i32 to index
        %get3A_774 = arith.constant 80 : index
        %get3A_775 = tpu.vector_load %arg7[%get3A_773, %get3A_774] {strides = array<i32>} : memref<128x128xf32, #tpu.memory_space<vmem>>, vector<1x16xf32>,
        %get3A_776 = vector.shape_cast %get3A_775 : vector<1x16xf32> to vector<16xf32>
        %add3A_777 = arith.constant 6 : i32
        %add3A_778 = arith.addi %mul3A_52, %add3A_777 : i32
        %add3A_779 = arith.constant 1 : i32
        %add3A_780 = arith.addi %add3A_778, %add3A_779 : i32
        %get3A_781 = arith.index_cast %add3A_780 : i32 to index
        %get3A_782 = arith.constant 80 : index
        %get3A_783 = tpu.vector_load %arg7[%get3A_781, %get3A_782] {strides = array<i32>} : memref<128x128xf32, #tpu.memory_space<vmem>>, vector<1x16xf32>,
        %get3A_784 = vector.shape_cast %get3A_783 : vector<1x16xf32> to vector<16xf32>
        %add3A_785 = arith.addf %get3A_776, %get3A_784 : vector<16xf32>
        %add3A_786 = arith.constant 8 : i32
        %add3A_787 = arith.addi %mul3A_52, %add3A_786 : i32
        %get3A_788 = arith.index_cast %add3A_787 : i32 to index
        %get3A_789 = arith.constant 80 : index
        %get3A_790 = tpu.vector_load %arg7[%get3A_788, %get3A_789] {strides = array<i32>} : memref<128x128xf32, #tpu.memory_space<vmem>>, vector<1x16xf32>,
        %get3A_791 = vector.shape_cast %get3A_790 : vector<1x16xf32> to vector<16xf32>
        %add3A_792 = arith.constant 8 : i32
        %add3A_793 = arith.addi %mul3A_52, %add3A_792 : i32
        %add3A_794 = arith.constant 1 : i32
        %add3A_795 = arith.addi %add3A_793, %add3A_794 : i32
        %get3A_796 = arith.index_cast %add3A_795 : i32 to index
        %get3A_797 = arith.constant 80 : index
        %get3A_798 = tpu.vector_load %arg7[%get3A_796, %get3A_797] {strides = array<i32>} : memref<128x128xf32, #tpu.memory_space<vmem>>, vector<1x16xf32>,
        %get3A_799 = vector.shape_cast %get3A_798 : vector<1x16xf32> to vector<16xf32>
        %add3A_800 = arith.addf %get3A_791, %get3A_799 : vector<16xf32>
        %add3A_801 = arith.constant 10 : i32
        %add3A_802 = arith.addi %mul3A_52, %add3A_801 : i32
        %get3A_803 = arith.index_cast %add3A_802 : i32 to index
        %get3A_804 = arith.constant 80 : index
        %get3A_805 = tpu.vector_load %arg7[%get3A_803, %get3A_804] {strides = array<i32>} : memref<128x128xf32, #tpu.memory_space<vmem>>, vector<1x16xf32>,
        %get3A_806 = vector.shape_cast %get3A_805 : vector<1x16xf32> to vector<16xf32>
        %add3A_807 = arith.constant 10 : i32
        %add3A_808 = arith.addi %mul3A_52, %add3A_807 : i32
        %add3A_809 = arith.constant 1 : i32
        %add3A_810 = arith.addi %add3A_808, %add3A_809 : i32
        %get3A_811 = arith.index_cast %add3A_810 : i32 to index
        %get3A_812 = arith.constant 80 : index
        %get3A_813 = tpu.vector_load %arg7[%get3A_811, %get3A_812] {strides = array<i32>} : memref<128x128xf32, #tpu.memory_space<vmem>>, vector<1x16xf32>,
        %get3A_814 = vector.shape_cast %get3A_813 : vector<1x16xf32> to vector<16xf32>
        %add3A_815 = arith.addf %get3A_806, %get3A_814 : vector<16xf32>
        %add3A_816 = arith.constant 12 : i32
        %add3A_817 = arith.addi %mul3A_52, %add3A_816 : i32
        %get3A_818 = arith.index_cast %add3A_817 : i32 to index
        %get3A_819 = arith.constant 80 : index
        %get3A_820 = tpu.vector_load %arg7[%get3A_818, %get3A_819] {strides = array<i32>} : memref<128x128xf32, #tpu.memory_space<vmem>>, vector<1x16xf32>,
        %get3A_821 = vector.shape_cast %get3A_820 : vector<1x16xf32> to vector<16xf32>
        %add3A_822 = arith.constant 12 : i32
        %add3A_823 = arith.addi %mul3A_52, %add3A_822 : i32
        %add3A_824 = arith.constant 1 : i32
        %add3A_825 = arith.addi %add3A_823, %add3A_824 : i32
        %get3A_826 = arith.index_cast %add3A_825 : i32 to index
        %get3A_827 = arith.constant 80 : index
        %get3A_828 = tpu.vector_load %arg7[%get3A_826, %get3A_827] {strides = array<i32>} : memref<128x128xf32, #tpu.memory_space<vmem>>, vector<1x16xf32>,
        %get3A_829 = vector.shape_cast %get3A_828 : vector<1x16xf32> to vector<16xf32>
        %add3A_830 = arith.addf %get3A_821, %get3A_829 : vector<16xf32>
        %add3A_831 = arith.constant 14 : i32
        %add3A_832 = arith.addi %mul3A_52, %add3A_831 : i32
        %get3A_833 = arith.index_cast %add3A_832 : i32 to index
        %get3A_834 = arith.constant 80 : index
        %get3A_835 = tpu.vector_load %arg7[%get3A_833, %get3A_834] {strides = array<i32>} : memref<128x128xf32, #tpu.memory_space<vmem>>, vector<1x16xf32>,
        %get3A_836 = vector.shape_cast %get3A_835 : vector<1x16xf32> to vector<16xf32>
        %add3A_837 = arith.constant 14 : i32
        %add3A_838 = arith.addi %mul3A_52, %add3A_837 : i32
        %add3A_839 = arith.constant 1 : i32
        %add3A_840 = arith.addi %add3A_838, %add3A_839 : i32
        %get3A_841 = arith.index_cast %add3A_840 : i32 to index
        %get3A_842 = arith.constant 80 : index
        %get3A_843 = tpu.vector_load %arg7[%get3A_841, %get3A_842] {strides = array<i32>} : memref<128x128xf32, #tpu.memory_space<vmem>>, vector<1x16xf32>,
        %get3A_844 = vector.shape_cast %get3A_843 : vector<1x16xf32> to vector<16xf32>
        %add3A_845 = arith.addf %get3A_836, %get3A_844 : vector<16xf32>
        %add3A_846 = arith.addf %add3A_740, %add3A_755 : vector<16xf32>
        %add3A_847 = arith.addf %add3A_770, %add3A_785 : vector<16xf32>
        %add3A_848 = arith.addf %add3A_800, %add3A_815 : vector<16xf32>
        %add3A_849 = arith.addf %add3A_830, %add3A_845 : vector<16xf32>
        %add3A_850 = arith.addf %add3A_846, %add3A_847 : vector<16xf32>
        %add3A_851 = arith.addf %add3A_848, %add3A_849 : vector<16xf32>
        %add3A_852 = arith.addf %add3A_850, %add3A_851 : vector<16xf32>
        %mul3A_853 = arith.constant 8 : i32
        %mul3A_854 = arith.muli %add3A_18, %mul3A_853 : i32
        %add3A_855 = arith.addi %mul3A_854, %scan3A_50 : i32
        %swap3A_856 = arith.index_cast %add3A_855 : i32 to index
        %swap3A_857 = arith.constant 80 : index
        %swap3A_858 = tpu.vector_load %arg8[%swap3A_856, %swap3A_857] {strides = array<i32>} : memref<320x128xf32, #tpu.memory_space<vmem>>, vector<1x16xf32>,
        %swap3A_859 = vector.shape_cast %swap3A_858 : vector<1x16xf32> to vector<16xf32>
        %swap3A_860 = vector.shape_cast %add3A_852 : vector<16xf32> to vector<1x16xf32>
        tpu.vector_store %arg8[%swap3A_856, %swap3A_857], %swap3A_860 {strides = array<i32>} : memref<320x128xf32, #tpu.memory_space<vmem>>, vector<1x16xf32>,
        %add3A_861 = arith.constant 0 : i32
        %add3A_862 = arith.addi %mul3A_52, %add3A_861 : i32
        %get3A_863 = arith.index_cast %add3A_862 : i32 to index
        %get3A_864 = arith.constant 96 : index
        %get3A_865 = tpu.vector_load %arg7[%get3A_863, %get3A_864] {strides = array<i32>} : memref<128x128xf32, #tpu.memory_space<vmem>>, vector<1x16xf32>,
        %get3A_866 = vector.shape_cast %get3A_865 : vector<1x16xf32> to vector<16xf32>
        %add3A_867 = arith.constant 0 : i32
        %add3A_868 = arith.addi %mul3A_52, %add3A_867 : i32
        %add3A_869 = arith.constant 1 : i32
        %add3A_870 = arith.addi %add3A_868, %add3A_869 : i32
        %get3A_871 = arith.index_cast %add3A_870 : i32 to index
        %get3A_872 = arith.constant 96 : index
        %get3A_873 = tpu.vector_load %arg7[%get3A_871, %get3A_872] {strides = array<i32>} : memref<128x128xf32, #tpu.memory_space<vmem>>, vector<1x16xf32>,
        %get3A_874 = vector.shape_cast %get3A_873 : vector<1x16xf32> to vector<16xf32>
        %add3A_875 = arith.addf %get3A_866, %get3A_874 : vector<16xf32>
        %add3A_876 = arith.constant 2 : i32
        %add3A_877 = arith.addi %mul3A_52, %add3A_876 : i32
        %get3A_878 = arith.index_cast %add3A_877 : i32 to index
        %get3A_879 = arith.constant 96 : index
        %get3A_880 = tpu.vector_load %arg7[%get3A_878, %get3A_879] {strides = array<i32>} : memref<128x128xf32, #tpu.memory_space<vmem>>, vector<1x16xf32>,
        %get3A_881 = vector.shape_cast %get3A_880 : vector<1x16xf32> to vector<16xf32>
        %add3A_882 = arith.constant 2 : i32
        %add3A_883 = arith.addi %mul3A_52, %add3A_882 : i32
        %add3A_884 = arith.constant 1 : i32
        %add3A_885 = arith.addi %add3A_883, %add3A_884 : i32
        %get3A_886 = arith.index_cast %add3A_885 : i32 to index
        %get3A_887 = arith.constant 96 : index
        %get3A_888 = tpu.vector_load %arg7[%get3A_886, %get3A_887] {strides = array<i32>} : memref<128x128xf32, #tpu.memory_space<vmem>>, vector<1x16xf32>,
        %get3A_889 = vector.shape_cast %get3A_888 : vector<1x16xf32> to vector<16xf32>
        %add3A_890 = arith.addf %get3A_881, %get3A_889 : vector<16xf32>
        %add3A_891 = arith.constant 4 : i32
        %add3A_892 = arith.addi %mul3A_52, %add3A_891 : i32
        %get3A_893 = arith.index_cast %add3A_892 : i32 to index
        %get3A_894 = arith.constant 96 : index
        %get3A_895 = tpu.vector_load %arg7[%get3A_893, %get3A_894] {strides = array<i32>} : memref<128x128xf32, #tpu.memory_space<vmem>>, vector<1x16xf32>,
        %get3A_896 = vector.shape_cast %get3A_895 : vector<1x16xf32> to vector<16xf32>
        %add3A_897 = arith.constant 4 : i32
        %add3A_898 = arith.addi %mul3A_52, %add3A_897 : i32
        %add3A_899 = arith.constant 1 : i32
        %add3A_900 = arith.addi %add3A_898, %add3A_899 : i32
        %get3A_901 = arith.index_cast %add3A_900 : i32 to index
        %get3A_902 = arith.constant 96 : index
        %get3A_903 = tpu.vector_load %arg7[%get3A_901, %get3A_902] {strides = array<i32>} : memref<128x128xf32, #tpu.memory_space<vmem>>, vector<1x16xf32>,
        %get3A_904 = vector.shape_cast %get3A_903 : vector<1x16xf32> to vector<16xf32>
        %add3A_905 = arith.addf %get3A_896, %get3A_904 : vector<16xf32>
        %add3A_906 = arith.constant 6 : i32
        %add3A_907 = arith.addi %mul3A_52, %add3A_906 : i32
        %get3A_908 = arith.index_cast %add3A_907 : i32 to index
        %get3A_909 = arith.constant 96 : index
        %get3A_910 = tpu.vector_load %arg7[%get3A_908, %get3A_909] {strides = array<i32>} : memref<128x128xf32, #tpu.memory_space<vmem>>, vector<1x16xf32>,
        %get3A_911 = vector.shape_cast %get3A_910 : vector<1x16xf32> to vector<16xf32>
        %add3A_912 = arith.constant 6 : i32
        %add3A_913 = arith.addi %mul3A_52, %add3A_912 : i32
        %add3A_914 = arith.constant 1 : i32
        %add3A_915 = arith.addi %add3A_913, %add3A_914 : i32
        %get3A_916 = arith.index_cast %add3A_915 : i32 to index
        %get3A_917 = arith.constant 96 : index
        %get3A_918 = tpu.vector_load %arg7[%get3A_916, %get3A_917] {strides = array<i32>} : memref<128x128xf32, #tpu.memory_space<vmem>>, vector<1x16xf32>,
        %get3A_919 = vector.shape_cast %get3A_918 : vector<1x16xf32> to vector<16xf32>
        %add3A_920 = arith.addf %get3A_911, %get3A_919 : vector<16xf32>
        %add3A_921 = arith.constant 8 : i32
        %add3A_922 = arith.addi %mul3A_52, %add3A_921 : i32
        %get3A_923 = arith.index_cast %add3A_922 : i32 to index
        %get3A_924 = arith.constant 96 : index
        %get3A_925 = tpu.vector_load %arg7[%get3A_923, %get3A_924] {strides = array<i32>} : memref<128x128xf32, #tpu.memory_space<vmem>>, vector<1x16xf32>,
        %get3A_926 = vector.shape_cast %get3A_925 : vector<1x16xf32> to vector<16xf32>
        %add3A_927 = arith.constant 8 : i32
        %add3A_928 = arith.addi %mul3A_52, %add3A_927 : i32
        %add3A_929 = arith.constant 1 : i32
        %add3A_930 = arith.addi %add3A_928, %add3A_929 : i32
        %get3A_931 = arith.index_cast %add3A_930 : i32 to index
        %get3A_932 = arith.constant 96 : index
        %get3A_933 = tpu.vector_load %arg7[%get3A_931, %get3A_932] {strides = array<i32>} : memref<128x128xf32, #tpu.memory_space<vmem>>, vector<1x16xf32>,
        %get3A_934 = vector.shape_cast %get3A_933 : vector<1x16xf32> to vector<16xf32>
        %add3A_935 = arith.addf %get3A_926, %get3A_934 : vector<16xf32>
        %add3A_936 = arith.constant 10 : i32
        %add3A_937 = arith.addi %mul3A_52, %add3A_936 : i32
        %get3A_938 = arith.index_cast %add3A_937 : i32 to index
        %get3A_939 = arith.constant 96 : index
        %get3A_940 = tpu.vector_load %arg7[%get3A_938, %get3A_939] {strides = array<i32>} : memref<128x128xf32, #tpu.memory_space<vmem>>, vector<1x16xf32>,
        %get3A_941 = vector.shape_cast %get3A_940 : vector<1x16xf32> to vector<16xf32>
        %add3A_942 = arith.constant 10 : i32
        %add3A_943 = arith.addi %mul3A_52, %add3A_942 : i32
        %add3A_944 = arith.constant 1 : i32
        %add3A_945 = arith.addi %add3A_943, %add3A_944 : i32
        %get3A_946 = arith.index_cast %add3A_945 : i32 to index
        %get3A_947 = arith.constant 96 : index
        %get3A_948 = tpu.vector_load %arg7[%get3A_946, %get3A_947] {strides = array<i32>} : memref<128x128xf32, #tpu.memory_space<vmem>>, vector<1x16xf32>,
        %get3A_949 = vector.shape_cast %get3A_948 : vector<1x16xf32> to vector<16xf32>
        %add3A_950 = arith.addf %get3A_941, %get3A_949 : vector<16xf32>
        %add3A_951 = arith.constant 12 : i32
        %add3A_952 = arith.addi %mul3A_52, %add3A_951 : i32
        %get3A_953 = arith.index_cast %add3A_952 : i32 to index
        %get3A_954 = arith.constant 96 : index
        %get3A_955 = tpu.vector_load %arg7[%get3A_953, %get3A_954] {strides = array<i32>} : memref<128x128xf32, #tpu.memory_space<vmem>>, vector<1x16xf32>,
        %get3A_956 = vector.shape_cast %get3A_955 : vector<1x16xf32> to vector<16xf32>
        %add3A_957 = arith.constant 12 : i32
        %add3A_958 = arith.addi %mul3A_52, %add3A_957 : i32
        %add3A_959 = arith.constant 1 : i32
        %add3A_960 = arith.addi %add3A_958, %add3A_959 : i32
        %get3A_961 = arith.index_cast %add3A_960 : i32 to index
        %get3A_962 = arith.constant 96 : index
        %get3A_963 = tpu.vector_load %arg7[%get3A_961, %get3A_962] {strides = array<i32>} : memref<128x128xf32, #tpu.memory_space<vmem>>, vector<1x16xf32>,
        %get3A_964 = vector.shape_cast %get3A_963 : vector<1x16xf32> to vector<16xf32>
        %add3A_965 = arith.addf %get3A_956, %get3A_964 : vector<16xf32>
        %add3A_966 = arith.constant 14 : i32
        %add3A_967 = arith.addi %mul3A_52, %add3A_966 : i32
        %get3A_968 = arith.index_cast %add3A_967 : i32 to index
        %get3A_969 = arith.constant 96 : index
        %get3A_970 = tpu.vector_load %arg7[%get3A_968, %get3A_969] {strides = array<i32>} : memref<128x128xf32, #tpu.memory_space<vmem>>, vector<1x16xf32>,
        %get3A_971 = vector.shape_cast %get3A_970 : vector<1x16xf32> to vector<16xf32>
        %add3A_972 = arith.constant 14 : i32
        %add3A_973 = arith.addi %mul3A_52, %add3A_972 : i32
        %add3A_974 = arith.constant 1 : i32
        %add3A_975 = arith.addi %add3A_973, %add3A_974 : i32
        %get3A_976 = arith.index_cast %add3A_975 : i32 to index
        %get3A_977 = arith.constant 96 : index
        %get3A_978 = tpu.vector_load %arg7[%get3A_976, %get3A_977] {strides = array<i32>} : memref<128x128xf32, #tpu.memory_space<vmem>>, vector<1x16xf32>,
        %get3A_979 = vector.shape_cast %get3A_978 : vector<1x16xf32> to vector<16xf32>
        %add3A_980 = arith.addf %get3A_971, %get3A_979 : vector<16xf32>
        %add3A_981 = arith.addf %add3A_875, %add3A_890 : vector<16xf32>
        %add3A_982 = arith.addf %add3A_905, %add3A_920 : vector<16xf32>
        %add3A_983 = arith.addf %add3A_935, %add3A_950 : vector<16xf32>
        %add3A_984 = arith.addf %add3A_965, %add3A_980 : vector<16xf32>
        %add3A_985 = arith.addf %add3A_981, %add3A_982 : vector<16xf32>
        %add3A_986 = arith.addf %add3A_983, %add3A_984 : vector<16xf32>
        %add3A_987 = arith.addf %add3A_985, %add3A_986 : vector<16xf32>
        %mul3A_988 = arith.constant 8 : i32
        %mul3A_989 = arith.muli %add3A_18, %mul3A_988 : i32
        %add3A_990 = arith.addi %mul3A_989, %scan3A_50 : i32
        %swap3A_991 = arith.index_cast %add3A_990 : i32 to index
        %swap3A_992 = arith.constant 96 : index
        %swap3A_993 = tpu.vector_load %arg8[%swap3A_991, %swap3A_992] {strides = array<i32>} : memref<320x128xf32, #tpu.memory_space<vmem>>, vector<1x16xf32>,
        %swap3A_994 = vector.shape_cast %swap3A_993 : vector<1x16xf32> to vector<16xf32>
        %swap3A_995 = vector.shape_cast %add3A_987 : vector<16xf32> to vector<1x16xf32>
        tpu.vector_store %arg8[%swap3A_991, %swap3A_992], %swap3A_995 {strides = array<i32>} : memref<320x128xf32, #tpu.memory_space<vmem>>, vector<1x16xf32>,
        %add3A_996 = arith.constant 0 : i32
        %add3A_997 = arith.addi %mul3A_52, %add3A_996 : i32
        %get3A_998 = arith.index_cast %add3A_997 : i32 to index
        %get3A_999 = arith.constant 112 : index
        %get3A_1000 = tpu.vector_load %arg7[%get3A_998, %get3A_999] {strides = array<i32>} : memref<128x128xf32, #tpu.memory_space<vmem>>, vector<1x16xf32>,
        %get3A_1001 = vector.shape_cast %get3A_1000 : vector<1x16xf32> to vector<16xf32>
        %add3A_1002 = arith.constant 0 : i32
        %add3A_1003 = arith.addi %mul3A_52, %add3A_1002 : i32
        %add3A_1004 = arith.constant 1 : i32
        %add3A_1005 = arith.addi %add3A_1003, %add3A_1004 : i32
        %get3A_1006 = arith.index_cast %add3A_1005 : i32 to index
        %get3A_1007 = arith.constant 112 : index
        %get3A_1008 = tpu.vector_load %arg7[%get3A_1006, %get3A_1007] {strides = array<i32>} : memref<128x128xf32, #tpu.memory_space<vmem>>, vector<1x16xf32>,
        %get3A_1009 = vector.shape_cast %get3A_1008 : vector<1x16xf32> to vector<16xf32>
        %add3A_1010 = arith.addf %get3A_1001, %get3A_1009 : vector<16xf32>
        %add3A_1011 = arith.constant 2 : i32
        %add3A_1012 = arith.addi %mul3A_52, %add3A_1011 : i32
        %get3A_1013 = arith.index_cast %add3A_1012 : i32 to index
        %get3A_1014 = arith.constant 112 : index
        %get3A_1015 = tpu.vector_load %arg7[%get3A_1013, %get3A_1014] {strides = array<i32>} : memref<128x128xf32, #tpu.memory_space<vmem>>, vector<1x16xf32>,
        %get3A_1016 = vector.shape_cast %get3A_1015 : vector<1x16xf32> to vector<16xf32>
        %add3A_1017 = arith.constant 2 : i32
        %add3A_1018 = arith.addi %mul3A_52, %add3A_1017 : i32
        %add3A_1019 = arith.constant 1 : i32
        %add3A_1020 = arith.addi %add3A_1018, %add3A_1019 : i32
        %get3A_1021 = arith.index_cast %add3A_1020 : i32 to index
        %get3A_1022 = arith.constant 112 : index
        %get3A_1023 = tpu.vector_load %arg7[%get3A_1021, %get3A_1022] {strides = array<i32>} : memref<128x128xf32, #tpu.memory_space<vmem>>, vector<1x16xf32>,
        %get3A_1024 = vector.shape_cast %get3A_1023 : vector<1x16xf32> to vector<16xf32>
        %add3A_1025 = arith.addf %get3A_1016, %get3A_1024 : vector<16xf32>
        %add3A_1026 = arith.constant 4 : i32
        %add3A_1027 = arith.addi %mul3A_52, %add3A_1026 : i32
        %get3A_1028 = arith.index_cast %add3A_1027 : i32 to index
        %get3A_1029 = arith.constant 112 : index
        %get3A_1030 = tpu.vector_load %arg7[%get3A_1028, %get3A_1029] {strides = array<i32>} : memref<128x128xf32, #tpu.memory_space<vmem>>, vector<1x16xf32>,
        %get3A_1031 = vector.shape_cast %get3A_1030 : vector<1x16xf32> to vector<16xf32>
        %add3A_1032 = arith.constant 4 : i32
        %add3A_1033 = arith.addi %mul3A_52, %add3A_1032 : i32
        %add3A_1034 = arith.constant 1 : i32
        %add3A_1035 = arith.addi %add3A_1033, %add3A_1034 : i32
        %get3A_1036 = arith.index_cast %add3A_1035 : i32 to index
        %get3A_1037 = arith.constant 112 : index
        %get3A_1038 = tpu.vector_load %arg7[%get3A_1036, %get3A_1037] {strides = array<i32>} : memref<128x128xf32, #tpu.memory_space<vmem>>, vector<1x16xf32>,
        %get3A_1039 = vector.shape_cast %get3A_1038 : vector<1x16xf32> to vector<16xf32>
        %add3A_1040 = arith.addf %get3A_1031, %get3A_1039 : vector<16xf32>
        %add3A_1041 = arith.constant 6 : i32
        %add3A_1042 = arith.addi %mul3A_52, %add3A_1041 : i32
        %get3A_1043 = arith.index_cast %add3A_1042 : i32 to index
        %get3A_1044 = arith.constant 112 : index
        %get3A_1045 = tpu.vector_load %arg7[%get3A_1043, %get3A_1044] {strides = array<i32>} : memref<128x128xf32, #tpu.memory_space<vmem>>, vector<1x16xf32>,
        %get3A_1046 = vector.shape_cast %get3A_1045 : vector<1x16xf32> to vector<16xf32>
        %add3A_1047 = arith.constant 6 : i32
        %add3A_1048 = arith.addi %mul3A_52, %add3A_1047 : i32
        %add3A_1049 = arith.constant 1 : i32
        %add3A_1050 = arith.addi %add3A_1048, %add3A_1049 : i32
        %get3A_1051 = arith.index_cast %add3A_1050 : i32 to index
        %get3A_1052 = arith.constant 112 : index
        %get3A_1053 = tpu.vector_load %arg7[%get3A_1051, %get3A_1052] {strides = array<i32>} : memref<128x128xf32, #tpu.memory_space<vmem>>, vector<1x16xf32>,
        %get3A_1054 = vector.shape_cast %get3A_1053 : vector<1x16xf32> to vector<16xf32>
        %add3A_1055 = arith.addf %get3A_1046, %get3A_1054 : vector<16xf32>
        %add3A_1056 = arith.constant 8 : i32
        %add3A_1057 = arith.addi %mul3A_52, %add3A_1056 : i32
        %get3A_1058 = arith.index_cast %add3A_1057 : i32 to index
        %get3A_1059 = arith.constant 112 : index
        %get3A_1060 = tpu.vector_load %arg7[%get3A_1058, %get3A_1059] {strides = array<i32>} : memref<128x128xf32, #tpu.memory_space<vmem>>, vector<1x16xf32>,
        %get3A_1061 = vector.shape_cast %get3A_1060 : vector<1x16xf32> to vector<16xf32>
        %add3A_1062 = arith.constant 8 : i32
        %add3A_1063 = arith.addi %mul3A_52, %add3A_1062 : i32
        %add3A_1064 = arith.constant 1 : i32
        %add3A_1065 = arith.addi %add3A_1063, %add3A_1064 : i32
        %get3A_1066 = arith.index_cast %add3A_1065 : i32 to index
        %get3A_1067 = arith.constant 112 : index
        %get3A_1068 = tpu.vector_load %arg7[%get3A_1066, %get3A_1067] {strides = array<i32>} : memref<128x128xf32, #tpu.memory_space<vmem>>, vector<1x16xf32>,
        %get3A_1069 = vector.shape_cast %get3A_1068 : vector<1x16xf32> to vector<16xf32>
        %add3A_1070 = arith.addf %get3A_1061, %get3A_1069 : vector<16xf32>
        %add3A_1071 = arith.constant 10 : i32
        %add3A_1072 = arith.addi %mul3A_52, %add3A_1071 : i32
        %get3A_1073 = arith.index_cast %add3A_1072 : i32 to index
        %get3A_1074 = arith.constant 112 : index
        %get3A_1075 = tpu.vector_load %arg7[%get3A_1073, %get3A_1074] {strides = array<i32>} : memref<128x128xf32, #tpu.memory_space<vmem>>, vector<1x16xf32>,
        %get3A_1076 = vector.shape_cast %get3A_1075 : vector<1x16xf32> to vector<16xf32>
        %add3A_1077 = arith.constant 10 : i32
        %add3A_1078 = arith.addi %mul3A_52, %add3A_1077 : i32
        %add3A_1079 = arith.constant 1 : i32
        %add3A_1080 = arith.addi %add3A_1078, %add3A_1079 : i32
        %get3A_1081 = arith.index_cast %add3A_1080 : i32 to index
        %get3A_1082 = arith.constant 112 : index
        %get3A_1083 = tpu.vector_load %arg7[%get3A_1081, %get3A_1082] {strides = array<i32>} : memref<128x128xf32, #tpu.memory_space<vmem>>, vector<1x16xf32>,
        %get3A_1084 = vector.shape_cast %get3A_1083 : vector<1x16xf32> to vector<16xf32>
        %add3A_1085 = arith.addf %get3A_1076, %get3A_1084 : vector<16xf32>
        %add3A_1086 = arith.constant 12 : i32
        %add3A_1087 = arith.addi %mul3A_52, %add3A_1086 : i32
        %get3A_1088 = arith.index_cast %add3A_1087 : i32 to index
        %get3A_1089 = arith.constant 112 : index
        %get3A_1090 = tpu.vector_load %arg7[%get3A_1088, %get3A_1089] {strides = array<i32>} : memref<128x128xf32, #tpu.memory_space<vmem>>, vector<1x16xf32>,
        %get3A_1091 = vector.shape_cast %get3A_1090 : vector<1x16xf32> to vector<16xf32>
        %add3A_1092 = arith.constant 12 : i32
        %add3A_1093 = arith.addi %mul3A_52, %add3A_1092 : i32
        %add3A_1094 = arith.constant 1 : i32
        %add3A_1095 = arith.addi %add3A_1093, %add3A_1094 : i32
        %get3A_1096 = arith.index_cast %add3A_1095 : i32 to index
        %get3A_1097 = arith.constant 112 : index
        %get3A_1098 = tpu.vector_load %arg7[%get3A_1096, %get3A_1097] {strides = array<i32>} : memref<128x128xf32, #tpu.memory_space<vmem>>, vector<1x16xf32>,
        %get3A_1099 = vector.shape_cast %get3A_1098 : vector<1x16xf32> to vector<16xf32>
        %add3A_1100 = arith.addf %get3A_1091, %get3A_1099 : vector<16xf32>
        %add3A_1101 = arith.constant 14 : i32
        %add3A_1102 = arith.addi %mul3A_52, %add3A_1101 : i32
        %get3A_1103 = arith.index_cast %add3A_1102 : i32 to index
        %get3A_1104 = arith.constant 112 : index
        %get3A_1105 = tpu.vector_load %arg7[%get3A_1103, %get3A_1104] {strides = array<i32>} : memref<128x128xf32, #tpu.memory_space<vmem>>, vector<1x16xf32>,
        %get3A_1106 = vector.shape_cast %get3A_1105 : vector<1x16xf32> to vector<16xf32>
        %add3A_1107 = arith.constant 14 : i32
        %add3A_1108 = arith.addi %mul3A_52, %add3A_1107 : i32
        %add3A_1109 = arith.constant 1 : i32
        %add3A_1110 = arith.addi %add3A_1108, %add3A_1109 : i32
        %get3A_1111 = arith.index_cast %add3A_1110 : i32 to index
        %get3A_1112 = arith.constant 112 : index
        %get3A_1113 = tpu.vector_load %arg7[%get3A_1111, %get3A_1112] {strides = array<i32>} : memref<128x128xf32, #tpu.memory_space<vmem>>, vector<1x16xf32>,
        %get3A_1114 = vector.shape_cast %get3A_1113 : vector<1x16xf32> to vector<16xf32>
        %add3A_1115 = arith.addf %get3A_1106, %get3A_1114 : vector<16xf32>
        %add3A_1116 = arith.addf %add3A_1010, %add3A_1025 : vector<16xf32>
        %add3A_1117 = arith.addf %add3A_1040, %add3A_1055 : vector<16xf32>
        %add3A_1118 = arith.addf %add3A_1070, %add3A_1085 : vector<16xf32>
        %add3A_1119 = arith.addf %add3A_1100, %add3A_1115 : vector<16xf32>
        %add3A_1120 = arith.addf %add3A_1116, %add3A_1117 : vector<16xf32>
        %add3A_1121 = arith.addf %add3A_1118, %add3A_1119 : vector<16xf32>
        %add3A_1122 = arith.addf %add3A_1120, %add3A_1121 : vector<16xf32>
        %mul3A_1123 = arith.constant 8 : i32
        %mul3A_1124 = arith.muli %add3A_18, %mul3A_1123 : i32
        %add3A_1125 = arith.addi %mul3A_1124, %scan3A_50 : i32
        %swap3A_1126 = arith.index_cast %add3A_1125 : i32 to index
        %swap3A_1127 = arith.constant 112 : index
        %swap3A_1128 = tpu.vector_load %arg8[%swap3A_1126, %swap3A_1127] {strides = array<i32>} : memref<320x128xf32, #tpu.memory_space<vmem>>, vector<1x16xf32>,
        %swap3A_1129 = vector.shape_cast %swap3A_1128 : vector<1x16xf32> to vector<16xf32>
        %swap3A_1130 = vector.shape_cast %add3A_1122 : vector<16xf32> to vector<1x16xf32>
        tpu.vector_store %arg8[%swap3A_1126, %swap3A_1127], %swap3A_1130 {strides = array<i32>} : memref<320x128xf32, #tpu.memory_space<vmem>>, vector<1x16xf32>,
        %scan3A_1131 = arith.constant 1 : i32
        %scan3A_1132 = arith.addi %scan3A_50, %scan3A_1131 : i32
        %mul3A_1133 = arith.constant 16 : i32
        %mul3A_1134 = arith.muli %scan3A_1132, %mul3A_1133 : i32
        %add3A_1135 = arith.constant 0 : i32
        %add3A_1136 = arith.addi %mul3A_1134, %add3A_1135 : i32
        %get3A_1137 = arith.index_cast %add3A_1136 : i32 to index
        %get3A_1138 = arith.constant 0 : index
        %get3A_1139 = tpu.vector_load %arg7[%get3A_1137, %get3A_1138] {strides = array<i32>} : memref<128x128xf32, #tpu.memory_space<vmem>>, vector<1x16xf32>,
        %get3A_1140 = vector.shape_cast %get3A_1139 : vector<1x16xf32> to vector<16xf32>
        %add3A_1141 = arith.constant 0 : i32
        %add3A_1142 = arith.addi %mul3A_1134, %add3A_1141 : i32
        %add3A_1143 = arith.constant 1 : i32
        %add3A_1144 = arith.addi %add3A_1142, %add3A_1143 : i32
        %get3A_1145 = arith.index_cast %add3A_1144 : i32 to index
        %get3A_1146 = arith.constant 0 : index
        %get3A_1147 = tpu.vector_load %arg7[%get3A_1145, %get3A_1146] {strides = array<i32>} : memref<128x128xf32, #tpu.memory_space<vmem>>, vector<1x16xf32>,
        %get3A_1148 = vector.shape_cast %get3A_1147 : vector<1x16xf32> to vector<16xf32>
        %add3A_1149 = arith.addf %get3A_1140, %get3A_1148 : vector<16xf32>
        %add3A_1150 = arith.constant 2 : i32
        %add3A_1151 = arith.addi %mul3A_1134, %add3A_1150 : i32
        %get3A_1152 = arith.index_cast %add3A_1151 : i32 to index
        %get3A_1153 = arith.constant 0 : index
        %get3A_1154 = tpu.vector_load %arg7[%get3A_1152, %get3A_1153] {strides = array<i32>} : memref<128x128xf32, #tpu.memory_space<vmem>>, vector<1x16xf32>,
        %get3A_1155 = vector.shape_cast %get3A_1154 : vector<1x16xf32> to vector<16xf32>
        %add3A_1156 = arith.constant 2 : i32
        %add3A_1157 = arith.addi %mul3A_1134, %add3A_1156 : i32
        %add3A_1158 = arith.constant 1 : i32
        %add3A_1159 = arith.addi %add3A_1157, %add3A_1158 : i32
        %get3A_1160 = arith.index_cast %add3A_1159 : i32 to index
        %get3A_1161 = arith.constant 0 : index
        %get3A_1162 = tpu.vector_load %arg7[%get3A_1160, %get3A_1161] {strides = array<i32>} : memref<128x128xf32, #tpu.memory_space<vmem>>, vector<1x16xf32>,
        %get3A_1163 = vector.shape_cast %get3A_1162 : vector<1x16xf32> to vector<16xf32>
        %add3A_1164 = arith.addf %get3A_1155, %get3A_1163 : vector<16xf32>
        %add3A_1165 = arith.constant 4 : i32
        %add3A_1166 = arith.addi %mul3A_1134, %add3A_1165 : i32
        %get3A_1167 = arith.index_cast %add3A_1166 : i32 to index
        %get3A_1168 = arith.constant 0 : index
        %get3A_1169 = tpu.vector_load %arg7[%get3A_1167, %get3A_1168] {strides = array<i32>} : memref<128x128xf32, #tpu.memory_space<vmem>>, vector<1x16xf32>,
        %get3A_1170 = vector.shape_cast %get3A_1169 : vector<1x16xf32> to vector<16xf32>
        %add3A_1171 = arith.constant 4 : i32
        %add3A_1172 = arith.addi %mul3A_1134, %add3A_1171 : i32
        %add3A_1173 = arith.constant 1 : i32
        %add3A_1174 = arith.addi %add3A_1172, %add3A_1173 : i32
        %get3A_1175 = arith.index_cast %add3A_1174 : i32 to index
        %get3A_1176 = arith.constant 0 : index
        %get3A_1177 = tpu.vector_load %arg7[%get3A_1175, %get3A_1176] {strides = array<i32>} : memref<128x128xf32, #tpu.memory_space<vmem>>, vector<1x16xf32>,
        %get3A_1178 = vector.shape_cast %get3A_1177 : vector<1x16xf32> to vector<16xf32>
        %add3A_1179 = arith.addf %get3A_1170, %get3A_1178 : vector<16xf32>
        %add3A_1180 = arith.constant 6 : i32
        %add3A_1181 = arith.addi %mul3A_1134, %add3A_1180 : i32
        %get3A_1182 = arith.index_cast %add3A_1181 : i32 to index
        %get3A_1183 = arith.constant 0 : index
        %get3A_1184 = tpu.vector_load %arg7[%get3A_1182, %get3A_1183] {strides = array<i32>} : memref<128x128xf32, #tpu.memory_space<vmem>>, vector<1x16xf32>,
        %get3A_1185 = vector.shape_cast %get3A_1184 : vector<1x16xf32> to vector<16xf32>
        %add3A_1186 = arith.constant 6 : i32
        %add3A_1187 = arith.addi %mul3A_1134, %add3A_1186 : i32
        %add3A_1188 = arith.constant 1 : i32
        %add3A_1189 = arith.addi %add3A_1187, %add3A_1188 : i32
        %get3A_1190 = arith.index_cast %add3A_1189 : i32 to index
        %get3A_1191 = arith.constant 0 : index
        %get3A_1192 = tpu.vector_load %arg7[%get3A_1190, %get3A_1191] {strides = array<i32>} : memref<128x128xf32, #tpu.memory_space<vmem>>, vector<1x16xf32>,
        %get3A_1193 = vector.shape_cast %get3A_1192 : vector<1x16xf32> to vector<16xf32>
        %add3A_1194 = arith.addf %get3A_1185, %get3A_1193 : vector<16xf32>
        %add3A_1195 = arith.constant 8 : i32
        %add3A_1196 = arith.addi %mul3A_1134, %add3A_1195 : i32
        %get3A_1197 = arith.index_cast %add3A_1196 : i32 to index
        %get3A_1198 = arith.constant 0 : index
        %get3A_1199 = tpu.vector_load %arg7[%get3A_1197, %get3A_1198] {strides = array<i32>} : memref<128x128xf32, #tpu.memory_space<vmem>>, vector<1x16xf32>,
        %get3A_1200 = vector.shape_cast %get3A_1199 : vector<1x16xf32> to vector<16xf32>
        %add3A_1201 = arith.constant 8 : i32
        %add3A_1202 = arith.addi %mul3A_1134, %add3A_1201 : i32
        %add3A_1203 = arith.constant 1 : i32
        %add3A_1204 = arith.addi %add3A_1202, %add3A_1203 : i32
        %get3A_1205 = arith.index_cast %add3A_1204 : i32 to index
        %get3A_1206 = arith.constant 0 : index
        %get3A_1207 = tpu.vector_load %arg7[%get3A_1205, %get3A_1206] {strides = array<i32>} : memref<128x128xf32, #tpu.memory_space<vmem>>, vector<1x16xf32>,
        %get3A_1208 = vector.shape_cast %get3A_1207 : vector<1x16xf32> to vector<16xf32>
        %add3A_1209 = arith.addf %get3A_1200, %get3A_1208 : vector<16xf32>
        %add3A_1210 = arith.constant 10 : i32
        %add3A_1211 = arith.addi %mul3A_1134, %add3A_1210 : i32
        %get3A_1212 = arith.index_cast %add3A_1211 : i32 to index
        %get3A_1213 = arith.constant 0 : index
        %get3A_1214 = tpu.vector_load %arg7[%get3A_1212, %get3A_1213] {strides = array<i32>} : memref<128x128xf32, #tpu.memory_space<vmem>>, vector<1x16xf32>,
        %get3A_1215 = vector.shape_cast %get3A_1214 : vector<1x16xf32> to vector<16xf32>
        %add3A_1216 = arith.constant 10 : i32
        %add3A_1217 = arith.addi %mul3A_1134, %add3A_1216 : i32
        %add3A_1218 = arith.constant 1 : i32
        %add3A_1219 = arith.addi %add3A_1217, %add3A_1218 : i32
        %get3A_1220 = arith.index_cast %add3A_1219 : i32 to index
        %get3A_1221 = arith.constant 0 : index
        %get3A_1222 = tpu.vector_load %arg7[%get3A_1220, %get3A_1221] {strides = array<i32>} : memref<128x128xf32, #tpu.memory_space<vmem>>, vector<1x16xf32>,
        %get3A_1223 = vector.shape_cast %get3A_1222 : vector<1x16xf32> to vector<16xf32>
        %add3A_1224 = arith.addf %get3A_1215, %get3A_1223 : vector<16xf32>
        %add3A_1225 = arith.constant 12 : i32
        %add3A_1226 = arith.addi %mul3A_1134, %add3A_1225 : i32
        %get3A_1227 = arith.index_cast %add3A_1226 : i32 to index
        %get3A_1228 = arith.constant 0 : index
        %get3A_1229 = tpu.vector_load %arg7[%get3A_1227, %get3A_1228] {strides = array<i32>} : memref<128x128xf32, #tpu.memory_space<vmem>>, vector<1x16xf32>,
        %get3A_1230 = vector.shape_cast %get3A_1229 : vector<1x16xf32> to vector<16xf32>
        %add3A_1231 = arith.constant 12 : i32
        %add3A_1232 = arith.addi %mul3A_1134, %add3A_1231 : i32
        %add3A_1233 = arith.constant 1 : i32
        %add3A_1234 = arith.addi %add3A_1232, %add3A_1233 : i32
        %get3A_1235 = arith.index_cast %add3A_1234 : i32 to index
        %get3A_1236 = arith.constant 0 : index
        %get3A_1237 = tpu.vector_load %arg7[%get3A_1235, %get3A_1236] {strides = array<i32>} : memref<128x128xf32, #tpu.memory_space<vmem>>, vector<1x16xf32>,
        %get3A_1238 = vector.shape_cast %get3A_1237 : vector<1x16xf32> to vector<16xf32>
        %add3A_1239 = arith.addf %get3A_1230, %get3A_1238 : vector<16xf32>
        %add3A_1240 = arith.constant 14 : i32
        %add3A_1241 = arith.addi %mul3A_1134, %add3A_1240 : i32
        %get3A_1242 = arith.index_cast %add3A_1241 : i32 to index
        %get3A_1243 = arith.constant 0 : index
        %get3A_1244 = tpu.vector_load %arg7[%get3A_1242, %get3A_1243] {strides = array<i32>} : memref<128x128xf32, #tpu.memory_space<vmem>>, vector<1x16xf32>,
        %get3A_1245 = vector.shape_cast %get3A_1244 : vector<1x16xf32> to vector<16xf32>
        %add3A_1246 = arith.constant 14 : i32
        %add3A_1247 = arith.addi %mul3A_1134, %add3A_1246 : i32
        %add3A_1248 = arith.constant 1 : i32
        %add3A_1249 = arith.addi %add3A_1247, %add3A_1248 : i32
        %get3A_1250 = arith.index_cast %add3A_1249 : i32 to index
        %get3A_1251 = arith.constant 0 : index
        %get3A_1252 = tpu.vector_load %arg7[%get3A_1250, %get3A_1251] {strides = array<i32>} : memref<128x128xf32, #tpu.memory_space<vmem>>, vector<1x16xf32>,
        %get3A_1253 = vector.shape_cast %get3A_1252 : vector<1x16xf32> to vector<16xf32>
        %add3A_1254 = arith.addf %get3A_1245, %get3A_1253 : vector<16xf32>
        %add3A_1255 = arith.addf %add3A_1149, %add3A_1164 : vector<16xf32>
        %add3A_1256 = arith.addf %add3A_1179, %add3A_1194 : vector<16xf32>
        %add3A_1257 = arith.addf %add3A_1209, %add3A_1224 : vector<16xf32>
        %add3A_1258 = arith.addf %add3A_1239, %add3A_1254 : vector<16xf32>
        %add3A_1259 = arith.addf %add3A_1255, %add3A_1256 : vector<16xf32>
        %add3A_1260 = arith.addf %add3A_1257, %add3A_1258 : vector<16xf32>
        %add3A_1261 = arith.addf %add3A_1259, %add3A_1260 : vector<16xf32>
        %mul3A_1262 = arith.constant 8 : i32
        %mul3A_1263 = arith.muli %add3A_18, %mul3A_1262 : i32
        %add3A_1264 = arith.addi %mul3A_1263, %scan3A_1132 : i32
        %swap3A_1265 = arith.index_cast %add3A_1264 : i32 to index
        %swap3A_1266 = arith.constant 0 : index
        %swap3A_1267 = tpu.vector_load %arg8[%swap3A_1265, %swap3A_1266] {strides = array<i32>} : memref<320x128xf32, #tpu.memory_space<vmem>>, vector<1x16xf32>,
        %swap3A_1268 = vector.shape_cast %swap3A_1267 : vector<1x16xf32> to vector<16xf32>
        %swap3A_1269 = vector.shape_cast %add3A_1261 : vector<16xf32> to vector<1x16xf32>
        tpu.vector_store %arg8[%swap3A_1265, %swap3A_1266], %swap3A_1269 {strides = array<i32>} : memref<320x128xf32, #tpu.memory_space<vmem>>, vector<1x16xf32>,
        %add3A_1270 = arith.constant 0 : i32
        %add3A_1271 = arith.addi %mul3A_1134, %add3A_1270 : i32
        %get3A_1272 = arith.index_cast %add3A_1271 : i32 to index
        %get3A_1273 = arith.constant 16 : index
        %get3A_1274 = tpu.vector_load %arg7[%get3A_1272, %get3A_1273] {strides = array<i32>} : memref<128x128xf32, #tpu.memory_space<vmem>>, vector<1x16xf32>,
        %get3A_1275 = vector.shape_cast %get3A_1274 : vector<1x16xf32> to vector<16xf32>
        %add3A_1276 = arith.constant 0 : i32
        %add3A_1277 = arith.addi %mul3A_1134, %add3A_1276 : i32
        %add3A_1278 = arith.constant 1 : i32
        %add3A_1279 = arith.addi %add3A_1277, %add3A_1278 : i32
        %get3A_1280 = arith.index_cast %add3A_1279 : i32 to index
        %get3A_1281 = arith.constant 16 : index
        %get3A_1282 = tpu.vector_load %arg7[%get3A_1280, %get3A_1281] {strides = array<i32>} : memref<128x128xf32, #tpu.memory_space<vmem>>, vector<1x16xf32>,
        %get3A_1283 = vector.shape_cast %get3A_1282 : vector<1x16xf32> to vector<16xf32>
        %add3A_1284 = arith.addf %get3A_1275, %get3A_1283 : vector<16xf32>
        %add3A_1285 = arith.constant 2 : i32
        %add3A_1286 = arith.addi %mul3A_1134, %add3A_1285 : i32
        %get3A_1287 = arith.index_cast %add3A_1286 : i32 to index
        %get3A_1288 = arith.constant 16 : index
        %get3A_1289 = tpu.vector_load %arg7[%get3A_1287, %get3A_1288] {strides = array<i32>} : memref<128x128xf32, #tpu.memory_space<vmem>>, vector<1x16xf32>,
        %get3A_1290 = vector.shape_cast %get3A_1289 : vector<1x16xf32> to vector<16xf32>
        %add3A_1291 = arith.constant 2 : i32
        %add3A_1292 = arith.addi %mul3A_1134, %add3A_1291 : i32
        %add3A_1293 = arith.constant 1 : i32
        %add3A_1294 = arith.addi %add3A_1292, %add3A_1293 : i32
        %get3A_1295 = arith.index_cast %add3A_1294 : i32 to index
        %get3A_1296 = arith.constant 16 : index
        %get3A_1297 = tpu.vector_load %arg7[%get3A_1295, %get3A_1296] {strides = array<i32>} : memref<128x128xf32, #tpu.memory_space<vmem>>, vector<1x16xf32>,
        %get3A_1298 = vector.shape_cast %get3A_1297 : vector<1x16xf32> to vector<16xf32>
        %add3A_1299 = arith.addf %get3A_1290, %get3A_1298 : vector<16xf32>
        %add3A_1300 = arith.constant 4 : i32
        %add3A_1301 = arith.addi %mul3A_1134, %add3A_1300 : i32
        %get3A_1302 = arith.index_cast %add3A_1301 : i32 to index
        %get3A_1303 = arith.constant 16 : index
        %get3A_1304 = tpu.vector_load %arg7[%get3A_1302, %get3A_1303] {strides = array<i32>} : memref<128x128xf32, #tpu.memory_space<vmem>>, vector<1x16xf32>,
        %get3A_1305 = vector.shape_cast %get3A_1304 : vector<1x16xf32> to vector<16xf32>
        %add3A_1306 = arith.constant 4 : i32
        %add3A_1307 = arith.addi %mul3A_1134, %add3A_1306 : i32
        %add3A_1308 = arith.constant 1 : i32
        %add3A_1309 = arith.addi %add3A_1307, %add3A_1308 : i32
        %get3A_1310 = arith.index_cast %add3A_1309 : i32 to index
        %get3A_1311 = arith.constant 16 : index
        %get3A_1312 = tpu.vector_load %arg7[%get3A_1310, %get3A_1311] {strides = array<i32>} : memref<128x128xf32, #tpu.memory_space<vmem>>, vector<1x16xf32>,
        %get3A_1313 = vector.shape_cast %get3A_1312 : vector<1x16xf32> to vector<16xf32>
        %add3A_1314 = arith.addf %get3A_1305, %get3A_1313 : vector<16xf32>
        %add3A_1315 = arith.constant 6 : i32
        %add3A_1316 = arith.addi %mul3A_1134, %add3A_1315 : i32
        %get3A_1317 = arith.index_cast %add3A_1316 : i32 to index
        %get3A_1318 = arith.constant 16 : index
        %get3A_1319 = tpu.vector_load %arg7[%get3A_1317, %get3A_1318] {strides = array<i32>} : memref<128x128xf32, #tpu.memory_space<vmem>>, vector<1x16xf32>,
        %get3A_1320 = vector.shape_cast %get3A_1319 : vector<1x16xf32> to vector<16xf32>
        %add3A_1321 = arith.constant 6 : i32
        %add3A_1322 = arith.addi %mul3A_1134, %add3A_1321 : i32
        %add3A_1323 = arith.constant 1 : i32
        %add3A_1324 = arith.addi %add3A_1322, %add3A_1323 : i32
        %get3A_1325 = arith.index_cast %add3A_1324 : i32 to index
        %get3A_1326 = arith.constant 16 : index
        %get3A_1327 = tpu.vector_load %arg7[%get3A_1325, %get3A_1326] {strides = array<i32>} : memref<128x128xf32, #tpu.memory_space<vmem>>, vector<1x16xf32>,
        %get3A_1328 = vector.shape_cast %get3A_1327 : vector<1x16xf32> to vector<16xf32>
        %add3A_1329 = arith.addf %get3A_1320, %get3A_1328 : vector<16xf32>
        %add3A_1330 = arith.constant 8 : i32
        %add3A_1331 = arith.addi %mul3A_1134, %add3A_1330 : i32
        %get3A_1332 = arith.index_cast %add3A_1331 : i32 to index
        %get3A_1333 = arith.constant 16 : index
        %get3A_1334 = tpu.vector_load %arg7[%get3A_1332, %get3A_1333] {strides = array<i32>} : memref<128x128xf32, #tpu.memory_space<vmem>>, vector<1x16xf32>,
        %get3A_1335 = vector.shape_cast %get3A_1334 : vector<1x16xf32> to vector<16xf32>
        %add3A_1336 = arith.constant 8 : i32
        %add3A_1337 = arith.addi %mul3A_1134, %add3A_1336 : i32
        %add3A_1338 = arith.constant 1 : i32
        %add3A_1339 = arith.addi %add3A_1337, %add3A_1338 : i32
        %get3A_1340 = arith.index_cast %add3A_1339 : i32 to index
        %get3A_1341 = arith.constant 16 : index
        %get3A_1342 = tpu.vector_load %arg7[%get3A_1340, %get3A_1341] {strides = array<i32>} : memref<128x128xf32, #tpu.memory_space<vmem>>, vector<1x16xf32>,
        %get3A_1343 = vector.shape_cast %get3A_1342 : vector<1x16xf32> to vector<16xf32>
        %add3A_1344 = arith.addf %get3A_1335, %get3A_1343 : vector<16xf32>
        %add3A_1345 = arith.constant 10 : i32
        %add3A_1346 = arith.addi %mul3A_1134, %add3A_1345 : i32
        %get3A_1347 = arith.index_cast %add3A_1346 : i32 to index
        %get3A_1348 = arith.constant 16 : index
        %get3A_1349 = tpu.vector_load %arg7[%get3A_1347, %get3A_1348] {strides = array<i32>} : memref<128x128xf32, #tpu.memory_space<vmem>>, vector<1x16xf32>,
        %get3A_1350 = vector.shape_cast %get3A_1349 : vector<1x16xf32> to vector<16xf32>
        %add3A_1351 = arith.constant 10 : i32
        %add3A_1352 = arith.addi %mul3A_1134, %add3A_1351 : i32
        %add3A_1353 = arith.constant 1 : i32
        %add3A_1354 = arith.addi %add3A_1352, %add3A_1353 : i32
        %get3A_1355 = arith.index_cast %add3A_1354 : i32 to index
        %get3A_1356 = arith.constant 16 : index
        %get3A_1357 = tpu.vector_load %arg7[%get3A_1355, %get3A_1356] {strides = array<i32>} : memref<128x128xf32, #tpu.memory_space<vmem>>, vector<1x16xf32>,
        %get3A_1358 = vector.shape_cast %get3A_1357 : vector<1x16xf32> to vector<16xf32>
        %add3A_1359 = arith.addf %get3A_1350, %get3A_1358 : vector<16xf32>
        %add3A_1360 = arith.constant 12 : i32
        %add3A_1361 = arith.addi %mul3A_1134, %add3A_1360 : i32
        %get3A_1362 = arith.index_cast %add3A_1361 : i32 to index
        %get3A_1363 = arith.constant 16 : index
        %get3A_1364 = tpu.vector_load %arg7[%get3A_1362, %get3A_1363] {strides = array<i32>} : memref<128x128xf32, #tpu.memory_space<vmem>>, vector<1x16xf32>,
        %get3A_1365 = vector.shape_cast %get3A_1364 : vector<1x16xf32> to vector<16xf32>
        %add3A_1366 = arith.constant 12 : i32
        %add3A_1367 = arith.addi %mul3A_1134, %add3A_1366 : i32
        %add3A_1368 = arith.constant 1 : i32
        %add3A_1369 = arith.addi %add3A_1367, %add3A_1368 : i32
        %get3A_1370 = arith.index_cast %add3A_1369 : i32 to index
        %get3A_1371 = arith.constant 16 : index
        %get3A_1372 = tpu.vector_load %arg7[%get3A_1370, %get3A_1371] {strides = array<i32>} : memref<128x128xf32, #tpu.memory_space<vmem>>, vector<1x16xf32>,
        %get3A_1373 = vector.shape_cast %get3A_1372 : vector<1x16xf32> to vector<16xf32>
        %add3A_1374 = arith.addf %get3A_1365, %get3A_1373 : vector<16xf32>
        %add3A_1375 = arith.constant 14 : i32
        %add3A_1376 = arith.addi %mul3A_1134, %add3A_1375 : i32
        %get3A_1377 = arith.index_cast %add3A_1376 : i32 to index
        %get3A_1378 = arith.constant 16 : index
        %get3A_1379 = tpu.vector_load %arg7[%get3A_1377, %get3A_1378] {strides = array<i32>} : memref<128x128xf32, #tpu.memory_space<vmem>>, vector<1x16xf32>,
        %get3A_1380 = vector.shape_cast %get3A_1379 : vector<1x16xf32> to vector<16xf32>
        %add3A_1381 = arith.constant 14 : i32
        %add3A_1382 = arith.addi %mul3A_1134, %add3A_1381 : i32
        %add3A_1383 = arith.constant 1 : i32
        %add3A_1384 = arith.addi %add3A_1382, %add3A_1383 : i32
        %get3A_1385 = arith.index_cast %add3A_1384 : i32 to index
        %get3A_1386 = arith.constant 16 : index
        %get3A_1387 = tpu.vector_load %arg7[%get3A_1385, %get3A_1386] {strides = array<i32>} : memref<128x128xf32, #tpu.memory_space<vmem>>, vector<1x16xf32>,
        %get3A_1388 = vector.shape_cast %get3A_1387 : vector<1x16xf32> to vector<16xf32>
        %add3A_1389 = arith.addf %get3A_1380, %get3A_1388 : vector<16xf32>
        %add3A_1390 = arith.addf %add3A_1284, %add3A_1299 : vector<16xf32>
        %add3A_1391 = arith.addf %add3A_1314, %add3A_1329 : vector<16xf32>
        %add3A_1392 = arith.addf %add3A_1344, %add3A_1359 : vector<16xf32>
        %add3A_1393 = arith.addf %add3A_1374, %add3A_1389 : vector<16xf32>
        %add3A_1394 = arith.addf %add3A_1390, %add3A_1391 : vector<16xf32>
        %add3A_1395 = arith.addf %add3A_1392, %add3A_1393 : vector<16xf32>
        %add3A_1396 = arith.addf %add3A_1394, %add3A_1395 : vector<16xf32>
        %mul3A_1397 = arith.constant 8 : i32
        %mul3A_1398 = arith.muli %add3A_18, %mul3A_1397 : i32
        %add3A_1399 = arith.addi %mul3A_1398, %scan3A_1132 : i32
        %swap3A_1400 = arith.index_cast %add3A_1399 : i32 to index
        %swap3A_1401 = arith.constant 16 : index
        %swap3A_1402 = tpu.vector_load %arg8[%swap3A_1400, %swap3A_1401] {strides = array<i32>} : memref<320x128xf32, #tpu.memory_space<vmem>>, vector<1x16xf32>,
        %swap3A_1403 = vector.shape_cast %swap3A_1402 : vector<1x16xf32> to vector<16xf32>
        %swap3A_1404 = vector.shape_cast %add3A_1396 : vector<16xf32> to vector<1x16xf32>
        tpu.vector_store %arg8[%swap3A_1400, %swap3A_1401], %swap3A_1404 {strides = array<i32>} : memref<320x128xf32, #tpu.memory_space<vmem>>, vector<1x16xf32>,
        %add3A_1405 = arith.constant 0 : i32
        %add3A_1406 = arith.addi %mul3A_1134, %add3A_1405 : i32
        %get3A_1407 = arith.index_cast %add3A_1406 : i32 to index
        %get3A_1408 = arith.constant 32 : index
        %get3A_1409 = tpu.vector_load %arg7[%get3A_1407, %get3A_1408] {strides = array<i32>} : memref<128x128xf32, #tpu.memory_space<vmem>>, vector<1x16xf32>,
        %get3A_1410 = vector.shape_cast %get3A_1409 : vector<1x16xf32> to vector<16xf32>
        %add3A_1411 = arith.constant 0 : i32
        %add3A_1412 = arith.addi %mul3A_1134, %add3A_1411 : i32
        %add3A_1413 = arith.constant 1 : i32
        %add3A_1414 = arith.addi %add3A_1412, %add3A_1413 : i32
        %get3A_1415 = arith.index_cast %add3A_1414 : i32 to index
        %get3A_1416 = arith.constant 32 : index
        %get3A_1417 = tpu.vector_load %arg7[%get3A_1415, %get3A_1416] {strides = array<i32>} : memref<128x128xf32, #tpu.memory_space<vmem>>, vector<1x16xf32>,
        %get3A_1418 = vector.shape_cast %get3A_1417 : vector<1x16xf32> to vector<16xf32>
        %add3A_1419 = arith.addf %get3A_1410, %get3A_1418 : vector<16xf32>
        %add3A_1420 = arith.constant 2 : i32
        %add3A_1421 = arith.addi %mul3A_1134, %add3A_1420 : i32
        %get3A_1422 = arith.index_cast %add3A_1421 : i32 to index
        %get3A_1423 = arith.constant 32 : index
        %get3A_1424 = tpu.vector_load %arg7[%get3A_1422, %get3A_1423] {strides = array<i32>} : memref<128x128xf32, #tpu.memory_space<vmem>>, vector<1x16xf32>,
        %get3A_1425 = vector.shape_cast %get3A_1424 : vector<1x16xf32> to vector<16xf32>
        %add3A_1426 = arith.constant 2 : i32
        %add3A_1427 = arith.addi %mul3A_1134, %add3A_1426 : i32
        %add3A_1428 = arith.constant 1 : i32
        %add3A_1429 = arith.addi %add3A_1427, %add3A_1428 : i32
        %get3A_1430 = arith.index_cast %add3A_1429 : i32 to index
        %get3A_1431 = arith.constant 32 : index
        %get3A_1432 = tpu.vector_load %arg7[%get3A_1430, %get3A_1431] {strides = array<i32>} : memref<128x128xf32, #tpu.memory_space<vmem>>, vector<1x16xf32>,
        %get3A_1433 = vector.shape_cast %get3A_1432 : vector<1x16xf32> to vector<16xf32>
        %add3A_1434 = arith.addf %get3A_1425, %get3A_1433 : vector<16xf32>
        %add3A_1435 = arith.constant 4 : i32
        %add3A_1436 = arith.addi %mul3A_1134, %add3A_1435 : i32
        %get3A_1437 = arith.index_cast %add3A_1436 : i32 to index
        %get3A_1438 = arith.constant 32 : index
        %get3A_1439 = tpu.vector_load %arg7[%get3A_1437, %get3A_1438] {strides = array<i32>} : memref<128x128xf32, #tpu.memory_space<vmem>>, vector<1x16xf32>,
        %get3A_1440 = vector.shape_cast %get3A_1439 : vector<1x16xf32> to vector<16xf32>
        %add3A_1441 = arith.constant 4 : i32
        %add3A_1442 = arith.addi %mul3A_1134, %add3A_1441 : i32
        %add3A_1443 = arith.constant 1 : i32
        %add3A_1444 = arith.addi %add3A_1442, %add3A_1443 : i32
        %get3A_1445 = arith.index_cast %add3A_1444 : i32 to index
        %get3A_1446 = arith.constant 32 : index
        %get3A_1447 = tpu.vector_load %arg7[%get3A_1445, %get3A_1446] {strides = array<i32>} : memref<128x128xf32, #tpu.memory_space<vmem>>, vector<1x16xf32>,
        %get3A_1448 = vector.shape_cast %get3A_1447 : vector<1x16xf32> to vector<16xf32>
        %add3A_1449 = arith.addf %get3A_1440, %get3A_1448 : vector<16xf32>
        %add3A_1450 = arith.constant 6 : i32
        %add3A_1451 = arith.addi %mul3A_1134, %add3A_1450 : i32
        %get3A_1452 = arith.index_cast %add3A_1451 : i32 to index
        %get3A_1453 = arith.constant 32 : index
        %get3A_1454 = tpu.vector_load %arg7[%get3A_1452, %get3A_1453] {strides = array<i32>} : memref<128x128xf32, #tpu.memory_space<vmem>>, vector<1x16xf32>,
        %get3A_1455 = vector.shape_cast %get3A_1454 : vector<1x16xf32> to vector<16xf32>
        %add3A_1456 = arith.constant 6 : i32
        %add3A_1457 = arith.addi %mul3A_1134, %add3A_1456 : i32
        %add3A_1458 = arith.constant 1 : i32
        %add3A_1459 = arith.addi %add3A_1457, %add3A_1458 : i32
        %get3A_1460 = arith.index_cast %add3A_1459 : i32 to index
        %get3A_1461 = arith.constant 32 : index
        %get3A_1462 = tpu.vector_load %arg7[%get3A_1460, %get3A_1461] {strides = array<i32>} : memref<128x128xf32, #tpu.memory_space<vmem>>, vector<1x16xf32>,
        %get3A_1463 = vector.shape_cast %get3A_1462 : vector<1x16xf32> to vector<16xf32>
        %add3A_1464 = arith.addf %get3A_1455, %get3A_1463 : vector<16xf32>
        %add3A_1465 = arith.constant 8 : i32
        %add3A_1466 = arith.addi %mul3A_1134, %add3A_1465 : i32
        %get3A_1467 = arith.index_cast %add3A_1466 : i32 to index
        %get3A_1468 = arith.constant 32 : index
        %get3A_1469 = tpu.vector_load %arg7[%get3A_1467, %get3A_1468] {strides = array<i32>} : memref<128x128xf32, #tpu.memory_space<vmem>>, vector<1x16xf32>,
        %get3A_1470 = vector.shape_cast %get3A_1469 : vector<1x16xf32> to vector<16xf32>
        %add3A_1471 = arith.constant 8 : i32
        %add3A_1472 = arith.addi %mul3A_1134, %add3A_1471 : i32
        %add3A_1473 = arith.constant 1 : i32
        %add3A_1474 = arith.addi %add3A_1472, %add3A_1473 : i32
        %get3A_1475 = arith.index_cast %add3A_1474 : i32 to index
        %get3A_1476 = arith.constant 32 : index
        %get3A_1477 = tpu.vector_load %arg7[%get3A_1475, %get3A_1476] {strides = array<i32>} : memref<128x128xf32, #tpu.memory_space<vmem>>, vector<1x16xf32>,
        %get3A_1478 = vector.shape_cast %get3A_1477 : vector<1x16xf32> to vector<16xf32>
        %add3A_1479 = arith.addf %get3A_1470, %get3A_1478 : vector<16xf32>
        %add3A_1480 = arith.constant 10 : i32
        %add3A_1481 = arith.addi %mul3A_1134, %add3A_1480 : i32
        %get3A_1482 = arith.index_cast %add3A_1481 : i32 to index
        %get3A_1483 = arith.constant 32 : index
        %get3A_1484 = tpu.vector_load %arg7[%get3A_1482, %get3A_1483] {strides = array<i32>} : memref<128x128xf32, #tpu.memory_space<vmem>>, vector<1x16xf32>,
        %get3A_1485 = vector.shape_cast %get3A_1484 : vector<1x16xf32> to vector<16xf32>
        %add3A_1486 = arith.constant 10 : i32
        %add3A_1487 = arith.addi %mul3A_1134, %add3A_1486 : i32
        %add3A_1488 = arith.constant 1 : i32
        %add3A_1489 = arith.addi %add3A_1487, %add3A_1488 : i32
        %get3A_1490 = arith.index_cast %add3A_1489 : i32 to index
        %get3A_1491 = arith.constant 32 : index
        %get3A_1492 = tpu.vector_load %arg7[%get3A_1490, %get3A_1491] {strides = array<i32>} : memref<128x128xf32, #tpu.memory_space<vmem>>, vector<1x16xf32>,
        %get3A_1493 = vector.shape_cast %get3A_1492 : vector<1x16xf32> to vector<16xf32>
        %add3A_1494 = arith.addf %get3A_1485, %get3A_1493 : vector<16xf32>
        %add3A_1495 = arith.constant 12 : i32
        %add3A_1496 = arith.addi %mul3A_1134, %add3A_1495 : i32
        %get3A_1497 = arith.index_cast %add3A_1496 : i32 to index
        %get3A_1498 = arith.constant 32 : index
        %get3A_1499 = tpu.vector_load %arg7[%get3A_1497, %get3A_1498] {strides = array<i32>} : memref<128x128xf32, #tpu.memory_space<vmem>>, vector<1x16xf32>,
        %get3A_1500 = vector.shape_cast %get3A_1499 : vector<1x16xf32> to vector<16xf32>
        %add3A_1501 = arith.constant 12 : i32
        %add3A_1502 = arith.addi %mul3A_1134, %add3A_1501 : i32
        %add3A_1503 = arith.constant 1 : i32
        %add3A_1504 = arith.addi %add3A_1502, %add3A_1503 : i32
        %get3A_1505 = arith.index_cast %add3A_1504 : i32 to index
        %get3A_1506 = arith.constant 32 : index
        %get3A_1507 = tpu.vector_load %arg7[%get3A_1505, %get3A_1506] {strides = array<i32>} : memref<128x128xf32, #tpu.memory_space<vmem>>, vector<1x16xf32>,
        %get3A_1508 = vector.shape_cast %get3A_1507 : vector<1x16xf32> to vector<16xf32>
        %add3A_1509 = arith.addf %get3A_1500, %get3A_1508 : vector<16xf32>
        %add3A_1510 = arith.constant 14 : i32
        %add3A_1511 = arith.addi %mul3A_1134, %add3A_1510 : i32
        %get3A_1512 = arith.index_cast %add3A_1511 : i32 to index
        %get3A_1513 = arith.constant 32 : index
        %get3A_1514 = tpu.vector_load %arg7[%get3A_1512, %get3A_1513] {strides = array<i32>} : memref<128x128xf32, #tpu.memory_space<vmem>>, vector<1x16xf32>,
        %get3A_1515 = vector.shape_cast %get3A_1514 : vector<1x16xf32> to vector<16xf32>
        %add3A_1516 = arith.constant 14 : i32
        %add3A_1517 = arith.addi %mul3A_1134, %add3A_1516 : i32
        %add3A_1518 = arith.constant 1 : i32
        %add3A_1519 = arith.addi %add3A_1517, %add3A_1518 : i32
        %get3A_1520 = arith.index_cast %add3A_1519 : i32 to index
        %get3A_1521 = arith.constant 32 : index
        %get3A_1522 = tpu.vector_load %arg7[%get3A_1520, %get3A_1521] {strides = array<i32>} : memref<128x128xf32, #tpu.memory_space<vmem>>, vector<1x16xf32>,
        %get3A_1523 = vector.shape_cast %get3A_1522 : vector<1x16xf32> to vector<16xf32>
        %add3A_1524 = arith.addf %get3A_1515, %get3A_1523 : vector<16xf32>
        %add3A_1525 = arith.addf %add3A_1419, %add3A_1434 : vector<16xf32>
        %add3A_1526 = arith.addf %add3A_1449, %add3A_1464 : vector<16xf32>
        %add3A_1527 = arith.addf %add3A_1479, %add3A_1494 : vector<16xf32>
        %add3A_1528 = arith.addf %add3A_1509, %add3A_1524 : vector<16xf32>
        %add3A_1529 = arith.addf %add3A_1525, %add3A_1526 : vector<16xf32>
        %add3A_1530 = arith.addf %add3A_1527, %add3A_1528 : vector<16xf32>
        %add3A_1531 = arith.addf %add3A_1529, %add3A_1530 : vector<16xf32>
        %mul3A_1532 = arith.constant 8 : i32
        %mul3A_1533 = arith.muli %add3A_18, %mul3A_1532 : i32
        %add3A_1534 = arith.addi %mul3A_1533, %scan3A_1132 : i32
        %swap3A_1535 = arith.index_cast %add3A_1534 : i32 to index
        %swap3A_1536 = arith.constant 32 : index
        %swap3A_1537 = tpu.vector_load %arg8[%swap3A_1535, %swap3A_1536] {strides = array<i32>} : memref<320x128xf32, #tpu.memory_space<vmem>>, vector<1x16xf32>,
        %swap3A_1538 = vector.shape_cast %swap3A_1537 : vector<1x16xf32> to vector<16xf32>
        %swap3A_1539 = vector.shape_cast %add3A_1531 : vector<16xf32> to vector<1x16xf32>
        tpu.vector_store %arg8[%swap3A_1535, %swap3A_1536], %swap3A_1539 {strides = array<i32>} : memref<320x128xf32, #tpu.memory_space<vmem>>, vector<1x16xf32>,
        %add3A_1540 = arith.constant 0 : i32
        %add3A_1541 = arith.addi %mul3A_1134, %add3A_1540 : i32
        %get3A_1542 = arith.index_cast %add3A_1541 : i32 to index
        %get3A_1543 = arith.constant 48 : index
        %get3A_1544 = tpu.vector_load %arg7[%get3A_1542, %get3A_1543] {strides = array<i32>} : memref<128x128xf32, #tpu.memory_space<vmem>>, vector<1x16xf32>,
        %get3A_1545 = vector.shape_cast %get3A_1544 : vector<1x16xf32> to vector<16xf32>
        %add3A_1546 = arith.constant 0 : i32
        %add3A_1547 = arith.addi %mul3A_1134, %add3A_1546 : i32
        %add3A_1548 = arith.constant 1 : i32
        %add3A_1549 = arith.addi %add3A_1547, %add3A_1548 : i32
        %get3A_1550 = arith.index_cast %add3A_1549 : i32 to index
        %get3A_1551 = arith.constant 48 : index
        %get3A_1552 = tpu.vector_load %arg7[%get3A_1550, %get3A_1551] {strides = array<i32>} : memref<128x128xf32, #tpu.memory_space<vmem>>, vector<1x16xf32>,
        %get3A_1553 = vector.shape_cast %get3A_1552 : vector<1x16xf32> to vector<16xf32>
        %add3A_1554 = arith.addf %get3A_1545, %get3A_1553 : vector<16xf32>
        %add3A_1555 = arith.constant 2 : i32
        %add3A_1556 = arith.addi %mul3A_1134, %add3A_1555 : i32
        %get3A_1557 = arith.index_cast %add3A_1556 : i32 to index
        %get3A_1558 = arith.constant 48 : index
        %get3A_1559 = tpu.vector_load %arg7[%get3A_1557, %get3A_1558] {strides = array<i32>} : memref<128x128xf32, #tpu.memory_space<vmem>>, vector<1x16xf32>,
        %get3A_1560 = vector.shape_cast %get3A_1559 : vector<1x16xf32> to vector<16xf32>
        %add3A_1561 = arith.constant 2 : i32
        %add3A_1562 = arith.addi %mul3A_1134, %add3A_1561 : i32
        %add3A_1563 = arith.constant 1 : i32
        %add3A_1564 = arith.addi %add3A_1562, %add3A_1563 : i32
        %get3A_1565 = arith.index_cast %add3A_1564 : i32 to index
        %get3A_1566 = arith.constant 48 : index
        %get3A_1567 = tpu.vector_load %arg7[%get3A_1565, %get3A_1566] {strides = array<i32>} : memref<128x128xf32, #tpu.memory_space<vmem>>, vector<1x16xf32>,
        %get3A_1568 = vector.shape_cast %get3A_1567 : vector<1x16xf32> to vector<16xf32>
        %add3A_1569 = arith.addf %get3A_1560, %get3A_1568 : vector<16xf32>
        %add3A_1570 = arith.constant 4 : i32
        %add3A_1571 = arith.addi %mul3A_1134, %add3A_1570 : i32
        %get3A_1572 = arith.index_cast %add3A_1571 : i32 to index
        %get3A_1573 = arith.constant 48 : index
        %get3A_1574 = tpu.vector_load %arg7[%get3A_1572, %get3A_1573] {strides = array<i32>} : memref<128x128xf32, #tpu.memory_space<vmem>>, vector<1x16xf32>,
        %get3A_1575 = vector.shape_cast %get3A_1574 : vector<1x16xf32> to vector<16xf32>
        %add3A_1576 = arith.constant 4 : i32
        %add3A_1577 = arith.addi %mul3A_1134, %add3A_1576 : i32
        %add3A_1578 = arith.constant 1 : i32
        %add3A_1579 = arith.addi %add3A_1577, %add3A_1578 : i32
        %get3A_1580 = arith.index_cast %add3A_1579 : i32 to index
        %get3A_1581 = arith.constant 48 : index
        %get3A_1582 = tpu.vector_load %arg7[%get3A_1580, %get3A_1581] {strides = array<i32>} : memref<128x128xf32, #tpu.memory_space<vmem>>, vector<1x16xf32>,
        %get3A_1583 = vector.shape_cast %get3A_1582 : vector<1x16xf32> to vector<16xf32>
        %add3A_1584 = arith.addf %get3A_1575, %get3A_1583 : vector<16xf32>
        %add3A_1585 = arith.constant 6 : i32
        %add3A_1586 = arith.addi %mul3A_1134, %add3A_1585 : i32
        %get3A_1587 = arith.index_cast %add3A_1586 : i32 to index
        %get3A_1588 = arith.constant 48 : index
        %get3A_1589 = tpu.vector_load %arg7[%get3A_1587, %get3A_1588] {strides = array<i32>} : memref<128x128xf32, #tpu.memory_space<vmem>>, vector<1x16xf32>,
        %get3A_1590 = vector.shape_cast %get3A_1589 : vector<1x16xf32> to vector<16xf32>
        %add3A_1591 = arith.constant 6 : i32
        %add3A_1592 = arith.addi %mul3A_1134, %add3A_1591 : i32
        %add3A_1593 = arith.constant 1 : i32
        %add3A_1594 = arith.addi %add3A_1592, %add3A_1593 : i32
        %get3A_1595 = arith.index_cast %add3A_1594 : i32 to index
        %get3A_1596 = arith.constant 48 : index
        %get3A_1597 = tpu.vector_load %arg7[%get3A_1595, %get3A_1596] {strides = array<i32>} : memref<128x128xf32, #tpu.memory_space<vmem>>, vector<1x16xf32>,
        %get3A_1598 = vector.shape_cast %get3A_1597 : vector<1x16xf32> to vector<16xf32>
        %add3A_1599 = arith.addf %get3A_1590, %get3A_1598 : vector<16xf32>
        %add3A_1600 = arith.constant 8 : i32
        %add3A_1601 = arith.addi %mul3A_1134, %add3A_1600 : i32
        %get3A_1602 = arith.index_cast %add3A_1601 : i32 to index
        %get3A_1603 = arith.constant 48 : index
        %get3A_1604 = tpu.vector_load %arg7[%get3A_1602, %get3A_1603] {strides = array<i32>} : memref<128x128xf32, #tpu.memory_space<vmem>>, vector<1x16xf32>,
        %get3A_1605 = vector.shape_cast %get3A_1604 : vector<1x16xf32> to vector<16xf32>
        %add3A_1606 = arith.constant 8 : i32
        %add3A_1607 = arith.addi %mul3A_1134, %add3A_1606 : i32
        %add3A_1608 = arith.constant 1 : i32
        %add3A_1609 = arith.addi %add3A_1607, %add3A_1608 : i32
        %get3A_1610 = arith.index_cast %add3A_1609 : i32 to index
        %get3A_1611 = arith.constant 48 : index
        %get3A_1612 = tpu.vector_load %arg7[%get3A_1610, %get3A_1611] {strides = array<i32>} : memref<128x128xf32, #tpu.memory_space<vmem>>, vector<1x16xf32>,
        %get3A_1613 = vector.shape_cast %get3A_1612 : vector<1x16xf32> to vector<16xf32>
        %add3A_1614 = arith.addf %get3A_1605, %get3A_1613 : vector<16xf32>
        %add3A_1615 = arith.constant 10 : i32
        %add3A_1616 = arith.addi %mul3A_1134, %add3A_1615 : i32
        %get3A_1617 = arith.index_cast %add3A_1616 : i32 to index
        %get3A_1618 = arith.constant 48 : index
        %get3A_1619 = tpu.vector_load %arg7[%get3A_1617, %get3A_1618] {strides = array<i32>} : memref<128x128xf32, #tpu.memory_space<vmem>>, vector<1x16xf32>,
        %get3A_1620 = vector.shape_cast %get3A_1619 : vector<1x16xf32> to vector<16xf32>
        %add3A_1621 = arith.constant 10 : i32
        %add3A_1622 = arith.addi %mul3A_1134, %add3A_1621 : i32
        %add3A_1623 = arith.constant 1 : i32
        %add3A_1624 = arith.addi %add3A_1622, %add3A_1623 : i32
        %get3A_1625 = arith.index_cast %add3A_1624 : i32 to index
        %get3A_1626 = arith.constant 48 : index
        %get3A_1627 = tpu.vector_load %arg7[%get3A_1625, %get3A_1626] {strides = array<i32>} : memref<128x128xf32, #tpu.memory_space<vmem>>, vector<1x16xf32>,
        %get3A_1628 = vector.shape_cast %get3A_1627 : vector<1x16xf32> to vector<16xf32>
        %add3A_1629 = arith.addf %get3A_1620, %get3A_1628 : vector<16xf32>
        %add3A_1630 = arith.constant 12 : i32
        %add3A_1631 = arith.addi %mul3A_1134, %add3A_1630 : i32
        %get3A_1632 = arith.index_cast %add3A_1631 : i32 to index
        %get3A_1633 = arith.constant 48 : index
        %get3A_1634 = tpu.vector_load %arg7[%get3A_1632, %get3A_1633] {strides = array<i32>} : memref<128x128xf32, #tpu.memory_space<vmem>>, vector<1x16xf32>,
        %get3A_1635 = vector.shape_cast %get3A_1634 : vector<1x16xf32> to vector<16xf32>
        %add3A_1636 = arith.constant 12 : i32
        %add3A_1637 = arith.addi %mul3A_1134, %add3A_1636 : i32
        %add3A_1638 = arith.constant 1 : i32
        %add3A_1639 = arith.addi %add3A_1637, %add3A_1638 : i32
        %get3A_1640 = arith.index_cast %add3A_1639 : i32 to index
        %get3A_1641 = arith.constant 48 : index
        %get3A_1642 = tpu.vector_load %arg7[%get3A_1640, %get3A_1641] {strides = array<i32>} : memref<128x128xf32, #tpu.memory_space<vmem>>, vector<1x16xf32>,
        %get3A_1643 = vector.shape_cast %get3A_1642 : vector<1x16xf32> to vector<16xf32>
        %add3A_1644 = arith.addf %get3A_1635, %get3A_1643 : vector<16xf32>
        %add3A_1645 = arith.constant 14 : i32
        %add3A_1646 = arith.addi %mul3A_1134, %add3A_1645 : i32
        %get3A_1647 = arith.index_cast %add3A_1646 : i32 to index
        %get3A_1648 = arith.constant 48 : index
        %get3A_1649 = tpu.vector_load %arg7[%get3A_1647, %get3A_1648] {strides = array<i32>} : memref<128x128xf32, #tpu.memory_space<vmem>>, vector<1x16xf32>,
        %get3A_1650 = vector.shape_cast %get3A_1649 : vector<1x16xf32> to vector<16xf32>
        %add3A_1651 = arith.constant 14 : i32
        %add3A_1652 = arith.addi %mul3A_1134, %add3A_1651 : i32
        %add3A_1653 = arith.constant 1 : i32
        %add3A_1654 = arith.addi %add3A_1652, %add3A_1653 : i32
        %get3A_1655 = arith.index_cast %add3A_1654 : i32 to index
        %get3A_1656 = arith.constant 48 : index
        %get3A_1657 = tpu.vector_load %arg7[%get3A_1655, %get3A_1656] {strides = array<i32>} : memref<128x128xf32, #tpu.memory_space<vmem>>, vector<1x16xf32>,
        %get3A_1658 = vector.shape_cast %get3A_1657 : vector<1x16xf32> to vector<16xf32>
        %add3A_1659 = arith.addf %get3A_1650, %get3A_1658 : vector<16xf32>
        %add3A_1660 = arith.addf %add3A_1554, %add3A_1569 : vector<16xf32>
        %add3A_1661 = arith.addf %add3A_1584, %add3A_1599 : vector<16xf32>
        %add3A_1662 = arith.addf %add3A_1614, %add3A_1629 : vector<16xf32>
        %add3A_1663 = arith.addf %add3A_1644, %add3A_1659 : vector<16xf32>
        %add3A_1664 = arith.addf %add3A_1660, %add3A_1661 : vector<16xf32>
        %add3A_1665 = arith.addf %add3A_1662, %add3A_1663 : vector<16xf32>
        %add3A_1666 = arith.addf %add3A_1664, %add3A_1665 : vector<16xf32>
        %mul3A_1667 = arith.constant 8 : i32
        %mul3A_1668 = arith.muli %add3A_18, %mul3A_1667 : i32
        %add3A_1669 = arith.addi %mul3A_1668, %scan3A_1132 : i32
        %swap3A_1670 = arith.index_cast %add3A_1669 : i32 to index
        %swap3A_1671 = arith.constant 48 : index
        %swap3A_1672 = tpu.vector_load %arg8[%swap3A_1670, %swap3A_1671] {strides = array<i32>} : memref<320x128xf32, #tpu.memory_space<vmem>>, vector<1x16xf32>,
        %swap3A_1673 = vector.shape_cast %swap3A_1672 : vector<1x16xf32> to vector<16xf32>
        %swap3A_1674 = vector.shape_cast %add3A_1666 : vector<16xf32> to vector<1x16xf32>
        tpu.vector_store %arg8[%swap3A_1670, %swap3A_1671], %swap3A_1674 {strides = array<i32>} : memref<320x128xf32, #tpu.memory_space<vmem>>, vector<1x16xf32>,
        %add3A_1675 = arith.constant 0 : i32
        %add3A_1676 = arith.addi %mul3A_1134, %add3A_1675 : i32
        %get3A_1677 = arith.index_cast %add3A_1676 : i32 to index
        %get3A_1678 = arith.constant 64 : index
        %get3A_1679 = tpu.vector_load %arg7[%get3A_1677, %get3A_1678] {strides = array<i32>} : memref<128x128xf32, #tpu.memory_space<vmem>>, vector<1x16xf32>,
        %get3A_1680 = vector.shape_cast %get3A_1679 : vector<1x16xf32> to vector<16xf32>
        %add3A_1681 = arith.constant 0 : i32
        %add3A_1682 = arith.addi %mul3A_1134, %add3A_1681 : i32
        %add3A_1683 = arith.constant 1 : i32
        %add3A_1684 = arith.addi %add3A_1682, %add3A_1683 : i32
        %get3A_1685 = arith.index_cast %add3A_1684 : i32 to index
        %get3A_1686 = arith.constant 64 : index
        %get3A_1687 = tpu.vector_load %arg7[%get3A_1685, %get3A_1686] {strides = array<i32>} : memref<128x128xf32, #tpu.memory_space<vmem>>, vector<1x16xf32>,
        %get3A_1688 = vector.shape_cast %get3A_1687 : vector<1x16xf32> to vector<16xf32>
        %add3A_1689 = arith.addf %get3A_1680, %get3A_1688 : vector<16xf32>
        %add3A_1690 = arith.constant 2 : i32
        %add3A_1691 = arith.addi %mul3A_1134, %add3A_1690 : i32
        %get3A_1692 = arith.index_cast %add3A_1691 : i32 to index
        %get3A_1693 = arith.constant 64 : index
        %get3A_1694 = tpu.vector_load %arg7[%get3A_1692, %get3A_1693] {strides = array<i32>} : memref<128x128xf32, #tpu.memory_space<vmem>>, vector<1x16xf32>,
        %get3A_1695 = vector.shape_cast %get3A_1694 : vector<1x16xf32> to vector<16xf32>
        %add3A_1696 = arith.constant 2 : i32
        %add3A_1697 = arith.addi %mul3A_1134, %add3A_1696 : i32
        %add3A_1698 = arith.constant 1 : i32
        %add3A_1699 = arith.addi %add3A_1697, %add3A_1698 : i32
        %get3A_1700 = arith.index_cast %add3A_1699 : i32 to index
        %get3A_1701 = arith.constant 64 : index
        %get3A_1702 = tpu.vector_load %arg7[%get3A_1700, %get3A_1701] {strides = array<i32>} : memref<128x128xf32, #tpu.memory_space<vmem>>, vector<1x16xf32>,
        %get3A_1703 = vector.shape_cast %get3A_1702 : vector<1x16xf32> to vector<16xf32>
        %add3A_1704 = arith.addf %get3A_1695, %get3A_1703 : vector<16xf32>
        %add3A_1705 = arith.constant 4 : i32
        %add3A_1706 = arith.addi %mul3A_1134, %add3A_1705 : i32
        %get3A_1707 = arith.index_cast %add3A_1706 : i32 to index
        %get3A_1708 = arith.constant 64 : index
        %get3A_1709 = tpu.vector_load %arg7[%get3A_1707, %get3A_1708] {strides = array<i32>} : memref<128x128xf32, #tpu.memory_space<vmem>>, vector<1x16xf32>,
        %get3A_1710 = vector.shape_cast %get3A_1709 : vector<1x16xf32> to vector<16xf32>
        %add3A_1711 = arith.constant 4 : i32
        %add3A_1712 = arith.addi %mul3A_1134, %add3A_1711 : i32
        %add3A_1713 = arith.constant 1 : i32
        %add3A_1714 = arith.addi %add3A_1712, %add3A_1713 : i32
        %get3A_1715 = arith.index_cast %add3A_1714 : i32 to index
        %get3A_1716 = arith.constant 64 : index
        %get3A_1717 = tpu.vector_load %arg7[%get3A_1715, %get3A_1716] {strides = array<i32>} : memref<128x128xf32, #tpu.memory_space<vmem>>, vector<1x16xf32>,
        %get3A_1718 = vector.shape_cast %get3A_1717 : vector<1x16xf32> to vector<16xf32>
        %add3A_1719 = arith.addf %get3A_1710, %get3A_1718 : vector<16xf32>
        %add3A_1720 = arith.constant 6 : i32
        %add3A_1721 = arith.addi %mul3A_1134, %add3A_1720 : i32
        %get3A_1722 = arith.index_cast %add3A_1721 : i32 to index
        %get3A_1723 = arith.constant 64 : index
        %get3A_1724 = tpu.vector_load %arg7[%get3A_1722, %get3A_1723] {strides = array<i32>} : memref<128x128xf32, #tpu.memory_space<vmem>>, vector<1x16xf32>,
        %get3A_1725 = vector.shape_cast %get3A_1724 : vector<1x16xf32> to vector<16xf32>
        %add3A_1726 = arith.constant 6 : i32
        %add3A_1727 = arith.addi %mul3A_1134, %add3A_1726 : i32
        %add3A_1728 = arith.constant 1 : i32
        %add3A_1729 = arith.addi %add3A_1727, %add3A_1728 : i32
        %get3A_1730 = arith.index_cast %add3A_1729 : i32 to index
        %get3A_1731 = arith.constant 64 : index
        %get3A_1732 = tpu.vector_load %arg7[%get3A_1730, %get3A_1731] {strides = array<i32>} : memref<128x128xf32, #tpu.memory_space<vmem>>, vector<1x16xf32>,
        %get3A_1733 = vector.shape_cast %get3A_1732 : vector<1x16xf32> to vector<16xf32>
        %add3A_1734 = arith.addf %get3A_1725, %get3A_1733 : vector<16xf32>
        %add3A_1735 = arith.constant 8 : i32
        %add3A_1736 = arith.addi %mul3A_1134, %add3A_1735 : i32
        %get3A_1737 = arith.index_cast %add3A_1736 : i32 to index
        %get3A_1738 = arith.constant 64 : index
        %get3A_1739 = tpu.vector_load %arg7[%get3A_1737, %get3A_1738] {strides = array<i32>} : memref<128x128xf32, #tpu.memory_space<vmem>>, vector<1x16xf32>,
        %get3A_1740 = vector.shape_cast %get3A_1739 : vector<1x16xf32> to vector<16xf32>
        %add3A_1741 = arith.constant 8 : i32
        %add3A_1742 = arith.addi %mul3A_1134, %add3A_1741 : i32
        %add3A_1743 = arith.constant 1 : i32
        %add3A_1744 = arith.addi %add3A_1742, %add3A_1743 : i32
        %get3A_1745 = arith.index_cast %add3A_1744 : i32 to index
        %get3A_1746 = arith.constant 64 : index
        %get3A_1747 = tpu.vector_load %arg7[%get3A_1745, %get3A_1746] {strides = array<i32>} : memref<128x128xf32, #tpu.memory_space<vmem>>, vector<1x16xf32>,
        %get3A_1748 = vector.shape_cast %get3A_1747 : vector<1x16xf32> to vector<16xf32>
        %add3A_1749 = arith.addf %get3A_1740, %get3A_1748 : vector<16xf32>
        %add3A_1750 = arith.constant 10 : i32
        %add3A_1751 = arith.addi %mul3A_1134, %add3A_1750 : i32
        %get3A_1752 = arith.index_cast %add3A_1751 : i32 to index
        %get3A_1753 = arith.constant 64 : index
        %get3A_1754 = tpu.vector_load %arg7[%get3A_1752, %get3A_1753] {strides = array<i32>} : memref<128x128xf32, #tpu.memory_space<vmem>>, vector<1x16xf32>,
        %get3A_1755 = vector.shape_cast %get3A_1754 : vector<1x16xf32> to vector<16xf32>
        %add3A_1756 = arith.constant 10 : i32
        %add3A_1757 = arith.addi %mul3A_1134, %add3A_1756 : i32
        %add3A_1758 = arith.constant 1 : i32
        %add3A_1759 = arith.addi %add3A_1757, %add3A_1758 : i32
        %get3A_1760 = arith.index_cast %add3A_1759 : i32 to index
        %get3A_1761 = arith.constant 64 : index
        %get3A_1762 = tpu.vector_load %arg7[%get3A_1760, %get3A_1761] {strides = array<i32>} : memref<128x128xf32, #tpu.memory_space<vmem>>, vector<1x16xf32>,
        %get3A_1763 = vector.shape_cast %get3A_1762 : vector<1x16xf32> to vector<16xf32>
        %add3A_1764 = arith.addf %get3A_1755, %get3A_1763 : vector<16xf32>
        %add3A_1765 = arith.constant 12 : i32
        %add3A_1766 = arith.addi %mul3A_1134, %add3A_1765 : i32
        %get3A_1767 = arith.index_cast %add3A_1766 : i32 to index
        %get3A_1768 = arith.constant 64 : index
        %get3A_1769 = tpu.vector_load %arg7[%get3A_1767, %get3A_1768] {strides = array<i32>} : memref<128x128xf32, #tpu.memory_space<vmem>>, vector<1x16xf32>,
        %get3A_1770 = vector.shape_cast %get3A_1769 : vector<1x16xf32> to vector<16xf32>
        %add3A_1771 = arith.constant 12 : i32
        %add3A_1772 = arith.addi %mul3A_1134, %add3A_1771 : i32
        %add3A_1773 = arith.constant 1 : i32
        %add3A_1774 = arith.addi %add3A_1772, %add3A_1773 : i32
        %get3A_1775 = arith.index_cast %add3A_1774 : i32 to index
        %get3A_1776 = arith.constant 64 : index
        %get3A_1777 = tpu.vector_load %arg7[%get3A_1775, %get3A_1776] {strides = array<i32>} : memref<128x128xf32, #tpu.memory_space<vmem>>, vector<1x16xf32>,
        %get3A_1778 = vector.shape_cast %get3A_1777 : vector<1x16xf32> to vector<16xf32>
        %add3A_1779 = arith.addf %get3A_1770, %get3A_1778 : vector<16xf32>
        %add3A_1780 = arith.constant 14 : i32
        %add3A_1781 = arith.addi %mul3A_1134, %add3A_1780 : i32
        %get3A_1782 = arith.index_cast %add3A_1781 : i32 to index
        %get3A_1783 = arith.constant 64 : index
        %get3A_1784 = tpu.vector_load %arg7[%get3A_1782, %get3A_1783] {strides = array<i32>} : memref<128x128xf32, #tpu.memory_space<vmem>>, vector<1x16xf32>,
        %get3A_1785 = vector.shape_cast %get3A_1784 : vector<1x16xf32> to vector<16xf32>
        %add3A_1786 = arith.constant 14 : i32
        %add3A_1787 = arith.addi %mul3A_1134, %add3A_1786 : i32
        %add3A_1788 = arith.constant 1 : i32
        %add3A_1789 = arith.addi %add3A_1787, %add3A_1788 : i32
        %get3A_1790 = arith.index_cast %add3A_1789 : i32 to index
        %get3A_1791 = arith.constant 64 : index
        %get3A_1792 = tpu.vector_load %arg7[%get3A_1790, %get3A_1791] {strides = array<i32>} : memref<128x128xf32, #tpu.memory_space<vmem>>, vector<1x16xf32>,
        %get3A_1793 = vector.shape_cast %get3A_1792 : vector<1x16xf32> to vector<16xf32>
        %add3A_1794 = arith.addf %get3A_1785, %get3A_1793 : vector<16xf32>
        %add3A_1795 = arith.addf %add3A_1689, %add3A_1704 : vector<16xf32>
        %add3A_1796 = arith.addf %add3A_1719, %add3A_1734 : vector<16xf32>
        %add3A_1797 = arith.addf %add3A_1749, %add3A_1764 : vector<16xf32>
        %add3A_1798 = arith.addf %add3A_1779, %add3A_1794 : vector<16xf32>
        %add3A_1799 = arith.addf %add3A_1795, %add3A_1796 : vector<16xf32>
        %add3A_1800 = arith.addf %add3A_1797, %add3A_1798 : vector<16xf32>
        %add3A_1801 = arith.addf %add3A_1799, %add3A_1800 : vector<16xf32>
        %mul3A_1802 = arith.constant 8 : i32
        %mul3A_1803 = arith.muli %add3A_18, %mul3A_1802 : i32
        %add3A_1804 = arith.addi %mul3A_1803, %scan3A_1132 : i32
        %swap3A_1805 = arith.index_cast %add3A_1804 : i32 to index
        %swap3A_1806 = arith.constant 64 : index
        %swap3A_1807 = tpu.vector_load %arg8[%swap3A_1805, %swap3A_1806] {strides = array<i32>} : memref<320x128xf32, #tpu.memory_space<vmem>>, vector<1x16xf32>,
        %swap3A_1808 = vector.shape_cast %swap3A_1807 : vector<1x16xf32> to vector<16xf32>
        %swap3A_1809 = vector.shape_cast %add3A_1801 : vector<16xf32> to vector<1x16xf32>
        tpu.vector_store %arg8[%swap3A_1805, %swap3A_1806], %swap3A_1809 {strides = array<i32>} : memref<320x128xf32, #tpu.memory_space<vmem>>, vector<1x16xf32>,
        %add3A_1810 = arith.constant 0 : i32
        %add3A_1811 = arith.addi %mul3A_1134, %add3A_1810 : i32
        %get3A_1812 = arith.index_cast %add3A_1811 : i32 to index
        %get3A_1813 = arith.constant 80 : index
        %get3A_1814 = tpu.vector_load %arg7[%get3A_1812, %get3A_1813] {strides = array<i32>} : memref<128x128xf32, #tpu.memory_space<vmem>>, vector<1x16xf32>,
        %get3A_1815 = vector.shape_cast %get3A_1814 : vector<1x16xf32> to vector<16xf32>
        %add3A_1816 = arith.constant 0 : i32
        %add3A_1817 = arith.addi %mul3A_1134, %add3A_1816 : i32
        %add3A_1818 = arith.constant 1 : i32
        %add3A_1819 = arith.addi %add3A_1817, %add3A_1818 : i32
        %get3A_1820 = arith.index_cast %add3A_1819 : i32 to index
        %get3A_1821 = arith.constant 80 : index
        %get3A_1822 = tpu.vector_load %arg7[%get3A_1820, %get3A_1821] {strides = array<i32>} : memref<128x128xf32, #tpu.memory_space<vmem>>, vector<1x16xf32>,
        %get3A_1823 = vector.shape_cast %get3A_1822 : vector<1x16xf32> to vector<16xf32>
        %add3A_1824 = arith.addf %get3A_1815, %get3A_1823 : vector<16xf32>
        %add3A_1825 = arith.constant 2 : i32
        %add3A_1826 = arith.addi %mul3A_1134, %add3A_1825 : i32
        %get3A_1827 = arith.index_cast %add3A_1826 : i32 to index
        %get3A_1828 = arith.constant 80 : index
        %get3A_1829 = tpu.vector_load %arg7[%get3A_1827, %get3A_1828] {strides = array<i32>} : memref<128x128xf32, #tpu.memory_space<vmem>>, vector<1x16xf32>,
        %get3A_1830 = vector.shape_cast %get3A_1829 : vector<1x16xf32> to vector<16xf32>
        %add3A_1831 = arith.constant 2 : i32
        %add3A_1832 = arith.addi %mul3A_1134, %add3A_1831 : i32
        %add3A_1833 = arith.constant 1 : i32
        %add3A_1834 = arith.addi %add3A_1832, %add3A_1833 : i32
        %get3A_1835 = arith.index_cast %add3A_1834 : i32 to index
        %get3A_1836 = arith.constant 80 : index
        %get3A_1837 = tpu.vector_load %arg7[%get3A_1835, %get3A_1836] {strides = array<i32>} : memref<128x128xf32, #tpu.memory_space<vmem>>, vector<1x16xf32>,
        %get3A_1838 = vector.shape_cast %get3A_1837 : vector<1x16xf32> to vector<16xf32>
        %add3A_1839 = arith.addf %get3A_1830, %get3A_1838 : vector<16xf32>
        %add3A_1840 = arith.constant 4 : i32
        %add3A_1841 = arith.addi %mul3A_1134, %add3A_1840 : i32
        %get3A_1842 = arith.index_cast %add3A_1841 : i32 to index
        %get3A_1843 = arith.constant 80 : index
        %get3A_1844 = tpu.vector_load %arg7[%get3A_1842, %get3A_1843] {strides = array<i32>} : memref<128x128xf32, #tpu.memory_space<vmem>>, vector<1x16xf32>,
        %get3A_1845 = vector.shape_cast %get3A_1844 : vector<1x16xf32> to vector<16xf32>
        %add3A_1846 = arith.constant 4 : i32
        %add3A_1847 = arith.addi %mul3A_1134, %add3A_1846 : i32
        %add3A_1848 = arith.constant 1 : i32
        %add3A_1849 = arith.addi %add3A_1847, %add3A_1848 : i32
        %get3A_1850 = arith.index_cast %add3A_1849 : i32 to index
        %get3A_1851 = arith.constant 80 : index
        %get3A_1852 = tpu.vector_load %arg7[%get3A_1850, %get3A_1851] {strides = array<i32>} : memref<128x128xf32, #tpu.memory_space<vmem>>, vector<1x16xf32>,
        %get3A_1853 = vector.shape_cast %get3A_1852 : vector<1x16xf32> to vector<16xf32>
        %add3A_1854 = arith.addf %get3A_1845, %get3A_1853 : vector<16xf32>
        %add3A_1855 = arith.constant 6 : i32
        %add3A_1856 = arith.addi %mul3A_1134, %add3A_1855 : i32
        %get3A_1857 = arith.index_cast %add3A_1856 : i32 to index
        %get3A_1858 = arith.constant 80 : index
        %get3A_1859 = tpu.vector_load %arg7[%get3A_1857, %get3A_1858] {strides = array<i32>} : memref<128x128xf32, #tpu.memory_space<vmem>>, vector<1x16xf32>,
        %get3A_1860 = vector.shape_cast %get3A_1859 : vector<1x16xf32> to vector<16xf32>
        %add3A_1861 = arith.constant 6 : i32
        %add3A_1862 = arith.addi %mul3A_1134, %add3A_1861 : i32
        %add3A_1863 = arith.constant 1 : i32
        %add3A_1864 = arith.addi %add3A_1862, %add3A_1863 : i32
        %get3A_1865 = arith.index_cast %add3A_1864 : i32 to index
        %get3A_1866 = arith.constant 80 : index
        %get3A_1867 = tpu.vector_load %arg7[%get3A_1865, %get3A_1866] {strides = array<i32>} : memref<128x128xf32, #tpu.memory_space<vmem>>, vector<1x16xf32>,
        %get3A_1868 = vector.shape_cast %get3A_1867 : vector<1x16xf32> to vector<16xf32>
        %add3A_1869 = arith.addf %get3A_1860, %get3A_1868 : vector<16xf32>
        %add3A_1870 = arith.constant 8 : i32
        %add3A_1871 = arith.addi %mul3A_1134, %add3A_1870 : i32
        %get3A_1872 = arith.index_cast %add3A_1871 : i32 to index
        %get3A_1873 = arith.constant 80 : index
        %get3A_1874 = tpu.vector_load %arg7[%get3A_1872, %get3A_1873] {strides = array<i32>} : memref<128x128xf32, #tpu.memory_space<vmem>>, vector<1x16xf32>,
        %get3A_1875 = vector.shape_cast %get3A_1874 : vector<1x16xf32> to vector<16xf32>
        %add3A_1876 = arith.constant 8 : i32
        %add3A_1877 = arith.addi %mul3A_1134, %add3A_1876 : i32
        %add3A_1878 = arith.constant 1 : i32
        %add3A_1879 = arith.addi %add3A_1877, %add3A_1878 : i32
        %get3A_1880 = arith.index_cast %add3A_1879 : i32 to index
        %get3A_1881 = arith.constant 80 : index
        %get3A_1882 = tpu.vector_load %arg7[%get3A_1880, %get3A_1881] {strides = array<i32>} : memref<128x128xf32, #tpu.memory_space<vmem>>, vector<1x16xf32>,
        %get3A_1883 = vector.shape_cast %get3A_1882 : vector<1x16xf32> to vector<16xf32>
        %add3A_1884 = arith.addf %get3A_1875, %get3A_1883 : vector<16xf32>
        %add3A_1885 = arith.constant 10 : i32
        %add3A_1886 = arith.addi %mul3A_1134, %add3A_1885 : i32
        %get3A_1887 = arith.index_cast %add3A_1886 : i32 to index
        %get3A_1888 = arith.constant 80 : index
        %get3A_1889 = tpu.vector_load %arg7[%get3A_1887, %get3A_1888] {strides = array<i32>} : memref<128x128xf32, #tpu.memory_space<vmem>>, vector<1x16xf32>,
        %get3A_1890 = vector.shape_cast %get3A_1889 : vector<1x16xf32> to vector<16xf32>
        %add3A_1891 = arith.constant 10 : i32
        %add3A_1892 = arith.addi %mul3A_1134, %add3A_1891 : i32
        %add3A_1893 = arith.constant 1 : i32
        %add3A_1894 = arith.addi %add3A_1892, %add3A_1893 : i32
        %get3A_1895 = arith.index_cast %add3A_1894 : i32 to index
        %get3A_1896 = arith.constant 80 : index
        %get3A_1897 = tpu.vector_load %arg7[%get3A_1895, %get3A_1896] {strides = array<i32>} : memref<128x128xf32, #tpu.memory_space<vmem>>, vector<1x16xf32>,
        %get3A_1898 = vector.shape_cast %get3A_1897 : vector<1x16xf32> to vector<16xf32>
        %add3A_1899 = arith.addf %get3A_1890, %get3A_1898 : vector<16xf32>
        %add3A_1900 = arith.constant 12 : i32
        %add3A_1901 = arith.addi %mul3A_1134, %add3A_1900 : i32
        %get3A_1902 = arith.index_cast %add3A_1901 : i32 to index
        %get3A_1903 = arith.constant 80 : index
        %get3A_1904 = tpu.vector_load %arg7[%get3A_1902, %get3A_1903] {strides = array<i32>} : memref<128x128xf32, #tpu.memory_space<vmem>>, vector<1x16xf32>,
        %get3A_1905 = vector.shape_cast %get3A_1904 : vector<1x16xf32> to vector<16xf32>
        %add3A_1906 = arith.constant 12 : i32
        %add3A_1907 = arith.addi %mul3A_1134, %add3A_1906 : i32
        %add3A_1908 = arith.constant 1 : i32
        %add3A_1909 = arith.addi %add3A_1907, %add3A_1908 : i32
        %get3A_1910 = arith.index_cast %add3A_1909 : i32 to index
        %get3A_1911 = arith.constant 80 : index
        %get3A_1912 = tpu.vector_load %arg7[%get3A_1910, %get3A_1911] {strides = array<i32>} : memref<128x128xf32, #tpu.memory_space<vmem>>, vector<1x16xf32>,
        %get3A_1913 = vector.shape_cast %get3A_1912 : vector<1x16xf32> to vector<16xf32>
        %add3A_1914 = arith.addf %get3A_1905, %get3A_1913 : vector<16xf32>
        %add3A_1915 = arith.constant 14 : i32
        %add3A_1916 = arith.addi %mul3A_1134, %add3A_1915 : i32
        %get3A_1917 = arith.index_cast %add3A_1916 : i32 to index
        %get3A_1918 = arith.constant 80 : index
        %get3A_1919 = tpu.vector_load %arg7[%get3A_1917, %get3A_1918] {strides = array<i32>} : memref<128x128xf32, #tpu.memory_space<vmem>>, vector<1x16xf32>,
        %get3A_1920 = vector.shape_cast %get3A_1919 : vector<1x16xf32> to vector<16xf32>
        %add3A_1921 = arith.constant 14 : i32
        %add3A_1922 = arith.addi %mul3A_1134, %add3A_1921 : i32
        %add3A_1923 = arith.constant 1 : i32
        %add3A_1924 = arith.addi %add3A_1922, %add3A_1923 : i32
        %get3A_1925 = arith.index_cast %add3A_1924 : i32 to index
        %get3A_1926 = arith.constant 80 : index
        %get3A_1927 = tpu.vector_load %arg7[%get3A_1925, %get3A_1926] {strides = array<i32>} : memref<128x128xf32, #tpu.memory_space<vmem>>, vector<1x16xf32>,
        %get3A_1928 = vector.shape_cast %get3A_1927 : vector<1x16xf32> to vector<16xf32>
        %add3A_1929 = arith.addf %get3A_1920, %get3A_1928 : vector<16xf32>
        %add3A_1930 = arith.addf %add3A_1824, %add3A_1839 : vector<16xf32>
        %add3A_1931 = arith.addf %add3A_1854, %add3A_1869 : vector<16xf32>
        %add3A_1932 = arith.addf %add3A_1884, %add3A_1899 : vector<16xf32>
        %add3A_1933 = arith.addf %add3A_1914, %add3A_1929 : vector<16xf32>
        %add3A_1934 = arith.addf %add3A_1930, %add3A_1931 : vector<16xf32>
        %add3A_1935 = arith.addf %add3A_1932, %add3A_1933 : vector<16xf32>
        %add3A_1936 = arith.addf %add3A_1934, %add3A_1935 : vector<16xf32>
        %mul3A_1937 = arith.constant 8 : i32
        %mul3A_1938 = arith.muli %add3A_18, %mul3A_1937 : i32
        %add3A_1939 = arith.addi %mul3A_1938, %scan3A_1132 : i32
        %swap3A_1940 = arith.index_cast %add3A_1939 : i32 to index
        %swap3A_1941 = arith.constant 80 : index
        %swap3A_1942 = tpu.vector_load %arg8[%swap3A_1940, %swap3A_1941] {strides = array<i32>} : memref<320x128xf32, #tpu.memory_space<vmem>>, vector<1x16xf32>,
        %swap3A_1943 = vector.shape_cast %swap3A_1942 : vector<1x16xf32> to vector<16xf32>
        %swap3A_1944 = vector.shape_cast %add3A_1936 : vector<16xf32> to vector<1x16xf32>
        tpu.vector_store %arg8[%swap3A_1940, %swap3A_1941], %swap3A_1944 {strides = array<i32>} : memref<320x128xf32, #tpu.memory_space<vmem>>, vector<1x16xf32>,
        %add3A_1945 = arith.constant 0 : i32
        %add3A_1946 = arith.addi %mul3A_1134, %add3A_1945 : i32
        %get3A_1947 = arith.index_cast %add3A_1946 : i32 to index
        %get3A_1948 = arith.constant 96 : index
        %get3A_1949 = tpu.vector_load %arg7[%get3A_1947, %get3A_1948] {strides = array<i32>} : memref<128x128xf32, #tpu.memory_space<vmem>>, vector<1x16xf32>,
        %get3A_1950 = vector.shape_cast %get3A_1949 : vector<1x16xf32> to vector<16xf32>
        %add3A_1951 = arith.constant 0 : i32
        %add3A_1952 = arith.addi %mul3A_1134, %add3A_1951 : i32
        %add3A_1953 = arith.constant 1 : i32
        %add3A_1954 = arith.addi %add3A_1952, %add3A_1953 : i32
        %get3A_1955 = arith.index_cast %add3A_1954 : i32 to index
        %get3A_1956 = arith.constant 96 : index
        %get3A_1957 = tpu.vector_load %arg7[%get3A_1955, %get3A_1956] {strides = array<i32>} : memref<128x128xf32, #tpu.memory_space<vmem>>, vector<1x16xf32>,
        %get3A_1958 = vector.shape_cast %get3A_1957 : vector<1x16xf32> to vector<16xf32>
        %add3A_1959 = arith.addf %get3A_1950, %get3A_1958 : vector<16xf32>
        %add3A_1960 = arith.constant 2 : i32
        %add3A_1961 = arith.addi %mul3A_1134, %add3A_1960 : i32
        %get3A_1962 = arith.index_cast %add3A_1961 : i32 to index
        %get3A_1963 = arith.constant 96 : index
        %get3A_1964 = tpu.vector_load %arg7[%get3A_1962, %get3A_1963] {strides = array<i32>} : memref<128x128xf32, #tpu.memory_space<vmem>>, vector<1x16xf32>,
        %get3A_1965 = vector.shape_cast %get3A_1964 : vector<1x16xf32> to vector<16xf32>
        %add3A_1966 = arith.constant 2 : i32
        %add3A_1967 = arith.addi %mul3A_1134, %add3A_1966 : i32
        %add3A_1968 = arith.constant 1 : i32
        %add3A_1969 = arith.addi %add3A_1967, %add3A_1968 : i32
        %get3A_1970 = arith.index_cast %add3A_1969 : i32 to index
        %get3A_1971 = arith.constant 96 : index
        %get3A_1972 = tpu.vector_load %arg7[%get3A_1970, %get3A_1971] {strides = array<i32>} : memref<128x128xf32, #tpu.memory_space<vmem>>, vector<1x16xf32>,
        %get3A_1973 = vector.shape_cast %get3A_1972 : vector<1x16xf32> to vector<16xf32>
        %add3A_1974 = arith.addf %get3A_1965, %get3A_1973 : vector<16xf32>
        %add3A_1975 = arith.constant 4 : i32
        %add3A_1976 = arith.addi %mul3A_1134, %add3A_1975 : i32
        %get3A_1977 = arith.index_cast %add3A_1976 : i32 to index
        %get3A_1978 = arith.constant 96 : index
        %get3A_1979 = tpu.vector_load %arg7[%get3A_1977, %get3A_1978] {strides = array<i32>} : memref<128x128xf32, #tpu.memory_space<vmem>>, vector<1x16xf32>,
        %get3A_1980 = vector.shape_cast %get3A_1979 : vector<1x16xf32> to vector<16xf32>
        %add3A_1981 = arith.constant 4 : i32
        %add3A_1982 = arith.addi %mul3A_1134, %add3A_1981 : i32
        %add3A_1983 = arith.constant 1 : i32
        %add3A_1984 = arith.addi %add3A_1982, %add3A_1983 : i32
        %get3A_1985 = arith.index_cast %add3A_1984 : i32 to index
        %get3A_1986 = arith.constant 96 : index
        %get3A_1987 = tpu.vector_load %arg7[%get3A_1985, %get3A_1986] {strides = array<i32>} : memref<128x128xf32, #tpu.memory_space<vmem>>, vector<1x16xf32>,
        %get3A_1988 = vector.shape_cast %get3A_1987 : vector<1x16xf32> to vector<16xf32>
        %add3A_1989 = arith.addf %get3A_1980, %get3A_1988 : vector<16xf32>
        %add3A_1990 = arith.constant 6 : i32
        %add3A_1991 = arith.addi %mul3A_1134, %add3A_1990 : i32
        %get3A_1992 = arith.index_cast %add3A_1991 : i32 to index
        %get3A_1993 = arith.constant 96 : index
        %get3A_1994 = tpu.vector_load %arg7[%get3A_1992, %get3A_1993] {strides = array<i32>} : memref<128x128xf32, #tpu.memory_space<vmem>>, vector<1x16xf32>,
        %get3A_1995 = vector.shape_cast %get3A_1994 : vector<1x16xf32> to vector<16xf32>
        %add3A_1996 = arith.constant 6 : i32
        %add3A_1997 = arith.addi %mul3A_1134, %add3A_1996 : i32
        %add3A_1998 = arith.constant 1 : i32
        %add3A_1999 = arith.addi %add3A_1997, %add3A_1998 : i32
        %get3A_2000 = arith.index_cast %add3A_1999 : i32 to index
        %get3A_2001 = arith.constant 96 : index
        %get3A_2002 = tpu.vector_load %arg7[%get3A_2000, %get3A_2001] {strides = array<i32>} : memref<128x128xf32, #tpu.memory_space<vmem>>, vector<1x16xf32>,
        %get3A_2003 = vector.shape_cast %get3A_2002 : vector<1x16xf32> to vector<16xf32>
        %add3A_2004 = arith.addf %get3A_1995, %get3A_2003 : vector<16xf32>
        %add3A_2005 = arith.constant 8 : i32
        %add3A_2006 = arith.addi %mul3A_1134, %add3A_2005 : i32
        %get3A_2007 = arith.index_cast %add3A_2006 : i32 to index
        %get3A_2008 = arith.constant 96 : index
        %get3A_2009 = tpu.vector_load %arg7[%get3A_2007, %get3A_2008] {strides = array<i32>} : memref<128x128xf32, #tpu.memory_space<vmem>>, vector<1x16xf32>,
        %get3A_2010 = vector.shape_cast %get3A_2009 : vector<1x16xf32> to vector<16xf32>
        %add3A_2011 = arith.constant 8 : i32
        %add3A_2012 = arith.addi %mul3A_1134, %add3A_2011 : i32
        %add3A_2013 = arith.constant 1 : i32
        %add3A_2014 = arith.addi %add3A_2012, %add3A_2013 : i32
        %get3A_2015 = arith.index_cast %add3A_2014 : i32 to index
        %get3A_2016 = arith.constant 96 : index
        %get3A_2017 = tpu.vector_load %arg7[%get3A_2015, %get3A_2016] {strides = array<i32>} : memref<128x128xf32, #tpu.memory_space<vmem>>, vector<1x16xf32>,
        %get3A_2018 = vector.shape_cast %get3A_2017 : vector<1x16xf32> to vector<16xf32>
        %add3A_2019 = arith.addf %get3A_2010, %get3A_2018 : vector<16xf32>
        %add3A_2020 = arith.constant 10 : i32
        %add3A_2021 = arith.addi %mul3A_1134, %add3A_2020 : i32
        %get3A_2022 = arith.index_cast %add3A_2021 : i32 to index
        %get3A_2023 = arith.constant 96 : index
        %get3A_2024 = tpu.vector_load %arg7[%get3A_2022, %get3A_2023] {strides = array<i32>} : memref<128x128xf32, #tpu.memory_space<vmem>>, vector<1x16xf32>,
        %get3A_2025 = vector.shape_cast %get3A_2024 : vector<1x16xf32> to vector<16xf32>
        %add3A_2026 = arith.constant 10 : i32
        %add3A_2027 = arith.addi %mul3A_1134, %add3A_2026 : i32
        %add3A_2028 = arith.constant 1 : i32
        %add3A_2029 = arith.addi %add3A_2027, %add3A_2028 : i32
        %get3A_2030 = arith.index_cast %add3A_2029 : i32 to index
        %get3A_2031 = arith.constant 96 : index
        %get3A_2032 = tpu.vector_load %arg7[%get3A_2030, %get3A_2031] {strides = array<i32>} : memref<128x128xf32, #tpu.memory_space<vmem>>, vector<1x16xf32>,
        %get3A_2033 = vector.shape_cast %get3A_2032 : vector<1x16xf32> to vector<16xf32>
        %add3A_2034 = arith.addf %get3A_2025, %get3A_2033 : vector<16xf32>
        %add3A_2035 = arith.constant 12 : i32
        %add3A_2036 = arith.addi %mul3A_1134, %add3A_2035 : i32
        %get3A_2037 = arith.index_cast %add3A_2036 : i32 to index
        %get3A_2038 = arith.constant 96 : index
        %get3A_2039 = tpu.vector_load %arg7[%get3A_2037, %get3A_2038] {strides = array<i32>} : memref<128x128xf32, #tpu.memory_space<vmem>>, vector<1x16xf32>,
        %get3A_2040 = vector.shape_cast %get3A_2039 : vector<1x16xf32> to vector<16xf32>
        %add3A_2041 = arith.constant 12 : i32
        %add3A_2042 = arith.addi %mul3A_1134, %add3A_2041 : i32
        %add3A_2043 = arith.constant 1 : i32
        %add3A_2044 = arith.addi %add3A_2042, %add3A_2043 : i32
        %get3A_2045 = arith.index_cast %add3A_2044 : i32 to index
        %get3A_2046 = arith.constant 96 : index
        %get3A_2047 = tpu.vector_load %arg7[%get3A_2045, %get3A_2046] {strides = array<i32>} : memref<128x128xf32, #tpu.memory_space<vmem>>, vector<1x16xf32>,
        %get3A_2048 = vector.shape_cast %get3A_2047 : vector<1x16xf32> to vector<16xf32>
        %add3A_2049 = arith.addf %get3A_2040, %get3A_2048 : vector<16xf32>
        %add3A_2050 = arith.constant 14 : i32
        %add3A_2051 = arith.addi %mul3A_1134, %add3A_2050 : i32
        %get3A_2052 = arith.index_cast %add3A_2051 : i32 to index
        %get3A_2053 = arith.constant 96 : index
        %get3A_2054 = tpu.vector_load %arg7[%get3A_2052, %get3A_2053] {strides = array<i32>} : memref<128x128xf32, #tpu.memory_space<vmem>>, vector<1x16xf32>,
        %get3A_2055 = vector.shape_cast %get3A_2054 : vector<1x16xf32> to vector<16xf32>
        %add3A_2056 = arith.constant 14 : i32
        %add3A_2057 = arith.addi %mul3A_1134, %add3A_2056 : i32
        %add3A_2058 = arith.constant 1 : i32
        %add3A_2059 = arith.addi %add3A_2057, %add3A_2058 : i32
        %get3A_2060 = arith.index_cast %add3A_2059 : i32 to index
        %get3A_2061 = arith.constant 96 : index
        %get3A_2062 = tpu.vector_load %arg7[%get3A_2060, %get3A_2061] {strides = array<i32>} : memref<128x128xf32, #tpu.memory_space<vmem>>, vector<1x16xf32>,
        %get3A_2063 = vector.shape_cast %get3A_2062 : vector<1x16xf32> to vector<16xf32>
        %add3A_2064 = arith.addf %get3A_2055, %get3A_2063 : vector<16xf32>
        %add3A_2065 = arith.addf %add3A_1959, %add3A_1974 : vector<16xf32>
        %add3A_2066 = arith.addf %add3A_1989, %add3A_2004 : vector<16xf32>
        %add3A_2067 = arith.addf %add3A_2019, %add3A_2034 : vector<16xf32>
        %add3A_2068 = arith.addf %add3A_2049, %add3A_2064 : vector<16xf32>
        %add3A_2069 = arith.addf %add3A_2065, %add3A_2066 : vector<16xf32>
        %add3A_2070 = arith.addf %add3A_2067, %add3A_2068 : vector<16xf32>
        %add3A_2071 = arith.addf %add3A_2069, %add3A_2070 : vector<16xf32>
        %mul3A_2072 = arith.constant 8 : i32
        %mul3A_2073 = arith.muli %add3A_18, %mul3A_2072 : i32
        %add3A_2074 = arith.addi %mul3A_2073, %scan3A_1132 : i32
        %swap3A_2075 = arith.index_cast %add3A_2074 : i32 to index
        %swap3A_2076 = arith.constant 96 : index
        %swap3A_2077 = tpu.vector_load %arg8[%swap3A_2075, %swap3A_2076] {strides = array<i32>} : memref<320x128xf32, #tpu.memory_space<vmem>>, vector<1x16xf32>,
        %swap3A_2078 = vector.shape_cast %swap3A_2077 : vector<1x16xf32> to vector<16xf32>
        %swap3A_2079 = vector.shape_cast %add3A_2071 : vector<16xf32> to vector<1x16xf32>
        tpu.vector_store %arg8[%swap3A_2075, %swap3A_2076], %swap3A_2079 {strides = array<i32>} : memref<320x128xf32, #tpu.memory_space<vmem>>, vector<1x16xf32>,
        %add3A_2080 = arith.constant 0 : i32
        %add3A_2081 = arith.addi %mul3A_1134, %add3A_2080 : i32
        %get3A_2082 = arith.index_cast %add3A_2081 : i32 to index
        %get3A_2083 = arith.constant 112 : index
        %get3A_2084 = tpu.vector_load %arg7[%get3A_2082, %get3A_2083] {strides = array<i32>} : memref<128x128xf32, #tpu.memory_space<vmem>>, vector<1x16xf32>,
        %get3A_2085 = vector.shape_cast %get3A_2084 : vector<1x16xf32> to vector<16xf32>
        %add3A_2086 = arith.constant 0 : i32
        %add3A_2087 = arith.addi %mul3A_1134, %add3A_2086 : i32
        %add3A_2088 = arith.constant 1 : i32
        %add3A_2089 = arith.addi %add3A_2087, %add3A_2088 : i32
        %get3A_2090 = arith.index_cast %add3A_2089 : i32 to index
        %get3A_2091 = arith.constant 112 : index
        %get3A_2092 = tpu.vector_load %arg7[%get3A_2090, %get3A_2091] {strides = array<i32>} : memref<128x128xf32, #tpu.memory_space<vmem>>, vector<1x16xf32>,
        %get3A_2093 = vector.shape_cast %get3A_2092 : vector<1x16xf32> to vector<16xf32>
        %add3A_2094 = arith.addf %get3A_2085, %get3A_2093 : vector<16xf32>
        %add3A_2095 = arith.constant 2 : i32
        %add3A_2096 = arith.addi %mul3A_1134, %add3A_2095 : i32
        %get3A_2097 = arith.index_cast %add3A_2096 : i32 to index
        %get3A_2098 = arith.constant 112 : index
        %get3A_2099 = tpu.vector_load %arg7[%get3A_2097, %get3A_2098] {strides = array<i32>} : memref<128x128xf32, #tpu.memory_space<vmem>>, vector<1x16xf32>,
        %get3A_2100 = vector.shape_cast %get3A_2099 : vector<1x16xf32> to vector<16xf32>
        %add3A_2101 = arith.constant 2 : i32
        %add3A_2102 = arith.addi %mul3A_1134, %add3A_2101 : i32
        %add3A_2103 = arith.constant 1 : i32
        %add3A_2104 = arith.addi %add3A_2102, %add3A_2103 : i32
        %get3A_2105 = arith.index_cast %add3A_2104 : i32 to index
        %get3A_2106 = arith.constant 112 : index
        %get3A_2107 = tpu.vector_load %arg7[%get3A_2105, %get3A_2106] {strides = array<i32>} : memref<128x128xf32, #tpu.memory_space<vmem>>, vector<1x16xf32>,
        %get3A_2108 = vector.shape_cast %get3A_2107 : vector<1x16xf32> to vector<16xf32>
        %add3A_2109 = arith.addf %get3A_2100, %get3A_2108 : vector<16xf32>
        %add3A_2110 = arith.constant 4 : i32
        %add3A_2111 = arith.addi %mul3A_1134, %add3A_2110 : i32
        %get3A_2112 = arith.index_cast %add3A_2111 : i32 to index
        %get3A_2113 = arith.constant 112 : index
        %get3A_2114 = tpu.vector_load %arg7[%get3A_2112, %get3A_2113] {strides = array<i32>} : memref<128x128xf32, #tpu.memory_space<vmem>>, vector<1x16xf32>,
        %get3A_2115 = vector.shape_cast %get3A_2114 : vector<1x16xf32> to vector<16xf32>
        %add3A_2116 = arith.constant 4 : i32
        %add3A_2117 = arith.addi %mul3A_1134, %add3A_2116 : i32
        %add3A_2118 = arith.constant 1 : i32
        %add3A_2119 = arith.addi %add3A_2117, %add3A_2118 : i32
        %get3A_2120 = arith.index_cast %add3A_2119 : i32 to index
        %get3A_2121 = arith.constant 112 : index
        %get3A_2122 = tpu.vector_load %arg7[%get3A_2120, %get3A_2121] {strides = array<i32>} : memref<128x128xf32, #tpu.memory_space<vmem>>, vector<1x16xf32>,
        %get3A_2123 = vector.shape_cast %get3A_2122 : vector<1x16xf32> to vector<16xf32>
        %add3A_2124 = arith.addf %get3A_2115, %get3A_2123 : vector<16xf32>
        %add3A_2125 = arith.constant 6 : i32
        %add3A_2126 = arith.addi %mul3A_1134, %add3A_2125 : i32
        %get3A_2127 = arith.index_cast %add3A_2126 : i32 to index
        %get3A_2128 = arith.constant 112 : index
        %get3A_2129 = tpu.vector_load %arg7[%get3A_2127, %get3A_2128] {strides = array<i32>} : memref<128x128xf32, #tpu.memory_space<vmem>>, vector<1x16xf32>,
        %get3A_2130 = vector.shape_cast %get3A_2129 : vector<1x16xf32> to vector<16xf32>
        %add3A_2131 = arith.constant 6 : i32
        %add3A_2132 = arith.addi %mul3A_1134, %add3A_2131 : i32
        %add3A_2133 = arith.constant 1 : i32
        %add3A_2134 = arith.addi %add3A_2132, %add3A_2133 : i32
        %get3A_2135 = arith.index_cast %add3A_2134 : i32 to index
        %get3A_2136 = arith.constant 112 : index
        %get3A_2137 = tpu.vector_load %arg7[%get3A_2135, %get3A_2136] {strides = array<i32>} : memref<128x128xf32, #tpu.memory_space<vmem>>, vector<1x16xf32>,
        %get3A_2138 = vector.shape_cast %get3A_2137 : vector<1x16xf32> to vector<16xf32>
        %add3A_2139 = arith.addf %get3A_2130, %get3A_2138 : vector<16xf32>
        %add3A_2140 = arith.constant 8 : i32
        %add3A_2141 = arith.addi %mul3A_1134, %add3A_2140 : i32
        %get3A_2142 = arith.index_cast %add3A_2141 : i32 to index
        %get3A_2143 = arith.constant 112 : index
        %get3A_2144 = tpu.vector_load %arg7[%get3A_2142, %get3A_2143] {strides = array<i32>} : memref<128x128xf32, #tpu.memory_space<vmem>>, vector<1x16xf32>,
        %get3A_2145 = vector.shape_cast %get3A_2144 : vector<1x16xf32> to vector<16xf32>
        %add3A_2146 = arith.constant 8 : i32
        %add3A_2147 = arith.addi %mul3A_1134, %add3A_2146 : i32
        %add3A_2148 = arith.constant 1 : i32
        %add3A_2149 = arith.addi %add3A_2147, %add3A_2148 : i32
        %get3A_2150 = arith.index_cast %add3A_2149 : i32 to index
        %get3A_2151 = arith.constant 112 : index
        %get3A_2152 = tpu.vector_load %arg7[%get3A_2150, %get3A_2151] {strides = array<i32>} : memref<128x128xf32, #tpu.memory_space<vmem>>, vector<1x16xf32>,
        %get3A_2153 = vector.shape_cast %get3A_2152 : vector<1x16xf32> to vector<16xf32>
        %add3A_2154 = arith.addf %get3A_2145, %get3A_2153 : vector<16xf32>
        %add3A_2155 = arith.constant 10 : i32
        %add3A_2156 = arith.addi %mul3A_1134, %add3A_2155 : i32
        %get3A_2157 = arith.index_cast %add3A_2156 : i32 to index
        %get3A_2158 = arith.constant 112 : index
        %get3A_2159 = tpu.vector_load %arg7[%get3A_2157, %get3A_2158] {strides = array<i32>} : memref<128x128xf32, #tpu.memory_space<vmem>>, vector<1x16xf32>,
        %get3A_2160 = vector.shape_cast %get3A_2159 : vector<1x16xf32> to vector<16xf32>
        %add3A_2161 = arith.constant 10 : i32
        %add3A_2162 = arith.addi %mul3A_1134, %add3A_2161 : i32
        %add3A_2163 = arith.constant 1 : i32
        %add3A_2164 = arith.addi %add3A_2162, %add3A_2163 : i32
        %get3A_2165 = arith.index_cast %add3A_2164 : i32 to index
        %get3A_2166 = arith.constant 112 : index
        %get3A_2167 = tpu.vector_load %arg7[%get3A_2165, %get3A_2166] {strides = array<i32>} : memref<128x128xf32, #tpu.memory_space<vmem>>, vector<1x16xf32>,
        %get3A_2168 = vector.shape_cast %get3A_2167 : vector<1x16xf32> to vector<16xf32>
        %add3A_2169 = arith.addf %get3A_2160, %get3A_2168 : vector<16xf32>
        %add3A_2170 = arith.constant 12 : i32
        %add3A_2171 = arith.addi %mul3A_1134, %add3A_2170 : i32
        %get3A_2172 = arith.index_cast %add3A_2171 : i32 to index
        %get3A_2173 = arith.constant 112 : index
        %get3A_2174 = tpu.vector_load %arg7[%get3A_2172, %get3A_2173] {strides = array<i32>} : memref<128x128xf32, #tpu.memory_space<vmem>>, vector<1x16xf32>,
        %get3A_2175 = vector.shape_cast %get3A_2174 : vector<1x16xf32> to vector<16xf32>
        %add3A_2176 = arith.constant 12 : i32
        %add3A_2177 = arith.addi %mul3A_1134, %add3A_2176 : i32
        %add3A_2178 = arith.constant 1 : i32
        %add3A_2179 = arith.addi %add3A_2177, %add3A_2178 : i32
        %get3A_2180 = arith.index_cast %add3A_2179 : i32 to index
        %get3A_2181 = arith.constant 112 : index
        %get3A_2182 = tpu.vector_load %arg7[%get3A_2180, %get3A_2181] {strides = array<i32>} : memref<128x128xf32, #tpu.memory_space<vmem>>, vector<1x16xf32>,
        %get3A_2183 = vector.shape_cast %get3A_2182 : vector<1x16xf32> to vector<16xf32>
        %add3A_2184 = arith.addf %get3A_2175, %get3A_2183 : vector<16xf32>
        %add3A_2185 = arith.constant 14 : i32
        %add3A_2186 = arith.addi %mul3A_1134, %add3A_2185 : i32
        %get3A_2187 = arith.index_cast %add3A_2186 : i32 to index
        %get3A_2188 = arith.constant 112 : index
        %get3A_2189 = tpu.vector_load %arg7[%get3A_2187, %get3A_2188] {strides = array<i32>} : memref<128x128xf32, #tpu.memory_space<vmem>>, vector<1x16xf32>,
        %get3A_2190 = vector.shape_cast %get3A_2189 : vector<1x16xf32> to vector<16xf32>
        %add3A_2191 = arith.constant 14 : i32
        %add3A_2192 = arith.addi %mul3A_1134, %add3A_2191 : i32
        %add3A_2193 = arith.constant 1 : i32
        %add3A_2194 = arith.addi %add3A_2192, %add3A_2193 : i32
        %get3A_2195 = arith.index_cast %add3A_2194 : i32 to index
        %get3A_2196 = arith.constant 112 : index
        %get3A_2197 = tpu.vector_load %arg7[%get3A_2195, %get3A_2196] {strides = array<i32>} : memref<128x128xf32, #tpu.memory_space<vmem>>, vector<1x16xf32>,
        %get3A_2198 = vector.shape_cast %get3A_2197 : vector<1x16xf32> to vector<16xf32>
        %add3A_2199 = arith.addf %get3A_2190, %get3A_2198 : vector<16xf32>
        %add3A_2200 = arith.addf %add3A_2094, %add3A_2109 : vector<16xf32>
        %add3A_2201 = arith.addf %add3A_2124, %add3A_2139 : vector<16xf32>
        %add3A_2202 = arith.addf %add3A_2154, %add3A_2169 : vector<16xf32>
        %add3A_2203 = arith.addf %add3A_2184, %add3A_2199 : vector<16xf32>
        %add3A_2204 = arith.addf %add3A_2200, %add3A_2201 : vector<16xf32>
        %add3A_2205 = arith.addf %add3A_2202, %add3A_2203 : vector<16xf32>
        %add3A_2206 = arith.addf %add3A_2204, %add3A_2205 : vector<16xf32>
        %mul3A_2207 = arith.constant 8 : i32
        %mul3A_2208 = arith.muli %add3A_18, %mul3A_2207 : i32
        %add3A_2209 = arith.addi %mul3A_2208, %scan3A_1132 : i32
        %swap3A_2210 = arith.index_cast %add3A_2209 : i32 to index
        %swap3A_2211 = arith.constant 112 : index
        %swap3A_2212 = tpu.vector_load %arg8[%swap3A_2210, %swap3A_2211] {strides = array<i32>} : memref<320x128xf32, #tpu.memory_space<vmem>>, vector<1x16xf32>,
        %swap3A_2213 = vector.shape_cast %swap3A_2212 : vector<1x16xf32> to vector<16xf32>
        %swap3A_2214 = vector.shape_cast %add3A_2206 : vector<16xf32> to vector<1x16xf32>
        tpu.vector_store %arg8[%swap3A_2210, %swap3A_2211], %swap3A_2214 {strides = array<i32>} : memref<320x128xf32, #tpu.memory_space<vmem>>, vector<1x16xf32>,
      }
      %scan3A_49 = arith.constant 8 : i32
    }
    %scan3A_13 = arith.constant 20 : i32
    "tpu.region"() ({
      %run_scoped3A = tpu.sem_alloc : memref<!tpu.dma_semaphore, #tpu.memory_space<semaphore_mem>>
      %dma_start3A_14 = arith.constant 0 : i32
      %dma_start3A_15 = tpu.memref_slice %arg4[%mul3A_2, %dma_start3A_14] : memref<10240x128xf32, #tpu.memory_space<hbm>> -> memref<320x128xf32, #tpu.memory_space<hbm>>
      %dma_start3A_16 = arith.constant 0 : i32
      %dma_start3A_17 = tpu.memref_slice %arg4[%mul3A_2, %dma_start3A_16] : memref<10240x128xf32, #tpu.memory_space<hbm>> -> memref<320x128xf32, #tpu.memory_space<hbm>>
      tpu.enqueue_dma source(%arg8 : memref<320x128xf32, #tpu.memory_space<vmem>>) target(%dma_start3A_17 : memref<320x128xf32, #tpu.memory_space<hbm>>) target_semaphore(%run_scoped3A : memref<!tpu.dma_semaphore, #tpu.memory_space<semaphore_mem>>)
      %dma_wait3A = arith.constant 0 : i32
      %dma_wait3A_18 = tpu.memref_slice %arg4[%mul3A_2, %dma_wait3A] : memref<10240x128xf32, #tpu.memory_space<hbm>> -> memref<320x128xf32, #tpu.memory_space<hbm>>
      %dma_wait3A_19 = arith.constant 0 : i32
      %dma_wait3A_20 = tpu.memref_slice %arg4[%mul3A_2, %dma_wait3A_19] : memref<10240x128xf32, #tpu.memory_space<hbm>> -> memref<320x128xf32, #tpu.memory_space<hbm>>
      tpu.wait_dma2 semaphore(%run_scoped3A : memref<!tpu.dma_semaphore, #tpu.memory_space<semaphore_mem>>) src(%arg8 : memref<320x128xf32, #tpu.memory_space<vmem>>) dst(%dma_wait3A_20 : memref<320x128xf32, #tpu.memory_space<hbm>>)
      tpu.yield
    }) : () -> ()
    return
  }
}

module attributes {stable_mosaic.version = 14 : i64} {
  func.func @_prep_body(%arg0: memref<10000xi32, #tpu.memory_space<smem>>, %arg1: memref<10000xi32, #tpu.memory_space<smem>>, %arg2: memref<10000xi32, #tpu.memory_space<smem>>, %arg3: memref<10000xi32, #tpu.memory_space<smem>>, %arg4: memref<10002xi32, #tpu.memory_space<smem>>, %arg5: memref<1xi32, #tpu.memory_space<smem>>, %arg6: memref<10000xi32, #tpu.memory_space<smem>>, %arg7: memref<10000xi32, #tpu.memory_space<smem>>, %arg8: memref<10000xi32, #tpu.memory_space<smem>>, %arg9: memref<10002xi32, #tpu.memory_space<smem>>) attributes {dimension_semantics = [], scalar_prefetch = 0 : i64, scratch_operands = 4 : i64, tpu.core_type = #tpu.core_type<tc>} {
    %scan3A = arith.constant 0 : i32
    %scan3A_0 = arith.constant 10000 : i32
    %scan3A_1 = arith.addi %scan3A, %scan3A_0 : i32
    %scan3A_2 = arith.constant 4 : i32
    scf.for %scan3A_39 = %scan3A to %scan3A_1 step %scan3A_2  : i32 {
      %swap3A_40 = arith.constant 0 : i32
      %swap3A_41 = arith.index_cast %scan3A_39 : i32 to index
      %swap3A_42 = memref.load %arg6[%swap3A_41] : memref<10000xi32, #tpu.memory_space<smem>>
      memref.store %swap3A_40, %arg6[%swap3A_41] : memref<10000xi32, #tpu.memory_space<smem>>
      %swap3A_43 = arith.constant 0 : i32
      %swap3A_44 = arith.index_cast %scan3A_39 : i32 to index
      %swap3A_45 = memref.load %arg7[%swap3A_44] : memref<10000xi32, #tpu.memory_space<smem>>
      memref.store %swap3A_43, %arg7[%swap3A_44] : memref<10000xi32, #tpu.memory_space<smem>>
      %swap3A_46 = arith.constant 0 : i32
      %swap3A_47 = arith.index_cast %scan3A_39 : i32 to index
      %swap3A_48 = memref.load %arg9[%swap3A_47] : memref<10002xi32, #tpu.memory_space<smem>>
      memref.store %swap3A_46, %arg9[%swap3A_47] : memref<10002xi32, #tpu.memory_space<smem>>
      %scan3A_49 = arith.constant 1 : i32
      %scan3A_50 = arith.addi %scan3A_39, %scan3A_49 : i32
      %swap3A_51 = arith.constant 0 : i32
      %swap3A_52 = arith.index_cast %scan3A_50 : i32 to index
      %swap3A_53 = memref.load %arg6[%swap3A_52] : memref<10000xi32, #tpu.memory_space<smem>>
      memref.store %swap3A_51, %arg6[%swap3A_52] : memref<10000xi32, #tpu.memory_space<smem>>
      %swap3A_54 = arith.constant 0 : i32
      %swap3A_55 = arith.index_cast %scan3A_50 : i32 to index
      %swap3A_56 = memref.load %arg7[%swap3A_55] : memref<10000xi32, #tpu.memory_space<smem>>
      memref.store %swap3A_54, %arg7[%swap3A_55] : memref<10000xi32, #tpu.memory_space<smem>>
      %swap3A_57 = arith.constant 0 : i32
      %swap3A_58 = arith.index_cast %scan3A_50 : i32 to index
      %swap3A_59 = memref.load %arg9[%swap3A_58] : memref<10002xi32, #tpu.memory_space<smem>>
      memref.store %swap3A_57, %arg9[%swap3A_58] : memref<10002xi32, #tpu.memory_space<smem>>
      %scan3A_60 = arith.constant 2 : i32
      %scan3A_61 = arith.addi %scan3A_39, %scan3A_60 : i32
      %swap3A_62 = arith.constant 0 : i32
      %swap3A_63 = arith.index_cast %scan3A_61 : i32 to index
      %swap3A_64 = memref.load %arg6[%swap3A_63] : memref<10000xi32, #tpu.memory_space<smem>>
      memref.store %swap3A_62, %arg6[%swap3A_63] : memref<10000xi32, #tpu.memory_space<smem>>
      %swap3A_65 = arith.constant 0 : i32
      %swap3A_66 = arith.index_cast %scan3A_61 : i32 to index
      %swap3A_67 = memref.load %arg7[%swap3A_66] : memref<10000xi32, #tpu.memory_space<smem>>
      memref.store %swap3A_65, %arg7[%swap3A_66] : memref<10000xi32, #tpu.memory_space<smem>>
      %swap3A_68 = arith.constant 0 : i32
      %swap3A_69 = arith.index_cast %scan3A_61 : i32 to index
      %swap3A_70 = memref.load %arg9[%swap3A_69] : memref<10002xi32, #tpu.memory_space<smem>>
      memref.store %swap3A_68, %arg9[%swap3A_69] : memref<10002xi32, #tpu.memory_space<smem>>
      %scan3A_71 = arith.constant 3 : i32
      %scan3A_72 = arith.addi %scan3A_39, %scan3A_71 : i32
      %swap3A_73 = arith.constant 0 : i32
      %swap3A_74 = arith.index_cast %scan3A_72 : i32 to index
      %swap3A_75 = memref.load %arg6[%swap3A_74] : memref<10000xi32, #tpu.memory_space<smem>>
      memref.store %swap3A_73, %arg6[%swap3A_74] : memref<10000xi32, #tpu.memory_space<smem>>
      %swap3A_76 = arith.constant 0 : i32
      %swap3A_77 = arith.index_cast %scan3A_72 : i32 to index
      %swap3A_78 = memref.load %arg7[%swap3A_77] : memref<10000xi32, #tpu.memory_space<smem>>
      memref.store %swap3A_76, %arg7[%swap3A_77] : memref<10000xi32, #tpu.memory_space<smem>>
      %swap3A_79 = arith.constant 0 : i32
      %swap3A_80 = arith.index_cast %scan3A_72 : i32 to index
      %swap3A_81 = memref.load %arg9[%swap3A_80] : memref<10002xi32, #tpu.memory_space<smem>>
      memref.store %swap3A_79, %arg9[%swap3A_80] : memref<10002xi32, #tpu.memory_space<smem>>
    }
    %scan3A_3 = arith.constant 10000 : i32
    %swap3A = arith.constant 0 : i32
    %swap3A_4 = arith.constant 10000 : index
    %swap3A_5 = memref.load %arg9[%swap3A_4] : memref<10002xi32, #tpu.memory_space<smem>>
    memref.store %swap3A, %arg9[%swap3A_4] : memref<10002xi32, #tpu.memory_space<smem>>
    %swap3A_6 = arith.constant 0 : i32
    %swap3A_7 = arith.constant 10001 : index
    %swap3A_8 = memref.load %arg9[%swap3A_7] : memref<10002xi32, #tpu.memory_space<smem>>
    memref.store %swap3A_6, %arg9[%swap3A_7] : memref<10002xi32, #tpu.memory_space<smem>>
    %scan3A_9 = arith.constant 0 : i32
    %scan3A_10 = arith.constant 0 : i32
    %scan3A_11 = arith.constant 10000 : i32
    %scan3A_12 = arith.addi %scan3A_10, %scan3A_11 : i32
    %scan3A_13 = arith.constant 1 : i32
    %scan3A_14 = scf.for %scan3A_39 = %scan3A_10 to %scan3A_12 step %scan3A_13 iter_args(%scan3A_40 = %scan3A_9) -> (i32)  : i32 {
      %get3A = arith.index_cast %scan3A_39 : i32 to index
      %get3A_41 = memref.load %arg0[%get3A] : memref<10000xi32, #tpu.memory_space<smem>>
      %get3A_42 = arith.index_cast %scan3A_39 : i32 to index
      %get3A_43 = memref.load %arg1[%get3A_42] : memref<10000xi32, #tpu.memory_space<smem>>
      %get3A_44 = arith.index_cast %scan3A_39 : i32 to index
      %get3A_45 = memref.load %arg2[%get3A_44] : memref<10000xi32, #tpu.memory_space<smem>>
      %get3A_46 = arith.index_cast %get3A_43 : i32 to index
      %get3A_47 = memref.load %arg6[%get3A_46] : memref<10000xi32, #tpu.memory_space<smem>>
      %get3A_48 = arith.index_cast %get3A_45 : i32 to index
      %get3A_49 = memref.load %arg6[%get3A_48] : memref<10000xi32, #tpu.memory_space<smem>>
      %max3A = arith.maxsi %get3A_47, %get3A_49 : i32
      %get3A_50 = arith.index_cast %get3A_41 : i32 to index
      %get3A_51 = memref.load %arg6[%get3A_50] : memref<10000xi32, #tpu.memory_space<smem>>
      %get3A_52 = arith.index_cast %get3A_41 : i32 to index
      %get3A_53 = memref.load %arg7[%get3A_52] : memref<10000xi32, #tpu.memory_space<smem>>
      %max3A_54 = arith.maxsi %get3A_51, %get3A_53 : i32
      %max3A_55 = arith.maxsi %max3A, %max3A_54 : i32
      %add3A_56 = arith.constant 1 : i32
      %add3A_57 = arith.addi %add3A_56, %max3A_55 : i32
      %get3A_58 = arith.index_cast %get3A_43 : i32 to index
      %get3A_59 = memref.load %arg7[%get3A_58] : memref<10000xi32, #tpu.memory_space<smem>>
      %max3A_60 = arith.maxsi %get3A_59, %add3A_57 : i32
      %swap3A_61 = arith.index_cast %get3A_43 : i32 to index
      %swap3A_62 = memref.load %arg7[%swap3A_61] : memref<10000xi32, #tpu.memory_space<smem>>
      memref.store %max3A_60, %arg7[%swap3A_61] : memref<10000xi32, #tpu.memory_space<smem>>
      %get3A_63 = arith.index_cast %get3A_45 : i32 to index
      %get3A_64 = memref.load %arg7[%get3A_63] : memref<10000xi32, #tpu.memory_space<smem>>
      %max3A_65 = arith.maxsi %get3A_64, %add3A_57 : i32
      %swap3A_66 = arith.index_cast %get3A_45 : i32 to index
      %swap3A_67 = memref.load %arg7[%swap3A_66] : memref<10000xi32, #tpu.memory_space<smem>>
      memref.store %max3A_65, %arg7[%swap3A_66] : memref<10000xi32, #tpu.memory_space<smem>>
      %swap3A_68 = arith.index_cast %get3A_41 : i32 to index
      %swap3A_69 = memref.load %arg6[%swap3A_68] : memref<10000xi32, #tpu.memory_space<smem>>
      memref.store %add3A_57, %arg6[%swap3A_68] : memref<10000xi32, #tpu.memory_space<smem>>
      %swap3A_70 = arith.index_cast %scan3A_39 : i32 to index
      %swap3A_71 = memref.load %arg8[%swap3A_70] : memref<10000xi32, #tpu.memory_space<smem>>
      memref.store %add3A_57, %arg8[%swap3A_70] : memref<10000xi32, #tpu.memory_space<smem>>
      %get3A_72 = arith.index_cast %add3A_57 : i32 to index
      %get3A_73 = memref.load %arg9[%get3A_72] : memref<10002xi32, #tpu.memory_space<smem>>
      %add3A_74 = arith.constant 1 : i32
      %add3A_75 = arith.addi %get3A_73, %add3A_74 : i32
      %swap3A_76 = arith.index_cast %add3A_57 : i32 to index
      %swap3A_77 = memref.load %arg9[%swap3A_76] : memref<10002xi32, #tpu.memory_space<smem>>
      memref.store %add3A_75, %arg9[%swap3A_76] : memref<10002xi32, #tpu.memory_space<smem>>
      %max3A_78 = arith.maxsi %scan3A_40, %add3A_57 : i32
      scf.yield %max3A_78 : i32
    }
    %scan3A_15 = arith.constant 10000 : i32
    %swap3A_16 = arith.constant 0 : index
    %swap3A_17 = memref.load %arg5[%swap3A_16] : memref<1xi32, #tpu.memory_space<smem>>
    memref.store %scan3A_14, %arg5[%swap3A_16] : memref<1xi32, #tpu.memory_space<smem>>
    %add3A = arith.constant 1 : i32
    %add3A_18 = arith.addi %scan3A_14, %add3A : i32
    %while3A = arith.constant 1 : i32
    %while3A_19 = arith.constant 0 : i32
    %while3A_20 = arith.subi %add3A_18, %while3A : i32
    %while3A_21 = arith.addi %while3A, %while3A_20 : i32
    %while3A_22 = arith.constant 1 : i32
    %while3A_23 = arith.divsi %while3A_20, %while3A_22 : i32
    %while3A_24 = arith.muli %while3A_23, %while3A_22 : i32
    %while3A_25 = arith.addi %while3A, %while3A_24 : i32
    %while3A_26 = arith.constant 1 : i32
    %while3A_27 = scf.for %while3A_39 = %while3A to %while3A_25 step %while3A_26 iter_args(%while3A_40 = %while3A_19) -> (i32)  : i32 {
      %swap3A_41 = arith.index_cast %while3A_39 : i32 to index
      %swap3A_42 = memref.load %arg4[%swap3A_41] : memref<10002xi32, #tpu.memory_space<smem>>
      memref.store %while3A_40, %arg4[%swap3A_41] : memref<10002xi32, #tpu.memory_space<smem>>
      %get3A = arith.index_cast %while3A_39 : i32 to index
      %get3A_43 = memref.load %arg9[%get3A] : memref<10002xi32, #tpu.memory_space<smem>>
      %add3A_44 = arith.addi %while3A_40, %get3A_43 : i32
      %swap3A_45 = arith.index_cast %while3A_39 : i32 to index
      %swap3A_46 = memref.load %arg9[%swap3A_45] : memref<10002xi32, #tpu.memory_space<smem>>
      memref.store %while3A_40, %arg9[%swap3A_45] : memref<10002xi32, #tpu.memory_space<smem>>
      scf.yield %add3A_44 : i32
    }
    %while3A_28 = arith.constant 1 : i32
    %while3A_29 = scf.for %while3A_39 = %while3A_25 to %while3A_21 step %while3A_28 iter_args(%while3A_40 = %while3A_27) -> (i32)  : i32 {
      %swap3A_41 = arith.index_cast %while3A_39 : i32 to index
      %swap3A_42 = memref.load %arg4[%swap3A_41] : memref<10002xi32, #tpu.memory_space<smem>>
      memref.store %while3A_40, %arg4[%swap3A_41] : memref<10002xi32, #tpu.memory_space<smem>>
      %get3A = arith.index_cast %while3A_39 : i32 to index
      %get3A_43 = memref.load %arg9[%get3A] : memref<10002xi32, #tpu.memory_space<smem>>
      %add3A_44 = arith.addi %while3A_40, %get3A_43 : i32
      %swap3A_45 = arith.index_cast %while3A_39 : i32 to index
      %swap3A_46 = memref.load %arg9[%swap3A_45] : memref<10002xi32, #tpu.memory_space<smem>>
      memref.store %while3A_40, %arg9[%swap3A_45] : memref<10002xi32, #tpu.memory_space<smem>>
      scf.yield %add3A_44 : i32
    }
    %add3A_30 = arith.constant 1 : i32
    %add3A_31 = arith.addi %scan3A_14, %add3A_30 : i32
    %swap3A_32 = arith.index_cast %add3A_31 : i32 to index
    %swap3A_33 = memref.load %arg4[%swap3A_32] : memref<10002xi32, #tpu.memory_space<smem>>
    memref.store %while3A_29, %arg4[%swap3A_32] : memref<10002xi32, #tpu.memory_space<smem>>
    %scan3A_34 = arith.constant 0 : i32
    %scan3A_35 = arith.constant 10000 : i32
    %scan3A_36 = arith.addi %scan3A_34, %scan3A_35 : i32
    %scan3A_37 = arith.constant 1 : i32
    scf.for %scan3A_39 = %scan3A_34 to %scan3A_36 step %scan3A_37  : i32 {
      %get3A = arith.index_cast %scan3A_39 : i32 to index
      %get3A_40 = memref.load %arg8[%get3A] : memref<10000xi32, #tpu.memory_space<smem>>
      %get3A_41 = arith.index_cast %get3A_40 : i32 to index
      %get3A_42 = memref.load %arg9[%get3A_41] : memref<10002xi32, #tpu.memory_space<smem>>
      %swap3A_43 = arith.index_cast %get3A_42 : i32 to index
      %swap3A_44 = memref.load %arg3[%swap3A_43] : memref<10000xi32, #tpu.memory_space<smem>>
      memref.store %scan3A_39, %arg3[%swap3A_43] : memref<10000xi32, #tpu.memory_space<smem>>
      %add3A_45 = arith.constant 1 : i32
      %add3A_46 = arith.addi %get3A_42, %add3A_45 : i32
      %swap3A_47 = arith.index_cast %get3A_40 : i32 to index
      %swap3A_48 = memref.load %arg9[%swap3A_47] : memref<10002xi32, #tpu.memory_space<smem>>
      memref.store %add3A_46, %arg9[%swap3A_47] : memref<10002xi32, #tpu.memory_space<smem>>
    }
    %scan3A_38 = arith.constant 10000 : i32
    return
  }
}

module attributes {stable_mosaic.version = 14 : i64} {
  func.func @_scan_body(%arg0: memref<10000xi32, #tpu.memory_space<smem>>, %arg1: memref<10000xi32, #tpu.memory_space<smem>>, %arg2: memref<10000xi32, #tpu.memory_space<smem>>, %arg3: memref<10000xi32, #tpu.memory_space<smem>>, %arg4: memref<10002xi32, #tpu.memory_space<smem>>, %arg5: memref<1xi32, #tpu.memory_space<smem>>, %arg6: memref<10240x128xf32, #tpu.memory_space<vmem>>, %arg7: memref<128x384xf32, #tpu.memory_space<vmem>>, %arg8: memref<1x384xf32, #tpu.memory_space<vmem>>, %arg9: memref<128x384xf32, #tpu.memory_space<vmem>>, %arg10: memref<1x384xf32, #tpu.memory_space<vmem>>, %arg11: memref<128x128xf32, #tpu.memory_space<vmem>>, %arg12: memref<1x128xf32, #tpu.memory_space<vmem>>, %arg13: memref<128x16xf32, #tpu.memory_space<vmem>>, %arg14: memref<1x16xf32, #tpu.memory_space<vmem>>, %arg15: memref<1x16xf32, #tpu.memory_space<vmem>>, %arg16: memref<10008x128xf32, #tpu.memory_space<vmem>>, %arg17: memref<256x128xf32, #tpu.memory_space<vmem>>, %arg18: memref<256x128xf32, #tpu.memory_space<vmem>>, %arg19: memref<256x128xf32, #tpu.memory_space<vmem>>, %arg20: memref<256x128xf32, #tpu.memory_space<vmem>>) attributes {dimension_semantics = [], scalar_prefetch = 0 : i64, scratch_operands = 5 : i64, tpu.core_type = #tpu.core_type<tc>} {
    %broadcast_in_dim3A = arith.constant 0.000000e+00 : f32
    %broadcast_in_dim3A_0 = vector.broadcast %broadcast_in_dim3A : f32 to vector<10008x128xf32>
    %swap3A = arith.constant 0 : index
    %swap3A_1 = arith.constant 0 : index
    %swap3A_2 = vector.load %arg16[%swap3A, %swap3A_1] : memref<10008x128xf32, #tpu.memory_space<vmem>>, vector<10008x128xf32>
    tpu.vector_store %arg16[%swap3A, %swap3A_1], %broadcast_in_dim3A_0 {strides = array<i32>} : memref<10008x128xf32, #tpu.memory_space<vmem>>, vector<10008x128xf32>,
    %get3A = arith.constant 0 : index
    %get3A_3 = memref.load %arg5[%get3A] : memref<1xi32, #tpu.memory_space<smem>>
    %add3A = arith.constant 1 : i32
    %add3A_4 = arith.addi %get3A_3, %add3A : i32
    %while3A = arith.constant 0 : i32
    %while3A_5 = arith.constant 1 : i32
    %while3A_6 = arith.subi %add3A_4, %while3A_5 : i32
    %while3A_7 = arith.addi %while3A_5, %while3A_6 : i32
    %while3A_8 = arith.constant 1 : i32
    %while3A_9 = arith.divsi %while3A_6, %while3A_8 : i32
    %while3A_10 = arith.muli %while3A_9, %while3A_8 : i32
    %while3A_11 = arith.addi %while3A_5, %while3A_10 : i32
    %while3A_12 = arith.constant 1 : i32
    scf.for %while3A_35 = %while3A_5 to %while3A_11 step %while3A_12  : i32 {
      %get3A_36 = arith.index_cast %while3A_35 : i32 to index
      %get3A_37 = memref.load %arg4[%get3A_36] : memref<10002xi32, #tpu.memory_space<smem>>
      %add3A_38 = arith.constant 1 : i32
      %add3A_39 = arith.addi %while3A_35, %add3A_38 : i32
      %get3A_40 = arith.index_cast %add3A_39 : i32 to index
      %get3A_41 = memref.load %arg4[%get3A_40] : memref<10002xi32, #tpu.memory_space<smem>>
      %sub3A_42 = arith.subi %get3A_41, %get3A_37 : i32
      %add3A_43 = arith.constant 256 : i32
      %add3A_44 = arith.addi %sub3A_42, %add3A_43 : i32
      %sub3A_45 = arith.constant 1 : i32
      %sub3A_46 = arith.subi %add3A_44, %sub3A_45 : i32
      %jit3A = arith.constant 256 : i32
      %div3A = arith.divsi %sub3A_46, %jit3A : i32
      %sign3A = arith.constant 0 : i32
      %sign3A_47 = arith.cmpi sgt, %sub3A_46, %sign3A : i32
      %sign3A_48 = arith.extui %sign3A_47 : i1 to i32
      %sign3A_49 = arith.constant 0 : i32
      %sign3A_50 = arith.cmpi slt, %sub3A_46, %sign3A_49 : i32
      %sign3A_51 = arith.extui %sign3A_50 : i1 to i32
      %sign3A_52 = arith.subi %sign3A_48, %sign3A_51 : i32
      %sign3A_53 = arith.constant 0 : i32
      %sign3A_54 = arith.cmpi sgt, %jit3A, %sign3A_53 : i32
      %sign3A_55 = arith.extui %sign3A_54 : i1 to i32
      %sign3A_56 = arith.constant 0 : i32
      %sign3A_57 = arith.cmpi slt, %jit3A, %sign3A_56 : i32
      %sign3A_58 = arith.extui %sign3A_57 : i1 to i32
      %sign3A_59 = arith.subi %sign3A_55, %sign3A_58 : i32
      %ne3A = arith.cmpi ne, %sign3A_52, %sign3A_59 : i32
      %rem3A = arith.remsi %sub3A_46, %jit3A : i32
      %ne3A_60 = arith.constant 0 : i32
      %ne3A_61 = arith.cmpi ne, %rem3A, %ne3A_60 : i32
      %and3A = arith.andi %ne3A, %ne3A_61 : i1
      %sub3A_62 = arith.constant 1 : i32
      %sub3A_63 = arith.subi %div3A, %sub3A_62 : i32
      %select_n3A = arith.select %and3A, %sub3A_63, %div3A : i32
      %while3A_64 = arith.constant 0 : i32
      %while3A_65 = arith.constant 0 : i32
      %while3A_66 = arith.subi %select_n3A, %while3A_65 : i32
      %while3A_67 = arith.addi %while3A_65, %while3A_66 : i32
      %while3A_68 = arith.constant 1 : i32
      %while3A_69 = arith.divsi %while3A_66, %while3A_68 : i32
      %while3A_70 = arith.muli %while3A_69, %while3A_68 : i32
      %while3A_71 = arith.addi %while3A_65, %while3A_70 : i32
      %while3A_72 = arith.constant 1 : i32
      scf.for %while3A_74 = %while3A_65 to %while3A_71 step %while3A_72  : i32 {
        %mul3A = arith.constant 256 : i32
        %mul3A_75 = arith.muli %while3A_74, %mul3A : i32
        %add3A_76 = arith.addi %get3A_37, %mul3A_75 : i32
        %sub3A_77 = arith.subi %get3A_41, %add3A_76 : i32
        %scan3A = arith.constant 0 : i32
        %scan3A_78 = arith.constant 0 : i32
        %scan3A_79 = arith.constant 256 : i32
        %scan3A_80 = arith.addi %scan3A_78, %scan3A_79 : i32
        %scan3A_81 = arith.constant 4 : i32
        scf.for %scan3A_185 = %scan3A_78 to %scan3A_80 step %scan3A_81  : i32 {
          %lt3A = arith.cmpi slt, %scan3A_185, %sub3A_77 : i32
          %add3A_186 = arith.addi %add3A_76, %scan3A_185 : i32
          %jit3A_187 = arith.constant 0 : i32
          %select_n3A_188 = arith.select %lt3A, %add3A_186, %jit3A_187 : i32
          %get3A_189 = arith.index_cast %select_n3A_188 : i32 to index
          %get3A_190 = memref.load %arg3[%get3A_189] : memref<10000xi32, #tpu.memory_space<smem>>
          %get3A_191 = arith.index_cast %get3A_190 : i32 to index
          %get3A_192 = memref.load %arg1[%get3A_191] : memref<10000xi32, #tpu.memory_space<smem>>
          %get3A_193 = arith.index_cast %get3A_190 : i32 to index
          %get3A_194 = memref.load %arg2[%get3A_193] : memref<10000xi32, #tpu.memory_space<smem>>
          %get3A_195 = arith.index_cast %get3A_194 : i32 to index
          %get3A_196 = arith.constant 0 : index
          %get3A_197 = vector.load %arg16[%get3A_195, %get3A_196] : memref<10008x128xf32, #tpu.memory_space<vmem>>, vector<1x128xf32>
          %swap3A_198 = arith.index_cast %scan3A_185 : i32 to index
          %swap3A_199 = arith.constant 0 : index
          %swap3A_200 = vector.load %arg17[%swap3A_198, %swap3A_199] : memref<256x128xf32, #tpu.memory_space<vmem>>, vector<1x128xf32>
          tpu.vector_store %arg17[%swap3A_198, %swap3A_199], %get3A_197 {strides = array<i32>} : memref<256x128xf32, #tpu.memory_space<vmem>>, vector<1x128xf32>,
          %get3A_201 = arith.index_cast %get3A_192 : i32 to index
          %get3A_202 = arith.constant 0 : index
          %get3A_203 = vector.load %arg16[%get3A_201, %get3A_202] : memref<10008x128xf32, #tpu.memory_space<vmem>>, vector<1x128xf32>
          %swap3A_204 = arith.index_cast %scan3A_185 : i32 to index
          %swap3A_205 = arith.constant 0 : index
          %swap3A_206 = vector.load %arg18[%swap3A_204, %swap3A_205] : memref<256x128xf32, #tpu.memory_space<vmem>>, vector<1x128xf32>
          tpu.vector_store %arg18[%swap3A_204, %swap3A_205], %get3A_203 {strides = array<i32>} : memref<256x128xf32, #tpu.memory_space<vmem>>, vector<1x128xf32>,
          %get3A_207 = arith.index_cast %get3A_190 : i32 to index
          %get3A_208 = memref.load %arg0[%get3A_207] : memref<10000xi32, #tpu.memory_space<smem>>
          %get3A_209 = arith.index_cast %get3A_208 : i32 to index
          %get3A_210 = arith.constant 0 : index
          %get3A_211 = vector.load %arg6[%get3A_209, %get3A_210] : memref<10240x128xf32, #tpu.memory_space<vmem>>, vector<1x128xf32>
          %swap3A_212 = arith.index_cast %scan3A_185 : i32 to index
          %swap3A_213 = arith.constant 0 : index
          %swap3A_214 = vector.load %arg19[%swap3A_212, %swap3A_213] : memref<256x128xf32, #tpu.memory_space<vmem>>, vector<1x128xf32>
          tpu.vector_store %arg19[%swap3A_212, %swap3A_213], %get3A_211 {strides = array<i32>} : memref<256x128xf32, #tpu.memory_space<vmem>>, vector<1x128xf32>,
          %scan3A_215 = arith.constant 1 : i32
          %scan3A_216 = arith.addi %scan3A_185, %scan3A_215 : i32
          %lt3A_217 = arith.cmpi slt, %scan3A_216, %sub3A_77 : i32
          %add3A_218 = arith.addi %add3A_76, %scan3A_216 : i32
          %jit3A_219 = arith.constant 0 : i32
          %select_n3A_220 = arith.select %lt3A_217, %add3A_218, %jit3A_219 : i32
          %get3A_221 = arith.index_cast %select_n3A_220 : i32 to index
          %get3A_222 = memref.load %arg3[%get3A_221] : memref<10000xi32, #tpu.memory_space<smem>>
          %get3A_223 = arith.index_cast %get3A_222 : i32 to index
          %get3A_224 = memref.load %arg1[%get3A_223] : memref<10000xi32, #tpu.memory_space<smem>>
          %get3A_225 = arith.index_cast %get3A_222 : i32 to index
          %get3A_226 = memref.load %arg2[%get3A_225] : memref<10000xi32, #tpu.memory_space<smem>>
          %get3A_227 = arith.index_cast %get3A_226 : i32 to index
          %get3A_228 = arith.constant 0 : index
          %get3A_229 = vector.load %arg16[%get3A_227, %get3A_228] : memref<10008x128xf32, #tpu.memory_space<vmem>>, vector<1x128xf32>
          %swap3A_230 = arith.index_cast %scan3A_216 : i32 to index
          %swap3A_231 = arith.constant 0 : index
          %swap3A_232 = vector.load %arg17[%swap3A_230, %swap3A_231] : memref<256x128xf32, #tpu.memory_space<vmem>>, vector<1x128xf32>
          tpu.vector_store %arg17[%swap3A_230, %swap3A_231], %get3A_229 {strides = array<i32>} : memref<256x128xf32, #tpu.memory_space<vmem>>, vector<1x128xf32>,
          %get3A_233 = arith.index_cast %get3A_224 : i32 to index
          %get3A_234 = arith.constant 0 : index
          %get3A_235 = vector.load %arg16[%get3A_233, %get3A_234] : memref<10008x128xf32, #tpu.memory_space<vmem>>, vector<1x128xf32>
          %swap3A_236 = arith.index_cast %scan3A_216 : i32 to index
          %swap3A_237 = arith.constant 0 : index
          %swap3A_238 = vector.load %arg18[%swap3A_236, %swap3A_237] : memref<256x128xf32, #tpu.memory_space<vmem>>, vector<1x128xf32>
          tpu.vector_store %arg18[%swap3A_236, %swap3A_237], %get3A_235 {strides = array<i32>} : memref<256x128xf32, #tpu.memory_space<vmem>>, vector<1x128xf32>,
          %get3A_239 = arith.index_cast %get3A_222 : i32 to index
          %get3A_240 = memref.load %arg0[%get3A_239] : memref<10000xi32, #tpu.memory_space<smem>>
          %get3A_241 = arith.index_cast %get3A_240 : i32 to index
          %get3A_242 = arith.constant 0 : index
          %get3A_243 = vector.load %arg6[%get3A_241, %get3A_242] : memref<10240x128xf32, #tpu.memory_space<vmem>>, vector<1x128xf32>
          %swap3A_244 = arith.index_cast %scan3A_216 : i32 to index
          %swap3A_245 = arith.constant 0 : index
          %swap3A_246 = vector.load %arg19[%swap3A_244, %swap3A_245] : memref<256x128xf32, #tpu.memory_space<vmem>>, vector<1x128xf32>
          tpu.vector_store %arg19[%swap3A_244, %swap3A_245], %get3A_243 {strides = array<i32>} : memref<256x128xf32, #tpu.memory_space<vmem>>, vector<1x128xf32>,
          %scan3A_247 = arith.constant 2 : i32
          %scan3A_248 = arith.addi %scan3A_185, %scan3A_247 : i32
          %lt3A_249 = arith.cmpi slt, %scan3A_248, %sub3A_77 : i32
          %add3A_250 = arith.addi %add3A_76, %scan3A_248 : i32
          %jit3A_251 = arith.constant 0 : i32
          %select_n3A_252 = arith.select %lt3A_249, %add3A_250, %jit3A_251 : i32
          %get3A_253 = arith.index_cast %select_n3A_252 : i32 to index
          %get3A_254 = memref.load %arg3[%get3A_253] : memref<10000xi32, #tpu.memory_space<smem>>
          %get3A_255 = arith.index_cast %get3A_254 : i32 to index
          %get3A_256 = memref.load %arg1[%get3A_255] : memref<10000xi32, #tpu.memory_space<smem>>
          %get3A_257 = arith.index_cast %get3A_254 : i32 to index
          %get3A_258 = memref.load %arg2[%get3A_257] : memref<10000xi32, #tpu.memory_space<smem>>
          %get3A_259 = arith.index_cast %get3A_258 : i32 to index
          %get3A_260 = arith.constant 0 : index
          %get3A_261 = vector.load %arg16[%get3A_259, %get3A_260] : memref<10008x128xf32, #tpu.memory_space<vmem>>, vector<1x128xf32>
          %swap3A_262 = arith.index_cast %scan3A_248 : i32 to index
          %swap3A_263 = arith.constant 0 : index
          %swap3A_264 = vector.load %arg17[%swap3A_262, %swap3A_263] : memref<256x128xf32, #tpu.memory_space<vmem>>, vector<1x128xf32>
          tpu.vector_store %arg17[%swap3A_262, %swap3A_263], %get3A_261 {strides = array<i32>} : memref<256x128xf32, #tpu.memory_space<vmem>>, vector<1x128xf32>,
          %get3A_265 = arith.index_cast %get3A_256 : i32 to index
          %get3A_266 = arith.constant 0 : index
          %get3A_267 = vector.load %arg16[%get3A_265, %get3A_266] : memref<10008x128xf32, #tpu.memory_space<vmem>>, vector<1x128xf32>
          %swap3A_268 = arith.index_cast %scan3A_248 : i32 to index
          %swap3A_269 = arith.constant 0 : index
          %swap3A_270 = vector.load %arg18[%swap3A_268, %swap3A_269] : memref<256x128xf32, #tpu.memory_space<vmem>>, vector<1x128xf32>
          tpu.vector_store %arg18[%swap3A_268, %swap3A_269], %get3A_267 {strides = array<i32>} : memref<256x128xf32, #tpu.memory_space<vmem>>, vector<1x128xf32>,
          %get3A_271 = arith.index_cast %get3A_254 : i32 to index
          %get3A_272 = memref.load %arg0[%get3A_271] : memref<10000xi32, #tpu.memory_space<smem>>
          %get3A_273 = arith.index_cast %get3A_272 : i32 to index
          %get3A_274 = arith.constant 0 : index
          %get3A_275 = vector.load %arg6[%get3A_273, %get3A_274] : memref<10240x128xf32, #tpu.memory_space<vmem>>, vector<1x128xf32>
          %swap3A_276 = arith.index_cast %scan3A_248 : i32 to index
          %swap3A_277 = arith.constant 0 : index
          %swap3A_278 = vector.load %arg19[%swap3A_276, %swap3A_277] : memref<256x128xf32, #tpu.memory_space<vmem>>, vector<1x128xf32>
          tpu.vector_store %arg19[%swap3A_276, %swap3A_277], %get3A_275 {strides = array<i32>} : memref<256x128xf32, #tpu.memory_space<vmem>>, vector<1x128xf32>,
          %scan3A_279 = arith.constant 3 : i32
          %scan3A_280 = arith.addi %scan3A_185, %scan3A_279 : i32
          %lt3A_281 = arith.cmpi slt, %scan3A_280, %sub3A_77 : i32
          %add3A_282 = arith.addi %add3A_76, %scan3A_280 : i32
          %jit3A_283 = arith.constant 0 : i32
          %select_n3A_284 = arith.select %lt3A_281, %add3A_282, %jit3A_283 : i32
          %get3A_285 = arith.index_cast %select_n3A_284 : i32 to index
          %get3A_286 = memref.load %arg3[%get3A_285] : memref<10000xi32, #tpu.memory_space<smem>>
          %get3A_287 = arith.index_cast %get3A_286 : i32 to index
          %get3A_288 = memref.load %arg1[%get3A_287] : memref<10000xi32, #tpu.memory_space<smem>>
          %get3A_289 = arith.index_cast %get3A_286 : i32 to index
          %get3A_290 = memref.load %arg2[%get3A_289] : memref<10000xi32, #tpu.memory_space<smem>>
          %get3A_291 = arith.index_cast %get3A_290 : i32 to index
          %get3A_292 = arith.constant 0 : index
          %get3A_293 = vector.load %arg16[%get3A_291, %get3A_292] : memref<10008x128xf32, #tpu.memory_space<vmem>>, vector<1x128xf32>
          %swap3A_294 = arith.index_cast %scan3A_280 : i32 to index
          %swap3A_295 = arith.constant 0 : index
          %swap3A_296 = vector.load %arg17[%swap3A_294, %swap3A_295] : memref<256x128xf32, #tpu.memory_space<vmem>>, vector<1x128xf32>
          tpu.vector_store %arg17[%swap3A_294, %swap3A_295], %get3A_293 {strides = array<i32>} : memref<256x128xf32, #tpu.memory_space<vmem>>, vector<1x128xf32>,
          %get3A_297 = arith.index_cast %get3A_288 : i32 to index
          %get3A_298 = arith.constant 0 : index
          %get3A_299 = vector.load %arg16[%get3A_297, %get3A_298] : memref<10008x128xf32, #tpu.memory_space<vmem>>, vector<1x128xf32>
          %swap3A_300 = arith.index_cast %scan3A_280 : i32 to index
          %swap3A_301 = arith.constant 0 : index
          %swap3A_302 = vector.load %arg18[%swap3A_300, %swap3A_301] : memref<256x128xf32, #tpu.memory_space<vmem>>, vector<1x128xf32>
          tpu.vector_store %arg18[%swap3A_300, %swap3A_301], %get3A_299 {strides = array<i32>} : memref<256x128xf32, #tpu.memory_space<vmem>>, vector<1x128xf32>,
          %get3A_303 = arith.index_cast %get3A_286 : i32 to index
          %get3A_304 = memref.load %arg0[%get3A_303] : memref<10000xi32, #tpu.memory_space<smem>>
          %get3A_305 = arith.index_cast %get3A_304 : i32 to index
          %get3A_306 = arith.constant 0 : index
          %get3A_307 = vector.load %arg6[%get3A_305, %get3A_306] : memref<10240x128xf32, #tpu.memory_space<vmem>>, vector<1x128xf32>
          %swap3A_308 = arith.index_cast %scan3A_280 : i32 to index
          %swap3A_309 = arith.constant 0 : index
          %swap3A_310 = vector.load %arg19[%swap3A_308, %swap3A_309] : memref<256x128xf32, #tpu.memory_space<vmem>>, vector<1x128xf32>
          tpu.vector_store %arg19[%swap3A_308, %swap3A_309], %get3A_307 {strides = array<i32>} : memref<256x128xf32, #tpu.memory_space<vmem>>, vector<1x128xf32>,
        }
        %scan3A_82 = arith.constant 256 : i32
        %get3A_83 = arith.constant 0 : index
        %get3A_84 = arith.constant 0 : index
        %get3A_85 = vector.load %arg17[%get3A_83, %get3A_84] : memref<256x128xf32, #tpu.memory_space<vmem>>, vector<256x128xf32>
        %get3A_86 = arith.constant 0 : index
        %get3A_87 = arith.constant 0 : index
        %get3A_88 = vector.load %arg19[%get3A_86, %get3A_87] : memref<256x128xf32, #tpu.memory_space<vmem>>, vector<256x128xf32>
        %get3A_89 = arith.constant 0 : index
        %get3A_90 = arith.constant 0 : index
        %get3A_91 = vector.load %arg7[%get3A_89, %get3A_90] : memref<128x384xf32, #tpu.memory_space<vmem>>, vector<128x384xf32>
        %dot_general3A_92 = arith.constant dense<0.000000e+00> : vector<256x384xf32>
        %dot_general3A_93 = tpu.matmul %get3A_88, %get3A_91, %dot_general3A_92 {dimension_numbers = #tpu.dot_dimension_numbers<[1], [0], [0], [1], [0, 0, 1, 1], [], []>, transpose_lhs_hint = false} : vector<256x128xf32>, vector<128x384xf32>, vector<256x384xf32> -> vector<256x384xf32>
        %get3A_94 = arith.constant 0 : index
        %get3A_95 = arith.constant 0 : index
        %get3A_96 = vector.load %arg8[%get3A_94, %get3A_95] : memref<1x384xf32, #tpu.memory_space<vmem>>, vector<1x384xf32>
        %add3A_97 = vector.broadcast %get3A_96 : vector<1x384xf32> to vector<256x384xf32>
        %add3A_98 = arith.addf %dot_general3A_93, %add3A_97 : vector<256x384xf32>
        %get3A_99 = arith.constant 0 : index
        %get3A_100 = arith.constant 0 : index
        %get3A_101 = vector.load %arg9[%get3A_99, %get3A_100] : memref<128x384xf32, #tpu.memory_space<vmem>>, vector<128x384xf32>
        %dot_general3A_102 = arith.constant dense<0.000000e+00> : vector<256x384xf32>
        %dot_general3A_103 = tpu.matmul %get3A_85, %get3A_101, %dot_general3A_102 {dimension_numbers = #tpu.dot_dimension_numbers<[1], [0], [0], [1], [0, 0, 1, 1], [], []>, transpose_lhs_hint = false} : vector<256x128xf32>, vector<128x384xf32>, vector<256x384xf32> -> vector<256x384xf32>
        %get3A_104 = arith.constant 0 : index
        %get3A_105 = arith.constant 0 : index
        %get3A_106 = vector.load %arg10[%get3A_104, %get3A_105] : memref<1x384xf32, #tpu.memory_space<vmem>>, vector<1x384xf32>
        %add3A_107 = vector.broadcast %get3A_106 : vector<1x384xf32> to vector<256x384xf32>
        %add3A_108 = arith.addf %dot_general3A_103, %add3A_107 : vector<256x384xf32>
        %slice3A = vector.extract_strided_slice %add3A_98 {offsets = [0, 0], sizes = [256, 128], strides = [1, 1]} : vector<256x384xf32> to vector<256x128xf32>
        %slice3A_109 = vector.extract_strided_slice %add3A_108 {offsets = [0, 0], sizes = [256, 128], strides = [1, 1]} : vector<256x384xf32> to vector<256x128xf32>
        %add3A_110 = arith.addf %slice3A, %slice3A_109 : vector<256x128xf32>
        %logistic3A = arith.negf %add3A_110 : vector<256x128xf32>
        %logistic3A_111 = math.exp %logistic3A : vector<256x128xf32>
        %logistic3A_112 = arith.constant 1.000000e+00 : f32
        %logistic3A_113 = vector.broadcast %logistic3A_112 : f32 to vector<256x128xf32>
        %logistic3A_114 = arith.addf %logistic3A_113, %logistic3A_111 : vector<256x128xf32>
        %logistic3A_115 = arith.divf %logistic3A_113, %logistic3A_114 : vector<256x128xf32>
        %slice3A_116 = vector.extract_strided_slice %add3A_98 {offsets = [0, 128], sizes = [256, 128], strides = [1, 1]} : vector<256x384xf32> to vector<256x128xf32>
        %slice3A_117 = vector.extract_strided_slice %add3A_108 {offsets = [0, 128], sizes = [256, 128], strides = [1, 1]} : vector<256x384xf32> to vector<256x128xf32>
        %add3A_118 = arith.addf %slice3A_116, %slice3A_117 : vector<256x128xf32>
        %logistic3A_119 = arith.negf %add3A_118 : vector<256x128xf32>
        %logistic3A_120 = math.exp %logistic3A_119 : vector<256x128xf32>
        %logistic3A_121 = arith.constant 1.000000e+00 : f32
        %logistic3A_122 = vector.broadcast %logistic3A_121 : f32 to vector<256x128xf32>
        %logistic3A_123 = arith.addf %logistic3A_122, %logistic3A_120 : vector<256x128xf32>
        %logistic3A_124 = arith.divf %logistic3A_122, %logistic3A_123 : vector<256x128xf32>
        %slice3A_125 = vector.extract_strided_slice %add3A_98 {offsets = [0, 256], sizes = [256, 128], strides = [1, 1]} : vector<256x384xf32> to vector<256x128xf32>
        %slice3A_126 = vector.extract_strided_slice %add3A_108 {offsets = [0, 256], sizes = [256, 128], strides = [1, 1]} : vector<256x384xf32> to vector<256x128xf32>
        %mul3A_127 = arith.mulf %logistic3A_115, %slice3A_126 : vector<256x128xf32>
        %add3A_128 = arith.addf %slice3A_125, %mul3A_127 : vector<256x128xf32>
        %tanh3A = math.tanh %add3A_128 : vector<256x128xf32>
        %sub3A_129 = arith.subf %get3A_85, %tanh3A : vector<256x128xf32>
        %mul3A_130 = arith.mulf %logistic3A_124, %sub3A_129 : vector<256x128xf32>
        %add3A_131 = arith.addf %tanh3A, %mul3A_130 : vector<256x128xf32>
        %get3A_132 = arith.constant 0 : index
        %get3A_133 = arith.constant 0 : index
        %get3A_134 = vector.load %arg18[%get3A_132, %get3A_133] : memref<256x128xf32, #tpu.memory_space<vmem>>, vector<256x128xf32>
        %get3A_135 = arith.constant 0 : index
        %get3A_136 = arith.constant 0 : index
        %get3A_137 = vector.load %arg11[%get3A_135, %get3A_136] : memref<128x128xf32, #tpu.memory_space<vmem>>, vector<128x128xf32>
        %dot_general3A_138 = arith.constant dense<0.000000e+00> : vector<256x128xf32>
        %dot_general3A_139 = tpu.matmul %get3A_134, %get3A_137, %dot_general3A_138 {dimension_numbers = #tpu.dot_dimension_numbers<[1], [0], [0], [1], [0, 0, 1, 1], [], []>, transpose_lhs_hint = false} : vector<256x128xf32>, vector<128x128xf32>, vector<256x128xf32> -> vector<256x128xf32>
        %tanh3A_140 = math.tanh %dot_general3A_139 : vector<256x128xf32>
        %get3A_141 = arith.constant 0 : index
        %get3A_142 = arith.constant 0 : index
        %get3A_143 = vector.load %arg11[%get3A_141, %get3A_142] : memref<128x128xf32, #tpu.memory_space<vmem>>, vector<128x128xf32>
        %dot_general3A_144 = arith.constant dense<0.000000e+00> : vector<256x128xf32>
        %dot_general3A_145 = tpu.matmul %add3A_131, %get3A_143, %dot_general3A_144 {dimension_numbers = #tpu.dot_dimension_numbers<[1], [0], [0], [1], [0, 0, 1, 1], [], []>, transpose_lhs_hint = false} : vector<256x128xf32>, vector<128x128xf32>, vector<256x128xf32> -> vector<256x128xf32>
        %tanh3A_146 = math.tanh %dot_general3A_145 : vector<256x128xf32>
        %get3A_147 = arith.constant 0 : index
        %get3A_148 = arith.constant 0 : index
        %get3A_149 = vector.load %arg12[%get3A_147, %get3A_148] : memref<1x128xf32, #tpu.memory_space<vmem>>, vector<1x128xf32>
        %mul3A_150 = vector.broadcast %get3A_149 : vector<1x128xf32> to vector<256x128xf32>
        %mul3A_151 = arith.mulf %tanh3A_140, %mul3A_150 : vector<256x128xf32>
        %reduce_sum3A_152 = arith.constant dense<0.000000e+00> : vector<256xf32>
        %reduce_sum3A_153 = vector.multi_reduction <add>, %mul3A_151, %reduce_sum3A_152 [1] : vector<256x128xf32> to vector<256xf32>
        %broadcast_in_dim3A_154 = vector.shape_cast %reduce_sum3A_153 : vector<256xf32> to vector<256x1xf32>
        %exp3A_155 = math.exp %broadcast_in_dim3A_154 : vector<256x1xf32>
        %get3A_156 = arith.constant 0 : index
        %get3A_157 = arith.constant 0 : index
        %get3A_158 = vector.load %arg12[%get3A_156, %get3A_157] : memref<1x128xf32, #tpu.memory_space<vmem>>, vector<1x128xf32>
        %mul3A_159 = vector.broadcast %get3A_158 : vector<1x128xf32> to vector<256x128xf32>
        %mul3A_160 = arith.mulf %tanh3A_146, %mul3A_159 : vector<256x128xf32>
        %reduce_sum3A_161 = arith.constant dense<0.000000e+00> : vector<256xf32>
        %reduce_sum3A_162 = vector.multi_reduction <add>, %mul3A_160, %reduce_sum3A_161 [1] : vector<256x128xf32> to vector<256xf32>
        %broadcast_in_dim3A_163 = vector.shape_cast %reduce_sum3A_162 : vector<256xf32> to vector<256x1xf32>
        %exp3A_164 = math.exp %broadcast_in_dim3A_163 : vector<256x1xf32>
        %mul3A_165 = vector.broadcast %exp3A_155 : vector<256x1xf32> to vector<256x128xf32>
        %mul3A_166 = arith.mulf %mul3A_165, %get3A_134 : vector<256x128xf32>
        %mul3A_167 = vector.broadcast %exp3A_164 : vector<256x1xf32> to vector<256x128xf32>
        %mul3A_168 = arith.mulf %mul3A_167, %add3A_131 : vector<256x128xf32>
        %add3A_169 = arith.addf %mul3A_166, %mul3A_168 : vector<256x128xf32>
        %add3A_170 = arith.addf %exp3A_155, %exp3A_164 : vector<256x1xf32>
        %div3A_171 = arith.constant 1.000000e+00 : f32
        %div3A_172 = vector.broadcast %div3A_171 : f32 to vector<256x1xf32>
        %div3A_173 = arith.divf %div3A_172, %add3A_170 : vector<256x1xf32>
        %mul3A_174 = vector.broadcast %div3A_173 : vector<256x1xf32> to vector<256x128xf32>
        %mul3A_175 = arith.mulf %add3A_169, %mul3A_174 : vector<256x128xf32>
        %swap3A_176 = arith.constant 0 : index
        %swap3A_177 = arith.constant 0 : index
        %swap3A_178 = vector.load %arg20[%swap3A_176, %swap3A_177] : memref<256x128xf32, #tpu.memory_space<vmem>>, vector<256x128xf32>
        tpu.vector_store %arg20[%swap3A_176, %swap3A_177], %mul3A_175 {strides = array<i32>} : memref<256x128xf32, #tpu.memory_space<vmem>>, vector<256x128xf32>,
        %scan3A_179 = arith.constant 0 : i32
        %scan3A_180 = arith.constant 0 : i32
        %scan3A_181 = arith.constant 256 : i32
        %scan3A_182 = arith.addi %scan3A_180, %scan3A_181 : i32
        %scan3A_183 = arith.constant 4 : i32
        scf.for %scan3A_185 = %scan3A_180 to %scan3A_182 step %scan3A_183  : i32 {
          %lt3A = arith.cmpi slt, %scan3A_185, %sub3A_77 : i32
          %add3A_186 = arith.addi %add3A_76, %scan3A_185 : i32
          %jit3A_187 = arith.constant 0 : i32
          %select_n3A_188 = arith.select %lt3A, %add3A_186, %jit3A_187 : i32
          %get3A_189 = arith.index_cast %select_n3A_188 : i32 to index
          %get3A_190 = memref.load %arg3[%get3A_189] : memref<10000xi32, #tpu.memory_space<smem>>
          %get3A_191 = arith.index_cast %get3A_190 : i32 to index
          %get3A_192 = memref.load %arg0[%get3A_191] : memref<10000xi32, #tpu.memory_space<smem>>
          %lt3A_193 = arith.cmpi slt, %scan3A_185, %sub3A_77 : i32
          %jit3A_194 = arith.constant 10000 : i32
          %select_n3A_195 = arith.select %lt3A_193, %get3A_192, %jit3A_194 : i32
          %get3A_196 = arith.index_cast %scan3A_185 : i32 to index
          %get3A_197 = arith.constant 0 : index
          %get3A_198 = vector.load %arg20[%get3A_196, %get3A_197] : memref<256x128xf32, #tpu.memory_space<vmem>>, vector<1x128xf32>
          %swap3A_199 = arith.index_cast %select_n3A_195 : i32 to index
          %swap3A_200 = arith.constant 0 : index
          %swap3A_201 = vector.load %arg16[%swap3A_199, %swap3A_200] : memref<10008x128xf32, #tpu.memory_space<vmem>>, vector<1x128xf32>
          tpu.vector_store %arg16[%swap3A_199, %swap3A_200], %get3A_198 {strides = array<i32>} : memref<10008x128xf32, #tpu.memory_space<vmem>>, vector<1x128xf32>,
          %scan3A_202 = arith.constant 1 : i32
          %scan3A_203 = arith.addi %scan3A_185, %scan3A_202 : i32
          %lt3A_204 = arith.cmpi slt, %scan3A_203, %sub3A_77 : i32
          %add3A_205 = arith.addi %add3A_76, %scan3A_203 : i32
          %jit3A_206 = arith.constant 0 : i32
          %select_n3A_207 = arith.select %lt3A_204, %add3A_205, %jit3A_206 : i32
          %get3A_208 = arith.index_cast %select_n3A_207 : i32 to index
          %get3A_209 = memref.load %arg3[%get3A_208] : memref<10000xi32, #tpu.memory_space<smem>>
          %get3A_210 = arith.index_cast %get3A_209 : i32 to index
          %get3A_211 = memref.load %arg0[%get3A_210] : memref<10000xi32, #tpu.memory_space<smem>>
          %lt3A_212 = arith.cmpi slt, %scan3A_203, %sub3A_77 : i32
          %jit3A_213 = arith.constant 10000 : i32
          %select_n3A_214 = arith.select %lt3A_212, %get3A_211, %jit3A_213 : i32
          %get3A_215 = arith.index_cast %scan3A_203 : i32 to index
          %get3A_216 = arith.constant 0 : index
          %get3A_217 = vector.load %arg20[%get3A_215, %get3A_216] : memref<256x128xf32, #tpu.memory_space<vmem>>, vector<1x128xf32>
          %swap3A_218 = arith.index_cast %select_n3A_214 : i32 to index
          %swap3A_219 = arith.constant 0 : index
          %swap3A_220 = vector.load %arg16[%swap3A_218, %swap3A_219] : memref<10008x128xf32, #tpu.memory_space<vmem>>, vector<1x128xf32>
          tpu.vector_store %arg16[%swap3A_218, %swap3A_219], %get3A_217 {strides = array<i32>} : memref<10008x128xf32, #tpu.memory_space<vmem>>, vector<1x128xf32>,
          %scan3A_221 = arith.constant 2 : i32
          %scan3A_222 = arith.addi %scan3A_185, %scan3A_221 : i32
          %lt3A_223 = arith.cmpi slt, %scan3A_222, %sub3A_77 : i32
          %add3A_224 = arith.addi %add3A_76, %scan3A_222 : i32
          %jit3A_225 = arith.constant 0 : i32
          %select_n3A_226 = arith.select %lt3A_223, %add3A_224, %jit3A_225 : i32
          %get3A_227 = arith.index_cast %select_n3A_226 : i32 to index
          %get3A_228 = memref.load %arg3[%get3A_227] : memref<10000xi32, #tpu.memory_space<smem>>
          %get3A_229 = arith.index_cast %get3A_228 : i32 to index
          %get3A_230 = memref.load %arg0[%get3A_229] : memref<10000xi32, #tpu.memory_space<smem>>
          %lt3A_231 = arith.cmpi slt, %scan3A_222, %sub3A_77 : i32
          %jit3A_232 = arith.constant 10000 : i32
          %select_n3A_233 = arith.select %lt3A_231, %get3A_230, %jit3A_232 : i32
          %get3A_234 = arith.index_cast %scan3A_222 : i32 to index
          %get3A_235 = arith.constant 0 : index
          %get3A_236 = vector.load %arg20[%get3A_234, %get3A_235] : memref<256x128xf32, #tpu.memory_space<vmem>>, vector<1x128xf32>
          %swap3A_237 = arith.index_cast %select_n3A_233 : i32 to index
          %swap3A_238 = arith.constant 0 : index
          %swap3A_239 = vector.load %arg16[%swap3A_237, %swap3A_238] : memref<10008x128xf32, #tpu.memory_space<vmem>>, vector<1x128xf32>
          tpu.vector_store %arg16[%swap3A_237, %swap3A_238], %get3A_236 {strides = array<i32>} : memref<10008x128xf32, #tpu.memory_space<vmem>>, vector<1x128xf32>,
          %scan3A_240 = arith.constant 3 : i32
          %scan3A_241 = arith.addi %scan3A_185, %scan3A_240 : i32
          %lt3A_242 = arith.cmpi slt, %scan3A_241, %sub3A_77 : i32
          %add3A_243 = arith.addi %add3A_76, %scan3A_241 : i32
          %jit3A_244 = arith.constant 0 : i32
          %select_n3A_245 = arith.select %lt3A_242, %add3A_243, %jit3A_244 : i32
          %get3A_246 = arith.index_cast %select_n3A_245 : i32 to index
          %get3A_247 = memref.load %arg3[%get3A_246] : memref<10000xi32, #tpu.memory_space<smem>>
          %get3A_248 = arith.index_cast %get3A_247 : i32 to index
          %get3A_249 = memref.load %arg0[%get3A_248] : memref<10000xi32, #tpu.memory_space<smem>>
          %lt3A_250 = arith.cmpi slt, %scan3A_241, %sub3A_77 : i32
          %jit3A_251 = arith.constant 10000 : i32
          %select_n3A_252 = arith.select %lt3A_250, %get3A_249, %jit3A_251 : i32
          %get3A_253 = arith.index_cast %scan3A_241 : i32 to index
          %get3A_254 = arith.constant 0 : index
          %get3A_255 = vector.load %arg20[%get3A_253, %get3A_254] : memref<256x128xf32, #tpu.memory_space<vmem>>, vector<1x128xf32>
          %swap3A_256 = arith.index_cast %select_n3A_252 : i32 to index
          %swap3A_257 = arith.constant 0 : index
          %swap3A_258 = vector.load %arg16[%swap3A_256, %swap3A_257] : memref<10008x128xf32, #tpu.memory_space<vmem>>, vector<1x128xf32>
          tpu.vector_store %arg16[%swap3A_256, %swap3A_257], %get3A_255 {strides = array<i32>} : memref<10008x128xf32, #tpu.memory_space<vmem>>, vector<1x128xf32>,
        }
        %scan3A_184 = arith.constant 256 : i32
      }
      %while3A_73 = arith.constant 1 : i32
      scf.for %while3A_74 = %while3A_71 to %while3A_67 step %while3A_73  : i32 {
        %mul3A = arith.constant 256 : i32
        %mul3A_75 = arith.muli %while3A_74, %mul3A : i32
        %add3A_76 = arith.addi %get3A_37, %mul3A_75 : i32
        %sub3A_77 = arith.subi %get3A_41, %add3A_76 : i32
        %scan3A = arith.constant 0 : i32
        %scan3A_78 = arith.constant 0 : i32
        %scan3A_79 = arith.constant 256 : i32
        %scan3A_80 = arith.addi %scan3A_78, %scan3A_79 : i32
        %scan3A_81 = arith.constant 4 : i32
        scf.for %scan3A_185 = %scan3A_78 to %scan3A_80 step %scan3A_81  : i32 {
          %lt3A = arith.cmpi slt, %scan3A_185, %sub3A_77 : i32
          %add3A_186 = arith.addi %add3A_76, %scan3A_185 : i32
          %jit3A_187 = arith.constant 0 : i32
          %select_n3A_188 = arith.select %lt3A, %add3A_186, %jit3A_187 : i32
          %get3A_189 = arith.index_cast %select_n3A_188 : i32 to index
          %get3A_190 = memref.load %arg3[%get3A_189] : memref<10000xi32, #tpu.memory_space<smem>>
          %get3A_191 = arith.index_cast %get3A_190 : i32 to index
          %get3A_192 = memref.load %arg1[%get3A_191] : memref<10000xi32, #tpu.memory_space<smem>>
          %get3A_193 = arith.index_cast %get3A_190 : i32 to index
          %get3A_194 = memref.load %arg2[%get3A_193] : memref<10000xi32, #tpu.memory_space<smem>>
          %get3A_195 = arith.index_cast %get3A_194 : i32 to index
          %get3A_196 = arith.constant 0 : index
          %get3A_197 = vector.load %arg16[%get3A_195, %get3A_196] : memref<10008x128xf32, #tpu.memory_space<vmem>>, vector<1x128xf32>
          %swap3A_198 = arith.index_cast %scan3A_185 : i32 to index
          %swap3A_199 = arith.constant 0 : index
          %swap3A_200 = vector.load %arg17[%swap3A_198, %swap3A_199] : memref<256x128xf32, #tpu.memory_space<vmem>>, vector<1x128xf32>
          tpu.vector_store %arg17[%swap3A_198, %swap3A_199], %get3A_197 {strides = array<i32>} : memref<256x128xf32, #tpu.memory_space<vmem>>, vector<1x128xf32>,
          %get3A_201 = arith.index_cast %get3A_192 : i32 to index
          %get3A_202 = arith.constant 0 : index
          %get3A_203 = vector.load %arg16[%get3A_201, %get3A_202] : memref<10008x128xf32, #tpu.memory_space<vmem>>, vector<1x128xf32>
          %swap3A_204 = arith.index_cast %scan3A_185 : i32 to index
          %swap3A_205 = arith.constant 0 : index
          %swap3A_206 = vector.load %arg18[%swap3A_204, %swap3A_205] : memref<256x128xf32, #tpu.memory_space<vmem>>, vector<1x128xf32>
          tpu.vector_store %arg18[%swap3A_204, %swap3A_205], %get3A_203 {strides = array<i32>} : memref<256x128xf32, #tpu.memory_space<vmem>>, vector<1x128xf32>,
          %get3A_207 = arith.index_cast %get3A_190 : i32 to index
          %get3A_208 = memref.load %arg0[%get3A_207] : memref<10000xi32, #tpu.memory_space<smem>>
          %get3A_209 = arith.index_cast %get3A_208 : i32 to index
          %get3A_210 = arith.constant 0 : index
          %get3A_211 = vector.load %arg6[%get3A_209, %get3A_210] : memref<10240x128xf32, #tpu.memory_space<vmem>>, vector<1x128xf32>
          %swap3A_212 = arith.index_cast %scan3A_185 : i32 to index
          %swap3A_213 = arith.constant 0 : index
          %swap3A_214 = vector.load %arg19[%swap3A_212, %swap3A_213] : memref<256x128xf32, #tpu.memory_space<vmem>>, vector<1x128xf32>
          tpu.vector_store %arg19[%swap3A_212, %swap3A_213], %get3A_211 {strides = array<i32>} : memref<256x128xf32, #tpu.memory_space<vmem>>, vector<1x128xf32>,
          %scan3A_215 = arith.constant 1 : i32
          %scan3A_216 = arith.addi %scan3A_185, %scan3A_215 : i32
          %lt3A_217 = arith.cmpi slt, %scan3A_216, %sub3A_77 : i32
          %add3A_218 = arith.addi %add3A_76, %scan3A_216 : i32
          %jit3A_219 = arith.constant 0 : i32
          %select_n3A_220 = arith.select %lt3A_217, %add3A_218, %jit3A_219 : i32
          %get3A_221 = arith.index_cast %select_n3A_220 : i32 to index
          %get3A_222 = memref.load %arg3[%get3A_221] : memref<10000xi32, #tpu.memory_space<smem>>
          %get3A_223 = arith.index_cast %get3A_222 : i32 to index
          %get3A_224 = memref.load %arg1[%get3A_223] : memref<10000xi32, #tpu.memory_space<smem>>
          %get3A_225 = arith.index_cast %get3A_222 : i32 to index
          %get3A_226 = memref.load %arg2[%get3A_225] : memref<10000xi32, #tpu.memory_space<smem>>
          %get3A_227 = arith.index_cast %get3A_226 : i32 to index
          %get3A_228 = arith.constant 0 : index
          %get3A_229 = vector.load %arg16[%get3A_227, %get3A_228] : memref<10008x128xf32, #tpu.memory_space<vmem>>, vector<1x128xf32>
          %swap3A_230 = arith.index_cast %scan3A_216 : i32 to index
          %swap3A_231 = arith.constant 0 : index
          %swap3A_232 = vector.load %arg17[%swap3A_230, %swap3A_231] : memref<256x128xf32, #tpu.memory_space<vmem>>, vector<1x128xf32>
          tpu.vector_store %arg17[%swap3A_230, %swap3A_231], %get3A_229 {strides = array<i32>} : memref<256x128xf32, #tpu.memory_space<vmem>>, vector<1x128xf32>,
          %get3A_233 = arith.index_cast %get3A_224 : i32 to index
          %get3A_234 = arith.constant 0 : index
          %get3A_235 = vector.load %arg16[%get3A_233, %get3A_234] : memref<10008x128xf32, #tpu.memory_space<vmem>>, vector<1x128xf32>
          %swap3A_236 = arith.index_cast %scan3A_216 : i32 to index
          %swap3A_237 = arith.constant 0 : index
          %swap3A_238 = vector.load %arg18[%swap3A_236, %swap3A_237] : memref<256x128xf32, #tpu.memory_space<vmem>>, vector<1x128xf32>
          tpu.vector_store %arg18[%swap3A_236, %swap3A_237], %get3A_235 {strides = array<i32>} : memref<256x128xf32, #tpu.memory_space<vmem>>, vector<1x128xf32>,
          %get3A_239 = arith.index_cast %get3A_222 : i32 to index
          %get3A_240 = memref.load %arg0[%get3A_239] : memref<10000xi32, #tpu.memory_space<smem>>
          %get3A_241 = arith.index_cast %get3A_240 : i32 to index
          %get3A_242 = arith.constant 0 : index
          %get3A_243 = vector.load %arg6[%get3A_241, %get3A_242] : memref<10240x128xf32, #tpu.memory_space<vmem>>, vector<1x128xf32>
          %swap3A_244 = arith.index_cast %scan3A_216 : i32 to index
          %swap3A_245 = arith.constant 0 : index
          %swap3A_246 = vector.load %arg19[%swap3A_244, %swap3A_245] : memref<256x128xf32, #tpu.memory_space<vmem>>, vector<1x128xf32>
          tpu.vector_store %arg19[%swap3A_244, %swap3A_245], %get3A_243 {strides = array<i32>} : memref<256x128xf32, #tpu.memory_space<vmem>>, vector<1x128xf32>,
          %scan3A_247 = arith.constant 2 : i32
          %scan3A_248 = arith.addi %scan3A_185, %scan3A_247 : i32
          %lt3A_249 = arith.cmpi slt, %scan3A_248, %sub3A_77 : i32
          %add3A_250 = arith.addi %add3A_76, %scan3A_248 : i32
          %jit3A_251 = arith.constant 0 : i32
          %select_n3A_252 = arith.select %lt3A_249, %add3A_250, %jit3A_251 : i32
          %get3A_253 = arith.index_cast %select_n3A_252 : i32 to index
          %get3A_254 = memref.load %arg3[%get3A_253] : memref<10000xi32, #tpu.memory_space<smem>>
          %get3A_255 = arith.index_cast %get3A_254 : i32 to index
          %get3A_256 = memref.load %arg1[%get3A_255] : memref<10000xi32, #tpu.memory_space<smem>>
          %get3A_257 = arith.index_cast %get3A_254 : i32 to index
          %get3A_258 = memref.load %arg2[%get3A_257] : memref<10000xi32, #tpu.memory_space<smem>>
          %get3A_259 = arith.index_cast %get3A_258 : i32 to index
          %get3A_260 = arith.constant 0 : index
          %get3A_261 = vector.load %arg16[%get3A_259, %get3A_260] : memref<10008x128xf32, #tpu.memory_space<vmem>>, vector<1x128xf32>
          %swap3A_262 = arith.index_cast %scan3A_248 : i32 to index
          %swap3A_263 = arith.constant 0 : index
          %swap3A_264 = vector.load %arg17[%swap3A_262, %swap3A_263] : memref<256x128xf32, #tpu.memory_space<vmem>>, vector<1x128xf32>
          tpu.vector_store %arg17[%swap3A_262, %swap3A_263], %get3A_261 {strides = array<i32>} : memref<256x128xf32, #tpu.memory_space<vmem>>, vector<1x128xf32>,
          %get3A_265 = arith.index_cast %get3A_256 : i32 to index
          %get3A_266 = arith.constant 0 : index
          %get3A_267 = vector.load %arg16[%get3A_265, %get3A_266] : memref<10008x128xf32, #tpu.memory_space<vmem>>, vector<1x128xf32>
          %swap3A_268 = arith.index_cast %scan3A_248 : i32 to index
          %swap3A_269 = arith.constant 0 : index
          %swap3A_270 = vector.load %arg18[%swap3A_268, %swap3A_269] : memref<256x128xf32, #tpu.memory_space<vmem>>, vector<1x128xf32>
          tpu.vector_store %arg18[%swap3A_268, %swap3A_269], %get3A_267 {strides = array<i32>} : memref<256x128xf32, #tpu.memory_space<vmem>>, vector<1x128xf32>,
          %get3A_271 = arith.index_cast %get3A_254 : i32 to index
          %get3A_272 = memref.load %arg0[%get3A_271] : memref<10000xi32, #tpu.memory_space<smem>>
          %get3A_273 = arith.index_cast %get3A_272 : i32 to index
          %get3A_274 = arith.constant 0 : index
          %get3A_275 = vector.load %arg6[%get3A_273, %get3A_274] : memref<10240x128xf32, #tpu.memory_space<vmem>>, vector<1x128xf32>
          %swap3A_276 = arith.index_cast %scan3A_248 : i32 to index
          %swap3A_277 = arith.constant 0 : index
          %swap3A_278 = vector.load %arg19[%swap3A_276, %swap3A_277] : memref<256x128xf32, #tpu.memory_space<vmem>>, vector<1x128xf32>
          tpu.vector_store %arg19[%swap3A_276, %swap3A_277], %get3A_275 {strides = array<i32>} : memref<256x128xf32, #tpu.memory_space<vmem>>, vector<1x128xf32>,
          %scan3A_279 = arith.constant 3 : i32
          %scan3A_280 = arith.addi %scan3A_185, %scan3A_279 : i32
          %lt3A_281 = arith.cmpi slt, %scan3A_280, %sub3A_77 : i32
          %add3A_282 = arith.addi %add3A_76, %scan3A_280 : i32
          %jit3A_283 = arith.constant 0 : i32
          %select_n3A_284 = arith.select %lt3A_281, %add3A_282, %jit3A_283 : i32
          %get3A_285 = arith.index_cast %select_n3A_284 : i32 to index
          %get3A_286 = memref.load %arg3[%get3A_285] : memref<10000xi32, #tpu.memory_space<smem>>
          %get3A_287 = arith.index_cast %get3A_286 : i32 to index
          %get3A_288 = memref.load %arg1[%get3A_287] : memref<10000xi32, #tpu.memory_space<smem>>
          %get3A_289 = arith.index_cast %get3A_286 : i32 to index
          %get3A_290 = memref.load %arg2[%get3A_289] : memref<10000xi32, #tpu.memory_space<smem>>
          %get3A_291 = arith.index_cast %get3A_290 : i32 to index
          %get3A_292 = arith.constant 0 : index
          %get3A_293 = vector.load %arg16[%get3A_291, %get3A_292] : memref<10008x128xf32, #tpu.memory_space<vmem>>, vector<1x128xf32>
          %swap3A_294 = arith.index_cast %scan3A_280 : i32 to index
          %swap3A_295 = arith.constant 0 : index
          %swap3A_296 = vector.load %arg17[%swap3A_294, %swap3A_295] : memref<256x128xf32, #tpu.memory_space<vmem>>, vector<1x128xf32>
          tpu.vector_store %arg17[%swap3A_294, %swap3A_295], %get3A_293 {strides = array<i32>} : memref<256x128xf32, #tpu.memory_space<vmem>>, vector<1x128xf32>,
          %get3A_297 = arith.index_cast %get3A_288 : i32 to index
          %get3A_298 = arith.constant 0 : index
          %get3A_299 = vector.load %arg16[%get3A_297, %get3A_298] : memref<10008x128xf32, #tpu.memory_space<vmem>>, vector<1x128xf32>
          %swap3A_300 = arith.index_cast %scan3A_280 : i32 to index
          %swap3A_301 = arith.constant 0 : index
          %swap3A_302 = vector.load %arg18[%swap3A_300, %swap3A_301] : memref<256x128xf32, #tpu.memory_space<vmem>>, vector<1x128xf32>
          tpu.vector_store %arg18[%swap3A_300, %swap3A_301], %get3A_299 {strides = array<i32>} : memref<256x128xf32, #tpu.memory_space<vmem>>, vector<1x128xf32>,
          %get3A_303 = arith.index_cast %get3A_286 : i32 to index
          %get3A_304 = memref.load %arg0[%get3A_303] : memref<10000xi32, #tpu.memory_space<smem>>
          %get3A_305 = arith.index_cast %get3A_304 : i32 to index
          %get3A_306 = arith.constant 0 : index
          %get3A_307 = vector.load %arg6[%get3A_305, %get3A_306] : memref<10240x128xf32, #tpu.memory_space<vmem>>, vector<1x128xf32>
          %swap3A_308 = arith.index_cast %scan3A_280 : i32 to index
          %swap3A_309 = arith.constant 0 : index
          %swap3A_310 = vector.load %arg19[%swap3A_308, %swap3A_309] : memref<256x128xf32, #tpu.memory_space<vmem>>, vector<1x128xf32>
          tpu.vector_store %arg19[%swap3A_308, %swap3A_309], %get3A_307 {strides = array<i32>} : memref<256x128xf32, #tpu.memory_space<vmem>>, vector<1x128xf32>,
        }
        %scan3A_82 = arith.constant 256 : i32
        %get3A_83 = arith.constant 0 : index
        %get3A_84 = arith.constant 0 : index
        %get3A_85 = vector.load %arg17[%get3A_83, %get3A_84] : memref<256x128xf32, #tpu.memory_space<vmem>>, vector<256x128xf32>
        %get3A_86 = arith.constant 0 : index
        %get3A_87 = arith.constant 0 : index
        %get3A_88 = vector.load %arg19[%get3A_86, %get3A_87] : memref<256x128xf32, #tpu.memory_space<vmem>>, vector<256x128xf32>
        %get3A_89 = arith.constant 0 : index
        %get3A_90 = arith.constant 0 : index
        %get3A_91 = vector.load %arg7[%get3A_89, %get3A_90] : memref<128x384xf32, #tpu.memory_space<vmem>>, vector<128x384xf32>
        %dot_general3A_92 = arith.constant dense<0.000000e+00> : vector<256x384xf32>
        %dot_general3A_93 = tpu.matmul %get3A_88, %get3A_91, %dot_general3A_92 {dimension_numbers = #tpu.dot_dimension_numbers<[1], [0], [0], [1], [0, 0, 1, 1], [], []>, transpose_lhs_hint = false} : vector<256x128xf32>, vector<128x384xf32>, vector<256x384xf32> -> vector<256x384xf32>
        %get3A_94 = arith.constant 0 : index
        %get3A_95 = arith.constant 0 : index
        %get3A_96 = vector.load %arg8[%get3A_94, %get3A_95] : memref<1x384xf32, #tpu.memory_space<vmem>>, vector<1x384xf32>
        %add3A_97 = vector.broadcast %get3A_96 : vector<1x384xf32> to vector<256x384xf32>
        %add3A_98 = arith.addf %dot_general3A_93, %add3A_97 : vector<256x384xf32>
        %get3A_99 = arith.constant 0 : index
        %get3A_100 = arith.constant 0 : index
        %get3A_101 = vector.load %arg9[%get3A_99, %get3A_100] : memref<128x384xf32, #tpu.memory_space<vmem>>, vector<128x384xf32>
        %dot_general3A_102 = arith.constant dense<0.000000e+00> : vector<256x384xf32>
        %dot_general3A_103 = tpu.matmul %get3A_85, %get3A_101, %dot_general3A_102 {dimension_numbers = #tpu.dot_dimension_numbers<[1], [0], [0], [1], [0, 0, 1, 1], [], []>, transpose_lhs_hint = false} : vector<256x128xf32>, vector<128x384xf32>, vector<256x384xf32> -> vector<256x384xf32>
        %get3A_104 = arith.constant 0 : index
        %get3A_105 = arith.constant 0 : index
        %get3A_106 = vector.load %arg10[%get3A_104, %get3A_105] : memref<1x384xf32, #tpu.memory_space<vmem>>, vector<1x384xf32>
        %add3A_107 = vector.broadcast %get3A_106 : vector<1x384xf32> to vector<256x384xf32>
        %add3A_108 = arith.addf %dot_general3A_103, %add3A_107 : vector<256x384xf32>
        %slice3A = vector.extract_strided_slice %add3A_98 {offsets = [0, 0], sizes = [256, 128], strides = [1, 1]} : vector<256x384xf32> to vector<256x128xf32>
        %slice3A_109 = vector.extract_strided_slice %add3A_108 {offsets = [0, 0], sizes = [256, 128], strides = [1, 1]} : vector<256x384xf32> to vector<256x128xf32>
        %add3A_110 = arith.addf %slice3A, %slice3A_109 : vector<256x128xf32>
        %logistic3A = arith.negf %add3A_110 : vector<256x128xf32>
        %logistic3A_111 = math.exp %logistic3A : vector<256x128xf32>
        %logistic3A_112 = arith.constant 1.000000e+00 : f32
        %logistic3A_113 = vector.broadcast %logistic3A_112 : f32 to vector<256x128xf32>
        %logistic3A_114 = arith.addf %logistic3A_113, %logistic3A_111 : vector<256x128xf32>
        %logistic3A_115 = arith.divf %logistic3A_113, %logistic3A_114 : vector<256x128xf32>
        %slice3A_116 = vector.extract_strided_slice %add3A_98 {offsets = [0, 128], sizes = [256, 128], strides = [1, 1]} : vector<256x384xf32> to vector<256x128xf32>
        %slice3A_117 = vector.extract_strided_slice %add3A_108 {offsets = [0, 128], sizes = [256, 128], strides = [1, 1]} : vector<256x384xf32> to vector<256x128xf32>
        %add3A_118 = arith.addf %slice3A_116, %slice3A_117 : vector<256x128xf32>
        %logistic3A_119 = arith.negf %add3A_118 : vector<256x128xf32>
        %logistic3A_120 = math.exp %logistic3A_119 : vector<256x128xf32>
        %logistic3A_121 = arith.constant 1.000000e+00 : f32
        %logistic3A_122 = vector.broadcast %logistic3A_121 : f32 to vector<256x128xf32>
        %logistic3A_123 = arith.addf %logistic3A_122, %logistic3A_120 : vector<256x128xf32>
        %logistic3A_124 = arith.divf %logistic3A_122, %logistic3A_123 : vector<256x128xf32>
        %slice3A_125 = vector.extract_strided_slice %add3A_98 {offsets = [0, 256], sizes = [256, 128], strides = [1, 1]} : vector<256x384xf32> to vector<256x128xf32>
        %slice3A_126 = vector.extract_strided_slice %add3A_108 {offsets = [0, 256], sizes = [256, 128], strides = [1, 1]} : vector<256x384xf32> to vector<256x128xf32>
        %mul3A_127 = arith.mulf %logistic3A_115, %slice3A_126 : vector<256x128xf32>
        %add3A_128 = arith.addf %slice3A_125, %mul3A_127 : vector<256x128xf32>
        %tanh3A = math.tanh %add3A_128 : vector<256x128xf32>
        %sub3A_129 = arith.subf %get3A_85, %tanh3A : vector<256x128xf32>
        %mul3A_130 = arith.mulf %logistic3A_124, %sub3A_129 : vector<256x128xf32>
        %add3A_131 = arith.addf %tanh3A, %mul3A_130 : vector<256x128xf32>
        %get3A_132 = arith.constant 0 : index
        %get3A_133 = arith.constant 0 : index
        %get3A_134 = vector.load %arg18[%get3A_132, %get3A_133] : memref<256x128xf32, #tpu.memory_space<vmem>>, vector<256x128xf32>
        %get3A_135 = arith.constant 0 : index
        %get3A_136 = arith.constant 0 : index
        %get3A_137 = vector.load %arg11[%get3A_135, %get3A_136] : memref<128x128xf32, #tpu.memory_space<vmem>>, vector<128x128xf32>
        %dot_general3A_138 = arith.constant dense<0.000000e+00> : vector<256x128xf32>
        %dot_general3A_139 = tpu.matmul %get3A_134, %get3A_137, %dot_general3A_138 {dimension_numbers = #tpu.dot_dimension_numbers<[1], [0], [0], [1], [0, 0, 1, 1], [], []>, transpose_lhs_hint = false} : vector<256x128xf32>, vector<128x128xf32>, vector<256x128xf32> -> vector<256x128xf32>
        %tanh3A_140 = math.tanh %dot_general3A_139 : vector<256x128xf32>
        %get3A_141 = arith.constant 0 : index
        %get3A_142 = arith.constant 0 : index
        %get3A_143 = vector.load %arg11[%get3A_141, %get3A_142] : memref<128x128xf32, #tpu.memory_space<vmem>>, vector<128x128xf32>
        %dot_general3A_144 = arith.constant dense<0.000000e+00> : vector<256x128xf32>
        %dot_general3A_145 = tpu.matmul %add3A_131, %get3A_143, %dot_general3A_144 {dimension_numbers = #tpu.dot_dimension_numbers<[1], [0], [0], [1], [0, 0, 1, 1], [], []>, transpose_lhs_hint = false} : vector<256x128xf32>, vector<128x128xf32>, vector<256x128xf32> -> vector<256x128xf32>
        %tanh3A_146 = math.tanh %dot_general3A_145 : vector<256x128xf32>
        %get3A_147 = arith.constant 0 : index
        %get3A_148 = arith.constant 0 : index
        %get3A_149 = vector.load %arg12[%get3A_147, %get3A_148] : memref<1x128xf32, #tpu.memory_space<vmem>>, vector<1x128xf32>
        %mul3A_150 = vector.broadcast %get3A_149 : vector<1x128xf32> to vector<256x128xf32>
        %mul3A_151 = arith.mulf %tanh3A_140, %mul3A_150 : vector<256x128xf32>
        %reduce_sum3A_152 = arith.constant dense<0.000000e+00> : vector<256xf32>
        %reduce_sum3A_153 = vector.multi_reduction <add>, %mul3A_151, %reduce_sum3A_152 [1] : vector<256x128xf32> to vector<256xf32>
        %broadcast_in_dim3A_154 = vector.shape_cast %reduce_sum3A_153 : vector<256xf32> to vector<256x1xf32>
        %exp3A_155 = math.exp %broadcast_in_dim3A_154 : vector<256x1xf32>
        %get3A_156 = arith.constant 0 : index
        %get3A_157 = arith.constant 0 : index
        %get3A_158 = vector.load %arg12[%get3A_156, %get3A_157] : memref<1x128xf32, #tpu.memory_space<vmem>>, vector<1x128xf32>
        %mul3A_159 = vector.broadcast %get3A_158 : vector<1x128xf32> to vector<256x128xf32>
        %mul3A_160 = arith.mulf %tanh3A_146, %mul3A_159 : vector<256x128xf32>
        %reduce_sum3A_161 = arith.constant dense<0.000000e+00> : vector<256xf32>
        %reduce_sum3A_162 = vector.multi_reduction <add>, %mul3A_160, %reduce_sum3A_161 [1] : vector<256x128xf32> to vector<256xf32>
        %broadcast_in_dim3A_163 = vector.shape_cast %reduce_sum3A_162 : vector<256xf32> to vector<256x1xf32>
        %exp3A_164 = math.exp %broadcast_in_dim3A_163 : vector<256x1xf32>
        %mul3A_165 = vector.broadcast %exp3A_155 : vector<256x1xf32> to vector<256x128xf32>
        %mul3A_166 = arith.mulf %mul3A_165, %get3A_134 : vector<256x128xf32>
        %mul3A_167 = vector.broadcast %exp3A_164 : vector<256x1xf32> to vector<256x128xf32>
        %mul3A_168 = arith.mulf %mul3A_167, %add3A_131 : vector<256x128xf32>
        %add3A_169 = arith.addf %mul3A_166, %mul3A_168 : vector<256x128xf32>
        %add3A_170 = arith.addf %exp3A_155, %exp3A_164 : vector<256x1xf32>
        %div3A_171 = arith.constant 1.000000e+00 : f32
        %div3A_172 = vector.broadcast %div3A_171 : f32 to vector<256x1xf32>
        %div3A_173 = arith.divf %div3A_172, %add3A_170 : vector<256x1xf32>
        %mul3A_174 = vector.broadcast %div3A_173 : vector<256x1xf32> to vector<256x128xf32>
        %mul3A_175 = arith.mulf %add3A_169, %mul3A_174 : vector<256x128xf32>
        %swap3A_176 = arith.constant 0 : index
        %swap3A_177 = arith.constant 0 : index
        %swap3A_178 = vector.load %arg20[%swap3A_176, %swap3A_177] : memref<256x128xf32, #tpu.memory_space<vmem>>, vector<256x128xf32>
        tpu.vector_store %arg20[%swap3A_176, %swap3A_177], %mul3A_175 {strides = array<i32>} : memref<256x128xf32, #tpu.memory_space<vmem>>, vector<256x128xf32>,
        %scan3A_179 = arith.constant 0 : i32
        %scan3A_180 = arith.constant 0 : i32
        %scan3A_181 = arith.constant 256 : i32
        %scan3A_182 = arith.addi %scan3A_180, %scan3A_181 : i32
        %scan3A_183 = arith.constant 4 : i32
        scf.for %scan3A_185 = %scan3A_180 to %scan3A_182 step %scan3A_183  : i32 {
          %lt3A = arith.cmpi slt, %scan3A_185, %sub3A_77 : i32
          %add3A_186 = arith.addi %add3A_76, %scan3A_185 : i32
          %jit3A_187 = arith.constant 0 : i32
          %select_n3A_188 = arith.select %lt3A, %add3A_186, %jit3A_187 : i32
          %get3A_189 = arith.index_cast %select_n3A_188 : i32 to index
          %get3A_190 = memref.load %arg3[%get3A_189] : memref<10000xi32, #tpu.memory_space<smem>>
          %get3A_191 = arith.index_cast %get3A_190 : i32 to index
          %get3A_192 = memref.load %arg0[%get3A_191] : memref<10000xi32, #tpu.memory_space<smem>>
          %lt3A_193 = arith.cmpi slt, %scan3A_185, %sub3A_77 : i32
          %jit3A_194 = arith.constant 10000 : i32
          %select_n3A_195 = arith.select %lt3A_193, %get3A_192, %jit3A_194 : i32
          %get3A_196 = arith.index_cast %scan3A_185 : i32 to index
          %get3A_197 = arith.constant 0 : index
          %get3A_198 = vector.load %arg20[%get3A_196, %get3A_197] : memref<256x128xf32, #tpu.memory_space<vmem>>, vector<1x128xf32>
          %swap3A_199 = arith.index_cast %select_n3A_195 : i32 to index
          %swap3A_200 = arith.constant 0 : index
          %swap3A_201 = vector.load %arg16[%swap3A_199, %swap3A_200] : memref<10008x128xf32, #tpu.memory_space<vmem>>, vector<1x128xf32>
          tpu.vector_store %arg16[%swap3A_199, %swap3A_200], %get3A_198 {strides = array<i32>} : memref<10008x128xf32, #tpu.memory_space<vmem>>, vector<1x128xf32>,
          %scan3A_202 = arith.constant 1 : i32
          %scan3A_203 = arith.addi %scan3A_185, %scan3A_202 : i32
          %lt3A_204 = arith.cmpi slt, %scan3A_203, %sub3A_77 : i32
          %add3A_205 = arith.addi %add3A_76, %scan3A_203 : i32
          %jit3A_206 = arith.constant 0 : i32
          %select_n3A_207 = arith.select %lt3A_204, %add3A_205, %jit3A_206 : i32
          %get3A_208 = arith.index_cast %select_n3A_207 : i32 to index
          %get3A_209 = memref.load %arg3[%get3A_208] : memref<10000xi32, #tpu.memory_space<smem>>
          %get3A_210 = arith.index_cast %get3A_209 : i32 to index
          %get3A_211 = memref.load %arg0[%get3A_210] : memref<10000xi32, #tpu.memory_space<smem>>
          %lt3A_212 = arith.cmpi slt, %scan3A_203, %sub3A_77 : i32
          %jit3A_213 = arith.constant 10000 : i32
          %select_n3A_214 = arith.select %lt3A_212, %get3A_211, %jit3A_213 : i32
          %get3A_215 = arith.index_cast %scan3A_203 : i32 to index
          %get3A_216 = arith.constant 0 : index
          %get3A_217 = vector.load %arg20[%get3A_215, %get3A_216] : memref<256x128xf32, #tpu.memory_space<vmem>>, vector<1x128xf32>
          %swap3A_218 = arith.index_cast %select_n3A_214 : i32 to index
          %swap3A_219 = arith.constant 0 : index
          %swap3A_220 = vector.load %arg16[%swap3A_218, %swap3A_219] : memref<10008x128xf32, #tpu.memory_space<vmem>>, vector<1x128xf32>
          tpu.vector_store %arg16[%swap3A_218, %swap3A_219], %get3A_217 {strides = array<i32>} : memref<10008x128xf32, #tpu.memory_space<vmem>>, vector<1x128xf32>,
          %scan3A_221 = arith.constant 2 : i32
          %scan3A_222 = arith.addi %scan3A_185, %scan3A_221 : i32
          %lt3A_223 = arith.cmpi slt, %scan3A_222, %sub3A_77 : i32
          %add3A_224 = arith.addi %add3A_76, %scan3A_222 : i32
          %jit3A_225 = arith.constant 0 : i32
          %select_n3A_226 = arith.select %lt3A_223, %add3A_224, %jit3A_225 : i32
          %get3A_227 = arith.index_cast %select_n3A_226 : i32 to index
          %get3A_228 = memref.load %arg3[%get3A_227] : memref<10000xi32, #tpu.memory_space<smem>>
          %get3A_229 = arith.index_cast %get3A_228 : i32 to index
          %get3A_230 = memref.load %arg0[%get3A_229] : memref<10000xi32, #tpu.memory_space<smem>>
          %lt3A_231 = arith.cmpi slt, %scan3A_222, %sub3A_77 : i32
          %jit3A_232 = arith.constant 10000 : i32
          %select_n3A_233 = arith.select %lt3A_231, %get3A_230, %jit3A_232 : i32
          %get3A_234 = arith.index_cast %scan3A_222 : i32 to index
          %get3A_235 = arith.constant 0 : index
          %get3A_236 = vector.load %arg20[%get3A_234, %get3A_235] : memref<256x128xf32, #tpu.memory_space<vmem>>, vector<1x128xf32>
          %swap3A_237 = arith.index_cast %select_n3A_233 : i32 to index
          %swap3A_238 = arith.constant 0 : index
          %swap3A_239 = vector.load %arg16[%swap3A_237, %swap3A_238] : memref<10008x128xf32, #tpu.memory_space<vmem>>, vector<1x128xf32>
          tpu.vector_store %arg16[%swap3A_237, %swap3A_238], %get3A_236 {strides = array<i32>} : memref<10008x128xf32, #tpu.memory_space<vmem>>, vector<1x128xf32>,
          %scan3A_240 = arith.constant 3 : i32
          %scan3A_241 = arith.addi %scan3A_185, %scan3A_240 : i32
          %lt3A_242 = arith.cmpi slt, %scan3A_241, %sub3A_77 : i32
          %add3A_243 = arith.addi %add3A_76, %scan3A_241 : i32
          %jit3A_244 = arith.constant 0 : i32
          %select_n3A_245 = arith.select %lt3A_242, %add3A_243, %jit3A_244 : i32
          %get3A_246 = arith.index_cast %select_n3A_245 : i32 to index
          %get3A_247 = memref.load %arg3[%get3A_246] : memref<10000xi32, #tpu.memory_space<smem>>
          %get3A_248 = arith.index_cast %get3A_247 : i32 to index
          %get3A_249 = memref.load %arg0[%get3A_248] : memref<10000xi32, #tpu.memory_space<smem>>
          %lt3A_250 = arith.cmpi slt, %scan3A_241, %sub3A_77 : i32
          %jit3A_251 = arith.constant 10000 : i32
          %select_n3A_252 = arith.select %lt3A_250, %get3A_249, %jit3A_251 : i32
          %get3A_253 = arith.index_cast %scan3A_241 : i32 to index
          %get3A_254 = arith.constant 0 : index
          %get3A_255 = vector.load %arg20[%get3A_253, %get3A_254] : memref<256x128xf32, #tpu.memory_space<vmem>>, vector<1x128xf32>
          %swap3A_256 = arith.index_cast %select_n3A_252 : i32 to index
          %swap3A_257 = arith.constant 0 : index
          %swap3A_258 = vector.load %arg16[%swap3A_256, %swap3A_257] : memref<10008x128xf32, #tpu.memory_space<vmem>>, vector<1x128xf32>
          tpu.vector_store %arg16[%swap3A_256, %swap3A_257], %get3A_255 {strides = array<i32>} : memref<10008x128xf32, #tpu.memory_space<vmem>>, vector<1x128xf32>,
        }
        %scan3A_184 = arith.constant 256 : i32
      }
    }
    %while3A_13 = arith.constant 1 : i32
    scf.for %while3A_35 = %while3A_11 to %while3A_7 step %while3A_13  : i32 {
      %get3A_36 = arith.index_cast %while3A_35 : i32 to index
      %get3A_37 = memref.load %arg4[%get3A_36] : memref<10002xi32, #tpu.memory_space<smem>>
      %add3A_38 = arith.constant 1 : i32
      %add3A_39 = arith.addi %while3A_35, %add3A_38 : i32
      %get3A_40 = arith.index_cast %add3A_39 : i32 to index
      %get3A_41 = memref.load %arg4[%get3A_40] : memref<10002xi32, #tpu.memory_space<smem>>
      %sub3A_42 = arith.subi %get3A_41, %get3A_37 : i32
      %add3A_43 = arith.constant 256 : i32
      %add3A_44 = arith.addi %sub3A_42, %add3A_43 : i32
      %sub3A_45 = arith.constant 1 : i32
      %sub3A_46 = arith.subi %add3A_44, %sub3A_45 : i32
      %jit3A = arith.constant 256 : i32
      %div3A = arith.divsi %sub3A_46, %jit3A : i32
      %sign3A = arith.constant 0 : i32
      %sign3A_47 = arith.cmpi sgt, %sub3A_46, %sign3A : i32
      %sign3A_48 = arith.extui %sign3A_47 : i1 to i32
      %sign3A_49 = arith.constant 0 : i32
      %sign3A_50 = arith.cmpi slt, %sub3A_46, %sign3A_49 : i32
      %sign3A_51 = arith.extui %sign3A_50 : i1 to i32
      %sign3A_52 = arith.subi %sign3A_48, %sign3A_51 : i32
      %sign3A_53 = arith.constant 0 : i32
      %sign3A_54 = arith.cmpi sgt, %jit3A, %sign3A_53 : i32
      %sign3A_55 = arith.extui %sign3A_54 : i1 to i32
      %sign3A_56 = arith.constant 0 : i32
      %sign3A_57 = arith.cmpi slt, %jit3A, %sign3A_56 : i32
      %sign3A_58 = arith.extui %sign3A_57 : i1 to i32
      %sign3A_59 = arith.subi %sign3A_55, %sign3A_58 : i32
      %ne3A = arith.cmpi ne, %sign3A_52, %sign3A_59 : i32
      %rem3A = arith.remsi %sub3A_46, %jit3A : i32
      %ne3A_60 = arith.constant 0 : i32
      %ne3A_61 = arith.cmpi ne, %rem3A, %ne3A_60 : i32
      %and3A = arith.andi %ne3A, %ne3A_61 : i1
      %sub3A_62 = arith.constant 1 : i32
      %sub3A_63 = arith.subi %div3A, %sub3A_62 : i32
      %select_n3A = arith.select %and3A, %sub3A_63, %div3A : i32
      %while3A_64 = arith.constant 0 : i32
      %while3A_65 = arith.constant 0 : i32
      %while3A_66 = arith.subi %select_n3A, %while3A_65 : i32
      %while3A_67 = arith.addi %while3A_65, %while3A_66 : i32
      %while3A_68 = arith.constant 1 : i32
      %while3A_69 = arith.divsi %while3A_66, %while3A_68 : i32
      %while3A_70 = arith.muli %while3A_69, %while3A_68 : i32
      %while3A_71 = arith.addi %while3A_65, %while3A_70 : i32
      %while3A_72 = arith.constant 1 : i32
      scf.for %while3A_74 = %while3A_65 to %while3A_71 step %while3A_72  : i32 {
        %mul3A = arith.constant 256 : i32
        %mul3A_75 = arith.muli %while3A_74, %mul3A : i32
        %add3A_76 = arith.addi %get3A_37, %mul3A_75 : i32
        %sub3A_77 = arith.subi %get3A_41, %add3A_76 : i32
        %scan3A = arith.constant 0 : i32
        %scan3A_78 = arith.constant 0 : i32
        %scan3A_79 = arith.constant 256 : i32
        %scan3A_80 = arith.addi %scan3A_78, %scan3A_79 : i32
        %scan3A_81 = arith.constant 4 : i32
        scf.for %scan3A_185 = %scan3A_78 to %scan3A_80 step %scan3A_81  : i32 {
          %lt3A = arith.cmpi slt, %scan3A_185, %sub3A_77 : i32
          %add3A_186 = arith.addi %add3A_76, %scan3A_185 : i32
          %jit3A_187 = arith.constant 0 : i32
          %select_n3A_188 = arith.select %lt3A, %add3A_186, %jit3A_187 : i32
          %get3A_189 = arith.index_cast %select_n3A_188 : i32 to index
          %get3A_190 = memref.load %arg3[%get3A_189] : memref<10000xi32, #tpu.memory_space<smem>>
          %get3A_191 = arith.index_cast %get3A_190 : i32 to index
          %get3A_192 = memref.load %arg1[%get3A_191] : memref<10000xi32, #tpu.memory_space<smem>>
          %get3A_193 = arith.index_cast %get3A_190 : i32 to index
          %get3A_194 = memref.load %arg2[%get3A_193] : memref<10000xi32, #tpu.memory_space<smem>>
          %get3A_195 = arith.index_cast %get3A_194 : i32 to index
          %get3A_196 = arith.constant 0 : index
          %get3A_197 = vector.load %arg16[%get3A_195, %get3A_196] : memref<10008x128xf32, #tpu.memory_space<vmem>>, vector<1x128xf32>
          %swap3A_198 = arith.index_cast %scan3A_185 : i32 to index
          %swap3A_199 = arith.constant 0 : index
          %swap3A_200 = vector.load %arg17[%swap3A_198, %swap3A_199] : memref<256x128xf32, #tpu.memory_space<vmem>>, vector<1x128xf32>
          tpu.vector_store %arg17[%swap3A_198, %swap3A_199], %get3A_197 {strides = array<i32>} : memref<256x128xf32, #tpu.memory_space<vmem>>, vector<1x128xf32>,
          %get3A_201 = arith.index_cast %get3A_192 : i32 to index
          %get3A_202 = arith.constant 0 : index
          %get3A_203 = vector.load %arg16[%get3A_201, %get3A_202] : memref<10008x128xf32, #tpu.memory_space<vmem>>, vector<1x128xf32>
          %swap3A_204 = arith.index_cast %scan3A_185 : i32 to index
          %swap3A_205 = arith.constant 0 : index
          %swap3A_206 = vector.load %arg18[%swap3A_204, %swap3A_205] : memref<256x128xf32, #tpu.memory_space<vmem>>, vector<1x128xf32>
          tpu.vector_store %arg18[%swap3A_204, %swap3A_205], %get3A_203 {strides = array<i32>} : memref<256x128xf32, #tpu.memory_space<vmem>>, vector<1x128xf32>,
          %get3A_207 = arith.index_cast %get3A_190 : i32 to index
          %get3A_208 = memref.load %arg0[%get3A_207] : memref<10000xi32, #tpu.memory_space<smem>>
          %get3A_209 = arith.index_cast %get3A_208 : i32 to index
          %get3A_210 = arith.constant 0 : index
          %get3A_211 = vector.load %arg6[%get3A_209, %get3A_210] : memref<10240x128xf32, #tpu.memory_space<vmem>>, vector<1x128xf32>
          %swap3A_212 = arith.index_cast %scan3A_185 : i32 to index
          %swap3A_213 = arith.constant 0 : index
          %swap3A_214 = vector.load %arg19[%swap3A_212, %swap3A_213] : memref<256x128xf32, #tpu.memory_space<vmem>>, vector<1x128xf32>
          tpu.vector_store %arg19[%swap3A_212, %swap3A_213], %get3A_211 {strides = array<i32>} : memref<256x128xf32, #tpu.memory_space<vmem>>, vector<1x128xf32>,
          %scan3A_215 = arith.constant 1 : i32
          %scan3A_216 = arith.addi %scan3A_185, %scan3A_215 : i32
          %lt3A_217 = arith.cmpi slt, %scan3A_216, %sub3A_77 : i32
          %add3A_218 = arith.addi %add3A_76, %scan3A_216 : i32
          %jit3A_219 = arith.constant 0 : i32
          %select_n3A_220 = arith.select %lt3A_217, %add3A_218, %jit3A_219 : i32
          %get3A_221 = arith.index_cast %select_n3A_220 : i32 to index
          %get3A_222 = memref.load %arg3[%get3A_221] : memref<10000xi32, #tpu.memory_space<smem>>
          %get3A_223 = arith.index_cast %get3A_222 : i32 to index
          %get3A_224 = memref.load %arg1[%get3A_223] : memref<10000xi32, #tpu.memory_space<smem>>
          %get3A_225 = arith.index_cast %get3A_222 : i32 to index
          %get3A_226 = memref.load %arg2[%get3A_225] : memref<10000xi32, #tpu.memory_space<smem>>
          %get3A_227 = arith.index_cast %get3A_226 : i32 to index
          %get3A_228 = arith.constant 0 : index
          %get3A_229 = vector.load %arg16[%get3A_227, %get3A_228] : memref<10008x128xf32, #tpu.memory_space<vmem>>, vector<1x128xf32>
          %swap3A_230 = arith.index_cast %scan3A_216 : i32 to index
          %swap3A_231 = arith.constant 0 : index
          %swap3A_232 = vector.load %arg17[%swap3A_230, %swap3A_231] : memref<256x128xf32, #tpu.memory_space<vmem>>, vector<1x128xf32>
          tpu.vector_store %arg17[%swap3A_230, %swap3A_231], %get3A_229 {strides = array<i32>} : memref<256x128xf32, #tpu.memory_space<vmem>>, vector<1x128xf32>,
          %get3A_233 = arith.index_cast %get3A_224 : i32 to index
          %get3A_234 = arith.constant 0 : index
          %get3A_235 = vector.load %arg16[%get3A_233, %get3A_234] : memref<10008x128xf32, #tpu.memory_space<vmem>>, vector<1x128xf32>
          %swap3A_236 = arith.index_cast %scan3A_216 : i32 to index
          %swap3A_237 = arith.constant 0 : index
          %swap3A_238 = vector.load %arg18[%swap3A_236, %swap3A_237] : memref<256x128xf32, #tpu.memory_space<vmem>>, vector<1x128xf32>
          tpu.vector_store %arg18[%swap3A_236, %swap3A_237], %get3A_235 {strides = array<i32>} : memref<256x128xf32, #tpu.memory_space<vmem>>, vector<1x128xf32>,
          %get3A_239 = arith.index_cast %get3A_222 : i32 to index
          %get3A_240 = memref.load %arg0[%get3A_239] : memref<10000xi32, #tpu.memory_space<smem>>
          %get3A_241 = arith.index_cast %get3A_240 : i32 to index
          %get3A_242 = arith.constant 0 : index
          %get3A_243 = vector.load %arg6[%get3A_241, %get3A_242] : memref<10240x128xf32, #tpu.memory_space<vmem>>, vector<1x128xf32>
          %swap3A_244 = arith.index_cast %scan3A_216 : i32 to index
          %swap3A_245 = arith.constant 0 : index
          %swap3A_246 = vector.load %arg19[%swap3A_244, %swap3A_245] : memref<256x128xf32, #tpu.memory_space<vmem>>, vector<1x128xf32>
          tpu.vector_store %arg19[%swap3A_244, %swap3A_245], %get3A_243 {strides = array<i32>} : memref<256x128xf32, #tpu.memory_space<vmem>>, vector<1x128xf32>,
          %scan3A_247 = arith.constant 2 : i32
          %scan3A_248 = arith.addi %scan3A_185, %scan3A_247 : i32
          %lt3A_249 = arith.cmpi slt, %scan3A_248, %sub3A_77 : i32
          %add3A_250 = arith.addi %add3A_76, %scan3A_248 : i32
          %jit3A_251 = arith.constant 0 : i32
          %select_n3A_252 = arith.select %lt3A_249, %add3A_250, %jit3A_251 : i32
          %get3A_253 = arith.index_cast %select_n3A_252 : i32 to index
          %get3A_254 = memref.load %arg3[%get3A_253] : memref<10000xi32, #tpu.memory_space<smem>>
          %get3A_255 = arith.index_cast %get3A_254 : i32 to index
          %get3A_256 = memref.load %arg1[%get3A_255] : memref<10000xi32, #tpu.memory_space<smem>>
          %get3A_257 = arith.index_cast %get3A_254 : i32 to index
          %get3A_258 = memref.load %arg2[%get3A_257] : memref<10000xi32, #tpu.memory_space<smem>>
          %get3A_259 = arith.index_cast %get3A_258 : i32 to index
          %get3A_260 = arith.constant 0 : index
          %get3A_261 = vector.load %arg16[%get3A_259, %get3A_260] : memref<10008x128xf32, #tpu.memory_space<vmem>>, vector<1x128xf32>
          %swap3A_262 = arith.index_cast %scan3A_248 : i32 to index
          %swap3A_263 = arith.constant 0 : index
          %swap3A_264 = vector.load %arg17[%swap3A_262, %swap3A_263] : memref<256x128xf32, #tpu.memory_space<vmem>>, vector<1x128xf32>
          tpu.vector_store %arg17[%swap3A_262, %swap3A_263], %get3A_261 {strides = array<i32>} : memref<256x128xf32, #tpu.memory_space<vmem>>, vector<1x128xf32>,
          %get3A_265 = arith.index_cast %get3A_256 : i32 to index
          %get3A_266 = arith.constant 0 : index
          %get3A_267 = vector.load %arg16[%get3A_265, %get3A_266] : memref<10008x128xf32, #tpu.memory_space<vmem>>, vector<1x128xf32>
          %swap3A_268 = arith.index_cast %scan3A_248 : i32 to index
          %swap3A_269 = arith.constant 0 : index
          %swap3A_270 = vector.load %arg18[%swap3A_268, %swap3A_269] : memref<256x128xf32, #tpu.memory_space<vmem>>, vector<1x128xf32>
          tpu.vector_store %arg18[%swap3A_268, %swap3A_269], %get3A_267 {strides = array<i32>} : memref<256x128xf32, #tpu.memory_space<vmem>>, vector<1x128xf32>,
          %get3A_271 = arith.index_cast %get3A_254 : i32 to index
          %get3A_272 = memref.load %arg0[%get3A_271] : memref<10000xi32, #tpu.memory_space<smem>>
          %get3A_273 = arith.index_cast %get3A_272 : i32 to index
          %get3A_274 = arith.constant 0 : index
          %get3A_275 = vector.load %arg6[%get3A_273, %get3A_274] : memref<10240x128xf32, #tpu.memory_space<vmem>>, vector<1x128xf32>
          %swap3A_276 = arith.index_cast %scan3A_248 : i32 to index
          %swap3A_277 = arith.constant 0 : index
          %swap3A_278 = vector.load %arg19[%swap3A_276, %swap3A_277] : memref<256x128xf32, #tpu.memory_space<vmem>>, vector<1x128xf32>
          tpu.vector_store %arg19[%swap3A_276, %swap3A_277], %get3A_275 {strides = array<i32>} : memref<256x128xf32, #tpu.memory_space<vmem>>, vector<1x128xf32>,
          %scan3A_279 = arith.constant 3 : i32
          %scan3A_280 = arith.addi %scan3A_185, %scan3A_279 : i32
          %lt3A_281 = arith.cmpi slt, %scan3A_280, %sub3A_77 : i32
          %add3A_282 = arith.addi %add3A_76, %scan3A_280 : i32
          %jit3A_283 = arith.constant 0 : i32
          %select_n3A_284 = arith.select %lt3A_281, %add3A_282, %jit3A_283 : i32
          %get3A_285 = arith.index_cast %select_n3A_284 : i32 to index
          %get3A_286 = memref.load %arg3[%get3A_285] : memref<10000xi32, #tpu.memory_space<smem>>
          %get3A_287 = arith.index_cast %get3A_286 : i32 to index
          %get3A_288 = memref.load %arg1[%get3A_287] : memref<10000xi32, #tpu.memory_space<smem>>
          %get3A_289 = arith.index_cast %get3A_286 : i32 to index
          %get3A_290 = memref.load %arg2[%get3A_289] : memref<10000xi32, #tpu.memory_space<smem>>
          %get3A_291 = arith.index_cast %get3A_290 : i32 to index
          %get3A_292 = arith.constant 0 : index
          %get3A_293 = vector.load %arg16[%get3A_291, %get3A_292] : memref<10008x128xf32, #tpu.memory_space<vmem>>, vector<1x128xf32>
          %swap3A_294 = arith.index_cast %scan3A_280 : i32 to index
          %swap3A_295 = arith.constant 0 : index
          %swap3A_296 = vector.load %arg17[%swap3A_294, %swap3A_295] : memref<256x128xf32, #tpu.memory_space<vmem>>, vector<1x128xf32>
          tpu.vector_store %arg17[%swap3A_294, %swap3A_295], %get3A_293 {strides = array<i32>} : memref<256x128xf32, #tpu.memory_space<vmem>>, vector<1x128xf32>,
          %get3A_297 = arith.index_cast %get3A_288 : i32 to index
          %get3A_298 = arith.constant 0 : index
          %get3A_299 = vector.load %arg16[%get3A_297, %get3A_298] : memref<10008x128xf32, #tpu.memory_space<vmem>>, vector<1x128xf32>
          %swap3A_300 = arith.index_cast %scan3A_280 : i32 to index
          %swap3A_301 = arith.constant 0 : index
          %swap3A_302 = vector.load %arg18[%swap3A_300, %swap3A_301] : memref<256x128xf32, #tpu.memory_space<vmem>>, vector<1x128xf32>
          tpu.vector_store %arg18[%swap3A_300, %swap3A_301], %get3A_299 {strides = array<i32>} : memref<256x128xf32, #tpu.memory_space<vmem>>, vector<1x128xf32>,
          %get3A_303 = arith.index_cast %get3A_286 : i32 to index
          %get3A_304 = memref.load %arg0[%get3A_303] : memref<10000xi32, #tpu.memory_space<smem>>
          %get3A_305 = arith.index_cast %get3A_304 : i32 to index
          %get3A_306 = arith.constant 0 : index
          %get3A_307 = vector.load %arg6[%get3A_305, %get3A_306] : memref<10240x128xf32, #tpu.memory_space<vmem>>, vector<1x128xf32>
          %swap3A_308 = arith.index_cast %scan3A_280 : i32 to index
          %swap3A_309 = arith.constant 0 : index
          %swap3A_310 = vector.load %arg19[%swap3A_308, %swap3A_309] : memref<256x128xf32, #tpu.memory_space<vmem>>, vector<1x128xf32>
          tpu.vector_store %arg19[%swap3A_308, %swap3A_309], %get3A_307 {strides = array<i32>} : memref<256x128xf32, #tpu.memory_space<vmem>>, vector<1x128xf32>,
        }
        %scan3A_82 = arith.constant 256 : i32
        %get3A_83 = arith.constant 0 : index
        %get3A_84 = arith.constant 0 : index
        %get3A_85 = vector.load %arg17[%get3A_83, %get3A_84] : memref<256x128xf32, #tpu.memory_space<vmem>>, vector<256x128xf32>
        %get3A_86 = arith.constant 0 : index
        %get3A_87 = arith.constant 0 : index
        %get3A_88 = vector.load %arg19[%get3A_86, %get3A_87] : memref<256x128xf32, #tpu.memory_space<vmem>>, vector<256x128xf32>
        %get3A_89 = arith.constant 0 : index
        %get3A_90 = arith.constant 0 : index
        %get3A_91 = vector.load %arg7[%get3A_89, %get3A_90] : memref<128x384xf32, #tpu.memory_space<vmem>>, vector<128x384xf32>
        %dot_general3A_92 = arith.constant dense<0.000000e+00> : vector<256x384xf32>
        %dot_general3A_93 = tpu.matmul %get3A_88, %get3A_91, %dot_general3A_92 {dimension_numbers = #tpu.dot_dimension_numbers<[1], [0], [0], [1], [0, 0, 1, 1], [], []>, transpose_lhs_hint = false} : vector<256x128xf32>, vector<128x384xf32>, vector<256x384xf32> -> vector<256x384xf32>
        %get3A_94 = arith.constant 0 : index
        %get3A_95 = arith.constant 0 : index
        %get3A_96 = vector.load %arg8[%get3A_94, %get3A_95] : memref<1x384xf32, #tpu.memory_space<vmem>>, vector<1x384xf32>
        %add3A_97 = vector.broadcast %get3A_96 : vector<1x384xf32> to vector<256x384xf32>
        %add3A_98 = arith.addf %dot_general3A_93, %add3A_97 : vector<256x384xf32>
        %get3A_99 = arith.constant 0 : index
        %get3A_100 = arith.constant 0 : index
        %get3A_101 = vector.load %arg9[%get3A_99, %get3A_100] : memref<128x384xf32, #tpu.memory_space<vmem>>, vector<128x384xf32>
        %dot_general3A_102 = arith.constant dense<0.000000e+00> : vector<256x384xf32>
        %dot_general3A_103 = tpu.matmul %get3A_85, %get3A_101, %dot_general3A_102 {dimension_numbers = #tpu.dot_dimension_numbers<[1], [0], [0], [1], [0, 0, 1, 1], [], []>, transpose_lhs_hint = false} : vector<256x128xf32>, vector<128x384xf32>, vector<256x384xf32> -> vector<256x384xf32>
        %get3A_104 = arith.constant 0 : index
        %get3A_105 = arith.constant 0 : index
        %get3A_106 = vector.load %arg10[%get3A_104, %get3A_105] : memref<1x384xf32, #tpu.memory_space<vmem>>, vector<1x384xf32>
        %add3A_107 = vector.broadcast %get3A_106 : vector<1x384xf32> to vector<256x384xf32>
        %add3A_108 = arith.addf %dot_general3A_103, %add3A_107 : vector<256x384xf32>
        %slice3A = vector.extract_strided_slice %add3A_98 {offsets = [0, 0], sizes = [256, 128], strides = [1, 1]} : vector<256x384xf32> to vector<256x128xf32>
        %slice3A_109 = vector.extract_strided_slice %add3A_108 {offsets = [0, 0], sizes = [256, 128], strides = [1, 1]} : vector<256x384xf32> to vector<256x128xf32>
        %add3A_110 = arith.addf %slice3A, %slice3A_109 : vector<256x128xf32>
        %logistic3A = arith.negf %add3A_110 : vector<256x128xf32>
        %logistic3A_111 = math.exp %logistic3A : vector<256x128xf32>
        %logistic3A_112 = arith.constant 1.000000e+00 : f32
        %logistic3A_113 = vector.broadcast %logistic3A_112 : f32 to vector<256x128xf32>
        %logistic3A_114 = arith.addf %logistic3A_113, %logistic3A_111 : vector<256x128xf32>
        %logistic3A_115 = arith.divf %logistic3A_113, %logistic3A_114 : vector<256x128xf32>
        %slice3A_116 = vector.extract_strided_slice %add3A_98 {offsets = [0, 128], sizes = [256, 128], strides = [1, 1]} : vector<256x384xf32> to vector<256x128xf32>
        %slice3A_117 = vector.extract_strided_slice %add3A_108 {offsets = [0, 128], sizes = [256, 128], strides = [1, 1]} : vector<256x384xf32> to vector<256x128xf32>
        %add3A_118 = arith.addf %slice3A_116, %slice3A_117 : vector<256x128xf32>
        %logistic3A_119 = arith.negf %add3A_118 : vector<256x128xf32>
        %logistic3A_120 = math.exp %logistic3A_119 : vector<256x128xf32>
        %logistic3A_121 = arith.constant 1.000000e+00 : f32
        %logistic3A_122 = vector.broadcast %logistic3A_121 : f32 to vector<256x128xf32>
        %logistic3A_123 = arith.addf %logistic3A_122, %logistic3A_120 : vector<256x128xf32>
        %logistic3A_124 = arith.divf %logistic3A_122, %logistic3A_123 : vector<256x128xf32>
        %slice3A_125 = vector.extract_strided_slice %add3A_98 {offsets = [0, 256], sizes = [256, 128], strides = [1, 1]} : vector<256x384xf32> to vector<256x128xf32>
        %slice3A_126 = vector.extract_strided_slice %add3A_108 {offsets = [0, 256], sizes = [256, 128], strides = [1, 1]} : vector<256x384xf32> to vector<256x128xf32>
        %mul3A_127 = arith.mulf %logistic3A_115, %slice3A_126 : vector<256x128xf32>
        %add3A_128 = arith.addf %slice3A_125, %mul3A_127 : vector<256x128xf32>
        %tanh3A = math.tanh %add3A_128 : vector<256x128xf32>
        %sub3A_129 = arith.subf %get3A_85, %tanh3A : vector<256x128xf32>
        %mul3A_130 = arith.mulf %logistic3A_124, %sub3A_129 : vector<256x128xf32>
        %add3A_131 = arith.addf %tanh3A, %mul3A_130 : vector<256x128xf32>
        %get3A_132 = arith.constant 0 : index
        %get3A_133 = arith.constant 0 : index
        %get3A_134 = vector.load %arg18[%get3A_132, %get3A_133] : memref<256x128xf32, #tpu.memory_space<vmem>>, vector<256x128xf32>
        %get3A_135 = arith.constant 0 : index
        %get3A_136 = arith.constant 0 : index
        %get3A_137 = vector.load %arg11[%get3A_135, %get3A_136] : memref<128x128xf32, #tpu.memory_space<vmem>>, vector<128x128xf32>
        %dot_general3A_138 = arith.constant dense<0.000000e+00> : vector<256x128xf32>
        %dot_general3A_139 = tpu.matmul %get3A_134, %get3A_137, %dot_general3A_138 {dimension_numbers = #tpu.dot_dimension_numbers<[1], [0], [0], [1], [0, 0, 1, 1], [], []>, transpose_lhs_hint = false} : vector<256x128xf32>, vector<128x128xf32>, vector<256x128xf32> -> vector<256x128xf32>
        %tanh3A_140 = math.tanh %dot_general3A_139 : vector<256x128xf32>
        %get3A_141 = arith.constant 0 : index
        %get3A_142 = arith.constant 0 : index
        %get3A_143 = vector.load %arg11[%get3A_141, %get3A_142] : memref<128x128xf32, #tpu.memory_space<vmem>>, vector<128x128xf32>
        %dot_general3A_144 = arith.constant dense<0.000000e+00> : vector<256x128xf32>
        %dot_general3A_145 = tpu.matmul %add3A_131, %get3A_143, %dot_general3A_144 {dimension_numbers = #tpu.dot_dimension_numbers<[1], [0], [0], [1], [0, 0, 1, 1], [], []>, transpose_lhs_hint = false} : vector<256x128xf32>, vector<128x128xf32>, vector<256x128xf32> -> vector<256x128xf32>
        %tanh3A_146 = math.tanh %dot_general3A_145 : vector<256x128xf32>
        %get3A_147 = arith.constant 0 : index
        %get3A_148 = arith.constant 0 : index
        %get3A_149 = vector.load %arg12[%get3A_147, %get3A_148] : memref<1x128xf32, #tpu.memory_space<vmem>>, vector<1x128xf32>
        %mul3A_150 = vector.broadcast %get3A_149 : vector<1x128xf32> to vector<256x128xf32>
        %mul3A_151 = arith.mulf %tanh3A_140, %mul3A_150 : vector<256x128xf32>
        %reduce_sum3A_152 = arith.constant dense<0.000000e+00> : vector<256xf32>
        %reduce_sum3A_153 = vector.multi_reduction <add>, %mul3A_151, %reduce_sum3A_152 [1] : vector<256x128xf32> to vector<256xf32>
        %broadcast_in_dim3A_154 = vector.shape_cast %reduce_sum3A_153 : vector<256xf32> to vector<256x1xf32>
        %exp3A_155 = math.exp %broadcast_in_dim3A_154 : vector<256x1xf32>
        %get3A_156 = arith.constant 0 : index
        %get3A_157 = arith.constant 0 : index
        %get3A_158 = vector.load %arg12[%get3A_156, %get3A_157] : memref<1x128xf32, #tpu.memory_space<vmem>>, vector<1x128xf32>
        %mul3A_159 = vector.broadcast %get3A_158 : vector<1x128xf32> to vector<256x128xf32>
        %mul3A_160 = arith.mulf %tanh3A_146, %mul3A_159 : vector<256x128xf32>
        %reduce_sum3A_161 = arith.constant dense<0.000000e+00> : vector<256xf32>
        %reduce_sum3A_162 = vector.multi_reduction <add>, %mul3A_160, %reduce_sum3A_161 [1] : vector<256x128xf32> to vector<256xf32>
        %broadcast_in_dim3A_163 = vector.shape_cast %reduce_sum3A_162 : vector<256xf32> to vector<256x1xf32>
        %exp3A_164 = math.exp %broadcast_in_dim3A_163 : vector<256x1xf32>
        %mul3A_165 = vector.broadcast %exp3A_155 : vector<256x1xf32> to vector<256x128xf32>
        %mul3A_166 = arith.mulf %mul3A_165, %get3A_134 : vector<256x128xf32>
        %mul3A_167 = vector.broadcast %exp3A_164 : vector<256x1xf32> to vector<256x128xf32>
        %mul3A_168 = arith.mulf %mul3A_167, %add3A_131 : vector<256x128xf32>
        %add3A_169 = arith.addf %mul3A_166, %mul3A_168 : vector<256x128xf32>
        %add3A_170 = arith.addf %exp3A_155, %exp3A_164 : vector<256x1xf32>
        %div3A_171 = arith.constant 1.000000e+00 : f32
        %div3A_172 = vector.broadcast %div3A_171 : f32 to vector<256x1xf32>
        %div3A_173 = arith.divf %div3A_172, %add3A_170 : vector<256x1xf32>
        %mul3A_174 = vector.broadcast %div3A_173 : vector<256x1xf32> to vector<256x128xf32>
        %mul3A_175 = arith.mulf %add3A_169, %mul3A_174 : vector<256x128xf32>
        %swap3A_176 = arith.constant 0 : index
        %swap3A_177 = arith.constant 0 : index
        %swap3A_178 = vector.load %arg20[%swap3A_176, %swap3A_177] : memref<256x128xf32, #tpu.memory_space<vmem>>, vector<256x128xf32>
        tpu.vector_store %arg20[%swap3A_176, %swap3A_177], %mul3A_175 {strides = array<i32>} : memref<256x128xf32, #tpu.memory_space<vmem>>, vector<256x128xf32>,
        %scan3A_179 = arith.constant 0 : i32
        %scan3A_180 = arith.constant 0 : i32
        %scan3A_181 = arith.constant 256 : i32
        %scan3A_182 = arith.addi %scan3A_180, %scan3A_181 : i32
        %scan3A_183 = arith.constant 4 : i32
        scf.for %scan3A_185 = %scan3A_180 to %scan3A_182 step %scan3A_183  : i32 {
          %lt3A = arith.cmpi slt, %scan3A_185, %sub3A_77 : i32
          %add3A_186 = arith.addi %add3A_76, %scan3A_185 : i32
          %jit3A_187 = arith.constant 0 : i32
          %select_n3A_188 = arith.select %lt3A, %add3A_186, %jit3A_187 : i32
          %get3A_189 = arith.index_cast %select_n3A_188 : i32 to index
          %get3A_190 = memref.load %arg3[%get3A_189] : memref<10000xi32, #tpu.memory_space<smem>>
          %get3A_191 = arith.index_cast %get3A_190 : i32 to index
          %get3A_192 = memref.load %arg0[%get3A_191] : memref<10000xi32, #tpu.memory_space<smem>>
          %lt3A_193 = arith.cmpi slt, %scan3A_185, %sub3A_77 : i32
          %jit3A_194 = arith.constant 10000 : i32
          %select_n3A_195 = arith.select %lt3A_193, %get3A_192, %jit3A_194 : i32
          %get3A_196 = arith.index_cast %scan3A_185 : i32 to index
          %get3A_197 = arith.constant 0 : index
          %get3A_198 = vector.load %arg20[%get3A_196, %get3A_197] : memref<256x128xf32, #tpu.memory_space<vmem>>, vector<1x128xf32>
          %swap3A_199 = arith.index_cast %select_n3A_195 : i32 to index
          %swap3A_200 = arith.constant 0 : index
          %swap3A_201 = vector.load %arg16[%swap3A_199, %swap3A_200] : memref<10008x128xf32, #tpu.memory_space<vmem>>, vector<1x128xf32>
          tpu.vector_store %arg16[%swap3A_199, %swap3A_200], %get3A_198 {strides = array<i32>} : memref<10008x128xf32, #tpu.memory_space<vmem>>, vector<1x128xf32>,
          %scan3A_202 = arith.constant 1 : i32
          %scan3A_203 = arith.addi %scan3A_185, %scan3A_202 : i32
          %lt3A_204 = arith.cmpi slt, %scan3A_203, %sub3A_77 : i32
          %add3A_205 = arith.addi %add3A_76, %scan3A_203 : i32
          %jit3A_206 = arith.constant 0 : i32
          %select_n3A_207 = arith.select %lt3A_204, %add3A_205, %jit3A_206 : i32
          %get3A_208 = arith.index_cast %select_n3A_207 : i32 to index
          %get3A_209 = memref.load %arg3[%get3A_208] : memref<10000xi32, #tpu.memory_space<smem>>
          %get3A_210 = arith.index_cast %get3A_209 : i32 to index
          %get3A_211 = memref.load %arg0[%get3A_210] : memref<10000xi32, #tpu.memory_space<smem>>
          %lt3A_212 = arith.cmpi slt, %scan3A_203, %sub3A_77 : i32
          %jit3A_213 = arith.constant 10000 : i32
          %select_n3A_214 = arith.select %lt3A_212, %get3A_211, %jit3A_213 : i32
          %get3A_215 = arith.index_cast %scan3A_203 : i32 to index
          %get3A_216 = arith.constant 0 : index
          %get3A_217 = vector.load %arg20[%get3A_215, %get3A_216] : memref<256x128xf32, #tpu.memory_space<vmem>>, vector<1x128xf32>
          %swap3A_218 = arith.index_cast %select_n3A_214 : i32 to index
          %swap3A_219 = arith.constant 0 : index
          %swap3A_220 = vector.load %arg16[%swap3A_218, %swap3A_219] : memref<10008x128xf32, #tpu.memory_space<vmem>>, vector<1x128xf32>
          tpu.vector_store %arg16[%swap3A_218, %swap3A_219], %get3A_217 {strides = array<i32>} : memref<10008x128xf32, #tpu.memory_space<vmem>>, vector<1x128xf32>,
          %scan3A_221 = arith.constant 2 : i32
          %scan3A_222 = arith.addi %scan3A_185, %scan3A_221 : i32
          %lt3A_223 = arith.cmpi slt, %scan3A_222, %sub3A_77 : i32
          %add3A_224 = arith.addi %add3A_76, %scan3A_222 : i32
          %jit3A_225 = arith.constant 0 : i32
          %select_n3A_226 = arith.select %lt3A_223, %add3A_224, %jit3A_225 : i32
          %get3A_227 = arith.index_cast %select_n3A_226 : i32 to index
          %get3A_228 = memref.load %arg3[%get3A_227] : memref<10000xi32, #tpu.memory_space<smem>>
          %get3A_229 = arith.index_cast %get3A_228 : i32 to index
          %get3A_230 = memref.load %arg0[%get3A_229] : memref<10000xi32, #tpu.memory_space<smem>>
          %lt3A_231 = arith.cmpi slt, %scan3A_222, %sub3A_77 : i32
          %jit3A_232 = arith.constant 10000 : i32
          %select_n3A_233 = arith.select %lt3A_231, %get3A_230, %jit3A_232 : i32
          %get3A_234 = arith.index_cast %scan3A_222 : i32 to index
          %get3A_235 = arith.constant 0 : index
          %get3A_236 = vector.load %arg20[%get3A_234, %get3A_235] : memref<256x128xf32, #tpu.memory_space<vmem>>, vector<1x128xf32>
          %swap3A_237 = arith.index_cast %select_n3A_233 : i32 to index
          %swap3A_238 = arith.constant 0 : index
          %swap3A_239 = vector.load %arg16[%swap3A_237, %swap3A_238] : memref<10008x128xf32, #tpu.memory_space<vmem>>, vector<1x128xf32>
          tpu.vector_store %arg16[%swap3A_237, %swap3A_238], %get3A_236 {strides = array<i32>} : memref<10008x128xf32, #tpu.memory_space<vmem>>, vector<1x128xf32>,
          %scan3A_240 = arith.constant 3 : i32
          %scan3A_241 = arith.addi %scan3A_185, %scan3A_240 : i32
          %lt3A_242 = arith.cmpi slt, %scan3A_241, %sub3A_77 : i32
          %add3A_243 = arith.addi %add3A_76, %scan3A_241 : i32
          %jit3A_244 = arith.constant 0 : i32
          %select_n3A_245 = arith.select %lt3A_242, %add3A_243, %jit3A_244 : i32
          %get3A_246 = arith.index_cast %select_n3A_245 : i32 to index
          %get3A_247 = memref.load %arg3[%get3A_246] : memref<10000xi32, #tpu.memory_space<smem>>
          %get3A_248 = arith.index_cast %get3A_247 : i32 to index
          %get3A_249 = memref.load %arg0[%get3A_248] : memref<10000xi32, #tpu.memory_space<smem>>
          %lt3A_250 = arith.cmpi slt, %scan3A_241, %sub3A_77 : i32
          %jit3A_251 = arith.constant 10000 : i32
          %select_n3A_252 = arith.select %lt3A_250, %get3A_249, %jit3A_251 : i32
          %get3A_253 = arith.index_cast %scan3A_241 : i32 to index
          %get3A_254 = arith.constant 0 : index
          %get3A_255 = vector.load %arg20[%get3A_253, %get3A_254] : memref<256x128xf32, #tpu.memory_space<vmem>>, vector<1x128xf32>
          %swap3A_256 = arith.index_cast %select_n3A_252 : i32 to index
          %swap3A_257 = arith.constant 0 : index
          %swap3A_258 = vector.load %arg16[%swap3A_256, %swap3A_257] : memref<10008x128xf32, #tpu.memory_space<vmem>>, vector<1x128xf32>
          tpu.vector_store %arg16[%swap3A_256, %swap3A_257], %get3A_255 {strides = array<i32>} : memref<10008x128xf32, #tpu.memory_space<vmem>>, vector<1x128xf32>,
        }
        %scan3A_184 = arith.constant 256 : i32
      }
      %while3A_73 = arith.constant 1 : i32
      scf.for %while3A_74 = %while3A_71 to %while3A_67 step %while3A_73  : i32 {
        %mul3A = arith.constant 256 : i32
        %mul3A_75 = arith.muli %while3A_74, %mul3A : i32
        %add3A_76 = arith.addi %get3A_37, %mul3A_75 : i32
        %sub3A_77 = arith.subi %get3A_41, %add3A_76 : i32
        %scan3A = arith.constant 0 : i32
        %scan3A_78 = arith.constant 0 : i32
        %scan3A_79 = arith.constant 256 : i32
        %scan3A_80 = arith.addi %scan3A_78, %scan3A_79 : i32
        %scan3A_81 = arith.constant 4 : i32
        scf.for %scan3A_185 = %scan3A_78 to %scan3A_80 step %scan3A_81  : i32 {
          %lt3A = arith.cmpi slt, %scan3A_185, %sub3A_77 : i32
          %add3A_186 = arith.addi %add3A_76, %scan3A_185 : i32
          %jit3A_187 = arith.constant 0 : i32
          %select_n3A_188 = arith.select %lt3A, %add3A_186, %jit3A_187 : i32
          %get3A_189 = arith.index_cast %select_n3A_188 : i32 to index
          %get3A_190 = memref.load %arg3[%get3A_189] : memref<10000xi32, #tpu.memory_space<smem>>
          %get3A_191 = arith.index_cast %get3A_190 : i32 to index
          %get3A_192 = memref.load %arg1[%get3A_191] : memref<10000xi32, #tpu.memory_space<smem>>
          %get3A_193 = arith.index_cast %get3A_190 : i32 to index
          %get3A_194 = memref.load %arg2[%get3A_193] : memref<10000xi32, #tpu.memory_space<smem>>
          %get3A_195 = arith.index_cast %get3A_194 : i32 to index
          %get3A_196 = arith.constant 0 : index
          %get3A_197 = vector.load %arg16[%get3A_195, %get3A_196] : memref<10008x128xf32, #tpu.memory_space<vmem>>, vector<1x128xf32>
          %swap3A_198 = arith.index_cast %scan3A_185 : i32 to index
          %swap3A_199 = arith.constant 0 : index
          %swap3A_200 = vector.load %arg17[%swap3A_198, %swap3A_199] : memref<256x128xf32, #tpu.memory_space<vmem>>, vector<1x128xf32>
          tpu.vector_store %arg17[%swap3A_198, %swap3A_199], %get3A_197 {strides = array<i32>} : memref<256x128xf32, #tpu.memory_space<vmem>>, vector<1x128xf32>,
          %get3A_201 = arith.index_cast %get3A_192 : i32 to index
          %get3A_202 = arith.constant 0 : index
          %get3A_203 = vector.load %arg16[%get3A_201, %get3A_202] : memref<10008x128xf32, #tpu.memory_space<vmem>>, vector<1x128xf32>
          %swap3A_204 = arith.index_cast %scan3A_185 : i32 to index
          %swap3A_205 = arith.constant 0 : index
          %swap3A_206 = vector.load %arg18[%swap3A_204, %swap3A_205] : memref<256x128xf32, #tpu.memory_space<vmem>>, vector<1x128xf32>
          tpu.vector_store %arg18[%swap3A_204, %swap3A_205], %get3A_203 {strides = array<i32>} : memref<256x128xf32, #tpu.memory_space<vmem>>, vector<1x128xf32>,
          %get3A_207 = arith.index_cast %get3A_190 : i32 to index
          %get3A_208 = memref.load %arg0[%get3A_207] : memref<10000xi32, #tpu.memory_space<smem>>
          %get3A_209 = arith.index_cast %get3A_208 : i32 to index
          %get3A_210 = arith.constant 0 : index
          %get3A_211 = vector.load %arg6[%get3A_209, %get3A_210] : memref<10240x128xf32, #tpu.memory_space<vmem>>, vector<1x128xf32>
          %swap3A_212 = arith.index_cast %scan3A_185 : i32 to index
          %swap3A_213 = arith.constant 0 : index
          %swap3A_214 = vector.load %arg19[%swap3A_212, %swap3A_213] : memref<256x128xf32, #tpu.memory_space<vmem>>, vector<1x128xf32>
          tpu.vector_store %arg19[%swap3A_212, %swap3A_213], %get3A_211 {strides = array<i32>} : memref<256x128xf32, #tpu.memory_space<vmem>>, vector<1x128xf32>,
          %scan3A_215 = arith.constant 1 : i32
          %scan3A_216 = arith.addi %scan3A_185, %scan3A_215 : i32
          %lt3A_217 = arith.cmpi slt, %scan3A_216, %sub3A_77 : i32
          %add3A_218 = arith.addi %add3A_76, %scan3A_216 : i32
          %jit3A_219 = arith.constant 0 : i32
          %select_n3A_220 = arith.select %lt3A_217, %add3A_218, %jit3A_219 : i32
          %get3A_221 = arith.index_cast %select_n3A_220 : i32 to index
          %get3A_222 = memref.load %arg3[%get3A_221] : memref<10000xi32, #tpu.memory_space<smem>>
          %get3A_223 = arith.index_cast %get3A_222 : i32 to index
          %get3A_224 = memref.load %arg1[%get3A_223] : memref<10000xi32, #tpu.memory_space<smem>>
          %get3A_225 = arith.index_cast %get3A_222 : i32 to index
          %get3A_226 = memref.load %arg2[%get3A_225] : memref<10000xi32, #tpu.memory_space<smem>>
          %get3A_227 = arith.index_cast %get3A_226 : i32 to index
          %get3A_228 = arith.constant 0 : index
          %get3A_229 = vector.load %arg16[%get3A_227, %get3A_228] : memref<10008x128xf32, #tpu.memory_space<vmem>>, vector<1x128xf32>
          %swap3A_230 = arith.index_cast %scan3A_216 : i32 to index
          %swap3A_231 = arith.constant 0 : index
          %swap3A_232 = vector.load %arg17[%swap3A_230, %swap3A_231] : memref<256x128xf32, #tpu.memory_space<vmem>>, vector<1x128xf32>
          tpu.vector_store %arg17[%swap3A_230, %swap3A_231], %get3A_229 {strides = array<i32>} : memref<256x128xf32, #tpu.memory_space<vmem>>, vector<1x128xf32>,
          %get3A_233 = arith.index_cast %get3A_224 : i32 to index
          %get3A_234 = arith.constant 0 : index
          %get3A_235 = vector.load %arg16[%get3A_233, %get3A_234] : memref<10008x128xf32, #tpu.memory_space<vmem>>, vector<1x128xf32>
          %swap3A_236 = arith.index_cast %scan3A_216 : i32 to index
          %swap3A_237 = arith.constant 0 : index
          %swap3A_238 = vector.load %arg18[%swap3A_236, %swap3A_237] : memref<256x128xf32, #tpu.memory_space<vmem>>, vector<1x128xf32>
          tpu.vector_store %arg18[%swap3A_236, %swap3A_237], %get3A_235 {strides = array<i32>} : memref<256x128xf32, #tpu.memory_space<vmem>>, vector<1x128xf32>,
          %get3A_239 = arith.index_cast %get3A_222 : i32 to index
          %get3A_240 = memref.load %arg0[%get3A_239] : memref<10000xi32, #tpu.memory_space<smem>>
          %get3A_241 = arith.index_cast %get3A_240 : i32 to index
          %get3A_242 = arith.constant 0 : index
          %get3A_243 = vector.load %arg6[%get3A_241, %get3A_242] : memref<10240x128xf32, #tpu.memory_space<vmem>>, vector<1x128xf32>
          %swap3A_244 = arith.index_cast %scan3A_216 : i32 to index
          %swap3A_245 = arith.constant 0 : index
          %swap3A_246 = vector.load %arg19[%swap3A_244, %swap3A_245] : memref<256x128xf32, #tpu.memory_space<vmem>>, vector<1x128xf32>
          tpu.vector_store %arg19[%swap3A_244, %swap3A_245], %get3A_243 {strides = array<i32>} : memref<256x128xf32, #tpu.memory_space<vmem>>, vector<1x128xf32>,
          %scan3A_247 = arith.constant 2 : i32
          %scan3A_248 = arith.addi %scan3A_185, %scan3A_247 : i32
          %lt3A_249 = arith.cmpi slt, %scan3A_248, %sub3A_77 : i32
          %add3A_250 = arith.addi %add3A_76, %scan3A_248 : i32
          %jit3A_251 = arith.constant 0 : i32
          %select_n3A_252 = arith.select %lt3A_249, %add3A_250, %jit3A_251 : i32
          %get3A_253 = arith.index_cast %select_n3A_252 : i32 to index
          %get3A_254 = memref.load %arg3[%get3A_253] : memref<10000xi32, #tpu.memory_space<smem>>
          %get3A_255 = arith.index_cast %get3A_254 : i32 to index
          %get3A_256 = memref.load %arg1[%get3A_255] : memref<10000xi32, #tpu.memory_space<smem>>
          %get3A_257 = arith.index_cast %get3A_254 : i32 to index
          %get3A_258 = memref.load %arg2[%get3A_257] : memref<10000xi32, #tpu.memory_space<smem>>
          %get3A_259 = arith.index_cast %get3A_258 : i32 to index
          %get3A_260 = arith.constant 0 : index
          %get3A_261 = vector.load %arg16[%get3A_259, %get3A_260] : memref<10008x128xf32, #tpu.memory_space<vmem>>, vector<1x128xf32>
          %swap3A_262 = arith.index_cast %scan3A_248 : i32 to index
          %swap3A_263 = arith.constant 0 : index
          %swap3A_264 = vector.load %arg17[%swap3A_262, %swap3A_263] : memref<256x128xf32, #tpu.memory_space<vmem>>, vector<1x128xf32>
          tpu.vector_store %arg17[%swap3A_262, %swap3A_263], %get3A_261 {strides = array<i32>} : memref<256x128xf32, #tpu.memory_space<vmem>>, vector<1x128xf32>,
          %get3A_265 = arith.index_cast %get3A_256 : i32 to index
          %get3A_266 = arith.constant 0 : index
          %get3A_267 = vector.load %arg16[%get3A_265, %get3A_266] : memref<10008x128xf32, #tpu.memory_space<vmem>>, vector<1x128xf32>
          %swap3A_268 = arith.index_cast %scan3A_248 : i32 to index
          %swap3A_269 = arith.constant 0 : index
          %swap3A_270 = vector.load %arg18[%swap3A_268, %swap3A_269] : memref<256x128xf32, #tpu.memory_space<vmem>>, vector<1x128xf32>
          tpu.vector_store %arg18[%swap3A_268, %swap3A_269], %get3A_267 {strides = array<i32>} : memref<256x128xf32, #tpu.memory_space<vmem>>, vector<1x128xf32>,
          %get3A_271 = arith.index_cast %get3A_254 : i32 to index
          %get3A_272 = memref.load %arg0[%get3A_271] : memref<10000xi32, #tpu.memory_space<smem>>
          %get3A_273 = arith.index_cast %get3A_272 : i32 to index
          %get3A_274 = arith.constant 0 : index
          %get3A_275 = vector.load %arg6[%get3A_273, %get3A_274] : memref<10240x128xf32, #tpu.memory_space<vmem>>, vector<1x128xf32>
          %swap3A_276 = arith.index_cast %scan3A_248 : i32 to index
          %swap3A_277 = arith.constant 0 : index
          %swap3A_278 = vector.load %arg19[%swap3A_276, %swap3A_277] : memref<256x128xf32, #tpu.memory_space<vmem>>, vector<1x128xf32>
          tpu.vector_store %arg19[%swap3A_276, %swap3A_277], %get3A_275 {strides = array<i32>} : memref<256x128xf32, #tpu.memory_space<vmem>>, vector<1x128xf32>,
          %scan3A_279 = arith.constant 3 : i32
          %scan3A_280 = arith.addi %scan3A_185, %scan3A_279 : i32
          %lt3A_281 = arith.cmpi slt, %scan3A_280, %sub3A_77 : i32
          %add3A_282 = arith.addi %add3A_76, %scan3A_280 : i32
          %jit3A_283 = arith.constant 0 : i32
          %select_n3A_284 = arith.select %lt3A_281, %add3A_282, %jit3A_283 : i32
          %get3A_285 = arith.index_cast %select_n3A_284 : i32 to index
          %get3A_286 = memref.load %arg3[%get3A_285] : memref<10000xi32, #tpu.memory_space<smem>>
          %get3A_287 = arith.index_cast %get3A_286 : i32 to index
          %get3A_288 = memref.load %arg1[%get3A_287] : memref<10000xi32, #tpu.memory_space<smem>>
          %get3A_289 = arith.index_cast %get3A_286 : i32 to index
          %get3A_290 = memref.load %arg2[%get3A_289] : memref<10000xi32, #tpu.memory_space<smem>>
          %get3A_291 = arith.index_cast %get3A_290 : i32 to index
          %get3A_292 = arith.constant 0 : index
          %get3A_293 = vector.load %arg16[%get3A_291, %get3A_292] : memref<10008x128xf32, #tpu.memory_space<vmem>>, vector<1x128xf32>
          %swap3A_294 = arith.index_cast %scan3A_280 : i32 to index
          %swap3A_295 = arith.constant 0 : index
          %swap3A_296 = vector.load %arg17[%swap3A_294, %swap3A_295] : memref<256x128xf32, #tpu.memory_space<vmem>>, vector<1x128xf32>
          tpu.vector_store %arg17[%swap3A_294, %swap3A_295], %get3A_293 {strides = array<i32>} : memref<256x128xf32, #tpu.memory_space<vmem>>, vector<1x128xf32>,
          %get3A_297 = arith.index_cast %get3A_288 : i32 to index
          %get3A_298 = arith.constant 0 : index
          %get3A_299 = vector.load %arg16[%get3A_297, %get3A_298] : memref<10008x128xf32, #tpu.memory_space<vmem>>, vector<1x128xf32>
          %swap3A_300 = arith.index_cast %scan3A_280 : i32 to index
          %swap3A_301 = arith.constant 0 : index
          %swap3A_302 = vector.load %arg18[%swap3A_300, %swap3A_301] : memref<256x128xf32, #tpu.memory_space<vmem>>, vector<1x128xf32>
          tpu.vector_store %arg18[%swap3A_300, %swap3A_301], %get3A_299 {strides = array<i32>} : memref<256x128xf32, #tpu.memory_space<vmem>>, vector<1x128xf32>,
          %get3A_303 = arith.index_cast %get3A_286 : i32 to index
          %get3A_304 = memref.load %arg0[%get3A_303] : memref<10000xi32, #tpu.memory_space<smem>>
          %get3A_305 = arith.index_cast %get3A_304 : i32 to index
          %get3A_306 = arith.constant 0 : index
          %get3A_307 = vector.load %arg6[%get3A_305, %get3A_306] : memref<10240x128xf32, #tpu.memory_space<vmem>>, vector<1x128xf32>
          %swap3A_308 = arith.index_cast %scan3A_280 : i32 to index
          %swap3A_309 = arith.constant 0 : index
          %swap3A_310 = vector.load %arg19[%swap3A_308, %swap3A_309] : memref<256x128xf32, #tpu.memory_space<vmem>>, vector<1x128xf32>
          tpu.vector_store %arg19[%swap3A_308, %swap3A_309], %get3A_307 {strides = array<i32>} : memref<256x128xf32, #tpu.memory_space<vmem>>, vector<1x128xf32>,
        }
        %scan3A_82 = arith.constant 256 : i32
        %get3A_83 = arith.constant 0 : index
        %get3A_84 = arith.constant 0 : index
        %get3A_85 = vector.load %arg17[%get3A_83, %get3A_84] : memref<256x128xf32, #tpu.memory_space<vmem>>, vector<256x128xf32>
        %get3A_86 = arith.constant 0 : index
        %get3A_87 = arith.constant 0 : index
        %get3A_88 = vector.load %arg19[%get3A_86, %get3A_87] : memref<256x128xf32, #tpu.memory_space<vmem>>, vector<256x128xf32>
        %get3A_89 = arith.constant 0 : index
        %get3A_90 = arith.constant 0 : index
        %get3A_91 = vector.load %arg7[%get3A_89, %get3A_90] : memref<128x384xf32, #tpu.memory_space<vmem>>, vector<128x384xf32>
        %dot_general3A_92 = arith.constant dense<0.000000e+00> : vector<256x384xf32>
        %dot_general3A_93 = tpu.matmul %get3A_88, %get3A_91, %dot_general3A_92 {dimension_numbers = #tpu.dot_dimension_numbers<[1], [0], [0], [1], [0, 0, 1, 1], [], []>, transpose_lhs_hint = false} : vector<256x128xf32>, vector<128x384xf32>, vector<256x384xf32> -> vector<256x384xf32>
        %get3A_94 = arith.constant 0 : index
        %get3A_95 = arith.constant 0 : index
        %get3A_96 = vector.load %arg8[%get3A_94, %get3A_95] : memref<1x384xf32, #tpu.memory_space<vmem>>, vector<1x384xf32>
        %add3A_97 = vector.broadcast %get3A_96 : vector<1x384xf32> to vector<256x384xf32>
        %add3A_98 = arith.addf %dot_general3A_93, %add3A_97 : vector<256x384xf32>
        %get3A_99 = arith.constant 0 : index
        %get3A_100 = arith.constant 0 : index
        %get3A_101 = vector.load %arg9[%get3A_99, %get3A_100] : memref<128x384xf32, #tpu.memory_space<vmem>>, vector<128x384xf32>
        %dot_general3A_102 = arith.constant dense<0.000000e+00> : vector<256x384xf32>
        %dot_general3A_103 = tpu.matmul %get3A_85, %get3A_101, %dot_general3A_102 {dimension_numbers = #tpu.dot_dimension_numbers<[1], [0], [0], [1], [0, 0, 1, 1], [], []>, transpose_lhs_hint = false} : vector<256x128xf32>, vector<128x384xf32>, vector<256x384xf32> -> vector<256x384xf32>
        %get3A_104 = arith.constant 0 : index
        %get3A_105 = arith.constant 0 : index
        %get3A_106 = vector.load %arg10[%get3A_104, %get3A_105] : memref<1x384xf32, #tpu.memory_space<vmem>>, vector<1x384xf32>
        %add3A_107 = vector.broadcast %get3A_106 : vector<1x384xf32> to vector<256x384xf32>
        %add3A_108 = arith.addf %dot_general3A_103, %add3A_107 : vector<256x384xf32>
        %slice3A = vector.extract_strided_slice %add3A_98 {offsets = [0, 0], sizes = [256, 128], strides = [1, 1]} : vector<256x384xf32> to vector<256x128xf32>
        %slice3A_109 = vector.extract_strided_slice %add3A_108 {offsets = [0, 0], sizes = [256, 128], strides = [1, 1]} : vector<256x384xf32> to vector<256x128xf32>
        %add3A_110 = arith.addf %slice3A, %slice3A_109 : vector<256x128xf32>
        %logistic3A = arith.negf %add3A_110 : vector<256x128xf32>
        %logistic3A_111 = math.exp %logistic3A : vector<256x128xf32>
        %logistic3A_112 = arith.constant 1.000000e+00 : f32
        %logistic3A_113 = vector.broadcast %logistic3A_112 : f32 to vector<256x128xf32>
        %logistic3A_114 = arith.addf %logistic3A_113, %logistic3A_111 : vector<256x128xf32>
        %logistic3A_115 = arith.divf %logistic3A_113, %logistic3A_114 : vector<256x128xf32>
        %slice3A_116 = vector.extract_strided_slice %add3A_98 {offsets = [0, 128], sizes = [256, 128], strides = [1, 1]} : vector<256x384xf32> to vector<256x128xf32>
        %slice3A_117 = vector.extract_strided_slice %add3A_108 {offsets = [0, 128], sizes = [256, 128], strides = [1, 1]} : vector<256x384xf32> to vector<256x128xf32>
        %add3A_118 = arith.addf %slice3A_116, %slice3A_117 : vector<256x128xf32>
        %logistic3A_119 = arith.negf %add3A_118 : vector<256x128xf32>
        %logistic3A_120 = math.exp %logistic3A_119 : vector<256x128xf32>
        %logistic3A_121 = arith.constant 1.000000e+00 : f32
        %logistic3A_122 = vector.broadcast %logistic3A_121 : f32 to vector<256x128xf32>
        %logistic3A_123 = arith.addf %logistic3A_122, %logistic3A_120 : vector<256x128xf32>
        %logistic3A_124 = arith.divf %logistic3A_122, %logistic3A_123 : vector<256x128xf32>
        %slice3A_125 = vector.extract_strided_slice %add3A_98 {offsets = [0, 256], sizes = [256, 128], strides = [1, 1]} : vector<256x384xf32> to vector<256x128xf32>
        %slice3A_126 = vector.extract_strided_slice %add3A_108 {offsets = [0, 256], sizes = [256, 128], strides = [1, 1]} : vector<256x384xf32> to vector<256x128xf32>
        %mul3A_127 = arith.mulf %logistic3A_115, %slice3A_126 : vector<256x128xf32>
        %add3A_128 = arith.addf %slice3A_125, %mul3A_127 : vector<256x128xf32>
        %tanh3A = math.tanh %add3A_128 : vector<256x128xf32>
        %sub3A_129 = arith.subf %get3A_85, %tanh3A : vector<256x128xf32>
        %mul3A_130 = arith.mulf %logistic3A_124, %sub3A_129 : vector<256x128xf32>
        %add3A_131 = arith.addf %tanh3A, %mul3A_130 : vector<256x128xf32>
        %get3A_132 = arith.constant 0 : index
        %get3A_133 = arith.constant 0 : index
        %get3A_134 = vector.load %arg18[%get3A_132, %get3A_133] : memref<256x128xf32, #tpu.memory_space<vmem>>, vector<256x128xf32>
        %get3A_135 = arith.constant 0 : index
        %get3A_136 = arith.constant 0 : index
        %get3A_137 = vector.load %arg11[%get3A_135, %get3A_136] : memref<128x128xf32, #tpu.memory_space<vmem>>, vector<128x128xf32>
        %dot_general3A_138 = arith.constant dense<0.000000e+00> : vector<256x128xf32>
        %dot_general3A_139 = tpu.matmul %get3A_134, %get3A_137, %dot_general3A_138 {dimension_numbers = #tpu.dot_dimension_numbers<[1], [0], [0], [1], [0, 0, 1, 1], [], []>, transpose_lhs_hint = false} : vector<256x128xf32>, vector<128x128xf32>, vector<256x128xf32> -> vector<256x128xf32>
        %tanh3A_140 = math.tanh %dot_general3A_139 : vector<256x128xf32>
        %get3A_141 = arith.constant 0 : index
        %get3A_142 = arith.constant 0 : index
        %get3A_143 = vector.load %arg11[%get3A_141, %get3A_142] : memref<128x128xf32, #tpu.memory_space<vmem>>, vector<128x128xf32>
        %dot_general3A_144 = arith.constant dense<0.000000e+00> : vector<256x128xf32>
        %dot_general3A_145 = tpu.matmul %add3A_131, %get3A_143, %dot_general3A_144 {dimension_numbers = #tpu.dot_dimension_numbers<[1], [0], [0], [1], [0, 0, 1, 1], [], []>, transpose_lhs_hint = false} : vector<256x128xf32>, vector<128x128xf32>, vector<256x128xf32> -> vector<256x128xf32>
        %tanh3A_146 = math.tanh %dot_general3A_145 : vector<256x128xf32>
        %get3A_147 = arith.constant 0 : index
        %get3A_148 = arith.constant 0 : index
        %get3A_149 = vector.load %arg12[%get3A_147, %get3A_148] : memref<1x128xf32, #tpu.memory_space<vmem>>, vector<1x128xf32>
        %mul3A_150 = vector.broadcast %get3A_149 : vector<1x128xf32> to vector<256x128xf32>
        %mul3A_151 = arith.mulf %tanh3A_140, %mul3A_150 : vector<256x128xf32>
        %reduce_sum3A_152 = arith.constant dense<0.000000e+00> : vector<256xf32>
        %reduce_sum3A_153 = vector.multi_reduction <add>, %mul3A_151, %reduce_sum3A_152 [1] : vector<256x128xf32> to vector<256xf32>
        %broadcast_in_dim3A_154 = vector.shape_cast %reduce_sum3A_153 : vector<256xf32> to vector<256x1xf32>
        %exp3A_155 = math.exp %broadcast_in_dim3A_154 : vector<256x1xf32>
        %get3A_156 = arith.constant 0 : index
        %get3A_157 = arith.constant 0 : index
        %get3A_158 = vector.load %arg12[%get3A_156, %get3A_157] : memref<1x128xf32, #tpu.memory_space<vmem>>, vector<1x128xf32>
        %mul3A_159 = vector.broadcast %get3A_158 : vector<1x128xf32> to vector<256x128xf32>
        %mul3A_160 = arith.mulf %tanh3A_146, %mul3A_159 : vector<256x128xf32>
        %reduce_sum3A_161 = arith.constant dense<0.000000e+00> : vector<256xf32>
        %reduce_sum3A_162 = vector.multi_reduction <add>, %mul3A_160, %reduce_sum3A_161 [1] : vector<256x128xf32> to vector<256xf32>
        %broadcast_in_dim3A_163 = vector.shape_cast %reduce_sum3A_162 : vector<256xf32> to vector<256x1xf32>
        %exp3A_164 = math.exp %broadcast_in_dim3A_163 : vector<256x1xf32>
        %mul3A_165 = vector.broadcast %exp3A_155 : vector<256x1xf32> to vector<256x128xf32>
        %mul3A_166 = arith.mulf %mul3A_165, %get3A_134 : vector<256x128xf32>
        %mul3A_167 = vector.broadcast %exp3A_164 : vector<256x1xf32> to vector<256x128xf32>
        %mul3A_168 = arith.mulf %mul3A_167, %add3A_131 : vector<256x128xf32>
        %add3A_169 = arith.addf %mul3A_166, %mul3A_168 : vector<256x128xf32>
        %add3A_170 = arith.addf %exp3A_155, %exp3A_164 : vector<256x1xf32>
        %div3A_171 = arith.constant 1.000000e+00 : f32
        %div3A_172 = vector.broadcast %div3A_171 : f32 to vector<256x1xf32>
        %div3A_173 = arith.divf %div3A_172, %add3A_170 : vector<256x1xf32>
        %mul3A_174 = vector.broadcast %div3A_173 : vector<256x1xf32> to vector<256x128xf32>
        %mul3A_175 = arith.mulf %add3A_169, %mul3A_174 : vector<256x128xf32>
        %swap3A_176 = arith.constant 0 : index
        %swap3A_177 = arith.constant 0 : index
        %swap3A_178 = vector.load %arg20[%swap3A_176, %swap3A_177] : memref<256x128xf32, #tpu.memory_space<vmem>>, vector<256x128xf32>
        tpu.vector_store %arg20[%swap3A_176, %swap3A_177], %mul3A_175 {strides = array<i32>} : memref<256x128xf32, #tpu.memory_space<vmem>>, vector<256x128xf32>,
        %scan3A_179 = arith.constant 0 : i32
        %scan3A_180 = arith.constant 0 : i32
        %scan3A_181 = arith.constant 256 : i32
        %scan3A_182 = arith.addi %scan3A_180, %scan3A_181 : i32
        %scan3A_183 = arith.constant 4 : i32
        scf.for %scan3A_185 = %scan3A_180 to %scan3A_182 step %scan3A_183  : i32 {
          %lt3A = arith.cmpi slt, %scan3A_185, %sub3A_77 : i32
          %add3A_186 = arith.addi %add3A_76, %scan3A_185 : i32
          %jit3A_187 = arith.constant 0 : i32
          %select_n3A_188 = arith.select %lt3A, %add3A_186, %jit3A_187 : i32
          %get3A_189 = arith.index_cast %select_n3A_188 : i32 to index
          %get3A_190 = memref.load %arg3[%get3A_189] : memref<10000xi32, #tpu.memory_space<smem>>
          %get3A_191 = arith.index_cast %get3A_190 : i32 to index
          %get3A_192 = memref.load %arg0[%get3A_191] : memref<10000xi32, #tpu.memory_space<smem>>
          %lt3A_193 = arith.cmpi slt, %scan3A_185, %sub3A_77 : i32
          %jit3A_194 = arith.constant 10000 : i32
          %select_n3A_195 = arith.select %lt3A_193, %get3A_192, %jit3A_194 : i32
          %get3A_196 = arith.index_cast %scan3A_185 : i32 to index
          %get3A_197 = arith.constant 0 : index
          %get3A_198 = vector.load %arg20[%get3A_196, %get3A_197] : memref<256x128xf32, #tpu.memory_space<vmem>>, vector<1x128xf32>
          %swap3A_199 = arith.index_cast %select_n3A_195 : i32 to index
          %swap3A_200 = arith.constant 0 : index
          %swap3A_201 = vector.load %arg16[%swap3A_199, %swap3A_200] : memref<10008x128xf32, #tpu.memory_space<vmem>>, vector<1x128xf32>
          tpu.vector_store %arg16[%swap3A_199, %swap3A_200], %get3A_198 {strides = array<i32>} : memref<10008x128xf32, #tpu.memory_space<vmem>>, vector<1x128xf32>,
          %scan3A_202 = arith.constant 1 : i32
          %scan3A_203 = arith.addi %scan3A_185, %scan3A_202 : i32
          %lt3A_204 = arith.cmpi slt, %scan3A_203, %sub3A_77 : i32
          %add3A_205 = arith.addi %add3A_76, %scan3A_203 : i32
          %jit3A_206 = arith.constant 0 : i32
          %select_n3A_207 = arith.select %lt3A_204, %add3A_205, %jit3A_206 : i32
          %get3A_208 = arith.index_cast %select_n3A_207 : i32 to index
          %get3A_209 = memref.load %arg3[%get3A_208] : memref<10000xi32, #tpu.memory_space<smem>>
          %get3A_210 = arith.index_cast %get3A_209 : i32 to index
          %get3A_211 = memref.load %arg0[%get3A_210] : memref<10000xi32, #tpu.memory_space<smem>>
          %lt3A_212 = arith.cmpi slt, %scan3A_203, %sub3A_77 : i32
          %jit3A_213 = arith.constant 10000 : i32
          %select_n3A_214 = arith.select %lt3A_212, %get3A_211, %jit3A_213 : i32
          %get3A_215 = arith.index_cast %scan3A_203 : i32 to index
          %get3A_216 = arith.constant 0 : index
          %get3A_217 = vector.load %arg20[%get3A_215, %get3A_216] : memref<256x128xf32, #tpu.memory_space<vmem>>, vector<1x128xf32>
          %swap3A_218 = arith.index_cast %select_n3A_214 : i32 to index
          %swap3A_219 = arith.constant 0 : index
          %swap3A_220 = vector.load %arg16[%swap3A_218, %swap3A_219] : memref<10008x128xf32, #tpu.memory_space<vmem>>, vector<1x128xf32>
          tpu.vector_store %arg16[%swap3A_218, %swap3A_219], %get3A_217 {strides = array<i32>} : memref<10008x128xf32, #tpu.memory_space<vmem>>, vector<1x128xf32>,
          %scan3A_221 = arith.constant 2 : i32
          %scan3A_222 = arith.addi %scan3A_185, %scan3A_221 : i32
          %lt3A_223 = arith.cmpi slt, %scan3A_222, %sub3A_77 : i32
          %add3A_224 = arith.addi %add3A_76, %scan3A_222 : i32
          %jit3A_225 = arith.constant 0 : i32
          %select_n3A_226 = arith.select %lt3A_223, %add3A_224, %jit3A_225 : i32
          %get3A_227 = arith.index_cast %select_n3A_226 : i32 to index
          %get3A_228 = memref.load %arg3[%get3A_227] : memref<10000xi32, #tpu.memory_space<smem>>
          %get3A_229 = arith.index_cast %get3A_228 : i32 to index
          %get3A_230 = memref.load %arg0[%get3A_229] : memref<10000xi32, #tpu.memory_space<smem>>
          %lt3A_231 = arith.cmpi slt, %scan3A_222, %sub3A_77 : i32
          %jit3A_232 = arith.constant 10000 : i32
          %select_n3A_233 = arith.select %lt3A_231, %get3A_230, %jit3A_232 : i32
          %get3A_234 = arith.index_cast %scan3A_222 : i32 to index
          %get3A_235 = arith.constant 0 : index
          %get3A_236 = vector.load %arg20[%get3A_234, %get3A_235] : memref<256x128xf32, #tpu.memory_space<vmem>>, vector<1x128xf32>
          %swap3A_237 = arith.index_cast %select_n3A_233 : i32 to index
          %swap3A_238 = arith.constant 0 : index
          %swap3A_239 = vector.load %arg16[%swap3A_237, %swap3A_238] : memref<10008x128xf32, #tpu.memory_space<vmem>>, vector<1x128xf32>
          tpu.vector_store %arg16[%swap3A_237, %swap3A_238], %get3A_236 {strides = array<i32>} : memref<10008x128xf32, #tpu.memory_space<vmem>>, vector<1x128xf32>,
          %scan3A_240 = arith.constant 3 : i32
          %scan3A_241 = arith.addi %scan3A_185, %scan3A_240 : i32
          %lt3A_242 = arith.cmpi slt, %scan3A_241, %sub3A_77 : i32
          %add3A_243 = arith.addi %add3A_76, %scan3A_241 : i32
          %jit3A_244 = arith.constant 0 : i32
          %select_n3A_245 = arith.select %lt3A_242, %add3A_243, %jit3A_244 : i32
          %get3A_246 = arith.index_cast %select_n3A_245 : i32 to index
          %get3A_247 = memref.load %arg3[%get3A_246] : memref<10000xi32, #tpu.memory_space<smem>>
          %get3A_248 = arith.index_cast %get3A_247 : i32 to index
          %get3A_249 = memref.load %arg0[%get3A_248] : memref<10000xi32, #tpu.memory_space<smem>>
          %lt3A_250 = arith.cmpi slt, %scan3A_241, %sub3A_77 : i32
          %jit3A_251 = arith.constant 10000 : i32
          %select_n3A_252 = arith.select %lt3A_250, %get3A_249, %jit3A_251 : i32
          %get3A_253 = arith.index_cast %scan3A_241 : i32 to index
          %get3A_254 = arith.constant 0 : index
          %get3A_255 = vector.load %arg20[%get3A_253, %get3A_254] : memref<256x128xf32, #tpu.memory_space<vmem>>, vector<1x128xf32>
          %swap3A_256 = arith.index_cast %select_n3A_252 : i32 to index
          %swap3A_257 = arith.constant 0 : index
          %swap3A_258 = vector.load %arg16[%swap3A_256, %swap3A_257] : memref<10008x128xf32, #tpu.memory_space<vmem>>, vector<1x128xf32>
          tpu.vector_store %arg16[%swap3A_256, %swap3A_257], %get3A_255 {strides = array<i32>} : memref<10008x128xf32, #tpu.memory_space<vmem>>, vector<1x128xf32>,
        }
        %scan3A_184 = arith.constant 256 : i32
      }
    }
    %get3A_14 = arith.constant 9999 : index
    %get3A_15 = arith.constant 0 : index
    %get3A_16 = vector.load %arg16[%get3A_14, %get3A_15] : memref<10008x128xf32, #tpu.memory_space<vmem>>, vector<1x128xf32>
    %get3A_17 = arith.constant 0 : index
    %get3A_18 = arith.constant 0 : index
    %get3A_19 = vector.load %arg13[%get3A_17, %get3A_18] : memref<128x16xf32, #tpu.memory_space<vmem>>, vector<128x16xf32>
    %dot_general3A = arith.constant dense<0.000000e+00> : vector<1x16xf32>
    %dot_general3A_20 = tpu.matmul %get3A_16, %get3A_19, %dot_general3A {dimension_numbers = #tpu.dot_dimension_numbers<[1], [0], [0], [1], [0, 0, 1, 1], [], []>, transpose_lhs_hint = false} : vector<1x128xf32>, vector<128x16xf32>, vector<1x16xf32> -> vector<1x16xf32>
    %get3A_21 = arith.constant 0 : index
    %get3A_22 = arith.constant 0 : index
    %get3A_23 = vector.load %arg14[%get3A_21, %get3A_22] : memref<1x16xf32, #tpu.memory_space<vmem>>, vector<1x16xf32>
    %add3A_24 = arith.addf %dot_general3A_20, %get3A_23 : vector<1x16xf32>
    %reduce_max3A = arith.constant dense<0xFF800000> : vector<1xf32>
    %reduce_max3A_25 = vector.multi_reduction <maximumf>, %add3A_24, %reduce_max3A [1] : vector<1x16xf32> to vector<1xf32>
    %broadcast_in_dim3A_26 = vector.shape_cast %reduce_max3A_25 : vector<1xf32> to vector<1x1xf32>
    %sub3A = vector.broadcast %broadcast_in_dim3A_26 : vector<1x1xf32> to vector<1x16xf32>
    %sub3A_27 = arith.subf %add3A_24, %sub3A : vector<1x16xf32>
    %exp3A = math.exp %sub3A_27 : vector<1x16xf32>
    %reduce_sum3A = arith.constant dense<0.000000e+00> : vector<1xf32>
    %reduce_sum3A_28 = vector.multi_reduction <add>, %exp3A, %reduce_sum3A [1] : vector<1x16xf32> to vector<1xf32>
    %broadcast_in_dim3A_29 = vector.shape_cast %reduce_sum3A_28 : vector<1xf32> to vector<1x1xf32>
    %log3A = math.log %broadcast_in_dim3A_29 : vector<1x1xf32>
    %sub3A_30 = vector.broadcast %log3A : vector<1x1xf32> to vector<1x16xf32>
    %sub3A_31 = arith.subf %sub3A_27, %sub3A_30 : vector<1x16xf32>
    %swap3A_32 = arith.constant 0 : index
    %swap3A_33 = arith.constant 0 : index
    %swap3A_34 = vector.load %arg15[%swap3A_32, %swap3A_33] : memref<1x16xf32, #tpu.memory_space<vmem>>, vector<1x16xf32>
    tpu.vector_store %arg15[%swap3A_32, %swap3A_33], %sub3A_31 {strides = array<i32>} : memref<1x16xf32, #tpu.memory_space<vmem>>, vector<1x16xf32>,
    return
  }
}

</mosaic_0001>

<sc_bundles>
// kernel: kernel.5.cloned.1.call-start
scs
__scs_entry_jumppad:
0x0: {  	(pc) =	sbr.rel $0x88, $3  }
0x1: {  	(tag) =	ssettag $0x0;
	lr =	simm.s32 $0x1  }
0x2: {  	[smem:$0x3F96] =	sst lr;
	_ =	strace $0xD0000000  }
0x3: {  	_ = 	snop  }
0x4: {  	_ = 	snop  }
0x5: {  	_ = 	snop  }
0x6: {  	_ = 	snop  }
0x7: {  	_ = 	snop  }
__scs_overlays_trampoline_lowered:
0x8: {  	[smem:$0x3FA5] =	sst s0  }
0x9: {  	[smem:$0x3FA6] =	sst s1  }
0xa: {  	[smem:$0x3FA7] =	sst s2  }
0xb: {  	[smem:$0x3FA8] =	sst s3  }
0xc: {  	[smem:$0x3FA9] =	sst s4  }
0xd: {  	[smem:$0x3FAA] =	sst s5  }
0xe: {  	[smem:$0x3FAB] =	sst s6  }
0xf: {  	[smem:$0x3FAC] =	sst s7  }
0x10: {  	[smem:$0x3FAD] =	sst s8  }
0x11: {  	[smem:$0x3FAE] =	sst s9;
	s0 =	simm.s32 @!p0 $0x0  }
0x12: {  	s1 =	sld [smem:$0x3F94];
	s0 =	simm.s32 @p0 $0x1  }
0x13: {  	[smem:$0x3FAF] =	sst s0;
	s0 =	simm.s32 @!p1 $0x0  }
0x14: {  	s2 =	sld [smem:$0x3F93];
	s0 =	simm.s32 @p1 $0x1  }
0x15: {  	[smem:$0x3FB0] =	sst s0;
	s0 =	simm.s32 @!p2 $0x0  }
0x16: {  	s3 =	sld [smem:$0x3FDB];
	s0 =	simm.s32 @p2 $0x1  }
0x17: {  	s4 =	simm.s32 $0x1BF5;
	[smem:$0x3FB2] =	sst s0  }
0x18: {  	s0 =	sld [smem:$0x3F95];
	_ =	swait.ge [sflag:s4], $0x0  }
0x19: {  	s7 =	sld [smem:$0x3F96]  }
0x1a: {  	s8 =	sadd.s32 $0xFFFFE003, lr  }
0x1b: {  	s9 =	sadd.s32 $0xFFFFFEF7, lr;
	s5 =	simm.s32 $0xFFFFFFFF;
	p2 =	slt.u32 s8, $0xFFFFF086  }
0x1c: {  	p1 =	slt.u32 s9, $0xF7A;
	s5 =	simm.s32 @!p2 $0x0  }
0x1d: {  	s5 =	simm.s32 @p1 $0x1;
	p0 =	seq.s32 s7, s2  }
0x1e: {  	s7 =	smul.u32 @!p0 $0xF7A, s2;
	p2 =	seq.s32 @!p0 s5, $0x0  }
0x1f: {  	s9 =	smul.u32 $0xF7A, s1;
	s8 =	simm.s32 @!p0 $0x1BF5;
	p2 =	por !p2, p0  }
0x20: {  	[sflag:s8] =	ssyncset.s32 @!p0 $0xFFFFF086;
	s6 =	sadd.s32 @!p0 s3, s7;
	s7 =	simm.s32 @!p0 $0x108  }
0x21: {  	s3 =	sadd.s32 s3, s9;
	s6 =	sadd.s32 @!p0 $0x88, s6;
	s7 =	simm.s32 @p2 $0x1082  }
0x22: {  	[simem:s7], [sflag:s8] =	dma.local @!p0 [hbm:s6], $0xF7A  }
0x23: {  	s9 =	sor.u32 $0xD0000000, s2;
	s6 =	simm.s32 $0x108;
	_ =	swait.ge @!p0 [sflag:s8], $0x0  }
0x24: {  	s3 =	sadd.s32 $0x88, s3;
	s6 =	simm.s32 @!p1 $0x1082;
	[sflag:s4] =	ssyncset.s32 $0xFFFFF086  }
0x25: {  	[simem:s6], [sflag:s4] =	dma.local [hbm:s3], $0xF7A  }
0x26: {  	[smem:$0x3F96] =	sst s1;
	(tag) =	ssettag s2;
	_ =	strace s9  }
0x27: {  	s1 =	sld [smem:$0x3FA6]  }
0x28: {  	s2 =	sld [smem:$0x3FA7]  }
0x29: {  	s4 =	sld [smem:$0x3FA9]  }
0x2a: {  	p0 =	seq.s32 s5, $0x0;
	s5 =	sld [smem:$0x3FAA]  }
0x2b: {  	s6 =	sld [smem:$0x3FAB]  }
0x2c: {  	s7 =	sld [smem:$0x3FAC]  }
0x2d: {  	s3 =	simm.s32 $0x108;
	s8 =	sld [smem:$0x3FAD]  }
0x2e: {  	s3 =	simm.s32 @!p0 $0x1082;
	s9 =	sld [smem:$0x3FAE]  }
0x2f: {  	lr =	sadd.s32 s0, s3;
	s0 =	sld [smem:$0x3FA5]  }
0x30: {  	s3 =	sld [smem:$0x3FA8]  }
0x31: {  	[smem:$0x3FB1] =	sst s10  }
0x32: {  	s10 =	sld [smem:$0x3FAF];
	_ =	sdelay $0x3  }
0x33: {  	p0 =	seq.s32 s10, $0x1;
	s10 =	sld [smem:$0x3FB1];
	_ =	sdelay $0x3  }
0x34: {  	[smem:$0x3FB1] =	sst s10  }
0x35: {  	s10 =	sld [smem:$0x3FB0];
	_ =	sdelay $0x3  }
0x36: {  	p1 =	seq.s32 s10, $0x1;
	s10 =	sld [smem:$0x3FB1];
	_ =	sdelay $0x3  }
0x37: {  	[smem:$0x3FB1] =	sst s10  }
0x38: {  	s10 =	sld [smem:$0x3FB2]  }
0x39: {  	_ = 	snop;
	(pc) =	sbr.ind lr, $3  }
0x3a: {  	_ = 	snop  }
0x3b: {  	_ = 	snop  }
0x3c: {  	p2 =	seq.s32 s10, $0x1;
	s10 =	sld [smem:$0x3FB1]  }
0x3d: {  	_ =	shalt  }
0x3e: {  	_ =	shalt  }
0x3f: {  	_ =	shalt  }
0x40: {  	_ =	shalt  }
0x41: {  	_ =	shalt  }
0x42: {  	_ =	shalt  }
0x43: {  	_ =	shalt  }
0x44: {  	_ =	shalt  }
0x45: {  	_ =	shalt  }
0x46: {  	_ =	shalt  }
0x47: {  	_ =	shalt  }
0x48: {  	_ =	shalt  }
0x49: {  	_ =	shalt  }
0x4a: {  	_ =	shalt  }
0x4b: {  	_ =	shalt  }
0x4c: {  	_ =	shalt  }
0x4d: {  	_ =	shalt  }
0x4e: {  	_ =	shalt  }
0x4f: {  	_ =	shalt  }
0x50: {  	_ =	shalt  }
0x51: {  	_ =	shalt  }
0x52: {  	_ =	shalt  }
0x53: {  	_ =	shalt  }
0x54: {  	_ =	shalt  }
0x55: {  	_ =	shalt  }
0x56: {  	_ =	shalt  }
0x57: {  	_ =	shalt  }
0x58: {  	_ =	shalt  }
0x59: {  	_ =	shalt  }
0x5a: {  	_ =	shalt  }
0x5b: {  	_ =	shalt  }
0x5c: {  	_ =	shalt  }
0x5d: {  	_ =	shalt  }
0x5e: {  	_ =	shalt  }
0x5f: {  	_ =	shalt  }
0x60: {  	_ =	shalt  }
0x61: {  	_ =	shalt  }
0x62: {  	_ =	shalt  }
0x63: {  	_ =	shalt  }
0x64: {  	_ =	shalt  }
0x65: {  	_ =	shalt  }
0x66: {  	_ =	shalt  }
0x67: {  	_ =	shalt  }
0x68: {  	_ =	shalt  }
0x69: {  	_ =	shalt  }
0x6a: {  	_ =	shalt  }
0x6b: {  	_ =	shalt  }
0x6c: {  	_ =	shalt  }
0x6d: {  	_ =	shalt  }
0x6e: {  	_ =	shalt  }
0x6f: {  	_ =	shalt  }
0x70: {  	_ =	shalt  }
0x71: {  	_ =	shalt  }
0x72: {  	_ =	shalt  }
0x73: {  	_ =	shalt  }
0x74: {  	_ =	shalt  }
0x75: {  	_ =	shalt  }
0x76: {  	_ =	shalt  }
0x77: {  	_ =	shalt  }
0x78: {  	_ =	shalt  }
0x79: {  	_ =	shalt  }
0x7a: {  	_ =	shalt  }
0x7b: {  	_ =	shalt  }
0x7c: {  	_ =	shalt  }
0x7d: {  	_ =	shalt  }
0x7e: {  	_ =	shalt  }
0x7f: {  	_ =	shalt  }
0x80: {  	_ =	shalt  }
0x81: {  	_ =	shalt  }
0x82: {  	_ =	shalt  }
0x83: {  	_ =	shalt  }
0x84: {  	_ =	shalt  }
0x85: {  	_ =	shalt  }
0x86: {  	_ =	shalt  }
0x87: {  	_ =	shalt  }
.Lfunc_end0:
.L_simem_size_0:
called_computation_lowered:
.L_overlay_start_0:
0x88: {  	s2 =	sld [smem:$0x3FD9]  }
0x89: {  	s3 =	sld [smem:$0x3FFE];
	_ =	sdelay $0x1  }
0x8a: {  	s1 =	srdreg.scid  }
0x8b: {  	s0 =	sand.u32 $0x1, s1  }
0x8c: {  	s17 =	sshll.u32 s0, $0xA;
	s2 =	sadd.s32 s3, s2  }
0x8d: {  	s2 =	sadd.s32 s2, s17  }
0x8e: {  	[smem:$0x3FBD] =	sst s2  }
0x8f: {  	_ = 	snop  }
0x90: {  	s2 =	sld [smem:$0x3FC7];
	(tm) =	ssettm $0x1  }
0x91: {  	s18 =	sld [smem:$0x3FFB];
	_ =	sdelay $0x3  }
0x92: {  	_ =	strace s18  }
0x93: {  	s3 =	sld [smem:$0x3FFC];
	_ =	sdelay $0x3  }
0x94: {  	_ =	strace s3  }
0x95: {  	s3 =	sld [smem:$0x3FFD];
	_ =	sdelay $0x3  }
0x96: {  	_ =	strace s3  }
0x97: {  	_ =	strace $0x8FFFFFFF  }
0x98: {  	s19 =	sld [smem:$0x3FDB];
	_ =	sdelay $0x1  }
0x99: {  	s4 =	simm.s32 $_scs_section_size  }
0x9a: {  	s5 =	simm.s32 $_size__tile_overlayer_lowered;
	s6 =	simm.s32 $_tile_overlayer_lowered  }
0x9b: {  	s22 =	simm.s32 $0x1BFF;
	s21 =	sshll.u32 s6, $0x1;
	s3 =	sadd.s32 s4, s19  }
0x9c: {  	s7 =	simm.s32 $0x0;
	s20 =	sshll.u32 s5, $0x1;
	s5 =	sadd.s32 s21, s3  }
0x9d: {  	[timem:s7], [sflag:s22] =	dma.local [hbm:s5], s20  }
0x9e: {  	_ =	swait.ge [sflag:s22], s20  }
0x9f: {  	s4 =	ssub.s32 $0x0, s20;
	[sflag:s22] =	ssyncset.done $0x0  }
0xa0: {  	[sflag:s22] =	ssyncadd.s32 s4;
	_ =	sdelay $0x1  }
0xa1: {  	s23 =	simm.s32 $0x1B8B  }
0xa2: {  	_ =	swait.ge [sflag:s23], $0x1  }
0xa3: {  	[sflag:s23] =	ssyncset.done $0x0  }
0xa4: {  	s25 =	simm.s32 $0x1B8E;
	s24 =	sld [smem:$0x3FFE];
	[sflag:s23] =	ssyncadd.s32 $0xFFFFFFFF  }
0xa5: {  	s26 =	simm.s32 $execute0_lowered;
	[smem:$0x3FD2] =	sst s25  }
0xa6: {  	s5 =	sshll.u32 s26, $0x1;
	_ =	strace $0x80000046;
	[dreg:$0x1] =	wrdreg $0xFFFFFFFF  }
0xa7: {  	s28 =	simm.s32 $_size_execute0_lowered;
	s3 =	sadd.s32 s3, s5;
	[dreg:$0x0] =	wrdreg $0x0  }
0xa8: {  	s5 =	sshll.u32 s28, $0x1;
	[dreg:$0x2] =	wrdreg s3  }
0xa9: {  	[dreg:$0x3] =	wrdreg s5  }
0xaa: {  	[dreg:$0x4] =	wrdreg $0xC0  }
0xab: {  	_ =	task [dreg:s7], $0x5FFFF  }
0xac: {  	[dreg:$0x1] =	wrdreg $0xFFFFFFFF  }
0xad: {  	[dreg:$0x0] =	wrdreg $0x60  }
0xae: {  	[dreg:$0x2] =	wrdreg s24  }
0xaf: {  	[dreg:$0x3] =	wrdreg s2  }
0xb0: {  	[dreg:$0x4] =	wrdreg $0x9  }
0xb1: {  	_ =	task.clear_ibuf [dreg:s7], $0x5FFFF;
	_ =	strace $0x90000046  }
0xb2: {  	s29 =	simm.s32 $0x9;
	_ =	strace $0x80000048  }
0xb3: {  	_ =	swait.ge [sflag:s29], $0x1  }
0xb4: {  	[sflag:s29] =	ssyncadd.s32 $0xFFFFFFFF  }
0xb5: {  	_ =	strace $0x90000048  }
0xb6: {  	_ =	sfence  }
0xb7: {  	s30 =	sld [smem:$0x0];
	_ =	sdelay $0x2  }
0xb8: {  	s31 =	sshll.u32 s1, $0xD;
	s1 =	sshrl.u32 s1, $0x2  }
0xb9: {  	s3 =	sand.u32 $0x4000, s31;
	s1 =	sadd.s32 s1, s30  }
0xba: {  	s0 =	sor.u32 s3, s0;
	s1 =	sshll.u32 s1, $0x11  }
0xbb: {  	s0 =	sor.u32 s1, s0  }
0xbc: {  	s0 =	sadd.s32 $0x8F2B, s0  }
0xbd: {  	[sflag:s0] =	ssyncadd.remote.s32 $0x1  }
0xbe: {  	_ =	sfence.sel $0xFFFF  }
0xbf: {  	[dreg:$0x0] =	wrdreg $0xFFFFFFFF;
	(pc) =	sbr.abs _section_cstart, $3  }
0xc0: {  	[dreg:$0x1] =	wrdreg $0xFFFFFFFF  }
0xc1: {  	_ =	task.clear_ibuf [dreg:s7], $0x2FFFF;
	_ =	strace $0x9FFFFFFF  }
0xc2: {  	(tm) =	ssettm $0x7FFFFFFF  }
0xc3: {  	_ =	shalt  }
tec
execute0_lowered:
.L_overlay_start_1:
0x0: {  	(tag) =	ssettag $0x1  }
0x1: {  	s1 =	srdreg.scid;
	s4 =	rddreg [dreg:$0x0]  }
0x2: {  	s0 =	stileid.u32;
	s2 =	rddreg [dreg:$0x1];
	s3 =	simm.s32 $0x0  }
0x3: {  	s9 =	simm.s32 $0x1400;
	s5 =	sand.u32 $0x1, s1;
	s30 =	sshll.u32 s0, $0x1  }
0x4: {  	s10 =	simm.s32 $0x5400;
	s11 =	simm.s32 $0x1;
	s6 =	sor.u32 s5, s30  }
0x5: {  	s12 =	simm.s32 $0x2;
	s13 =	simm.s32 $0x9400;
	s7 =	smul.u32 $0x280, s6  }
0x6: {  	s14 =	simm.s32 $0x0;
	[smem:$0x7FF] =	sst s3;
	s6 =	smul.u32 $0x1400, s6  }
0x7: {  	s1 =	rddreg [dreg:$0x2];
	_ =	strace $0x80000047;
	s5 =	ssub.s32 $0x2, s5  }
0x8: {  	s31 =	sshrl.u32 s5, $0x1;
	s7 =	sadd.s32 s7, s4;
	s6 =	sadd.s32 s6, s4  }
0x9: {  	s8 =	ssub.s32 s5, s31;
	s4 =	sadd.s32 $0xC00, s7;
	s5 =	sadd.s32 $0x5C00, s6  }
0xa: {  	s6 =	smax.u32 s8, $0x1;
	s7 =	simm.s32 $0x3;
	s8 =	simm.s32 $0x80  }
.LBB2_1:
0xb: {  	[tilespmem:s3], [sflag:$0x3] =	stream.linear.gather [hbm4b:s4+s3], $0x1400, $0x38;
	[tilespmem:$0x13400] =	vst v63  }
0xc: {  	_ =	swait.ge [sflag:s7], $0x1400  }
0xd: {  	[sflag:s7] =	ssyncset.done $0x0  }
0xe: {  	s15 =	simm.s32 $0x0;
	[sflag:s7] =	ssyncadd.s32 $0xFFFFEC00  }
0xf: {  	[tilespmem:s9], [sflag:$0x1] =	stream.indirect.gather [hbm4b:s2+s8], $0x80, s3, s8, $0xb8;
	[tilespmem:$0x13400] =	vst v63  }
.LBB2_2:
0x10: {  	s16 =	sshllo.u32 s15, $0x1  }
0x11: {  	s17 =	sshll.u32 s16, $0x7  }
0x12: {  	s17 =	sand.u32 $0x3FFFFF80, s17  }
0x13: {  	[tilespmem:s10], [sflag:$0x2] =	stream.indirect.gather [hbm4b:s2+s8], $0x80, s17, s8, $0xb8;
	[tilespmem:$0x13400] =	vst v63  }
0x14: {  	_ =	swait.ge [sflag:s11], $0x4000  }
0x15: {  	[sflag:s11] =	ssyncset.done $0x0  }
0x16: {  	s18 =	simm.s32 $0x0;
	s17 =	sshll.u32 s15, $0x4;
	[sflag:s11] =	ssyncadd.s32 $0xFFFFC000  }
.LBB2_3:
0x17: {  	s19 =	sshll.u32 s18, $0xB  }
0x18: {  	s19 =	sand.u32 $0x3FFFF800, s19  }
0x19: {  	v0 =	vld [tilespmem:s19+$0x1400]  }
0x1a: {  	v1 =	vld [tilespmem:s19+$0x1480]  }
0x1b: {  	v2 =	vld [tilespmem:s19+$0x1500]  }
0x1c: {  	v3 =	vld [tilespmem:s19+$0x1580]  }
0x1d: {  	v4 =	vld [tilespmem:s19+$0x1600]  }
0x1e: {  	v5 =	vld [tilespmem:s19+$0x1680]  }
0x1f: {  	v6 =	vld [tilespmem:s19+$0x1700]  }
0x20: {  	v7 =	vld [tilespmem:s19+$0x1780]  }
0x21: {  	v8 =	vld [tilespmem:s19+$0x1800]  }
0x22: {  	v9 =	vld [tilespmem:s19+$0x1880]  }
0x23: {  	v10 =	vld [tilespmem:s19+$0x1900]  }
0x24: {  	v11 =	vld [tilespmem:s19+$0x1980]  }
0x25: {  	v12 =	vld [tilespmem:s19+$0x1A00]  }
0x26: {  	v13 =	vld [tilespmem:s19+$0x1A80]  }
0x27: {  	v14 =	vld [tilespmem:s19+$0x1B00]  }
0x28: {  	v15 =	vld [tilespmem:s19+$0x1B80];
	_ =	sdelay $0x1  }
0x29: {  	v0 =	vadd.f32 v1, v0;
	v61 =	vadd.f32 v3, v2  }
0x2a: {  	v62 =	vadd.f32 v5, v4;
	v63 =	vadd.f32 v7, v6  }
0x2b: {  	v9 =	vadd.f32 v9, v8;
	v11 =	vadd.f32 v11, v10  }
0x2c: {  	v13 =	vadd.f32 v13, v12;
	v15 =	vadd.f32 v15, v14  }
0x2d: {  	v0 =	vadd.f32 v61, v0;
	v16 =	vadd.f32 v63, v62  }
0x2e: {  	v17 =	vadd.f32 v11, v9;
	v18 =	vadd.f32 v15, v13;
	_ =	sdelay $0x1  }
0x2f: {  	v0 =	vadd.f32 v16, v0;
	v19 =	vadd.f32 v18, v17  }
0x30: {  	s20 =	sadd.s32 s17, s18  }
0x31: {  	s20 =	sshll.u32 s20, $0x7;
	v0 =	vadd.f32 v19, v0  }
0x32: {  	s20 =	sand.u32 $0x3FFFFF80, s20  }
0x33: {  	[tilespmem:s20+$0x9400] =	vst v0  }
0x34: {  	v0 =	vld [tilespmem:s19+$0x1410]  }
0x35: {  	v20 =	vld [tilespmem:s19+$0x1490]  }
0x36: {  	v21 =	vld [tilespmem:s19+$0x1510]  }
0x37: {  	v22 =	vld [tilespmem:s19+$0x1590]  }
0x38: {  	v23 =	vld [tilespmem:s19+$0x1610]  }
0x39: {  	v24 =	vld [tilespmem:s19+$0x1690]  }
0x3a: {  	v25 =	vld [tilespmem:s19+$0x1710]  }
0x3b: {  	v26 =	vld [tilespmem:s19+$0x1790]  }
0x3c: {  	v27 =	vld [tilespmem:s19+$0x1810]  }
0x3d: {  	v28 =	vld [tilespmem:s19+$0x1890]  }
0x3e: {  	v29 =	vld [tilespmem:s19+$0x1910]  }
0x3f: {  	v30 =	vld [tilespmem:s19+$0x1990]  }
0x40: {  	v31 =	vld [tilespmem:s19+$0x1A10]  }
0x41: {  	v32 =	vld [tilespmem:s19+$0x1A90]  }
0x42: {  	v33 =	vld [tilespmem:s19+$0x1B10]  }
0x43: {  	v34 =	vld [tilespmem:s19+$0x1B90];
	_ =	sdelay $0x1  }
0x44: {  	v0 =	vadd.f32 v20, v0;
	v35 =	vadd.f32 v22, v21  }
0x45: {  	v36 =	vadd.f32 v24, v23;
	v37 =	vadd.f32 v26, v25  }
0x46: {  	v38 =	vadd.f32 v28, v27;
	v39 =	vadd.f32 v30, v29  }
0x47: {  	v40 =	vadd.f32 v32, v31;
	v41 =	vadd.f32 v34, v33  }
0x48: {  	v0 =	vadd.f32 v35, v0;
	v42 =	vadd.f32 v37, v36  }
0x49: {  	v43 =	vadd.f32 v39, v38;
	v44 =	vadd.f32 v41, v40;
	_ =	sdelay $0x1  }
0x4a: {  	v0 =	vadd.f32 v42, v0;
	v45 =	vadd.f32 v44, v43;
	_ =	sdelay $0x1  }
0x4b: {  	v0 =	vadd.f32 v45, v0;
	_ =	sdelay $0x1  }
0x4c: {  	[tilespmem:s20+$0x9410] =	vst v0  }
0x4d: {  	v0 =	vld [tilespmem:s19+$0x1420]  }
0x4e: {  	v46 =	vld [tilespmem:s19+$0x14A0]  }
0x4f: {  	v47 =	vld [tilespmem:s19+$0x1520]  }
0x50: {  	v48 =	vld [tilespmem:s19+$0x15A0]  }
0x51: {  	v49 =	vld [tilespmem:s19+$0x1620]  }
0x52: {  	v50 =	vld [tilespmem:s19+$0x16A0]  }
0x53: {  	v51 =	vld [tilespmem:s19+$0x1720]  }
0x54: {  	v52 =	vld [tilespmem:s19+$0x17A0]  }
0x55: {  	v53 =	vld [tilespmem:s19+$0x1820]  }
0x56: {  	v54 =	vld [tilespmem:s19+$0x18A0]  }
0x57: {  	v55 =	vld [tilespmem:s19+$0x1920]  }
0x58: {  	v56 =	vld [tilespmem:s19+$0x19A0]  }
0x59: {  	v57 =	vld [tilespmem:s19+$0x1A20]  }
0x5a: {  	v58 =	vld [tilespmem:s19+$0x1AA0]  }
0x5b: {  	v59 =	vld [tilespmem:s19+$0x1B20]  }
0x5c: {  	v60 =	vld [tilespmem:s19+$0x1BA0];
	_ =	sdelay $0x1  }
0x5d: {  	v0 =	vadd.f32 v46, v0;
	v61 =	vadd.f32 v48, v47  }
0x5e: {  	v62 =	vadd.f32 v50, v49;
	v63 =	vadd.f32 v52, v51  }
0x5f: {  	v9 =	vadd.f32 v54, v53;
	v11 =	vadd.f32 v56, v55  }
0x60: {  	v13 =	vadd.f32 v58, v57;
	v15 =	vadd.f32 v60, v59  }
0x61: {  	v0 =	vadd.f32 v61, v0;
	v16 =	vadd.f32 v63, v62  }
0x62: {  	v17 =	vadd.f32 v11, v9;
	v18 =	vadd.f32 v15, v13;
	_ =	sdelay $0x1  }
0x63: {  	v0 =	vadd.f32 v16, v0;
	v19 =	vadd.f32 v18, v17;
	_ =	sdelay $0x1  }
0x64: {  	v0 =	vadd.f32 v19, v0;
	_ =	sdelay $0x1  }
0x65: {  	[tilespmem:s20+$0x9420] =	vst v0  }
0x66: {  	v0 =	vld [tilespmem:s19+$0x1430]  }
0x67: {  	v20 =	vld [tilespmem:s19+$0x14B0]  }
0x68: {  	v21 =	vld [tilespmem:s19+$0x1530]  }
0x69: {  	v22 =	vld [tilespmem:s19+$0x15B0]  }
0x6a: {  	v23 =	vld [tilespmem:s19+$0x1630]  }
0x6b: {  	v24 =	vld [tilespmem:s19+$0x16B0]  }
0x6c: {  	v25 =	vld [tilespmem:s19+$0x1730]  }
0x6d: {  	v26 =	vld [tilespmem:s19+$0x17B0]  }
0x6e: {  	v27 =	vld [tilespmem:s19+$0x1830]  }
0x6f: {  	v28 =	vld [tilespmem:s19+$0x18B0]  }
0x70: {  	v29 =	vld [tilespmem:s19+$0x1930]  }
0x71: {  	v30 =	vld [tilespmem:s19+$0x19B0]  }
0x72: {  	v31 =	vld [tilespmem:s19+$0x1A30]  }
0x73: {  	v32 =	vld [tilespmem:s19+$0x1AB0]  }
0x74: {  	v33 =	vld [tilespmem:s19+$0x1B30]  }
0x75: {  	v34 =	vld [tilespmem:s19+$0x1BB0];
	_ =	sdelay $0x1  }
0x76: {  	v0 =	vadd.f32 v20, v0;
	v35 =	vadd.f32 v22, v21  }
0x77: {  	v36 =	vadd.f32 v24, v23;
	v37 =	vadd.f32 v26, v25  }
0x78: {  	v38 =	vadd.f32 v28, v27;
	v39 =	vadd.f32 v30, v29  }
0x79: {  	v40 =	vadd.f32 v32, v31;
	v41 =	vadd.f32 v34, v33  }
0x7a: {  	v0 =	vadd.f32 v35, v0;
	v42 =	vadd.f32 v37, v36  }
0x7b: {  	v43 =	vadd.f32 v39, v38;
	v44 =	vadd.f32 v41, v40;
	_ =	sdelay $0x1  }
0x7c: {  	v0 =	vadd.f32 v42, v0;
	v45 =	vadd.f32 v44, v43;
	_ =	sdelay $0x1  }
0x7d: {  	v0 =	vadd.f32 v45, v0;
	_ =	sdelay $0x1  }
0x7e: {  	[tilespmem:s20+$0x9430] =	vst v0  }
0x7f: {  	v0 =	vld [tilespmem:s19+$0x1440]  }
0x80: {  	v46 =	vld [tilespmem:s19+$0x14C0]  }
0x81: {  	v47 =	vld [tilespmem:s19+$0x1540]  }
0x82: {  	v48 =	vld [tilespmem:s19+$0x15C0]  }
0x83: {  	v49 =	vld [tilespmem:s19+$0x1640]  }
0x84: {  	v50 =	vld [tilespmem:s19+$0x16C0]  }
0x85: {  	v51 =	vld [tilespmem:s19+$0x1740]  }
0x86: {  	v52 =	vld [tilespmem:s19+$0x17C0]  }
0x87: {  	v53 =	vld [tilespmem:s19+$0x1840]  }
0x88: {  	v54 =	vld [tilespmem:s19+$0x18C0]  }
0x89: {  	v55 =	vld [tilespmem:s19+$0x1940]  }
0x8a: {  	v56 =	vld [tilespmem:s19+$0x19C0]  }
0x8b: {  	v57 =	vld [tilespmem:s19+$0x1A40]  }
0x8c: {  	v58 =	vld [tilespmem:s19+$0x1AC0]  }
0x8d: {  	v59 =	vld [tilespmem:s19+$0x1B40]  }
0x8e: {  	v60 =	vld [tilespmem:s19+$0x1BC0];
	_ =	sdelay $0x1  }
0x8f: {  	v0 =	vadd.f32 v46, v0;
	v61 =	vadd.f32 v48, v47  }
0x90: {  	v62 =	vadd.f32 v50, v49;
	v63 =	vadd.f32 v52, v51  }
0x91: {  	v9 =	vadd.f32 v54, v53;
	v11 =	vadd.f32 v56, v55  }
0x92: {  	v13 =	vadd.f32 v58, v57;
	v15 =	vadd.f32 v60, v59  }
0x93: {  	v0 =	vadd.f32 v61, v0;
	v16 =	vadd.f32 v63, v62  }
0x94: {  	v17 =	vadd.f32 v11, v9;
	v18 =	vadd.f32 v15, v13;
	_ =	sdelay $0x1  }
0x95: {  	v0 =	vadd.f32 v16, v0;
	v19 =	vadd.f32 v18, v17;
	_ =	sdelay $0x1  }
0x96: {  	v0 =	vadd.f32 v19, v0;
	_ =	sdelay $0x1  }
0x97: {  	[tilespmem:s20+$0x9440] =	vst v0  }
0x98: {  	v0 =	vld [tilespmem:s19+$0x1450]  }
0x99: {  	v20 =	vld [tilespmem:s19+$0x14D0]  }
0x9a: {  	v21 =	vld [tilespmem:s19+$0x1550]  }
0x9b: {  	v22 =	vld [tilespmem:s19+$0x15D0]  }
0x9c: {  	v23 =	vld [tilespmem:s19+$0x1650]  }
0x9d: {  	v24 =	vld [tilespmem:s19+$0x16D0]  }
0x9e: {  	v25 =	vld [tilespmem:s19+$0x1750]  }
0x9f: {  	v26 =	vld [tilespmem:s19+$0x17D0]  }
0xa0: {  	v27 =	vld [tilespmem:s19+$0x1850]  }
0xa1: {  	v28 =	vld [tilespmem:s19+$0x18D0]  }
0xa2: {  	v29 =	vld [tilespmem:s19+$0x1950]  }
0xa3: {  	v30 =	vld [tilespmem:s19+$0x19D0]  }
0xa4: {  	v31 =	vld [tilespmem:s19+$0x1A50]  }
0xa5: {  	v32 =	vld [tilespmem:s19+$0x1AD0]  }
0xa6: {  	v33 =	vld [tilespmem:s19+$0x1B50]  }
0xa7: {  	v34 =	vld [tilespmem:s19+$0x1BD0];
	_ =	sdelay $0x1  }
0xa8: {  	v0 =	vadd.f32 v20, v0;
	v35 =	vadd.f32 v22, v21  }
0xa9: {  	v36 =	vadd.f32 v24, v23;
	v37 =	vadd.f32 v26, v25  }
0xaa: {  	v38 =	vadd.f32 v28, v27;
	v39 =	vadd.f32 v30, v29  }
0xab: {  	v40 =	vadd.f32 v32, v31;
	v41 =	vadd.f32 v34, v33  }
0xac: {  	v0 =	vadd.f32 v35, v0;
	v42 =	vadd.f32 v37, v36  }
0xad: {  	v43 =	vadd.f32 v39, v38;
	v44 =	vadd.f32 v41, v40;
	_ =	sdelay $0x1  }
0xae: {  	v0 =	vadd.f32 v42, v0;
	v45 =	vadd.f32 v44, v43;
	_ =	sdelay $0x1  }
0xaf: {  	v0 =	vadd.f32 v45, v0;
	_ =	sdelay $0x1  }
0xb0: {  	[tilespmem:s20+$0x9450] =	vst v0  }
0xb1: {  	v0 =	vld [tilespmem:s19+$0x1460]  }
0xb2: {  	v46 =	vld [tilespmem:s19+$0x14E0]  }
0xb3: {  	v47 =	vld [tilespmem:s19+$0x1560]  }
0xb4: {  	v48 =	vld [tilespmem:s19+$0x15E0]  }
0xb5: {  	v49 =	vld [tilespmem:s19+$0x1660]  }
0xb6: {  	v50 =	vld [tilespmem:s19+$0x16E0]  }
0xb7: {  	v51 =	vld [tilespmem:s19+$0x1760]  }
0xb8: {  	v52 =	vld [tilespmem:s19+$0x17E0]  }
0xb9: {  	v53 =	vld [tilespmem:s19+$0x1860]  }
0xba: {  	v54 =	vld [tilespmem:s19+$0x18E0]  }
0xbb: {  	v55 =	vld [tilespmem:s19+$0x1960]  }
0xbc: {  	v56 =	vld [tilespmem:s19+$0x19E0]  }
0xbd: {  	v57 =	vld [tilespmem:s19+$0x1A60]  }
0xbe: {  	v58 =	vld [tilespmem:s19+$0x1AE0]  }
0xbf: {  	v59 =	vld [tilespmem:s19+$0x1B60]  }
0xc0: {  	v60 =	vld [tilespmem:s19+$0x1BE0];
	_ =	sdelay $0x1  }
0xc1: {  	v0 =	vadd.f32 v46, v0;
	v61 =	vadd.f32 v48, v47  }
0xc2: {  	v62 =	vadd.f32 v50, v49;
	v63 =	vadd.f32 v52, v51  }
0xc3: {  	v9 =	vadd.f32 v54, v53;
	v11 =	vadd.f32 v56, v55  }
0xc4: {  	v13 =	vadd.f32 v58, v57;
	v15 =	vadd.f32 v60, v59  }
0xc5: {  	v0 =	vadd.f32 v61, v0;
	v16 =	vadd.f32 v63, v62  }
0xc6: {  	v17 =	vadd.f32 v11, v9;
	v18 =	vadd.f32 v15, v13;
	_ =	sdelay $0x1  }
0xc7: {  	v0 =	vadd.f32 v16, v0;
	v19 =	vadd.f32 v18, v17;
	_ =	sdelay $0x1  }
0xc8: {  	v0 =	vadd.f32 v19, v0;
	_ =	sdelay $0x1  }
0xc9: {  	[tilespmem:s20+$0x9460] =	vst v0  }
0xca: {  	v0 =	vld [tilespmem:s19+$0x1470]  }
0xcb: {  	v20 =	vld [tilespmem:s19+$0x14F0]  }
0xcc: {  	v21 =	vld [tilespmem:s19+$0x1570]  }
0xcd: {  	v22 =	vld [tilespmem:s19+$0x15F0]  }
0xce: {  	v23 =	vld [tilespmem:s19+$0x1670]  }
0xcf: {  	v24 =	vld [tilespmem:s19+$0x16F0]  }
0xd0: {  	v25 =	vld [tilespmem:s19+$0x1770]  }
0xd1: {  	v26 =	vld [tilespmem:s19+$0x17F0]  }
0xd2: {  	v27 =	vld [tilespmem:s19+$0x1870]  }
0xd3: {  	v28 =	vld [tilespmem:s19+$0x18F0]  }
0xd4: {  	v29 =	vld [tilespmem:s19+$0x1970]  }
0xd5: {  	v30 =	vld [tilespmem:s19+$0x19F0]  }
0xd6: {  	v31 =	vld [tilespmem:s19+$0x1A70]  }
0xd7: {  	v32 =	vld [tilespmem:s19+$0x1AF0]  }
0xd8: {  	v33 =	vld [tilespmem:s19+$0x1B70]  }
0xd9: {  	v34 =	vld [tilespmem:s19+$0x1BF0];
	_ =	sdelay $0x1  }
0xda: {  	v0 =	vadd.f32 v20, v0;
	v35 =	vadd.f32 v22, v21  }
0xdb: {  	v36 =	vadd.f32 v24, v23;
	v37 =	vadd.f32 v26, v25  }
0xdc: {  	v38 =	vadd.f32 v28, v27;
	v39 =	vadd.f32 v30, v29  }
0xdd: {  	v40 =	vadd.f32 v32, v31;
	v41 =	vadd.f32 v34, v33  }
0xde: {  	v0 =	vadd.f32 v35, v0;
	v42 =	vadd.f32 v37, v36  }
0xdf: {  	v43 =	vadd.f32 v39, v38;
	v44 =	vadd.f32 v41, v40;
	_ =	sdelay $0x1  }
0xe0: {  	v0 =	vadd.f32 v42, v0;
	v45 =	vadd.f32 v44, v43;
	_ =	sdelay $0x1  }
0xe1: {  	s21 =	sor.u32 $0x1, s18;
	v0 =	vadd.f32 v45, v0  }
0xe2: {  	s29 =	sshll.u32 s21, $0xB  }
0xe3: {  	s19 =	sand.u32 $0x3FFFF800, s29;
	[tilespmem:s20+$0x9470] =	vst v0  }
0xe4: {  	v0 =	vld [tilespmem:s19+$0x1400]  }
0xe5: {  	v46 =	vld [tilespmem:s19+$0x1480]  }
0xe6: {  	v47 =	vld [tilespmem:s19+$0x1500]  }
0xe7: {  	v48 =	vld [tilespmem:s19+$0x1580]  }
0xe8: {  	v49 =	vld [tilespmem:s19+$0x1600]  }
0xe9: {  	v50 =	vld [tilespmem:s19+$0x1680]  }
0xea: {  	v51 =	vld [tilespmem:s19+$0x1700]  }
0xeb: {  	v52 =	vld [tilespmem:s19+$0x1780]  }
0xec: {  	v53 =	vld [tilespmem:s19+$0x1800]  }
0xed: {  	v54 =	vld [tilespmem:s19+$0x1880]  }
0xee: {  	v55 =	vld [tilespmem:s19+$0x1900]  }
0xef: {  	v56 =	vld [tilespmem:s19+$0x1980]  }
0xf0: {  	v57 =	vld [tilespmem:s19+$0x1A00]  }
0xf1: {  	v58 =	vld [tilespmem:s19+$0x1A80]  }
0xf2: {  	v59 =	vld [tilespmem:s19+$0x1B00]  }
0xf3: {  	v60 =	vld [tilespmem:s19+$0x1B80];
	_ =	sdelay $0x1  }
0xf4: {  	v0 =	vadd.f32 v46, v0;
	v61 =	vadd.f32 v48, v47  }
0xf5: {  	v62 =	vadd.f32 v50, v49;
	v63 =	vadd.f32 v52, v51  }
0xf6: {  	v9 =	vadd.f32 v54, v53;
	v11 =	vadd.f32 v56, v55  }
0xf7: {  	v16 =	vadd.f32 v58, v57;
	v17 =	vadd.f32 v60, v59  }
0xf8: {  	v0 =	vadd.f32 v61, v0;
	v18 =	vadd.f32 v63, v62  }
0xf9: {  	v19 =	vadd.f32 v11, v9;
	v20 =	vadd.f32 v17, v16;
	_ =	sdelay $0x1  }
0xfa: {  	v0 =	vadd.f32 v18, v0;
	v21 =	vadd.f32 v20, v19  }
0xfb: {  	s30 =	sadd.s32 s17, s21  }
0xfc: {  	s20 =	sshll.u32 s30, $0x7;
	v0 =	vadd.f32 v21, v0  }
0xfd: {  	s20 =	sand.u32 $0x3FFFFF80, s20  }
0xfe: {  	[tilespmem:s20+$0x9400] =	vst v0  }
0xff: {  	v0 =	vld [tilespmem:s19+$0x1410]  }
0x100: {  	v22 =	vld [tilespmem:s19+$0x1490]  }
0x101: {  	v23 =	vld [tilespmem:s19+$0x1510]  }
0x102: {  	v24 =	vld [tilespmem:s19+$0x1590]  }
0x103: {  	v25 =	vld [tilespmem:s19+$0x1610]  }
0x104: {  	v26 =	vld [tilespmem:s19+$0x1690]  }
0x105: {  	v27 =	vld [tilespmem:s19+$0x1710]  }
0x106: {  	v28 =	vld [tilespmem:s19+$0x1790]  }
0x107: {  	v29 =	vld [tilespmem:s19+$0x1810]  }
0x108: {  	v30 =	vld [tilespmem:s19+$0x1890]  }
0x109: {  	v31 =	vld [tilespmem:s19+$0x1910]  }
0x10a: {  	v32 =	vld [tilespmem:s19+$0x1990]  }
0x10b: {  	v33 =	vld [tilespmem:s19+$0x1A10]  }
0x10c: {  	v34 =	vld [tilespmem:s19+$0x1A90]  }
0x10d: {  	v35 =	vld [tilespmem:s19+$0x1B10]  }
0x10e: {  	v36 =	vld [tilespmem:s19+$0x1B90];
	_ =	sdelay $0x1  }
0x10f: {  	v0 =	vadd.f32 v22, v0;
	v37 =	vadd.f32 v24, v23  }
0x110: {  	v38 =	vadd.f32 v26, v25;
	v39 =	vadd.f32 v28, v27  }
0x111: {  	v40 =	vadd.f32 v30, v29;
	v41 =	vadd.f32 v32, v31  }
0x112: {  	v42 =	vadd.f32 v34, v33;
	v43 =	vadd.f32 v36, v35  }
0x113: {  	v0 =	vadd.f32 v37, v0;
	v44 =	vadd.f32 v39, v38  }
0x114: {  	v45 =	vadd.f32 v41, v40;
	v46 =	vadd.f32 v43, v42;
	_ =	sdelay $0x1  }
0x115: {  	v0 =	vadd.f32 v44, v0;
	v47 =	vadd.f32 v46, v45;
	_ =	sdelay $0x1  }
0x116: {  	v0 =	vadd.f32 v47, v0;
	_ =	sdelay $0x1  }
0x117: {  	[tilespmem:s20+$0x9410] =	vst v0  }
0x118: {  	v0 =	vld [tilespmem:s19+$0x1420]  }
0x119: {  	v48 =	vld [tilespmem:s19+$0x14A0]  }
0x11a: {  	v49 =	vld [tilespmem:s19+$0x1520]  }
0x11b: {  	v50 =	vld [tilespmem:s19+$0x15A0]  }
0x11c: {  	v51 =	vld [tilespmem:s19+$0x1620]  }
0x11d: {  	v52 =	vld [tilespmem:s19+$0x16A0]  }
0x11e: {  	v53 =	vld [tilespmem:s19+$0x1720]  }
0x11f: {  	v54 =	vld [tilespmem:s19+$0x17A0]  }
0x120: {  	v55 =	vld [tilespmem:s19+$0x1820]  }
0x121: {  	v56 =	vld [tilespmem:s19+$0x18A0]  }
0x122: {  	v57 =	vld [tilespmem:s19+$0x1920]  }
0x123: {  	v58 =	vld [tilespmem:s19+$0x19A0]  }
0x124: {  	v59 =	vld [tilespmem:s19+$0x1A20]  }
0x125: {  	v60 =	vld [tilespmem:s19+$0x1AA0]  }
0x126: {  	v61 =	vld [tilespmem:s19+$0x1B20]  }
0x127: {  	v62 =	vld [tilespmem:s19+$0x1BA0];
	_ =	sdelay $0x1  }
0x128: {  	v0 =	vadd.f32 v48, v0;
	v63 =	vadd.f32 v50, v49  }
0x129: {  	v16 =	vadd.f32 v52, v51;
	v17 =	vadd.f32 v54, v53  }
0x12a: {  	v18 =	vadd.f32 v56, v55;
	v19 =	vadd.f32 v58, v57  }
0x12b: {  	v20 =	vadd.f32 v60, v59;
	v21 =	vadd.f32 v62, v61  }
0x12c: {  	v0 =	vadd.f32 v63, v0;
	v22 =	vadd.f32 v17, v16  }
0x12d: {  	v23 =	vadd.f32 v19, v18;
	v24 =	vadd.f32 v21, v20;
	_ =	sdelay $0x1  }
0x12e: {  	v0 =	vadd.f32 v22, v0;
	v25 =	vadd.f32 v24, v23;
	_ =	sdelay $0x1  }
0x12f: {  	v0 =	vadd.f32 v25, v0;
	_ =	sdelay $0x1  }
0x130: {  	[tilespmem:s20+$0x9420] =	vst v0  }
0x131: {  	v0 =	vld [tilespmem:s19+$0x1430]  }
0x132: {  	v26 =	vld [tilespmem:s19+$0x14B0]  }
0x133: {  	v27 =	vld [tilespmem:s19+$0x1530]  }
0x134: {  	v28 =	vld [tilespmem:s19+$0x15B0]  }
0x135: {  	v29 =	vld [tilespmem:s19+$0x1630]  }
0x136: {  	v30 =	vld [tilespmem:s19+$0x16B0]  }
0x137: {  	v31 =	vld [tilespmem:s19+$0x1730]  }
0x138: {  	v32 =	vld [tilespmem:s19+$0x17B0]  }
0x139: {  	v33 =	vld [tilespmem:s19+$0x1830]  }
0x13a: {  	v34 =	vld [tilespmem:s19+$0x18B0]  }
0x13b: {  	v35 =	vld [tilespmem:s19+$0x1930]  }
0x13c: {  	v36 =	vld [tilespmem:s19+$0x19B0]  }
0x13d: {  	v37 =	vld [tilespmem:s19+$0x1A30]  }
0x13e: {  	v38 =	vld [tilespmem:s19+$0x1AB0]  }
0x13f: {  	v39 =	vld [tilespmem:s19+$0x1B30]  }
0x140: {  	v40 =	vld [tilespmem:s19+$0x1BB0];
	_ =	sdelay $0x1  }
0x141: {  	v0 =	vadd.f32 v26, v0;
	v41 =	vadd.f32 v28, v27  }
0x142: {  	v42 =	vadd.f32 v30, v29;
	v43 =	vadd.f32 v32, v31  }
0x143: {  	v44 =	vadd.f32 v34, v33;
	v45 =	vadd.f32 v36, v35  }
0x144: {  	v46 =	vadd.f32 v38, v37;
	v47 =	vadd.f32 v40, v39  }
0x145: {  	v0 =	vadd.f32 v41, v0;
	v48 =	vadd.f32 v43, v42  }
0x146: {  	v49 =	vadd.f32 v45, v44;
	v50 =	vadd.f32 v47, v46;
	_ =	sdelay $0x1  }
0x147: {  	v0 =	vadd.f32 v48, v0;
	v51 =	vadd.f32 v50, v49;
	_ =	sdelay $0x1  }
0x148: {  	v0 =	vadd.f32 v51, v0;
	_ =	sdelay $0x1  }
0x149: {  	[tilespmem:s20+$0x9430] =	vst v0  }
0x14a: {  	v0 =	vld [tilespmem:s19+$0x1440]  }
0x14b: {  	v52 =	vld [tilespmem:s19+$0x14C0]  }
0x14c: {  	v53 =	vld [tilespmem:s19+$0x1540]  }
0x14d: {  	v54 =	vld [tilespmem:s19+$0x15C0]  }
0x14e: {  	v55 =	vld [tilespmem:s19+$0x1640]  }
0x14f: {  	v56 =	vld [tilespmem:s19+$0x16C0]  }
0x150: {  	v57 =	vld [tilespmem:s19+$0x1740]  }
0x151: {  	v58 =	vld [tilespmem:s19+$0x17C0]  }
0x152: {  	v59 =	vld [tilespmem:s19+$0x1840]  }
0x153: {  	v60 =	vld [tilespmem:s19+$0x18C0]  }
0x154: {  	v61 =	vld [tilespmem:s19+$0x1940]  }
0x155: {  	v62 =	vld [tilespmem:s19+$0x19C0]  }
0x156: {  	v63 =	vld [tilespmem:s19+$0x1A40]  }
0x157: {  	v18 =	vld [tilespmem:s19+$0x1AC0]  }
0x158: {  	v19 =	vld [tilespmem:s19+$0x1B40]  }
0x159: {  	v20 =	vld [tilespmem:s19+$0x1BC0];
	_ =	sdelay $0x1  }
0x15a: {  	v0 =	vadd.f32 v52, v0;
	v21 =	vadd.f32 v54, v53  }
0x15b: {  	v22 =	vadd.f32 v56, v55;
	v23 =	vadd.f32 v58, v57  }
0x15c: {  	v24 =	vadd.f32 v60, v59;
	v25 =	vadd.f32 v62, v61  }
0x15d: {  	v26 =	vadd.f32 v18, v63;
	v27 =	vadd.f32 v20, v19  }
0x15e: {  	v0 =	vadd.f32 v21, v0;
	v28 =	vadd.f32 v23, v22  }
0x15f: {  	v29 =	vadd.f32 v25, v24;
	v30 =	vadd.f32 v27, v26;
	_ =	sdelay $0x1  }
0x160: {  	v0 =	vadd.f32 v28, v0;
	v31 =	vadd.f32 v30, v29;
	_ =	sdelay $0x1  }
0x161: {  	v0 =	vadd.f32 v31, v0;
	_ =	sdelay $0x1  }
0x162: {  	[tilespmem:s20+$0x9440] =	vst v0  }
0x163: {  	v0 =	vld [tilespmem:s19+$0x1450]  }
0x164: {  	v32 =	vld [tilespmem:s19+$0x14D0]  }
0x165: {  	v33 =	vld [tilespmem:s19+$0x1550]  }
0x166: {  	v34 =	vld [tilespmem:s19+$0x15D0]  }
0x167: {  	v35 =	vld [tilespmem:s19+$0x1650]  }
0x168: {  	v36 =	vld [tilespmem:s19+$0x16D0]  }
0x169: {  	v37 =	vld [tilespmem:s19+$0x1750]  }
0x16a: {  	v38 =	vld [tilespmem:s19+$0x17D0]  }
0x16b: {  	v39 =	vld [tilespmem:s19+$0x1850]  }
0x16c: {  	v40 =	vld [tilespmem:s19+$0x18D0]  }
0x16d: {  	v41 =	vld [tilespmem:s19+$0x1950]  }
0x16e: {  	v42 =	vld [tilespmem:s19+$0x19D0]  }
0x16f: {  	v43 =	vld [tilespmem:s19+$0x1A50]  }
0x170: {  	v44 =	vld [tilespmem:s19+$0x1AD0]  }
0x171: {  	v45 =	vld [tilespmem:s19+$0x1B50]  }
0x172: {  	v46 =	vld [tilespmem:s19+$0x1BD0];
	_ =	sdelay $0x1  }
0x173: {  	v0 =	vadd.f32 v32, v0;
	v47 =	vadd.f32 v34, v33  }
0x174: {  	v48 =	vadd.f32 v36, v35;
	v49 =	vadd.f32 v38, v37  }
0x175: {  	v50 =	vadd.f32 v40, v39;
	v51 =	vadd.f32 v42, v41  }
0x176: {  	v52 =	vadd.f32 v44, v43;
	v53 =	vadd.f32 v46, v45  }
0x177: {  	v0 =	vadd.f32 v47, v0;
	v54 =	vadd.f32 v49, v48  }
0x178: {  	v55 =	vadd.f32 v51, v50;
	v56 =	vadd.f32 v53, v52;
	_ =	sdelay $0x1  }
0x179: {  	v0 =	vadd.f32 v54, v0;
	v57 =	vadd.f32 v56, v55;
	_ =	sdelay $0x1  }
0x17a: {  	v0 =	vadd.f32 v57, v0;
	_ =	sdelay $0x1  }
0x17b: {  	[tilespmem:s20+$0x9450] =	vst v0  }
0x17c: {  	v0 =	vld [tilespmem:s19+$0x1460]  }
0x17d: {  	v58 =	vld [tilespmem:s19+$0x14E0]  }
0x17e: {  	v59 =	vld [tilespmem:s19+$0x1560]  }
0x17f: {  	v60 =	vld [tilespmem:s19+$0x15E0]  }
0x180: {  	v61 =	vld [tilespmem:s19+$0x1660]  }
0x181: {  	v62 =	vld [tilespmem:s19+$0x16E0]  }
0x182: {  	v63 =	vld [tilespmem:s19+$0x1760]  }
0x183: {  	v18 =	vld [tilespmem:s19+$0x17E0]  }
0x184: {  	v19 =	vld [tilespmem:s19+$0x1860]  }
0x185: {  	v20 =	vld [tilespmem:s19+$0x18E0]  }
0x186: {  	v21 =	vld [tilespmem:s19+$0x1960]  }
0x187: {  	v22 =	vld [tilespmem:s19+$0x19E0]  }
0x188: {  	v23 =	vld [tilespmem:s19+$0x1A60]  }
0x189: {  	v24 =	vld [tilespmem:s19+$0x1AE0]  }
0x18a: {  	v25 =	vld [tilespmem:s19+$0x1B60]  }
0x18b: {  	v26 =	vld [tilespmem:s19+$0x1BE0];
	_ =	sdelay $0x1  }
0x18c: {  	v0 =	vadd.f32 v58, v0;
	v27 =	vadd.f32 v60, v59  }
0x18d: {  	v28 =	vadd.f32 v62, v61;
	v29 =	vadd.f32 v18, v63  }
0x18e: {  	v30 =	vadd.f32 v20, v19;
	v31 =	vadd.f32 v22, v21  }
0x18f: {  	v32 =	vadd.f32 v24, v23;
	v33 =	vadd.f32 v26, v25  }
0x190: {  	v0 =	vadd.f32 v27, v0;
	v34 =	vadd.f32 v29, v28  }
0x191: {  	v35 =	vadd.f32 v31, v30;
	v36 =	vadd.f32 v33, v32;
	_ =	sdelay $0x1  }
0x192: {  	v0 =	vadd.f32 v34, v0;
	v37 =	vadd.f32 v36, v35;
	_ =	sdelay $0x1  }
0x193: {  	v0 =	vadd.f32 v37, v0;
	_ =	sdelay $0x1  }
0x194: {  	[tilespmem:s20+$0x9460] =	vst v0  }
0x195: {  	v0 =	vld [tilespmem:s19+$0x1470]  }
0x196: {  	v38 =	vld [tilespmem:s19+$0x14F0]  }
0x197: {  	v39 =	vld [tilespmem:s19+$0x1570]  }
0x198: {  	v40 =	vld [tilespmem:s19+$0x15F0]  }
0x199: {  	v41 =	vld [tilespmem:s19+$0x1670]  }
0x19a: {  	v42 =	vld [tilespmem:s19+$0x16F0]  }
0x19b: {  	v43 =	vld [tilespmem:s19+$0x1770]  }
0x19c: {  	v44 =	vld [tilespmem:s19+$0x17F0]  }
0x19d: {  	v45 =	vld [tilespmem:s19+$0x1870]  }
0x19e: {  	v46 =	vld [tilespmem:s19+$0x18F0]  }
0x19f: {  	v47 =	vld [tilespmem:s19+$0x1970]  }
0x1a0: {  	v48 =	vld [tilespmem:s19+$0x19F0]  }
0x1a1: {  	v49 =	vld [tilespmem:s19+$0x1A70]  }
0x1a2: {  	v50 =	vld [tilespmem:s19+$0x1AF0]  }
0x1a3: {  	v51 =	vld [tilespmem:s19+$0x1B70]  }
0x1a4: {  	v52 =	vld [tilespmem:s19+$0x1BF0];
	_ =	sdelay $0x1  }
0x1a5: {  	v0 =	vadd.f32 v38, v0;
	v53 =	vadd.f32 v40, v39  }
0x1a6: {  	v54 =	vadd.f32 v42, v41;
	v55 =	vadd.f32 v44, v43  }
0x1a7: {  	v56 =	vadd.f32 v46, v45;
	v57 =	vadd.f32 v48, v47  }
0x1a8: {  	v58 =	vadd.f32 v50, v49;
	v59 =	vadd.f32 v52, v51  }
0x1a9: {  	v0 =	vadd.f32 v53, v0;
	v60 =	vadd.f32 v55, v54  }
0x1aa: {  	v61 =	vadd.f32 v57, v56;
	v62 =	vadd.f32 v59, v58  }
0x1ab: {  	p0 =	slt.u32 s18, $0x6  }
.Ltmp0:
0x1ac: {  	v0 =	vadd.f32 v60, v0;
	v63 =	vadd.f32 v62, v61;
	(pc) =	sbr.rel @p0 .LBB2_3-.Ltmp0, $4  }
0x1ad: {  	_ = 	snop  }
0x1ae: {  	v0 =	vadd.f32 v63, v0  }
0x1af: {  	s31 =	sadd.s32 $0x2, s18  }
0x1b0: {  	s18 =	smov.u32 s31;
	[tilespmem:s20+$0x9470] =	vst v0  }
0x1b1: {  	p0 =	seq.s32 s15, $0x13  }
0x1b2: {  	s17 =	sshll.u32 @!p0 s15, $0x8  }
0x1b3: {  	s17 =	sand.u32 @!p0 $0x3FFFFF00, s17  }
0x1b4: {  	s18 =	simm.s32 @!p0 $0x80;
	s19 =	simm.s32 @!p0 $0x1400;
	s17 =	sadd.s32 @!p0 $0x100, s17  }
0x1b5: {  	[tilespmem:s19], [sflag:$0x1] =	stream.indirect.gather @!p0 [hbm4b:s2+s18], $0x80, s17, s18, $0xb8;
	[tilespmem:$0x13400] =	vst v63  }
0x1b6: {  	_ =	swait.ge [sflag:s12], $0x4000  }
0x1b7: {  	[sflag:s12] =	ssyncset.done $0x0  }
0x1b8: {  	s16 =	sshll.u32 s16, $0x3;
	s17 =	simm.s32 $0x0;
	[sflag:s12] =	ssyncadd.s32 $0xFFFFC000  }
.LBB2_5:
0x1b9: {  	s18 =	sshll.u32 s17, $0xB  }
0x1ba: {  	s18 =	sand.u32 $0x3FFFF800, s18  }
0x1bb: {  	v0 =	vld [tilespmem:s18+$0x5400]  }
0x1bc: {  	v1 =	vld [tilespmem:s18+$0x5480]  }
0x1bd: {  	v2 =	vld [tilespmem:s18+$0x5500]  }
0x1be: {  	v3 =	vld [tilespmem:s18+$0x5580]  }
0x1bf: {  	v4 =	vld [tilespmem:s18+$0x5600]  }
0x1c0: {  	v5 =	vld [tilespmem:s18+$0x5680]  }
0x1c1: {  	v6 =	vld [tilespmem:s18+$0x5700]  }
0x1c2: {  	v7 =	vld [tilespmem:s18+$0x5780]  }
0x1c3: {  	v8 =	vld [tilespmem:s18+$0x5800]  }
0x1c4: {  	v9 =	vld [tilespmem:s18+$0x5880]  }
0x1c5: {  	v10 =	vld [tilespmem:s18+$0x5900]  }
0x1c6: {  	v11 =	vld [tilespmem:s18+$0x5980]  }
0x1c7: {  	v12 =	vld [tilespmem:s18+$0x5A00]  }
0x1c8: {  	v13 =	vld [tilespmem:s18+$0x5A80]  }
0x1c9: {  	v14 =	vld [tilespmem:s18+$0x5B00]  }
0x1ca: {  	v15 =	vld [tilespmem:s18+$0x5B80];
	_ =	sdelay $0x1  }
0x1cb: {  	v0 =	vadd.f32 v1, v0;
	v61 =	vadd.f32 v3, v2  }
0x1cc: {  	v62 =	vadd.f32 v5, v4;
	v63 =	vadd.f32 v7, v6  }
0x1cd: {  	v9 =	vadd.f32 v9, v8;
	v11 =	vadd.f32 v11, v10  }
0x1ce: {  	v13 =	vadd.f32 v13, v12;
	v15 =	vadd.f32 v15, v14  }
0x1cf: {  	v0 =	vadd.f32 v61, v0;
	v16 =	vadd.f32 v63, v62  }
0x1d0: {  	v17 =	vadd.f32 v11, v9;
	v18 =	vadd.f32 v15, v13;
	_ =	sdelay $0x1  }
0x1d1: {  	v0 =	vadd.f32 v16, v0;
	v19 =	vadd.f32 v18, v17  }
0x1d2: {  	s19 =	sadd.s32 s16, s17  }
0x1d3: {  	s19 =	sshll.u32 s19, $0x7;
	v0 =	vadd.f32 v19, v0  }
0x1d4: {  	s19 =	sand.u32 $0x3FFFFF80, s19  }
0x1d5: {  	[tilespmem:s19+$0x9400] =	vst v0  }
0x1d6: {  	v0 =	vld [tilespmem:s18+$0x5410]  }
0x1d7: {  	v20 =	vld [tilespmem:s18+$0x5490]  }
0x1d8: {  	v21 =	vld [tilespmem:s18+$0x5510]  }
0x1d9: {  	v22 =	vld [tilespmem:s18+$0x5590]  }
0x1da: {  	v23 =	vld [tilespmem:s18+$0x5610]  }
0x1db: {  	v24 =	vld [tilespmem:s18+$0x5690]  }
0x1dc: {  	v25 =	vld [tilespmem:s18+$0x5710]  }
0x1dd: {  	v26 =	vld [tilespmem:s18+$0x5790]  }
0x1de: {  	v27 =	vld [tilespmem:s18+$0x5810]  }
0x1df: {  	v28 =	vld [tilespmem:s18+$0x5890]  }
0x1e0: {  	v29 =	vld [tilespmem:s18+$0x5910]  }
0x1e1: {  	v30 =	vld [tilespmem:s18+$0x5990]  }
0x1e2: {  	v31 =	vld [tilespmem:s18+$0x5A10]  }
0x1e3: {  	v32 =	vld [tilespmem:s18+$0x5A90]  }
0x1e4: {  	v33 =	vld [tilespmem:s18+$0x5B10]  }
0x1e5: {  	v34 =	vld [tilespmem:s18+$0x5B90];
	_ =	sdelay $0x1  }
0x1e6: {  	v0 =	vadd.f32 v20, v0;
	v35 =	vadd.f32 v22, v21  }
0x1e7: {  	v36 =	vadd.f32 v24, v23;
	v37 =	vadd.f32 v26, v25  }
0x1e8: {  	v38 =	vadd.f32 v28, v27;
	v39 =	vadd.f32 v30, v29  }
0x1e9: {  	v40 =	vadd.f32 v32, v31;
	v41 =	vadd.f32 v34, v33  }
0x1ea: {  	v0 =	vadd.f32 v35, v0;
	v42 =	vadd.f32 v37, v36  }
0x1eb: {  	v43 =	vadd.f32 v39, v38;
	v44 =	vadd.f32 v41, v40;
	_ =	sdelay $0x1  }
0x1ec: {  	v0 =	vadd.f32 v42, v0;
	v45 =	vadd.f32 v44, v43;
	_ =	sdelay $0x1  }
0x1ed: {  	v0 =	vadd.f32 v45, v0;
	_ =	sdelay $0x1  }
0x1ee: {  	[tilespmem:s19+$0x9410] =	vst v0  }
0x1ef: {  	v0 =	vld [tilespmem:s18+$0x5420]  }
0x1f0: {  	v46 =	vld [tilespmem:s18+$0x54A0]  }
0x1f1: {  	v47 =	vld [tilespmem:s18+$0x5520]  }
0x1f2: {  	v48 =	vld [tilespmem:s18+$0x55A0]  }
0x1f3: {  	v49 =	vld [tilespmem:s18+$0x5620]  }
0x1f4: {  	v50 =	vld [tilespmem:s18+$0x56A0]  }
0x1f5: {  	v51 =	vld [tilespmem:s18+$0x5720]  }
0x1f6: {  	v52 =	vld [tilespmem:s18+$0x57A0]  }
0x1f7: {  	v53 =	vld [tilespmem:s18+$0x5820]  }
0x1f8: {  	v54 =	vld [tilespmem:s18+$0x58A0]  }
0x1f9: {  	v55 =	vld [tilespmem:s18+$0x5920]  }
0x1fa: {  	v56 =	vld [tilespmem:s18+$0x59A0]  }
0x1fb: {  	v57 =	vld [tilespmem:s18+$0x5A20]  }
0x1fc: {  	v58 =	vld [tilespmem:s18+$0x5AA0]  }
0x1fd: {  	v59 =	vld [tilespmem:s18+$0x5B20]  }
0x1fe: {  	v60 =	vld [tilespmem:s18+$0x5BA0];
	_ =	sdelay $0x1  }
0x1ff: {  	v0 =	vadd.f32 v46, v0;
	v61 =	vadd.f32 v48, v47  }
0x200: {  	v62 =	vadd.f32 v50, v49;
	v63 =	vadd.f32 v52, v51  }
0x201: {  	v9 =	vadd.f32 v54, v53;
	v11 =	vadd.f32 v56, v55  }
0x202: {  	v13 =	vadd.f32 v58, v57;
	v15 =	vadd.f32 v60, v59  }
0x203: {  	v0 =	vadd.f32 v61, v0;
	v16 =	vadd.f32 v63, v62  }
0x204: {  	v17 =	vadd.f32 v11, v9;
	v18 =	vadd.f32 v15, v13;
	_ =	sdelay $0x1  }
0x205: {  	v0 =	vadd.f32 v16, v0;
	v19 =	vadd.f32 v18, v17;
	_ =	sdelay $0x1  }
0x206: {  	v0 =	vadd.f32 v19, v0;
	_ =	sdelay $0x1  }
0x207: {  	[tilespmem:s19+$0x9420] =	vst v0  }
0x208: {  	v0 =	vld [tilespmem:s18+$0x5430]  }
0x209: {  	v20 =	vld [tilespmem:s18+$0x54B0]  }
0x20a: {  	v21 =	vld [tilespmem:s18+$0x5530]  }
0x20b: {  	v22 =	vld [tilespmem:s18+$0x55B0]  }
0x20c: {  	v23 =	vld [tilespmem:s18+$0x5630]  }
0x20d: {  	v24 =	vld [tilespmem:s18+$0x56B0]  }
0x20e: {  	v25 =	vld [tilespmem:s18+$0x5730]  }
0x20f: {  	v26 =	vld [tilespmem:s18+$0x57B0]  }
0x210: {  	v27 =	vld [tilespmem:s18+$0x5830]  }
0x211: {  	v28 =	vld [tilespmem:s18+$0x58B0]  }
0x212: {  	v29 =	vld [tilespmem:s18+$0x5930]  }
0x213: {  	v30 =	vld [tilespmem:s18+$0x59B0]  }
0x214: {  	v31 =	vld [tilespmem:s18+$0x5A30]  }
0x215: {  	v32 =	vld [tilespmem:s18+$0x5AB0]  }
0x216: {  	v33 =	vld [tilespmem:s18+$0x5B30]  }
0x217: {  	v34 =	vld [tilespmem:s18+$0x5BB0];
	_ =	sdelay $0x1  }
0x218: {  	v0 =	vadd.f32 v20, v0;
	v35 =	vadd.f32 v22, v21  }
0x219: {  	v36 =	vadd.f32 v24, v23;
	v37 =	vadd.f32 v26, v25  }
0x21a: {  	v38 =	vadd.f32 v28, v27;
	v39 =	vadd.f32 v30, v29  }
0x21b: {  	v40 =	vadd.f32 v32, v31;
	v41 =	vadd.f32 v34, v33  }
0x21c: {  	v0 =	vadd.f32 v35, v0;
	v42 =	vadd.f32 v37, v36  }
0x21d: {  	v43 =	vadd.f32 v39, v38;
	v44 =	vadd.f32 v41, v40;
	_ =	sdelay $0x1  }
0x21e: {  	v0 =	vadd.f32 v42, v0;
	v45 =	vadd.f32 v44, v43;
	_ =	sdelay $0x1  }
0x21f: {  	v0 =	vadd.f32 v45, v0;
	_ =	sdelay $0x1  }
0x220: {  	[tilespmem:s19+$0x9430] =	vst v0  }
0x221: {  	v0 =	vld [tilespmem:s18+$0x5440]  }
0x222: {  	v46 =	vld [tilespmem:s18+$0x54C0]  }
0x223: {  	v47 =	vld [tilespmem:s18+$0x5540]  }
0x224: {  	v48 =	vld [tilespmem:s18+$0x55C0]  }
0x225: {  	v49 =	vld [tilespmem:s18+$0x5640]  }
0x226: {  	v50 =	vld [tilespmem:s18+$0x56C0]  }
0x227: {  	v51 =	vld [tilespmem:s18+$0x5740]  }
0x228: {  	v52 =	vld [tilespmem:s18+$0x57C0]  }
0x229: {  	v53 =	vld [tilespmem:s18+$0x5840]  }
0x22a: {  	v54 =	vld [tilespmem:s18+$0x58C0]  }
0x22b: {  	v55 =	vld [tilespmem:s18+$0x5940]  }
0x22c: {  	v56 =	vld [tilespmem:s18+$0x59C0]  }
0x22d: {  	v57 =	vld [tilespmem:s18+$0x5A40]  }
0x22e: {  	v58 =	vld [tilespmem:s18+$0x5AC0]  }
0x22f: {  	v59 =	vld [tilespmem:s18+$0x5B40]  }
0x230: {  	v60 =	vld [tilespmem:s18+$0x5BC0];
	_ =	sdelay $0x1  }
0x231: {  	v0 =	vadd.f32 v46, v0;
	v61 =	vadd.f32 v48, v47  }
0x232: {  	v62 =	vadd.f32 v50, v49;
	v63 =	vadd.f32 v52, v51  }
0x233: {  	v9 =	vadd.f32 v54, v53;
	v11 =	vadd.f32 v56, v55  }
0x234: {  	v13 =	vadd.f32 v58, v57;
	v15 =	vadd.f32 v60, v59  }
0x235: {  	v0 =	vadd.f32 v61, v0;
	v16 =	vadd.f32 v63, v62  }
0x236: {  	v17 =	vadd.f32 v11, v9;
	v18 =	vadd.f32 v15, v13;
	_ =	sdelay $0x1  }
0x237: {  	v0 =	vadd.f32 v16, v0;
	v19 =	vadd.f32 v18, v17;
	_ =	sdelay $0x1  }
0x238: {  	v0 =	vadd.f32 v19, v0;
	_ =	sdelay $0x1  }
0x239: {  	[tilespmem:s19+$0x9440] =	vst v0  }
0x23a: {  	v0 =	vld [tilespmem:s18+$0x5450]  }
0x23b: {  	v20 =	vld [tilespmem:s18+$0x54D0]  }
0x23c: {  	v21 =	vld [tilespmem:s18+$0x5550]  }
0x23d: {  	v22 =	vld [tilespmem:s18+$0x55D0]  }
0x23e: {  	v23 =	vld [tilespmem:s18+$0x5650]  }
0x23f: {  	v24 =	vld [tilespmem:s18+$0x56D0]  }
0x240: {  	v25 =	vld [tilespmem:s18+$0x5750]  }
0x241: {  	v26 =	vld [tilespmem:s18+$0x57D0]  }
0x242: {  	v27 =	vld [tilespmem:s18+$0x5850]  }
0x243: {  	v28 =	vld [tilespmem:s18+$0x58D0]  }
0x244: {  	v29 =	vld [tilespmem:s18+$0x5950]  }
0x245: {  	v30 =	vld [tilespmem:s18+$0x59D0]  }
0x246: {  	v31 =	vld [tilespmem:s18+$0x5A50]  }
0x247: {  	v32 =	vld [tilespmem:s18+$0x5AD0]  }
0x248: {  	v33 =	vld [tilespmem:s18+$0x5B50]  }
0x249: {  	v34 =	vld [tilespmem:s18+$0x5BD0];
	_ =	sdelay $0x1  }
0x24a: {  	v0 =	vadd.f32 v20, v0;
	v35 =	vadd.f32 v22, v21  }
0x24b: {  	v36 =	vadd.f32 v24, v23;
	v37 =	vadd.f32 v26, v25  }
0x24c: {  	v38 =	vadd.f32 v28, v27;
	v39 =	vadd.f32 v30, v29  }
0x24d: {  	v40 =	vadd.f32 v32, v31;
	v41 =	vadd.f32 v34, v33  }
0x24e: {  	v0 =	vadd.f32 v35, v0;
	v42 =	vadd.f32 v37, v36  }
0x24f: {  	v43 =	vadd.f32 v39, v38;
	v44 =	vadd.f32 v41, v40;
	_ =	sdelay $0x1  }
0x250: {  	v0 =	vadd.f32 v42, v0;
	v45 =	vadd.f32 v44, v43;
	_ =	sdelay $0x1  }
0x251: {  	v0 =	vadd.f32 v45, v0;
	_ =	sdelay $0x1  }
0x252: {  	[tilespmem:s19+$0x9450] =	vst v0  }
0x253: {  	v0 =	vld [tilespmem:s18+$0x5460]  }
0x254: {  	v46 =	vld [tilespmem:s18+$0x54E0]  }
0x255: {  	v47 =	vld [tilespmem:s18+$0x5560]  }
0x256: {  	v48 =	vld [tilespmem:s18+$0x55E0]  }
0x257: {  	v49 =	vld [tilespmem:s18+$0x5660]  }
0x258: {  	v50 =	vld [tilespmem:s18+$0x56E0]  }
0x259: {  	v51 =	vld [tilespmem:s18+$0x5760]  }
0x25a: {  	v52 =	vld [tilespmem:s18+$0x57E0]  }
0x25b: {  	v53 =	vld [tilespmem:s18+$0x5860]  }
0x25c: {  	v54 =	vld [tilespmem:s18+$0x58E0]  }
0x25d: {  	v55 =	vld [tilespmem:s18+$0x5960]  }
0x25e: {  	v56 =	vld [tilespmem:s18+$0x59E0]  }
0x25f: {  	v57 =	vld [tilespmem:s18+$0x5A60]  }
0x260: {  	v58 =	vld [tilespmem:s18+$0x5AE0]  }
0x261: {  	v59 =	vld [tilespmem:s18+$0x5B60]  }
0x262: {  	v60 =	vld [tilespmem:s18+$0x5BE0];
	_ =	sdelay $0x1  }
0x263: {  	v0 =	vadd.f32 v46, v0;
	v61 =	vadd.f32 v48, v47  }
0x264: {  	v62 =	vadd.f32 v50, v49;
	v63 =	vadd.f32 v52, v51  }
0x265: {  	v9 =	vadd.f32 v54, v53;
	v11 =	vadd.f32 v56, v55  }
0x266: {  	v13 =	vadd.f32 v58, v57;
	v15 =	vadd.f32 v60, v59  }
0x267: {  	v0 =	vadd.f32 v61, v0;
	v16 =	vadd.f32 v63, v62  }
0x268: {  	v17 =	vadd.f32 v11, v9;
	v18 =	vadd.f32 v15, v13;
	_ =	sdelay $0x1  }
0x269: {  	v0 =	vadd.f32 v16, v0;
	v19 =	vadd.f32 v18, v17;
	_ =	sdelay $0x1  }
0x26a: {  	v0 =	vadd.f32 v19, v0;
	_ =	sdelay $0x1  }
0x26b: {  	[tilespmem:s19+$0x9460] =	vst v0  }
0x26c: {  	v0 =	vld [tilespmem:s18+$0x5470]  }
0x26d: {  	v20 =	vld [tilespmem:s18+$0x54F0]  }
0x26e: {  	v21 =	vld [tilespmem:s18+$0x5570]  }
0x26f: {  	v22 =	vld [tilespmem:s18+$0x55F0]  }
0x270: {  	v23 =	vld [tilespmem:s18+$0x5670]  }
0x271: {  	v24 =	vld [tilespmem:s18+$0x56F0]  }
0x272: {  	v25 =	vld [tilespmem:s18+$0x5770]  }
0x273: {  	v26 =	vld [tilespmem:s18+$0x57F0]  }
0x274: {  	v27 =	vld [tilespmem:s18+$0x5870]  }
0x275: {  	v28 =	vld [tilespmem:s18+$0x58F0]  }
0x276: {  	v29 =	vld [tilespmem:s18+$0x5970]  }
0x277: {  	v30 =	vld [tilespmem:s18+$0x59F0]  }
0x278: {  	v31 =	vld [tilespmem:s18+$0x5A70]  }
0x279: {  	v32 =	vld [tilespmem:s18+$0x5AF0]  }
0x27a: {  	v33 =	vld [tilespmem:s18+$0x5B70]  }
0x27b: {  	v34 =	vld [tilespmem:s18+$0x5BF0];
	_ =	sdelay $0x1  }
0x27c: {  	v0 =	vadd.f32 v20, v0;
	v35 =	vadd.f32 v22, v21  }
0x27d: {  	v36 =	vadd.f32 v24, v23;
	v37 =	vadd.f32 v26, v25  }
0x27e: {  	v38 =	vadd.f32 v28, v27;
	v39 =	vadd.f32 v30, v29  }
0x27f: {  	v40 =	vadd.f32 v32, v31;
	v41 =	vadd.f32 v34, v33  }
0x280: {  	v0 =	vadd.f32 v35, v0;
	v42 =	vadd.f32 v37, v36  }
0x281: {  	v43 =	vadd.f32 v39, v38;
	v44 =	vadd.f32 v41, v40;
	_ =	sdelay $0x1  }
0x282: {  	v0 =	vadd.f32 v42, v0;
	v45 =	vadd.f32 v44, v43;
	_ =	sdelay $0x1  }
0x283: {  	s20 =	sor.u32 $0x1, s17;
	v0 =	vadd.f32 v45, v0  }
0x284: {  	s29 =	sshll.u32 s20, $0xB  }
0x285: {  	s18 =	sand.u32 $0x3FFFF800, s29;
	[tilespmem:s19+$0x9470] =	vst v0  }
0x286: {  	v0 =	vld [tilespmem:s18+$0x5400]  }
0x287: {  	v46 =	vld [tilespmem:s18+$0x5480]  }
0x288: {  	v47 =	vld [tilespmem:s18+$0x5500]  }
0x289: {  	v48 =	vld [tilespmem:s18+$0x5580]  }
0x28a: {  	v49 =	vld [tilespmem:s18+$0x5600]  }
0x28b: {  	v50 =	vld [tilespmem:s18+$0x5680]  }
0x28c: {  	v51 =	vld [tilespmem:s18+$0x5700]  }
0x28d: {  	v52 =	vld [tilespmem:s18+$0x5780]  }
0x28e: {  	v53 =	vld [tilespmem:s18+$0x5800]  }
0x28f: {  	v54 =	vld [tilespmem:s18+$0x5880]  }
0x290: {  	v55 =	vld [tilespmem:s18+$0x5900]  }
0x291: {  	v56 =	vld [tilespmem:s18+$0x5980]  }
0x292: {  	v57 =	vld [tilespmem:s18+$0x5A00]  }
0x293: {  	v58 =	vld [tilespmem:s18+$0x5A80]  }
0x294: {  	v59 =	vld [tilespmem:s18+$0x5B00]  }
0x295: {  	v60 =	vld [tilespmem:s18+$0x5B80];
	_ =	sdelay $0x1  }
0x296: {  	v0 =	vadd.f32 v46, v0;
	v61 =	vadd.f32 v48, v47  }
0x297: {  	v62 =	vadd.f32 v50, v49;
	v63 =	vadd.f32 v52, v51  }
0x298: {  	v9 =	vadd.f32 v54, v53;
	v11 =	vadd.f32 v56, v55  }
0x299: {  	v16 =	vadd.f32 v58, v57;
	v17 =	vadd.f32 v60, v59  }
0x29a: {  	v0 =	vadd.f32 v61, v0;
	v18 =	vadd.f32 v63, v62  }
0x29b: {  	v19 =	vadd.f32 v11, v9;
	v20 =	vadd.f32 v17, v16;
	_ =	sdelay $0x1  }
0x29c: {  	v0 =	vadd.f32 v18, v0;
	v21 =	vadd.f32 v20, v19  }
0x29d: {  	s30 =	sadd.s32 s16, s20  }
0x29e: {  	s19 =	sshll.u32 s30, $0x7;
	v0 =	vadd.f32 v21, v0  }
0x29f: {  	s19 =	sand.u32 $0x3FFFFF80, s19  }
0x2a0: {  	[tilespmem:s19+$0x9400] =	vst v0  }
0x2a1: {  	v0 =	vld [tilespmem:s18+$0x5410]  }
0x2a2: {  	v22 =	vld [tilespmem:s18+$0x5490]  }
0x2a3: {  	v23 =	vld [tilespmem:s18+$0x5510]  }
0x2a4: {  	v24 =	vld [tilespmem:s18+$0x5590]  }
0x2a5: {  	v25 =	vld [tilespmem:s18+$0x5610]  }
0x2a6: {  	v26 =	vld [tilespmem:s18+$0x5690]  }
0x2a7: {  	v27 =	vld [tilespmem:s18+$0x5710]  }
0x2a8: {  	v28 =	vld [tilespmem:s18+$0x5790]  }
0x2a9: {  	v29 =	vld [tilespmem:s18+$0x5810]  }
0x2aa: {  	v30 =	vld [tilespmem:s18+$0x5890]  }
0x2ab: {  	v31 =	vld [tilespmem:s18+$0x5910]  }
0x2ac: {  	v32 =	vld [tilespmem:s18+$0x5990]  }
0x2ad: {  	v33 =	vld [tilespmem:s18+$0x5A10]  }
0x2ae: {  	v34 =	vld [tilespmem:s18+$0x5A90]  }
0x2af: {  	v35 =	vld [tilespmem:s18+$0x5B10]  }
0x2b0: {  	v36 =	vld [tilespmem:s18+$0x5B90];
	_ =	sdelay $0x1  }
0x2b1: {  	v0 =	vadd.f32 v22, v0;
	v37 =	vadd.f32 v24, v23  }
0x2b2: {  	v38 =	vadd.f32 v26, v25;
	v39 =	vadd.f32 v28, v27  }
0x2b3: {  	v40 =	vadd.f32 v30, v29;
	v41 =	vadd.f32 v32, v31  }
0x2b4: {  	v42 =	vadd.f32 v34, v33;
	v43 =	vadd.f32 v36, v35  }
0x2b5: {  	v0 =	vadd.f32 v37, v0;
	v44 =	vadd.f32 v39, v38  }
0x2b6: {  	v45 =	vadd.f32 v41, v40;
	v46 =	vadd.f32 v43, v42;
	_ =	sdelay $0x1  }
0x2b7: {  	v0 =	vadd.f32 v44, v0;
	v47 =	vadd.f32 v46, v45;
	_ =	sdelay $0x1  }
0x2b8: {  	v0 =	vadd.f32 v47, v0;
	_ =	sdelay $0x1  }
0x2b9: {  	[tilespmem:s19+$0x9410] =	vst v0  }
0x2ba: {  	v0 =	vld [tilespmem:s18+$0x5420]  }
0x2bb: {  	v48 =	vld [tilespmem:s18+$0x54A0]  }
0x2bc: {  	v49 =	vld [tilespmem:s18+$0x5520]  }
0x2bd: {  	v50 =	vld [tilespmem:s18+$0x55A0]  }
0x2be: {  	v51 =	vld [tilespmem:s18+$0x5620]  }
0x2bf: {  	v52 =	vld [tilespmem:s18+$0x56A0]  }
0x2c0: {  	v53 =	vld [tilespmem:s18+$0x5720]  }
0x2c1: {  	v54 =	vld [tilespmem:s18+$0x57A0]  }
0x2c2: {  	v55 =	vld [tilespmem:s18+$0x5820]  }
0x2c3: {  	v56 =	vld [tilespmem:s18+$0x58A0]  }
0x2c4: {  	v57 =	vld [tilespmem:s18+$0x5920]  }
0x2c5: {  	v58 =	vld [tilespmem:s18+$0x59A0]  }
0x2c6: {  	v59 =	vld [tilespmem:s18+$0x5A20]  }
0x2c7: {  	v60 =	vld [tilespmem:s18+$0x5AA0]  }
0x2c8: {  	v61 =	vld [tilespmem:s18+$0x5B20]  }
0x2c9: {  	v62 =	vld [tilespmem:s18+$0x5BA0];
	_ =	sdelay $0x1  }
0x2ca: {  	v0 =	vadd.f32 v48, v0;
	v63 =	vadd.f32 v50, v49  }
0x2cb: {  	v16 =	vadd.f32 v52, v51;
	v17 =	vadd.f32 v54, v53  }
0x2cc: {  	v18 =	vadd.f32 v56, v55;
	v19 =	vadd.f32 v58, v57  }
0x2cd: {  	v20 =	vadd.f32 v60, v59;
	v21 =	vadd.f32 v62, v61  }
0x2ce: {  	v0 =	vadd.f32 v63, v0;
	v22 =	vadd.f32 v17, v16  }
0x2cf: {  	v23 =	vadd.f32 v19, v18;
	v24 =	vadd.f32 v21, v20;
	_ =	sdelay $0x1  }
0x2d0: {  	v0 =	vadd.f32 v22, v0;
	v25 =	vadd.f32 v24, v23;
	_ =	sdelay $0x1  }
0x2d1: {  	v0 =	vadd.f32 v25, v0;
	_ =	sdelay $0x1  }
0x2d2: {  	[tilespmem:s19+$0x9420] =	vst v0  }
0x2d3: {  	v0 =	vld [tilespmem:s18+$0x5430]  }
0x2d4: {  	v26 =	vld [tilespmem:s18+$0x54B0]  }
0x2d5: {  	v27 =	vld [tilespmem:s18+$0x5530]  }
0x2d6: {  	v28 =	vld [tilespmem:s18+$0x55B0]  }
0x2d7: {  	v29 =	vld [tilespmem:s18+$0x5630]  }
0x2d8: {  	v30 =	vld [tilespmem:s18+$0x56B0]  }
0x2d9: {  	v31 =	vld [tilespmem:s18+$0x5730]  }
0x2da: {  	v32 =	vld [tilespmem:s18+$0x57B0]  }
0x2db: {  	v33 =	vld [tilespmem:s18+$0x5830]  }
0x2dc: {  	v34 =	vld [tilespmem:s18+$0x58B0]  }
0x2dd: {  	v35 =	vld [tilespmem:s18+$0x5930]  }
0x2de: {  	v36 =	vld [tilespmem:s18+$0x59B0]  }
0x2df: {  	v37 =	vld [tilespmem:s18+$0x5A30]  }
0x2e0: {  	v38 =	vld [tilespmem:s18+$0x5AB0]  }
0x2e1: {  	v39 =	vld [tilespmem:s18+$0x5B30]  }
0x2e2: {  	v40 =	vld [tilespmem:s18+$0x5BB0];
	_ =	sdelay $0x1  }
0x2e3: {  	v0 =	vadd.f32 v26, v0;
	v41 =	vadd.f32 v28, v27  }
0x2e4: {  	v42 =	vadd.f32 v30, v29;
	v43 =	vadd.f32 v32, v31  }
0x2e5: {  	v44 =	vadd.f32 v34, v33;
	v45 =	vadd.f32 v36, v35  }
0x2e6: {  	v46 =	vadd.f32 v38, v37;
	v47 =	vadd.f32 v40, v39  }
0x2e7: {  	v0 =	vadd.f32 v41, v0;
	v48 =	vadd.f32 v43, v42  }
0x2e8: {  	v49 =	vadd.f32 v45, v44;
	v50 =	vadd.f32 v47, v46;
	_ =	sdelay $0x1  }
0x2e9: {  	v0 =	vadd.f32 v48, v0;
	v51 =	vadd.f32 v50, v49;
	_ =	sdelay $0x1  }
0x2ea: {  	v0 =	vadd.f32 v51, v0;
	_ =	sdelay $0x1  }
0x2eb: {  	[tilespmem:s19+$0x9430] =	vst v0  }
0x2ec: {  	v0 =	vld [tilespmem:s18+$0x5440]  }
0x2ed: {  	v52 =	vld [tilespmem:s18+$0x54C0]  }
0x2ee: {  	v53 =	vld [tilespmem:s18+$0x5540]  }
0x2ef: {  	v54 =	vld [tilespmem:s18+$0x55C0]  }
0x2f0: {  	v55 =	vld [tilespmem:s18+$0x5640]  }
0x2f1: {  	v56 =	vld [tilespmem:s18+$0x56C0]  }
0x2f2: {  	v57 =	vld [tilespmem:s18+$0x5740]  }
0x2f3: {  	v58 =	vld [tilespmem:s18+$0x57C0]  }
0x2f4: {  	v59 =	vld [tilespmem:s18+$0x5840]  }
0x2f5: {  	v60 =	vld [tilespmem:s18+$0x58C0]  }
0x2f6: {  	v61 =	vld [tilespmem:s18+$0x5940]  }
0x2f7: {  	v62 =	vld [tilespmem:s18+$0x59C0]  }
0x2f8: {  	v63 =	vld [tilespmem:s18+$0x5A40]  }
0x2f9: {  	v18 =	vld [tilespmem:s18+$0x5AC0]  }
0x2fa: {  	v19 =	vld [tilespmem:s18+$0x5B40]  }
0x2fb: {  	v20 =	vld [tilespmem:s18+$0x5BC0];
	_ =	sdelay $0x1  }
0x2fc: {  	v0 =	vadd.f32 v52, v0;
	v21 =	vadd.f32 v54, v53  }
0x2fd: {  	v22 =	vadd.f32 v56, v55;
	v23 =	vadd.f32 v58, v57  }
0x2fe: {  	v24 =	vadd.f32 v60, v59;
	v25 =	vadd.f32 v62, v61  }
0x2ff: {  	v26 =	vadd.f32 v18, v63;
	v27 =	vadd.f32 v20, v19  }
0x300: {  	v0 =	vadd.f32 v21, v0;
	v28 =	vadd.f32 v23, v22  }
0x301: {  	v29 =	vadd.f32 v25, v24;
	v30 =	vadd.f32 v27, v26;
	_ =	sdelay $0x1  }
0x302: {  	v0 =	vadd.f32 v28, v0;
	v31 =	vadd.f32 v30, v29;
	_ =	sdelay $0x1  }
0x303: {  	v0 =	vadd.f32 v31, v0;
	_ =	sdelay $0x1  }
0x304: {  	[tilespmem:s19+$0x9440] =	vst v0  }
0x305: {  	v0 =	vld [tilespmem:s18+$0x5450]  }
0x306: {  	v32 =	vld [tilespmem:s18+$0x54D0]  }
0x307: {  	v33 =	vld [tilespmem:s18+$0x5550]  }
0x308: {  	v34 =	vld [tilespmem:s18+$0x55D0]  }
0x309: {  	v35 =	vld [tilespmem:s18+$0x5650]  }
0x30a: {  	v36 =	vld [tilespmem:s18+$0x56D0]  }
0x30b: {  	v37 =	vld [tilespmem:s18+$0x5750]  }
0x30c: {  	v38 =	vld [tilespmem:s18+$0x57D0]  }
0x30d: {  	v39 =	vld [tilespmem:s18+$0x5850]  }
0x30e: {  	v40 =	vld [tilespmem:s18+$0x58D0]  }
0x30f: {  	v41 =	vld [tilespmem:s18+$0x5950]  }
0x310: {  	v42 =	vld [tilespmem:s18+$0x59D0]  }
0x311: {  	v43 =	vld [tilespmem:s18+$0x5A50]  }
0x312: {  	v44 =	vld [tilespmem:s18+$0x5AD0]  }
0x313: {  	v45 =	vld [tilespmem:s18+$0x5B50]  }
0x314: {  	v46 =	vld [tilespmem:s18+$0x5BD0];
	_ =	sdelay $0x1  }
0x315: {  	v0 =	vadd.f32 v32, v0;
	v47 =	vadd.f32 v34, v33  }
0x316: {  	v48 =	vadd.f32 v36, v35;
	v49 =	vadd.f32 v38, v37  }
0x317: {  	v50 =	vadd.f32 v40, v39;
	v51 =	vadd.f32 v42, v41  }
0x318: {  	v52 =	vadd.f32 v44, v43;
	v53 =	vadd.f32 v46, v45  }
0x319: {  	v0 =	vadd.f32 v47, v0;
	v54 =	vadd.f32 v49, v48  }
0x31a: {  	v55 =	vadd.f32 v51, v50;
	v56 =	vadd.f32 v53, v52;
	_ =	sdelay $0x1  }
0x31b: {  	v0 =	vadd.f32 v54, v0;
	v57 =	vadd.f32 v56, v55;
	_ =	sdelay $0x1  }
0x31c: {  	v0 =	vadd.f32 v57, v0;
	_ =	sdelay $0x1  }
0x31d: {  	[tilespmem:s19+$0x9450] =	vst v0  }
0x31e: {  	v0 =	vld [tilespmem:s18+$0x5460]  }
0x31f: {  	v58 =	vld [tilespmem:s18+$0x54E0]  }
0x320: {  	v59 =	vld [tilespmem:s18+$0x5560]  }
0x321: {  	v60 =	vld [tilespmem:s18+$0x55E0]  }
0x322: {  	v61 =	vld [tilespmem:s18+$0x5660]  }
0x323: {  	v62 =	vld [tilespmem:s18+$0x56E0]  }
0x324: {  	v63 =	vld [tilespmem:s18+$0x5760]  }
0x325: {  	v18 =	vld [tilespmem:s18+$0x57E0]  }
0x326: {  	v19 =	vld [tilespmem:s18+$0x5860]  }
0x327: {  	v20 =	vld [tilespmem:s18+$0x58E0]  }
0x328: {  	v21 =	vld [tilespmem:s18+$0x5960]  }
0x329: {  	v22 =	vld [tilespmem:s18+$0x59E0]  }
0x32a: {  	v23 =	vld [tilespmem:s18+$0x5A60]  }
0x32b: {  	v24 =	vld [tilespmem:s18+$0x5AE0]  }
0x32c: {  	v25 =	vld [tilespmem:s18+$0x5B60]  }
0x32d: {  	v26 =	vld [tilespmem:s18+$0x5BE0];
	_ =	sdelay $0x1  }
0x32e: {  	v0 =	vadd.f32 v58, v0;
	v27 =	vadd.f32 v60, v59  }
0x32f: {  	v28 =	vadd.f32 v62, v61;
	v29 =	vadd.f32 v18, v63  }
0x330: {  	v30 =	vadd.f32 v20, v19;
	v31 =	vadd.f32 v22, v21  }
0x331: {  	v32 =	vadd.f32 v24, v23;
	v33 =	vadd.f32 v26, v25  }
0x332: {  	v0 =	vadd.f32 v27, v0;
	v34 =	vadd.f32 v29, v28  }
0x333: {  	v35 =	vadd.f32 v31, v30;
	v36 =	vadd.f32 v33, v32;
	_ =	sdelay $0x1  }
0x334: {  	v0 =	vadd.f32 v34, v0;
	v37 =	vadd.f32 v36, v35;
	_ =	sdelay $0x1  }
0x335: {  	v0 =	vadd.f32 v37, v0;
	_ =	sdelay $0x1  }
0x336: {  	[tilespmem:s19+$0x9460] =	vst v0  }
0x337: {  	v0 =	vld [tilespmem:s18+$0x5470]  }
0x338: {  	v38 =	vld [tilespmem:s18+$0x54F0]  }
0x339: {  	v39 =	vld [tilespmem:s18+$0x5570]  }
0x33a: {  	v40 =	vld [tilespmem:s18+$0x55F0]  }
0x33b: {  	v41 =	vld [tilespmem:s18+$0x5670]  }
0x33c: {  	v42 =	vld [tilespmem:s18+$0x56F0]  }
0x33d: {  	v43 =	vld [tilespmem:s18+$0x5770]  }
0x33e: {  	v44 =	vld [tilespmem:s18+$0x57F0]  }
0x33f: {  	v45 =	vld [tilespmem:s18+$0x5870]  }
0x340: {  	v46 =	vld [tilespmem:s18+$0x58F0]  }
0x341: {  	v47 =	vld [tilespmem:s18+$0x5970]  }
0x342: {  	v48 =	vld [tilespmem:s18+$0x59F0]  }
0x343: {  	v49 =	vld [tilespmem:s18+$0x5A70]  }
0x344: {  	v50 =	vld [tilespmem:s18+$0x5AF0]  }
0x345: {  	v51 =	vld [tilespmem:s18+$0x5B70]  }
0x346: {  	v52 =	vld [tilespmem:s18+$0x5BF0];
	_ =	sdelay $0x1  }
0x347: {  	v0 =	vadd.f32 v38, v0;
	v53 =	vadd.f32 v40, v39  }
0x348: {  	v54 =	vadd.f32 v42, v41;
	v55 =	vadd.f32 v44, v43  }
0x349: {  	v56 =	vadd.f32 v46, v45;
	v57 =	vadd.f32 v48, v47  }
0x34a: {  	v58 =	vadd.f32 v50, v49;
	v59 =	vadd.f32 v52, v51  }
0x34b: {  	v0 =	vadd.f32 v53, v0;
	v60 =	vadd.f32 v55, v54  }
0x34c: {  	v61 =	vadd.f32 v57, v56;
	v62 =	vadd.f32 v59, v58  }
0x34d: {  	p0 =	slt.u32 s17, $0x6  }
.Ltmp1:
0x34e: {  	v0 =	vadd.f32 v60, v0;
	v63 =	vadd.f32 v62, v61;
	(pc) =	sbr.rel @p0 .LBB2_5-.Ltmp1, $4  }
0x34f: {  	_ = 	snop  }
0x350: {  	v0 =	vadd.f32 v63, v0  }
0x351: {  	s31 =	sadd.s32 $0x2, s17  }
0x352: {  	s17 =	smov.u32 s31;
	[tilespmem:s19+$0x9470] =	vst v0  }
0x353: {  	s15 =	sadd.s32 $0x1, s15  }
0x354: {  	p0 =	sne.s32 s15, $0x14  }
.Ltmp2:
0x355: {  	_ = 	snop;
	(pc) =	sbr.rel @p0 .LBB2_2-.Ltmp2, $1  }
0x356: {  	_ =	sdelay $0x3  }
0x357: {  	s14 =	sadd.s32 $0x1, s14  }
0x358: {  	p0 =	sne.s32 s14, s6  }
.Ltmp3:
0x359: {  	_ = 	snop;
	(pc) =	sbr.rel @p0 .LBB2_1-.Ltmp3, $4  }
0x35a: {  	[hbm4b:s5+s3] =	stream.linear.scatter [tilespmem:s13], [sflag:$0x3], $0xA000, $0x38;
	[tilespmem:$0x13400] =	vst v63  }
0x35b: {  	_ =	swait.ge [sflag:s7], $0xA000  }
0x35c: {  	[sflag:s7] =	ssyncset.done $0x0  }
0x35d: {  	[sflag:s7] =	ssyncadd.s32 $0xFFFF6000  }
0x35e: {  	_ =	sfence.sel $0x180000  }
0x35f: {  	[bflag:$0x0] =	sbarrier.arrive $0xFFFF  }
0x360: {  	p0 =	sne.s32 s0, $0x0;
	_ =	strace $0x90000047  }
0x361: {  	s0 =	sadd.s32 @!p0 $0x100000, s1;
	[bflag:$0x2] =	sbarrier.arrive $0xFFFF  }
0x362: {  	[sflag:s0] =	ssyncadd.tile.s32 @!p0 $0x1;
	_ =	shalt  }
.Lfunc_end2:
_tile_overlayer_lowered:
.L_overlay_start_2:
0x363: {  	(tag) =	ssettag $0x2  }
0x364: {  	s0 =	rddreg [dreg:$0x0];
	s2 =	stileid.u32  }
0x365: {  	s1 =	rddreg [dreg:$0x1];
	p0 =	sne.s32 s2, $0x0  }
0x366: {  	s3 =	rddreg [dreg:$0x2];
	[bflag:$0x3] =	sbarrier.arrive $0xFFFF;
	s2 =	simm.s32 @!p0 $0x1C03  }
0x367: {  	[timem:s3], [sflag:s2] =	dma.local @!p0 [hbm:s0], s1  }
0x368: {  	s0 =	simm.s32 @!p0 $0x3  }
0x369: {  	_ =	swait.ge @!p0 [sflag:s0], s1  }
0x36a: {  	s1 =	ssub.s32 @!p0 $0x0, s1;
	[sflag:s0] =	ssyncset.done @!p0 $0x0  }
0x36b: {  	[sflag:s0] =	ssyncadd.s32 @!p0 s1  }
0x36c: {  	[bflag:$0x3] =	sbarrier.arrive $0xFFFF  }
0x36d: {  	_ =	shalt  }

</sc_bundles>
